<compile_context>
chip_gen: v7x
topology: tpu7x:2x2x1
jax: 0.10.2.dev20260603
libtpu: 0.0.44.dev20260713+nightly
codegen_flags: <defaults>
</compile_context>

<pallas_src>
import functools

import jax
import jax.numpy as jnp
from jax import lax
from jax.experimental import pallas as pl
from jax.experimental.pallas import tpu as pltpu
from jax.experimental.pallas import tpu_sc as plsc

N_NODES = 10000
N_EDGES = 320000
N_REL = 4

NC = 2
NS = 16
NW = NC * NS
EPW = N_EDGES // NW
CHUNK = 80
NCH = EPW // CHUNK
CNTP = 40960
CSTR = CNTP // NS
NPAD = 10240
NRPT = NPAD // NS
ZR = 128

_mesh = plsc.VectorSubcoreMesh(core_axis_name="c", subcore_axis_name="s")
_sc_params = pltpu.CompilerParams(needs_layout_passes=False)



def _mm_l1(x, w_aug, b1):
    BN = 1000
    NB = N_NODES // BN

    def body(x_ref, w_ref, b_ref, o_ref):
        acc = jnp.dot(x_ref[...], w_ref[0], preferred_element_type=jnp.float32)
        r = pl.program_id(0)
        o_ref[0] = jnp.where(r == N_REL, acc + b_ref[...], acc)

    return pl.pallas_call(
        body,
        grid=(N_REL + 1, NB),
        in_specs=[
            pl.BlockSpec((BN, 128), lambda r, i: (i, 0)),
            pl.BlockSpec((1, 128, 128), lambda r, i: (r, 0, 0)),
            pl.BlockSpec((1, 128), lambda r, i: (0, 0)),
        ],
        out_specs=pl.BlockSpec((1, BN, 128), lambda r, i: (r, i, 0)),
        out_shape=jax.ShapeDtypeStruct((N_REL + 1, N_NODES, 128), jnp.float32),
    )(x, w_aug, b1)


def _inv_counts(cnt):
    c3 = cnt.reshape(2, CNTP // 128, 128)

    def body(c_ref, o_ref):
        o_ref[...] = 1.0 / jnp.maximum(c_ref[0] + c_ref[1], 1.0)

    out = pl.pallas_call(
        body,
        out_shape=jax.ShapeDtypeStruct((CNTP // 128, 128), jnp.float32),
    )(c3)
    return out.reshape(CNTP)


def _mm_l2(h1, m1, w2mask, root2p, b2p):
    BN = 1000
    NB = N_NODES // BN

    def body(r_ref, m0_ref, m1_ref, w_ref, rt_ref, b_ref, t_ref, r2_ref):
        a = jnp.maximum(r_ref[0] + m0_ref[0] + m1_ref[0], 0.0)
        t_ref[0] = jnp.dot(a, w_ref[0], preferred_element_type=jnp.float32)
        r2_ref[...] = (jnp.dot(a, rt_ref[...], preferred_element_type=jnp.float32)
                       + b_ref[...])

    return pl.pallas_call(
        body,
        grid=(N_REL, NB),
        in_specs=[
            pl.BlockSpec((1, BN, 128), lambda r, i: (N_REL, i, 0)),
            pl.BlockSpec((1, BN, 128), lambda r, i: (0, i, 0)),
            pl.BlockSpec((1, BN, 128), lambda r, i: (1, i, 0)),
            pl.BlockSpec((1, 128, 128), lambda r, i: (r, 0, 0)),
            pl.BlockSpec((128, 16), lambda r, i: (0, 0)),
            pl.BlockSpec((1, 16), lambda r, i: (0, 0)),
        ],
        out_specs=[pl.BlockSpec((1, BN, 128), lambda r, i: (r, i, 0)),
                   pl.BlockSpec((BN, 16), lambda r, i: (i, 0))],
        out_shape=[
            jax.ShapeDtypeStruct((N_REL, N_NODES, 128), jnp.float32),
            jax.ShapeDtypeStruct((N_NODES, 16), jnp.float32),
        ],
    )(h1, m1, m1, w2mask, root2p, b2p)


def _final_add(r2, m2):
    BN = 1000
    NB = N_NODES // BN

    def body(r_ref, m0_ref, m1_ref, o_ref):
        m = m0_ref[0] + m1_ref[0]
        s = (m[:, 0:2] + m[:, 32:34] + m[:, 64:66] + m[:, 96:98])
        o_ref[...] = r_ref[...] + jnp.concatenate(
            [s, jnp.zeros((BN, 14), jnp.float32)], axis=1)

    spec16 = pl.BlockSpec((BN, 16), lambda i: (i, 0))
    return pl.pallas_call(
        body,
        grid=(NB,),
        in_specs=[spec16,
                  pl.BlockSpec((1, BN, 128), lambda i: (0, i, 0)),
                  pl.BlockSpec((1, BN, 128), lambda i: (1, i, 0))],
        out_specs=spec16,
        out_shape=jax.ShapeDtypeStruct((N_NODES, 16), jnp.float32),
    )(r2, m2, m2)



@functools.partial(
    pl.kernel,
    out_type=(
        jax.ShapeDtypeStruct((N_EDGES,), jnp.int32),
        jax.ShapeDtypeStruct((NC, CNTP), jnp.float32),
    ),
    mesh=_mesh,
    compiler_params=_sc_params,
    scratch_types=[
        pltpu.VMEM((CHUNK,), jnp.int32),
        pltpu.VMEM((CHUNK,), jnp.int32),
        pltpu.VMEM((CHUNK,), jnp.int32),
        pltpu.VMEM((CHUNK,), jnp.int32),
        pltpu.VMEM((CHUNK,), jnp.int32),
        pltpu.VMEM((CHUNK,), jnp.int32),
        pltpu.VMEM((CHUNK,), jnp.int32),
        pltpu.VMEM((CHUNK,), jnp.int32),
        pltpu.VMEM((CHUNK,), jnp.int32),
        pltpu.VMEM((CHUNK,), jnp.int32),
        pltpu.VMEM((CHUNK,), jnp.float32),
        pltpu.VMEM((CSTR,), jnp.float32),
        pltpu.VMEM_SHARED((CNTP,), jnp.float32),
        pltpu.SemaphoreType.DMA,
        pltpu.SemaphoreType.DMA,
        pltpu.SemaphoreType.DMA,
        pltpu.SemaphoreType.DMA,
        pltpu.SemaphoreType.DMA,
        pltpu.SemaphoreType.DMA,
    ],
)
def _count_kernel(src_hbm, dst_hbm, typ_hbm, gidx_hbm, cnt_hbm,
                  sbuf0, sbuf1, dbuf0, dbuf1, tbuf0, tbuf1,
                  gbuf0, gbuf1, wibuf0, wibuf1, ones, zbuf, cnt_sh,
                  lsem0, lsem1, stsem0, stsem1, scsem0, scsem1):
    sbuf = (sbuf0, sbuf1)
    dbuf = (dbuf0, dbuf1)
    tbuf = (tbuf0, tbuf1)
    gbuf = (gbuf0, gbuf1)
    wibuf = (wibuf0, wibuf1)
    lsem = (lsem0, lsem1)
    stsem = (stsem0, stsem1)
    scsem = (scsem0, scsem1)
    cid = lax.axis_index("c")
    sid = lax.axis_index("s")
    wid = cid * NS + sid
    ebase = wid * EPW
    zero16 = jnp.zeros((16,), jnp.float32)
    one16 = jnp.ones((16,), jnp.float32)

    def zfill(i, _):
        zbuf[pl.ds(i * 16, 16)] = zero16
        return 0
    lax.fori_loop(0, CSTR // 16, zfill, 0)
    for g in range(CHUNK // 16):
        ones[pl.ds(g * 16, 16)] = one16
    pltpu.sync_copy(zbuf, cnt_sh.at[pl.ds(sid * CSTR, CSTR)])
    pltpu.async_copy(src_hbm.at[pl.ds(ebase, CHUNK)], sbuf0, lsem0)
    pltpu.async_copy(dst_hbm.at[pl.ds(ebase, CHUNK)], dbuf0, lsem0)
    pltpu.async_copy(typ_hbm.at[pl.ds(ebase, CHUNK)], tbuf0, lsem0)
    plsc.subcore_barrier()

    def step(c, b):
        nb = 1 - b
        base = ebase + c * CHUNK
        base_n = base + CHUNK
        pltpu.make_async_copy(src_hbm.at[pl.ds(base, CHUNK)], sbuf[b],
                              lsem[b]).wait()
        pltpu.make_async_copy(dst_hbm.at[pl.ds(base, CHUNK)], dbuf[b],
                              lsem[b]).wait()
        pltpu.make_async_copy(typ_hbm.at[pl.ds(base, CHUNK)], tbuf[b],
                              lsem[b]).wait()

        @pl.when(c + 1 < NCH)
        def _():
            pltpu.async_copy(src_hbm.at[pl.ds(base_n, CHUNK)], sbuf[nb],
                             lsem[nb])
            pltpu.async_copy(dst_hbm.at[pl.ds(base_n, CHUNK)], dbuf[nb],
                             lsem[nb])
            pltpu.async_copy(typ_hbm.at[pl.ds(base_n, CHUNK)], tbuf[nb],
                             lsem[nb])
        @pl.when(c >= 2)
        def _():
            base_p = base - 2 * CHUNK
            pltpu.make_async_copy(gbuf[b], gidx_hbm.at[pl.ds(base_p, CHUNK)],
                                  stsem[b]).wait()
            pltpu.make_async_copy(ones, cnt_sh.at[wibuf[b]], scsem[b]).wait()
        for g in range(CHUNK // 16):
            sl = pl.ds(g * 16, 16)
            t = tbuf[b][sl]
            tn = t * N_NODES
            gbuf[b][sl] = ((tn + sbuf[b][sl])
                           | lax.shift_left(dbuf[b][sl], 16)
                           | lax.shift_left(t, 30))
            wibuf[b][sl] = tn + dbuf[b][sl]
        pltpu.async_copy(gbuf[b], gidx_hbm.at[pl.ds(base, CHUNK)], stsem[b])
        pltpu.async_copy(ones, cnt_sh.at[wibuf[b]], scsem[b], add=True)

    step(0, 0)

    def pair(k, _):
        step(2 * k + 1, 1)
        step(2 * k + 2, 0)
        return 0
    lax.fori_loop(0, (NCH - 1) // 2, pair, 0)
    for c in (NCH - 2, NCH - 1):
        b = c % 2
        base = ebase + c * CHUNK
        pltpu.make_async_copy(gbuf[b], gidx_hbm.at[pl.ds(base, CHUNK)],
                              stsem[b]).wait()
        pltpu.make_async_copy(ones, cnt_sh.at[wibuf[b]], scsem[b]).wait()
    plsc.subcore_barrier()
    pltpu.sync_copy(cnt_sh.at[pl.ds(sid * CSTR, CSTR)],
                    cnt_hbm.at[cid, pl.ds(sid * CSTR, CSTR)])


D_MSG = 128

_MSG_SCRATCH = [
    pltpu.VMEM((EPW,), jnp.int32),
    pltpu.VMEM((EPW + 16,), jnp.float32),
    pltpu.VMEM((CHUNK,), jnp.int32),
    pltpu.VMEM((CHUNK,), jnp.int32),
    pltpu.VMEM((CHUNK,), jnp.int32),
    pltpu.VMEM((CHUNK,), jnp.int32),
    pltpu.VMEM((CHUNK,), jnp.int32),
    pltpu.VMEM((CHUNK,), jnp.int32),
    pltpu.VMEM((CHUNK + 16,), jnp.float32),
    pltpu.VMEM((CHUNK + 16,), jnp.float32),
    pltpu.VMEM((CHUNK, D_MSG), jnp.float32),
    pltpu.VMEM((CHUNK, D_MSG), jnp.float32),
    pltpu.VMEM_SHARED((NPAD, D_MSG), jnp.float32),
] + [pltpu.SemaphoreType.DMA] * 8

_M16 = (1 << 16) - 1
_M14 = (1 << 14) - 1


def _make_msg_kernel(emit_w):
    D = D_MSG
    if emit_w:
        out_type = (jax.ShapeDtypeStruct((NC, NPAD, D), jnp.float32),
                    jax.ShapeDtypeStruct((N_EDGES,), jnp.float32))
    else:
        out_type = jax.ShapeDtypeStruct((NC, NPAD, D), jnp.float32)

    @functools.partial(
        pl.kernel,
        out_type=out_type,
        mesh=_mesh,
        compiler_params=_sc_params,
        scratch_types=_MSG_SCRATCH,
    )
    def msg_kernel(*args):
        if emit_w:
            (tbl_hbm, pk_hbm, inv_hbm, out_hbm, w_hbm, *rest) = args
        else:
            (tbl_hbm, pk_hbm, w_hbm, out_hbm, *rest) = args
            inv_hbm = None
        (pall, wall, gbuf0, gbuf1, dbuf0, dbuf1, wibuf0, wibuf1,
         wbuf0, wbuf1, rows0, rows1, acc,
         gsem0, gsem1, ssem0, ssem1, wsem0, wsem1, wssem0, wssem1) = rest
        gbuf = (gbuf0, gbuf1)
        dbuf = (dbuf0, dbuf1)
        wibuf = (wibuf0, wibuf1)
        wbuf = (wbuf0, wbuf1)
        rows = (rows0, rows1)
        gsem = (gsem0, gsem1)
        ssem = (ssem0, ssem1)
        wsem = (wsem0, wsem1)
        wssem = (wssem0, wssem1)
        cid = lax.axis_index("c")
        sid = lax.axis_index("s")
        wid = cid * NS + sid
        ebase = wid * EPW
        zero16 = jnp.zeros((16,), jnp.float32)

        def zfill(i, _):
            for v in range(D // 16):
                rows1[i, pl.ds(v * 16, 16)] = zero16
            return 0
        lax.fori_loop(0, CHUNK, zfill, 0)
        for t in range(NRPT // CHUNK):
            pltpu.sync_copy(rows1,
                            acc.at[pl.ds(sid * NRPT + t * CHUNK, CHUNK), :])

        pltpu.sync_copy(pk_hbm.at[pl.ds(ebase, EPW)], pall)
        if not emit_w:
            pltpu.sync_copy(w_hbm.at[pl.ds(ebase, EPW)],
                            wall.at[pl.ds(0, EPW)])

        def unpack(c, s):
            off = c * CHUNK
            for g in range(CHUNK // 16):
                sl = pl.ds(g * 16, 16)
                pv = pall[pl.ds(off + g * 16, 16)]
                gbuf[s][sl] = pv & _M16
                d = lax.shift_right_logical(pv, 16) & _M14
                dbuf[s][sl] = d
                if emit_w:
                    wibuf[s][sl] = (lax.shift_right_logical(pv, 30) * N_NODES
                                    + d)

        unpack(0, 0)
        pltpu.async_copy(tbl_hbm.at[gbuf0], rows0, gsem0)
        plsc.subcore_barrier()

        def step(c, b, first):
            nb = 1 - b
            pltpu.make_async_copy(tbl_hbm.at[gbuf[b]], rows[b], gsem[b]).wait()
            if emit_w:
                if not first:
                    @pl.when(c >= 2)
                    def _():
                        pltpu.make_async_copy(
                            wbuf[b].at[pl.ds(0, CHUNK)],
                            w_hbm.at[pl.ds(ebase + (c - 2) * CHUNK, CHUNK)],
                            wssem[b]).wait()
                wdesc = pltpu.async_copy(inv_hbm.at[wibuf[b]],
                                         wbuf[b].at[pl.ds(0, CHUNK)], wsem[b])
            if not first:
                pltpu.make_async_copy(rows[nb], acc.at[dbuf[nb]],
                                      ssem[nb]).wait()

            @pl.when(c + 1 < NCH)
            def _():
                unpack(c + 1, nb)
                pltpu.async_copy(tbl_hbm.at[gbuf[nb]], rows[nb], gsem[nb])
            if emit_w:
                wdesc.wait()

                @plsc.parallel_loop(0, CHUNK, 1, unroll=4)
                def scale(j):
                    w = wbuf[b][pl.ds(j, 16)][0]
                    for v in range(D // 16):
                        s2 = pl.ds(v * 16, 16)
                        rows[b][j, s2] = rows[b][j, s2] * w
                pltpu.async_copy(wbuf[b].at[pl.ds(0, CHUNK)],
                                 w_hbm.at[pl.ds(ebase + c * CHUNK, CHUNK)],
                                 wssem[b])
            else:
                off = c * CHUNK

                @plsc.parallel_loop(0, CHUNK, 1, unroll=4)
                def scale(j):
                    w = wall[pl.ds(off + j, 16)][0]
                    for v in range(D // 16):
                        s2 = pl.ds(v * 16, 16)
                        rows[b][j, s2] = rows[b][j, s2] * w
            pltpu.async_copy(rows[b], acc.at[dbuf[b]], ssem[b], add=True)

        step(0, 0, True)

        def pair(k, _):
            step(2 * k + 1, 1, False)
            step(2 * k + 2, 0, False)
            return 0
        lax.fori_loop(0, (NCH - 1) // 2, pair, 0)
        fb = (NCH - 1) % 2
        pltpu.make_async_copy(rows[fb], acc.at[dbuf[fb]], ssem[fb]).wait()
        if emit_w:
            for c in (NCH - 2, NCH - 1):
                bb = c % 2
                pltpu.make_async_copy(
                    wbuf[bb].at[pl.ds(0, CHUNK)],
                    w_hbm.at[pl.ds(ebase + c * CHUNK, CHUNK)],
                    wssem[bb]).wait()
        plsc.subcore_barrier()
        pltpu.sync_copy(acc.at[pl.ds(sid * NRPT, NRPT), :],
                        out_hbm.at[cid, pl.ds(sid * NRPT, NRPT), :])
    return msg_kernel


_msg_emit = _make_msg_kernel(True)
_msg_load = _make_msg_kernel(False)



def kernel(x, edge_index, edge_type, W1, root1, b1, W2, root2, b2):
    x = x.astype(jnp.float32)
    ei = edge_index.astype(jnp.int32)
    et = edge_type.astype(jnp.int32)
    src = ei[0]
    dst = ei[1]

    w1_aug = jnp.concatenate([W1, root1[None]], axis=0)
    h1 = _mm_l1(x, w1_aug, b1.reshape(1, 128))
    packed, cnt = _count_kernel(src, dst, et)
    inv = _inv_counts(cnt)

    m1, w_edge = _msg_emit(h1.reshape((N_REL + 1) * N_NODES, 128), packed,
                           inv)

    w2mask = jnp.zeros((N_REL, 128, 128), jnp.float32)
    for r in range(N_REL):
        w2mask = w2mask.at[r, :, 32 * r:32 * r + 2].set(W2[r])
    root2p = jnp.zeros((128, 16), jnp.float32).at[:, :2].set(root2)
    b2p = jnp.zeros((1, 16), jnp.float32).at[0, :2].set(b2)

    t2, r2 = _mm_l2(h1, m1, w2mask, root2p, b2p)

    m2 = _msg_load(t2.reshape(N_REL * N_NODES, 128), packed, w_edge)

    out16 = _final_add(r2, m2)
    return out16[:, :2]

# --- scband reference (transcript-rebuilt; emitter-appended) ---
"""Pipeline reference for scband-fraud-rgcn-13108240187667 (READ-ONLY COPY).

The authoritative reference and input builder live on the scoring server;
editing this copy changes nothing except your own understanding.
"""

import jax, jax.numpy as jnp
import numpy as np

N_NODES = 10000
N_EDGES = 320000
IN_CH = 128
HID_CH = 128
OUT_CH = 2
N_REL = 4


def setup_inputs(seed: int = 0) -> dict:
    key = jax.random.key(seed)
    ks = jax.random.split(key, 10)
    x = jax.random.normal(ks[0], (N_NODES, IN_CH), dtype=jnp.float32)
    edge_index = jax.random.randint(ks[1], (2, N_EDGES), 0, N_NODES, dtype=jnp.int64)
    edge_type = jax.random.randint(ks[2], (N_EDGES,), 0, N_REL, dtype=jnp.int64)
    # RGCNConv layer 1 params
    W1 = jax.random.normal(ks[3], (N_REL, IN_CH, HID_CH), dtype=jnp.float32) * (1.0 / np.sqrt(IN_CH))
    root1 = jax.random.normal(ks[4], (IN_CH, HID_CH), dtype=jnp.float32) * (1.0 / np.sqrt(IN_CH))
    b1 = jnp.zeros((HID_CH,), dtype=jnp.float32)
    # RGCNConv layer 2 params
    W2 = jax.random.normal(ks[5], (N_REL, HID_CH, OUT_CH), dtype=jnp.float32) * (1.0 / np.sqrt(HID_CH))
    root2 = jax.random.normal(ks[6], (HID_CH, OUT_CH), dtype=jnp.float32) * (1.0 / np.sqrt(HID_CH))
    b2 = jnp.zeros((OUT_CH,), dtype=jnp.float32)
    return {"x": x, "edge_index": edge_index, "edge_type": edge_type,
            "W1": W1, "root1": root1, "b1": b1,
            "W2": W2, "root2": root2, "b2": b2}


def _rgcn_conv(x, edge_index, edge_type, W, root, b):
    # PyG RGCNConv semantics: out_i = x_i @ root + b + sum_r mean_{j in N_r(i)} x_j @ W_r
    src = edge_index[0]
    dst = edge_index[1]
    out = x @ root + b
    num_relations = W.shape[0]
    for r in range(num_relations):
        h = x @ W[r]                      # transform all nodes under relation r
        msg = jnp.take(h, src, axis=0)    # gather messages along edges
        w = (edge_type == r).astype(x.dtype)
        agg = jax.ops.segment_sum(msg * w[:, None], dst, num_segments=x.shape[0])
        cnt = jax.ops.segment_sum(w, dst, num_segments=x.shape[0])
        out = out + agg / jnp.clip(cnt, 1.0)[:, None]
    return out


def reference(x, edge_index, edge_type, W1, root1, b1, W2, root2, b2):
    h = _rgcn_conv(x, edge_index, edge_type, W1, root1, b1)
    h = jax.nn.relu(h)
    # dropout is identity in eval mode
    out = _rgcn_conv(h, edge_index, edge_type, W2, root2, b2)
    return out

if __name__ == "__main__":
    import jax
    _d = setup_inputs()
    print(jax.jit(kernel)(*tuple(_d.values())))

</pallas_src>

<mosaic_0001>
#map = affine_map<(d0, d1) -> (0, 0)>
#map1 = affine_map<(d0, d1) -> (0)>
#map2 = affine_map<(d0, d1) -> (0, 0, 0)>
module attributes {stable_mosaic.version = 14 : i64} {
  func.func @msg_kernel(%arg0: i32, %arg1: i32, %arg2: memref<40000x128xf32, #tpu.memory_space<hbm>>, %arg3: memref<320000xi32, #tpu.memory_space<hbm>>, %arg4: memref<320000xf32, #tpu.memory_space<hbm>>, %arg5: memref<2x10240x128xf32, #tpu.memory_space<hbm>>, %arg6: memref<10000xi32, #tpu.memory_space<vmem>>, %arg7: memref<10016xf32, #tpu.memory_space<vmem>>, %arg8: memref<80xi32, #tpu.memory_space<vmem>>, %arg9: memref<80xi32, #tpu.memory_space<vmem>>, %arg10: memref<80xi32, #tpu.memory_space<vmem>>, %arg11: memref<80xi32, #tpu.memory_space<vmem>>, %arg12: memref<80xi32, #tpu.memory_space<vmem>>, %arg13: memref<80xi32, #tpu.memory_space<vmem>>, %arg14: memref<96xf32, #tpu.memory_space<vmem>>, %arg15: memref<96xf32, #tpu.memory_space<vmem>>, %arg16: memref<80x128xf32, #tpu.memory_space<vmem>>, %arg17: memref<80x128xf32, #tpu.memory_space<vmem>>, %arg18: memref<10240x128xf32, #tpu.memory_space<vmem_shared>>, %arg19: memref<!tpu.dma_semaphore, #tpu.memory_space<semaphore_mem>>, %arg20: memref<!tpu.dma_semaphore, #tpu.memory_space<semaphore_mem>>, %arg21: memref<!tpu.dma_semaphore, #tpu.memory_space<semaphore_mem>>, %arg22: memref<!tpu.dma_semaphore, #tpu.memory_space<semaphore_mem>>, %arg23: memref<!tpu.dma_semaphore, #tpu.memory_space<semaphore_mem>>, %arg24: memref<!tpu.dma_semaphore, #tpu.memory_space<semaphore_mem>>, %arg25: memref<!tpu.dma_semaphore, #tpu.memory_space<semaphore_mem>>, %arg26: memref<!tpu.dma_semaphore, #tpu.memory_space<semaphore_mem>>) attributes {dimension_semantics = [#tpu.dimension_semantics<core_parallel>, #tpu.dimension_semantics<subcore_parallel>], iteration_bounds = array<i64: 2, 16>, scalar_prefetch = 0 : i64, scratch_operands = 21 : i64, tpu.core_type = #tpu.core_type<sc_vector_subcore>, window_params = [{transform_indices = #map}, {transform_indices = #map1}, {transform_indices = #map1}, {transform_indices = #map2}]} {
    %mul3A = arith.constant 16 : i32
    %mul3A_0 = arith.muli %arg0, %mul3A : i32
    %add3A = arith.addi %mul3A_0, %arg1 : i32
    %mul3A_1 = arith.constant 10000 : i32
    %mul3A_2 = arith.muli %add3A, %mul3A_1 : i32
    %broadcast_in_dim3A = arith.constant 0.000000e+00 : f32
    %broadcast_in_dim3A_3 = vector.broadcast %broadcast_in_dim3A : f32 to vector<16xf32>
    %scan3A = arith.constant 0 : i32
    %scan3A_4 = arith.constant 0 : i32
    %scan3A_5 = arith.constant 80 : i32
    %scan3A_6 = arith.addi %scan3A_4, %scan3A_5 : i32
    %scan3A_7 = arith.constant 1 : i32
    %scan3A_8 = scf.for %scan3A_215 = %scan3A_4 to %scan3A_6 step %scan3A_7 iter_args(%scan3A_216 = %scan3A) -> (i32)  : i32 {
      %swap3A_217 = arith.index_cast %scan3A_215 : i32 to index
      %swap3A_218 = arith.constant 0 : index
      %swap3A_219 = tpu.vector_load %arg17[%swap3A_217, %swap3A_218] {strides = array<i32>} : memref<80x128xf32, #tpu.memory_space<vmem>>, vector<16xf32>,
      tpu.vector_store %arg17[%swap3A_217, %swap3A_218], %broadcast_in_dim3A_3 {strides = array<i32>} : memref<80x128xf32, #tpu.memory_space<vmem>>, vector<16xf32>,
      %swap3A_220 = arith.index_cast %scan3A_215 : i32 to index
      %swap3A_221 = arith.constant 16 : index
      %swap3A_222 = tpu.vector_load %arg17[%swap3A_220, %swap3A_221] {strides = array<i32>} : memref<80x128xf32, #tpu.memory_space<vmem>>, vector<16xf32>,
      tpu.vector_store %arg17[%swap3A_220, %swap3A_221], %broadcast_in_dim3A_3 {strides = array<i32>} : memref<80x128xf32, #tpu.memory_space<vmem>>, vector<16xf32>,
      %swap3A_223 = arith.index_cast %scan3A_215 : i32 to index
      %swap3A_224 = arith.constant 32 : index
      %swap3A_225 = tpu.vector_load %arg17[%swap3A_223, %swap3A_224] {strides = array<i32>} : memref<80x128xf32, #tpu.memory_space<vmem>>, vector<16xf32>,
      tpu.vector_store %arg17[%swap3A_223, %swap3A_224], %broadcast_in_dim3A_3 {strides = array<i32>} : memref<80x128xf32, #tpu.memory_space<vmem>>, vector<16xf32>,
      %swap3A_226 = arith.index_cast %scan3A_215 : i32 to index
      %swap3A_227 = arith.constant 48 : index
      %swap3A_228 = tpu.vector_load %arg17[%swap3A_226, %swap3A_227] {strides = array<i32>} : memref<80x128xf32, #tpu.memory_space<vmem>>, vector<16xf32>,
      tpu.vector_store %arg17[%swap3A_226, %swap3A_227], %broadcast_in_dim3A_3 {strides = array<i32>} : memref<80x128xf32, #tpu.memory_space<vmem>>, vector<16xf32>,
      %swap3A_229 = arith.index_cast %scan3A_215 : i32 to index
      %swap3A_230 = arith.constant 64 : index
      %swap3A_231 = tpu.vector_load %arg17[%swap3A_229, %swap3A_230] {strides = array<i32>} : memref<80x128xf32, #tpu.memory_space<vmem>>, vector<16xf32>,
      tpu.vector_store %arg17[%swap3A_229, %swap3A_230], %broadcast_in_dim3A_3 {strides = array<i32>} : memref<80x128xf32, #tpu.memory_space<vmem>>, vector<16xf32>,
      %swap3A_232 = arith.index_cast %scan3A_215 : i32 to index
      %swap3A_233 = arith.constant 80 : index
      %swap3A_234 = tpu.vector_load %arg17[%swap3A_232, %swap3A_233] {strides = array<i32>} : memref<80x128xf32, #tpu.memory_space<vmem>>, vector<16xf32>,
      tpu.vector_store %arg17[%swap3A_232, %swap3A_233], %broadcast_in_dim3A_3 {strides = array<i32>} : memref<80x128xf32, #tpu.memory_space<vmem>>, vector<16xf32>,
      %swap3A_235 = arith.index_cast %scan3A_215 : i32 to index
      %swap3A_236 = arith.constant 96 : index
      %swap3A_237 = tpu.vector_load %arg17[%swap3A_235, %swap3A_236] {strides = array<i32>} : memref<80x128xf32, #tpu.memory_space<vmem>>, vector<16xf32>,
      tpu.vector_store %arg17[%swap3A_235, %swap3A_236], %broadcast_in_dim3A_3 {strides = array<i32>} : memref<80x128xf32, #tpu.memory_space<vmem>>, vector<16xf32>,
      %swap3A_238 = arith.index_cast %scan3A_215 : i32 to index
      %swap3A_239 = arith.constant 112 : index
      %swap3A_240 = tpu.vector_load %arg17[%swap3A_238, %swap3A_239] {strides = array<i32>} : memref<80x128xf32, #tpu.memory_space<vmem>>, vector<16xf32>,
      tpu.vector_store %arg17[%swap3A_238, %swap3A_239], %broadcast_in_dim3A_3 {strides = array<i32>} : memref<80x128xf32, #tpu.memory_space<vmem>>, vector<16xf32>,
      %scan3A_241 = arith.constant 0 : i32
      scf.yield %scan3A_241 : i32
    }
    %scan3A_9 = arith.constant 80 : i32
    %mul3A_10 = arith.constant 640 : i32
    %mul3A_11 = arith.muli %arg1, %mul3A_10 : i32
    %add3A_12 = arith.constant 0 : i32
    %add3A_13 = arith.addi %mul3A_11, %add3A_12 : i32
    "tpu.region"() ({
      %run_scoped3A = tpu.sem_alloc : memref<!tpu.dma_semaphore, #tpu.memory_space<semaphore_mem>>
      %dma_start3A_215 = arith.constant 0 : i32
      %dma_start3A_216 = tpu.memref_slice %arg18[%add3A_13, %dma_start3A_215] : memref<10240x128xf32, #tpu.memory_space<vmem_shared>> -> memref<80x128xf32, #tpu.memory_space<vmem_shared>>
      %dma_start3A_217 = arith.constant 0 : i32
      %dma_start3A_218 = tpu.memref_slice %arg18[%add3A_13, %dma_start3A_217] : memref<10240x128xf32, #tpu.memory_space<vmem_shared>> -> memref<80x128xf32, #tpu.memory_space<vmem_shared>>
      tpu.enqueue_dma source(%arg17 : memref<80x128xf32, #tpu.memory_space<vmem>>) target(%dma_start3A_218 : memref<80x128xf32, #tpu.memory_space<vmem_shared>>) target_semaphore(%run_scoped3A : memref<!tpu.dma_semaphore, #tpu.memory_space<semaphore_mem>>)
      %dma_wait3A_219 = arith.constant 0 : i32
      %dma_wait3A_220 = tpu.memref_slice %arg18[%add3A_13, %dma_wait3A_219] : memref<10240x128xf32, #tpu.memory_space<vmem_shared>> -> memref<80x128xf32, #tpu.memory_space<vmem_shared>>
      %dma_wait3A_221 = arith.constant 0 : i32
      %dma_wait3A_222 = tpu.memref_slice %arg18[%add3A_13, %dma_wait3A_221] : memref<10240x128xf32, #tpu.memory_space<vmem_shared>> -> memref<80x128xf32, #tpu.memory_space<vmem_shared>>
      tpu.wait_dma2 semaphore(%run_scoped3A : memref<!tpu.dma_semaphore, #tpu.memory_space<semaphore_mem>>) src(%arg17 : memref<80x128xf32, #tpu.memory_space<vmem>>) dst(%dma_wait3A_222 : memref<80x128xf32, #tpu.memory_space<vmem_shared>>)
      tpu.yield
    }) : () -> ()
    %mul3A_14 = arith.constant 640 : i32
    %mul3A_15 = arith.muli %arg1, %mul3A_14 : i32
    %add3A_16 = arith.constant 80 : i32
    %add3A_17 = arith.addi %mul3A_15, %add3A_16 : i32
    "tpu.region"() ({
      %run_scoped3A = tpu.sem_alloc : memref<!tpu.dma_semaphore, #tpu.memory_space<semaphore_mem>>
      %dma_start3A_215 = arith.constant 0 : i32
      %dma_start3A_216 = tpu.memref_slice %arg18[%add3A_17, %dma_start3A_215] : memref<10240x128xf32, #tpu.memory_space<vmem_shared>> -> memref<80x128xf32, #tpu.memory_space<vmem_shared>>
      %dma_start3A_217 = arith.constant 0 : i32
      %dma_start3A_218 = tpu.memref_slice %arg18[%add3A_17, %dma_start3A_217] : memref<10240x128xf32, #tpu.memory_space<vmem_shared>> -> memref<80x128xf32, #tpu.memory_space<vmem_shared>>
      tpu.enqueue_dma source(%arg17 : memref<80x128xf32, #tpu.memory_space<vmem>>) target(%dma_start3A_218 : memref<80x128xf32, #tpu.memory_space<vmem_shared>>) target_semaphore(%run_scoped3A : memref<!tpu.dma_semaphore, #tpu.memory_space<semaphore_mem>>)
      %dma_wait3A_219 = arith.constant 0 : i32
      %dma_wait3A_220 = tpu.memref_slice %arg18[%add3A_17, %dma_wait3A_219] : memref<10240x128xf32, #tpu.memory_space<vmem_shared>> -> memref<80x128xf32, #tpu.memory_space<vmem_shared>>
      %dma_wait3A_221 = arith.constant 0 : i32
      %dma_wait3A_222 = tpu.memref_slice %arg18[%add3A_17, %dma_wait3A_221] : memref<10240x128xf32, #tpu.memory_space<vmem_shared>> -> memref<80x128xf32, #tpu.memory_space<vmem_shared>>
      tpu.wait_dma2 semaphore(%run_scoped3A : memref<!tpu.dma_semaphore, #tpu.memory_space<semaphore_mem>>) src(%arg17 : memref<80x128xf32, #tpu.memory_space<vmem>>) dst(%dma_wait3A_222 : memref<80x128xf32, #tpu.memory_space<vmem_shared>>)
      tpu.yield
    }) : () -> ()
    %mul3A_18 = arith.constant 640 : i32
    %mul3A_19 = arith.muli %arg1, %mul3A_18 : i32
    %add3A_20 = arith.constant 160 : i32
    %add3A_21 = arith.addi %mul3A_19, %add3A_20 : i32
    "tpu.region"() ({
      %run_scoped3A = tpu.sem_alloc : memref<!tpu.dma_semaphore, #tpu.memory_space<semaphore_mem>>
      %dma_start3A_215 = arith.constant 0 : i32
      %dma_start3A_216 = tpu.memref_slice %arg18[%add3A_21, %dma_start3A_215] : memref<10240x128xf32, #tpu.memory_space<vmem_shared>> -> memref<80x128xf32, #tpu.memory_space<vmem_shared>>
      %dma_start3A_217 = arith.constant 0 : i32
      %dma_start3A_218 = tpu.memref_slice %arg18[%add3A_21, %dma_start3A_217] : memref<10240x128xf32, #tpu.memory_space<vmem_shared>> -> memref<80x128xf32, #tpu.memory_space<vmem_shared>>
      tpu.enqueue_dma source(%arg17 : memref<80x128xf32, #tpu.memory_space<vmem>>) target(%dma_start3A_218 : memref<80x128xf32, #tpu.memory_space<vmem_shared>>) target_semaphore(%run_scoped3A : memref<!tpu.dma_semaphore, #tpu.memory_space<semaphore_mem>>)
      %dma_wait3A_219 = arith.constant 0 : i32
      %dma_wait3A_220 = tpu.memref_slice %arg18[%add3A_21, %dma_wait3A_219] : memref<10240x128xf32, #tpu.memory_space<vmem_shared>> -> memref<80x128xf32, #tpu.memory_space<vmem_shared>>
      %dma_wait3A_221 = arith.constant 0 : i32
      %dma_wait3A_222 = tpu.memref_slice %arg18[%add3A_21, %dma_wait3A_221] : memref<10240x128xf32, #tpu.memory_space<vmem_shared>> -> memref<80x128xf32, #tpu.memory_space<vmem_shared>>
      tpu.wait_dma2 semaphore(%run_scoped3A : memref<!tpu.dma_semaphore, #tpu.memory_space<semaphore_mem>>) src(%arg17 : memref<80x128xf32, #tpu.memory_space<vmem>>) dst(%dma_wait3A_222 : memref<80x128xf32, #tpu.memory_space<vmem_shared>>)
      tpu.yield
    }) : () -> ()
    %mul3A_22 = arith.constant 640 : i32
    %mul3A_23 = arith.muli %arg1, %mul3A_22 : i32
    %add3A_24 = arith.constant 240 : i32
    %add3A_25 = arith.addi %mul3A_23, %add3A_24 : i32
    "tpu.region"() ({
      %run_scoped3A = tpu.sem_alloc : memref<!tpu.dma_semaphore, #tpu.memory_space<semaphore_mem>>
      %dma_start3A_215 = arith.constant 0 : i32
      %dma_start3A_216 = tpu.memref_slice %arg18[%add3A_25, %dma_start3A_215] : memref<10240x128xf32, #tpu.memory_space<vmem_shared>> -> memref<80x128xf32, #tpu.memory_space<vmem_shared>>
      %dma_start3A_217 = arith.constant 0 : i32
      %dma_start3A_218 = tpu.memref_slice %arg18[%add3A_25, %dma_start3A_217] : memref<10240x128xf32, #tpu.memory_space<vmem_shared>> -> memref<80x128xf32, #tpu.memory_space<vmem_shared>>
      tpu.enqueue_dma source(%arg17 : memref<80x128xf32, #tpu.memory_space<vmem>>) target(%dma_start3A_218 : memref<80x128xf32, #tpu.memory_space<vmem_shared>>) target_semaphore(%run_scoped3A : memref<!tpu.dma_semaphore, #tpu.memory_space<semaphore_mem>>)
      %dma_wait3A_219 = arith.constant 0 : i32
      %dma_wait3A_220 = tpu.memref_slice %arg18[%add3A_25, %dma_wait3A_219] : memref<10240x128xf32, #tpu.memory_space<vmem_shared>> -> memref<80x128xf32, #tpu.memory_space<vmem_shared>>
      %dma_wait3A_221 = arith.constant 0 : i32
      %dma_wait3A_222 = tpu.memref_slice %arg18[%add3A_25, %dma_wait3A_221] : memref<10240x128xf32, #tpu.memory_space<vmem_shared>> -> memref<80x128xf32, #tpu.memory_space<vmem_shared>>
      tpu.wait_dma2 semaphore(%run_scoped3A : memref<!tpu.dma_semaphore, #tpu.memory_space<semaphore_mem>>) src(%arg17 : memref<80x128xf32, #tpu.memory_space<vmem>>) dst(%dma_wait3A_222 : memref<80x128xf32, #tpu.memory_space<vmem_shared>>)
      tpu.yield
    }) : () -> ()
    %mul3A_26 = arith.constant 640 : i32
    %mul3A_27 = arith.muli %arg1, %mul3A_26 : i32
    %add3A_28 = arith.constant 320 : i32
    %add3A_29 = arith.addi %mul3A_27, %add3A_28 : i32
    "tpu.region"() ({
      %run_scoped3A = tpu.sem_alloc : memref<!tpu.dma_semaphore, #tpu.memory_space<semaphore_mem>>
      %dma_start3A_215 = arith.constant 0 : i32
      %dma_start3A_216 = tpu.memref_slice %arg18[%add3A_29, %dma_start3A_215] : memref<10240x128xf32, #tpu.memory_space<vmem_shared>> -> memref<80x128xf32, #tpu.memory_space<vmem_shared>>
      %dma_start3A_217 = arith.constant 0 : i32
      %dma_start3A_218 = tpu.memref_slice %arg18[%add3A_29, %dma_start3A_217] : memref<10240x128xf32, #tpu.memory_space<vmem_shared>> -> memref<80x128xf32, #tpu.memory_space<vmem_shared>>
      tpu.enqueue_dma source(%arg17 : memref<80x128xf32, #tpu.memory_space<vmem>>) target(%dma_start3A_218 : memref<80x128xf32, #tpu.memory_space<vmem_shared>>) target_semaphore(%run_scoped3A : memref<!tpu.dma_semaphore, #tpu.memory_space<semaphore_mem>>)
      %dma_wait3A_219 = arith.constant 0 : i32
      %dma_wait3A_220 = tpu.memref_slice %arg18[%add3A_29, %dma_wait3A_219] : memref<10240x128xf32, #tpu.memory_space<vmem_shared>> -> memref<80x128xf32, #tpu.memory_space<vmem_shared>>
      %dma_wait3A_221 = arith.constant 0 : i32
      %dma_wait3A_222 = tpu.memref_slice %arg18[%add3A_29, %dma_wait3A_221] : memref<10240x128xf32, #tpu.memory_space<vmem_shared>> -> memref<80x128xf32, #tpu.memory_space<vmem_shared>>
      tpu.wait_dma2 semaphore(%run_scoped3A : memref<!tpu.dma_semaphore, #tpu.memory_space<semaphore_mem>>) src(%arg17 : memref<80x128xf32, #tpu.memory_space<vmem>>) dst(%dma_wait3A_222 : memref<80x128xf32, #tpu.memory_space<vmem_shared>>)
      tpu.yield
    }) : () -> ()
    %mul3A_30 = arith.constant 640 : i32
    %mul3A_31 = arith.muli %arg1, %mul3A_30 : i32
    %add3A_32 = arith.constant 400 : i32
    %add3A_33 = arith.addi %mul3A_31, %add3A_32 : i32
    "tpu.region"() ({
      %run_scoped3A = tpu.sem_alloc : memref<!tpu.dma_semaphore, #tpu.memory_space<semaphore_mem>>
      %dma_start3A_215 = arith.constant 0 : i32
      %dma_start3A_216 = tpu.memref_slice %arg18[%add3A_33, %dma_start3A_215] : memref<10240x128xf32, #tpu.memory_space<vmem_shared>> -> memref<80x128xf32, #tpu.memory_space<vmem_shared>>
      %dma_start3A_217 = arith.constant 0 : i32
      %dma_start3A_218 = tpu.memref_slice %arg18[%add3A_33, %dma_start3A_217] : memref<10240x128xf32, #tpu.memory_space<vmem_shared>> -> memref<80x128xf32, #tpu.memory_space<vmem_shared>>
      tpu.enqueue_dma source(%arg17 : memref<80x128xf32, #tpu.memory_space<vmem>>) target(%dma_start3A_218 : memref<80x128xf32, #tpu.memory_space<vmem_shared>>) target_semaphore(%run_scoped3A : memref<!tpu.dma_semaphore, #tpu.memory_space<semaphore_mem>>)
      %dma_wait3A_219 = arith.constant 0 : i32
      %dma_wait3A_220 = tpu.memref_slice %arg18[%add3A_33, %dma_wait3A_219] : memref<10240x128xf32, #tpu.memory_space<vmem_shared>> -> memref<80x128xf32, #tpu.memory_space<vmem_shared>>
      %dma_wait3A_221 = arith.constant 0 : i32
      %dma_wait3A_222 = tpu.memref_slice %arg18[%add3A_33, %dma_wait3A_221] : memref<10240x128xf32, #tpu.memory_space<vmem_shared>> -> memref<80x128xf32, #tpu.memory_space<vmem_shared>>
      tpu.wait_dma2 semaphore(%run_scoped3A : memref<!tpu.dma_semaphore, #tpu.memory_space<semaphore_mem>>) src(%arg17 : memref<80x128xf32, #tpu.memory_space<vmem>>) dst(%dma_wait3A_222 : memref<80x128xf32, #tpu.memory_space<vmem_shared>>)
      tpu.yield
    }) : () -> ()
    %mul3A_34 = arith.constant 640 : i32
    %mul3A_35 = arith.muli %arg1, %mul3A_34 : i32
    %add3A_36 = arith.constant 480 : i32
    %add3A_37 = arith.addi %mul3A_35, %add3A_36 : i32
    "tpu.region"() ({
      %run_scoped3A = tpu.sem_alloc : memref<!tpu.dma_semaphore, #tpu.memory_space<semaphore_mem>>
      %dma_start3A_215 = arith.constant 0 : i32
      %dma_start3A_216 = tpu.memref_slice %arg18[%add3A_37, %dma_start3A_215] : memref<10240x128xf32, #tpu.memory_space<vmem_shared>> -> memref<80x128xf32, #tpu.memory_space<vmem_shared>>
      %dma_start3A_217 = arith.constant 0 : i32
      %dma_start3A_218 = tpu.memref_slice %arg18[%add3A_37, %dma_start3A_217] : memref<10240x128xf32, #tpu.memory_space<vmem_shared>> -> memref<80x128xf32, #tpu.memory_space<vmem_shared>>
      tpu.enqueue_dma source(%arg17 : memref<80x128xf32, #tpu.memory_space<vmem>>) target(%dma_start3A_218 : memref<80x128xf32, #tpu.memory_space<vmem_shared>>) target_semaphore(%run_scoped3A : memref<!tpu.dma_semaphore, #tpu.memory_space<semaphore_mem>>)
      %dma_wait3A_219 = arith.constant 0 : i32
      %dma_wait3A_220 = tpu.memref_slice %arg18[%add3A_37, %dma_wait3A_219] : memref<10240x128xf32, #tpu.memory_space<vmem_shared>> -> memref<80x128xf32, #tpu.memory_space<vmem_shared>>
      %dma_wait3A_221 = arith.constant 0 : i32
      %dma_wait3A_222 = tpu.memref_slice %arg18[%add3A_37, %dma_wait3A_221] : memref<10240x128xf32, #tpu.memory_space<vmem_shared>> -> memref<80x128xf32, #tpu.memory_space<vmem_shared>>
      tpu.wait_dma2 semaphore(%run_scoped3A : memref<!tpu.dma_semaphore, #tpu.memory_space<semaphore_mem>>) src(%arg17 : memref<80x128xf32, #tpu.memory_space<vmem>>) dst(%dma_wait3A_222 : memref<80x128xf32, #tpu.memory_space<vmem_shared>>)
      tpu.yield
    }) : () -> ()
    %mul3A_38 = arith.constant 640 : i32
    %mul3A_39 = arith.muli %arg1, %mul3A_38 : i32
    %add3A_40 = arith.constant 560 : i32
    %add3A_41 = arith.addi %mul3A_39, %add3A_40 : i32
    "tpu.region"() ({
      %run_scoped3A = tpu.sem_alloc : memref<!tpu.dma_semaphore, #tpu.memory_space<semaphore_mem>>
      %dma_start3A_215 = arith.constant 0 : i32
      %dma_start3A_216 = tpu.memref_slice %arg18[%add3A_41, %dma_start3A_215] : memref<10240x128xf32, #tpu.memory_space<vmem_shared>> -> memref<80x128xf32, #tpu.memory_space<vmem_shared>>
      %dma_start3A_217 = arith.constant 0 : i32
      %dma_start3A_218 = tpu.memref_slice %arg18[%add3A_41, %dma_start3A_217] : memref<10240x128xf32, #tpu.memory_space<vmem_shared>> -> memref<80x128xf32, #tpu.memory_space<vmem_shared>>
      tpu.enqueue_dma source(%arg17 : memref<80x128xf32, #tpu.memory_space<vmem>>) target(%dma_start3A_218 : memref<80x128xf32, #tpu.memory_space<vmem_shared>>) target_semaphore(%run_scoped3A : memref<!tpu.dma_semaphore, #tpu.memory_space<semaphore_mem>>)
      %dma_wait3A_219 = arith.constant 0 : i32
      %dma_wait3A_220 = tpu.memref_slice %arg18[%add3A_41, %dma_wait3A_219] : memref<10240x128xf32, #tpu.memory_space<vmem_shared>> -> memref<80x128xf32, #tpu.memory_space<vmem_shared>>
      %dma_wait3A_221 = arith.constant 0 : i32
      %dma_wait3A_222 = tpu.memref_slice %arg18[%add3A_41, %dma_wait3A_221] : memref<10240x128xf32, #tpu.memory_space<vmem_shared>> -> memref<80x128xf32, #tpu.memory_space<vmem_shared>>
      tpu.wait_dma2 semaphore(%run_scoped3A : memref<!tpu.dma_semaphore, #tpu.memory_space<semaphore_mem>>) src(%arg17 : memref<80x128xf32, #tpu.memory_space<vmem>>) dst(%dma_wait3A_222 : memref<80x128xf32, #tpu.memory_space<vmem_shared>>)
      tpu.yield
    }) : () -> ()
    "tpu.region"() ({
      %run_scoped3A = tpu.sem_alloc : memref<!tpu.dma_semaphore, #tpu.memory_space<semaphore_mem>>
      %dma_start3A_215 = tpu.memref_slice %arg3[%mul3A_2] : memref<320000xi32, #tpu.memory_space<hbm>> -> memref<10000xi32, #tpu.memory_space<hbm>>
      %dma_start3A_216 = tpu.memref_slice %arg3[%mul3A_2] : memref<320000xi32, #tpu.memory_space<hbm>> -> memref<10000xi32, #tpu.memory_space<hbm>>
      tpu.enqueue_dma source(%dma_start3A_216 : memref<10000xi32, #tpu.memory_space<hbm>>) target(%arg6 : memref<10000xi32, #tpu.memory_space<vmem>>) target_semaphore(%run_scoped3A : memref<!tpu.dma_semaphore, #tpu.memory_space<semaphore_mem>>)
      %dma_wait3A_217 = tpu.memref_slice %arg3[%mul3A_2] : memref<320000xi32, #tpu.memory_space<hbm>> -> memref<10000xi32, #tpu.memory_space<hbm>>
      %dma_wait3A_218 = tpu.memref_slice %arg3[%mul3A_2] : memref<320000xi32, #tpu.memory_space<hbm>> -> memref<10000xi32, #tpu.memory_space<hbm>>
      tpu.wait_dma2 semaphore(%run_scoped3A : memref<!tpu.dma_semaphore, #tpu.memory_space<semaphore_mem>>) src(%dma_wait3A_218 : memref<10000xi32, #tpu.memory_space<hbm>>) dst(%arg6 : memref<10000xi32, #tpu.memory_space<vmem>>)
      tpu.yield
    }) : () -> ()
    "tpu.region"() ({
      %run_scoped3A = tpu.sem_alloc : memref<!tpu.dma_semaphore, #tpu.memory_space<semaphore_mem>>
      %dma_start3A_215 = arith.constant 0 : i32
      %dma_start3A_216 = tpu.memref_slice %arg7[%dma_start3A_215] : memref<10016xf32, #tpu.memory_space<vmem>> -> memref<10000xf32, #tpu.memory_space<vmem>>
      %dma_start3A_217 = tpu.memref_slice %arg4[%mul3A_2] : memref<320000xf32, #tpu.memory_space<hbm>> -> memref<10000xf32, #tpu.memory_space<hbm>>
      %dma_start3A_218 = arith.constant 0 : i32
      %dma_start3A_219 = tpu.memref_slice %arg7[%dma_start3A_218] : memref<10016xf32, #tpu.memory_space<vmem>> -> memref<10000xf32, #tpu.memory_space<vmem>>
      %dma_start3A_220 = tpu.memref_slice %arg4[%mul3A_2] : memref<320000xf32, #tpu.memory_space<hbm>> -> memref<10000xf32, #tpu.memory_space<hbm>>
      tpu.enqueue_dma source(%dma_start3A_220 : memref<10000xf32, #tpu.memory_space<hbm>>) target(%dma_start3A_219 : memref<10000xf32, #tpu.memory_space<vmem>>) target_semaphore(%run_scoped3A : memref<!tpu.dma_semaphore, #tpu.memory_space<semaphore_mem>>)
      %dma_wait3A_221 = arith.constant 0 : i32
      %dma_wait3A_222 = tpu.memref_slice %arg7[%dma_wait3A_221] : memref<10016xf32, #tpu.memory_space<vmem>> -> memref<10000xf32, #tpu.memory_space<vmem>>
      %dma_wait3A_223 = tpu.memref_slice %arg4[%mul3A_2] : memref<320000xf32, #tpu.memory_space<hbm>> -> memref<10000xf32, #tpu.memory_space<hbm>>
      %dma_wait3A_224 = arith.constant 0 : i32
      %dma_wait3A_225 = tpu.memref_slice %arg7[%dma_wait3A_224] : memref<10016xf32, #tpu.memory_space<vmem>> -> memref<10000xf32, #tpu.memory_space<vmem>>
      %dma_wait3A_226 = tpu.memref_slice %arg4[%mul3A_2] : memref<320000xf32, #tpu.memory_space<hbm>> -> memref<10000xf32, #tpu.memory_space<hbm>>
      tpu.wait_dma2 semaphore(%run_scoped3A : memref<!tpu.dma_semaphore, #tpu.memory_space<semaphore_mem>>) src(%dma_wait3A_226 : memref<10000xf32, #tpu.memory_space<hbm>>) dst(%dma_wait3A_225 : memref<10000xf32, #tpu.memory_space<vmem>>)
      tpu.yield
    }) : () -> ()
    %get3A = arith.constant 0 : index
    %get3A_42 = tpu.vector_load %arg6[%get3A] {strides = array<i32>} : memref<10000xi32, #tpu.memory_space<vmem>>, vector<16xi32>,
    %and3A = arith.constant 65535 : i32
    %and3A_43 = vector.broadcast %and3A : i32 to vector<16xi32>
    %and3A_44 = arith.andi %get3A_42, %and3A_43 : vector<16xi32>
    %swap3A = arith.constant 0 : index
    %swap3A_45 = tpu.vector_load %arg8[%swap3A] {strides = array<i32>} : memref<80xi32, #tpu.memory_space<vmem>>, vector<16xi32>,
    tpu.vector_store %arg8[%swap3A], %and3A_44 {strides = array<i32>} : memref<80xi32, #tpu.memory_space<vmem>>, vector<16xi32>,
    %shift_right_logical3A = arith.constant 16 : i32
    %shift_right_logical3A_46 = vector.broadcast %shift_right_logical3A : i32 to vector<16xi32>
    %shift_right_logical3A_47 = arith.shrui %get3A_42, %shift_right_logical3A_46 : vector<16xi32>
    %and3A_48 = arith.constant 16383 : i32
    %and3A_49 = vector.broadcast %and3A_48 : i32 to vector<16xi32>
    %and3A_50 = arith.andi %shift_right_logical3A_47, %and3A_49 : vector<16xi32>
    %swap3A_51 = arith.constant 0 : index
    %swap3A_52 = tpu.vector_load %arg10[%swap3A_51] {strides = array<i32>} : memref<80xi32, #tpu.memory_space<vmem>>, vector<16xi32>,
    tpu.vector_store %arg10[%swap3A_51], %and3A_50 {strides = array<i32>} : memref<80xi32, #tpu.memory_space<vmem>>, vector<16xi32>,
    %get3A_53 = arith.constant 16 : index
    %get3A_54 = tpu.vector_load %arg6[%get3A_53] {strides = array<i32>} : memref<10000xi32, #tpu.memory_space<vmem>>, vector<16xi32>,
    %and3A_55 = arith.constant 65535 : i32
    %and3A_56 = vector.broadcast %and3A_55 : i32 to vector<16xi32>
    %and3A_57 = arith.andi %get3A_54, %and3A_56 : vector<16xi32>
    %swap3A_58 = arith.constant 16 : index
    %swap3A_59 = tpu.vector_load %arg8[%swap3A_58] {strides = array<i32>} : memref<80xi32, #tpu.memory_space<vmem>>, vector<16xi32>,
    tpu.vector_store %arg8[%swap3A_58], %and3A_57 {strides = array<i32>} : memref<80xi32, #tpu.memory_space<vmem>>, vector<16xi32>,
    %shift_right_logical3A_60 = arith.constant 16 : i32
    %shift_right_logical3A_61 = vector.broadcast %shift_right_logical3A_60 : i32 to vector<16xi32>
    %shift_right_logical3A_62 = arith.shrui %get3A_54, %shift_right_logical3A_61 : vector<16xi32>
    %and3A_63 = arith.constant 16383 : i32
    %and3A_64 = vector.broadcast %and3A_63 : i32 to vector<16xi32>
    %and3A_65 = arith.andi %shift_right_logical3A_62, %and3A_64 : vector<16xi32>
    %swap3A_66 = arith.constant 16 : index
    %swap3A_67 = tpu.vector_load %arg10[%swap3A_66] {strides = array<i32>} : memref<80xi32, #tpu.memory_space<vmem>>, vector<16xi32>,
    tpu.vector_store %arg10[%swap3A_66], %and3A_65 {strides = array<i32>} : memref<80xi32, #tpu.memory_space<vmem>>, vector<16xi32>,
    %get3A_68 = arith.constant 32 : index
    %get3A_69 = tpu.vector_load %arg6[%get3A_68] {strides = array<i32>} : memref<10000xi32, #tpu.memory_space<vmem>>, vector<16xi32>,
    %and3A_70 = arith.constant 65535 : i32
    %and3A_71 = vector.broadcast %and3A_70 : i32 to vector<16xi32>
    %and3A_72 = arith.andi %get3A_69, %and3A_71 : vector<16xi32>
    %swap3A_73 = arith.constant 32 : index
    %swap3A_74 = tpu.vector_load %arg8[%swap3A_73] {strides = array<i32>} : memref<80xi32, #tpu.memory_space<vmem>>, vector<16xi32>,
    tpu.vector_store %arg8[%swap3A_73], %and3A_72 {strides = array<i32>} : memref<80xi32, #tpu.memory_space<vmem>>, vector<16xi32>,
    %shift_right_logical3A_75 = arith.constant 16 : i32
    %shift_right_logical3A_76 = vector.broadcast %shift_right_logical3A_75 : i32 to vector<16xi32>
    %shift_right_logical3A_77 = arith.shrui %get3A_69, %shift_right_logical3A_76 : vector<16xi32>
    %and3A_78 = arith.constant 16383 : i32
    %and3A_79 = vector.broadcast %and3A_78 : i32 to vector<16xi32>
    %and3A_80 = arith.andi %shift_right_logical3A_77, %and3A_79 : vector<16xi32>
    %swap3A_81 = arith.constant 32 : index
    %swap3A_82 = tpu.vector_load %arg10[%swap3A_81] {strides = array<i32>} : memref<80xi32, #tpu.memory_space<vmem>>, vector<16xi32>,
    tpu.vector_store %arg10[%swap3A_81], %and3A_80 {strides = array<i32>} : memref<80xi32, #tpu.memory_space<vmem>>, vector<16xi32>,
    %get3A_83 = arith.constant 48 : index
    %get3A_84 = tpu.vector_load %arg6[%get3A_83] {strides = array<i32>} : memref<10000xi32, #tpu.memory_space<vmem>>, vector<16xi32>,
    %and3A_85 = arith.constant 65535 : i32
    %and3A_86 = vector.broadcast %and3A_85 : i32 to vector<16xi32>
    %and3A_87 = arith.andi %get3A_84, %and3A_86 : vector<16xi32>
    %swap3A_88 = arith.constant 48 : index
    %swap3A_89 = tpu.vector_load %arg8[%swap3A_88] {strides = array<i32>} : memref<80xi32, #tpu.memory_space<vmem>>, vector<16xi32>,
    tpu.vector_store %arg8[%swap3A_88], %and3A_87 {strides = array<i32>} : memref<80xi32, #tpu.memory_space<vmem>>, vector<16xi32>,
    %shift_right_logical3A_90 = arith.constant 16 : i32
    %shift_right_logical3A_91 = vector.broadcast %shift_right_logical3A_90 : i32 to vector<16xi32>
    %shift_right_logical3A_92 = arith.shrui %get3A_84, %shift_right_logical3A_91 : vector<16xi32>
    %and3A_93 = arith.constant 16383 : i32
    %and3A_94 = vector.broadcast %and3A_93 : i32 to vector<16xi32>
    %and3A_95 = arith.andi %shift_right_logical3A_92, %and3A_94 : vector<16xi32>
    %swap3A_96 = arith.constant 48 : index
    %swap3A_97 = tpu.vector_load %arg10[%swap3A_96] {strides = array<i32>} : memref<80xi32, #tpu.memory_space<vmem>>, vector<16xi32>,
    tpu.vector_store %arg10[%swap3A_96], %and3A_95 {strides = array<i32>} : memref<80xi32, #tpu.memory_space<vmem>>, vector<16xi32>,
    %get3A_98 = arith.constant 64 : index
    %get3A_99 = tpu.vector_load %arg6[%get3A_98] {strides = array<i32>} : memref<10000xi32, #tpu.memory_space<vmem>>, vector<16xi32>,
    %and3A_100 = arith.constant 65535 : i32
    %and3A_101 = vector.broadcast %and3A_100 : i32 to vector<16xi32>
    %and3A_102 = arith.andi %get3A_99, %and3A_101 : vector<16xi32>
    %swap3A_103 = arith.constant 64 : index
    %swap3A_104 = tpu.vector_load %arg8[%swap3A_103] {strides = array<i32>} : memref<80xi32, #tpu.memory_space<vmem>>, vector<16xi32>,
    tpu.vector_store %arg8[%swap3A_103], %and3A_102 {strides = array<i32>} : memref<80xi32, #tpu.memory_space<vmem>>, vector<16xi32>,
    %shift_right_logical3A_105 = arith.constant 16 : i32
    %shift_right_logical3A_106 = vector.broadcast %shift_right_logical3A_105 : i32 to vector<16xi32>
    %shift_right_logical3A_107 = arith.shrui %get3A_99, %shift_right_logical3A_106 : vector<16xi32>
    %and3A_108 = arith.constant 16383 : i32
    %and3A_109 = vector.broadcast %and3A_108 : i32 to vector<16xi32>
    %and3A_110 = arith.andi %shift_right_logical3A_107, %and3A_109 : vector<16xi32>
    %swap3A_111 = arith.constant 64 : index
    %swap3A_112 = tpu.vector_load %arg10[%swap3A_111] {strides = array<i32>} : memref<80xi32, #tpu.memory_space<vmem>>, vector<16xi32>,
    tpu.vector_store %arg10[%swap3A_111], %and3A_110 {strides = array<i32>} : memref<80xi32, #tpu.memory_space<vmem>>, vector<16xi32>,
    %dma_start3A = arith.constant 0 : i32
    %dma_start3A_113 = arith.constant 0 : i32
    %dma_start3A_114 = tpu.memref_slice %arg2[%dma_start3A, %dma_start3A_113] : memref<40000x128xf32, #tpu.memory_space<hbm>> -> memref<40000x128xf32, #tpu.memory_space<hbm>>
    tpu.enqueue_indirect_dma source(%dma_start3A_114 : memref<40000x128xf32, #tpu.memory_space<hbm>>) target(%arg16 : memref<80x128xf32, #tpu.memory_space<vmem>>) offsets(%arg8 : memref<80xi32, #tpu.memory_space<vmem>>) semaphore(%arg19 : memref<!tpu.dma_semaphore, #tpu.memory_space<semaphore_mem>>)
    %barrier3A = arith.constant 0 : index
    tpu.barrier barrier_id(%barrier3A)
    %dma_wait3A = arith.constant 0 : i32
    %dma_wait3A_115 = arith.constant 0 : i32
    %dma_wait3A_116 = tpu.memref_slice %arg2[%dma_wait3A, %dma_wait3A_115] : memref<40000x128xf32, #tpu.memory_space<hbm>> -> memref<40000x128xf32, #tpu.memory_space<hbm>>
    tpu.wait_indirect_dma semaphore(%arg19 : memref<!tpu.dma_semaphore, #tpu.memory_space<semaphore_mem>>) src(%dma_wait3A_116 : memref<40000x128xf32, #tpu.memory_space<hbm>>) dst(%arg16 : memref<80x128xf32, #tpu.memory_space<vmem>>)
    %get3A_117 = arith.constant 80 : index
    %get3A_118 = tpu.vector_load %arg6[%get3A_117] {strides = array<i32>} : memref<10000xi32, #tpu.memory_space<vmem>>, vector<16xi32>,
    %and3A_119 = arith.constant 65535 : i32
    %and3A_120 = vector.broadcast %and3A_119 : i32 to vector<16xi32>
    %and3A_121 = arith.andi %get3A_118, %and3A_120 : vector<16xi32>
    %swap3A_122 = arith.constant 0 : index
    %swap3A_123 = tpu.vector_load %arg9[%swap3A_122] {strides = array<i32>} : memref<80xi32, #tpu.memory_space<vmem>>, vector<16xi32>,
    tpu.vector_store %arg9[%swap3A_122], %and3A_121 {strides = array<i32>} : memref<80xi32, #tpu.memory_space<vmem>>, vector<16xi32>,
    %shift_right_logical3A_124 = arith.constant 16 : i32
    %shift_right_logical3A_125 = vector.broadcast %shift_right_logical3A_124 : i32 to vector<16xi32>
    %shift_right_logical3A_126 = arith.shrui %get3A_118, %shift_right_logical3A_125 : vector<16xi32>
    %and3A_127 = arith.constant 16383 : i32
    %and3A_128 = vector.broadcast %and3A_127 : i32 to vector<16xi32>
    %and3A_129 = arith.andi %shift_right_logical3A_126, %and3A_128 : vector<16xi32>
    %swap3A_130 = arith.constant 0 : index
    %swap3A_131 = tpu.vector_load %arg11[%swap3A_130] {strides = array<i32>} : memref<80xi32, #tpu.memory_space<vmem>>, vector<16xi32>,
    tpu.vector_store %arg11[%swap3A_130], %and3A_129 {strides = array<i32>} : memref<80xi32, #tpu.memory_space<vmem>>, vector<16xi32>,
    %get3A_132 = arith.constant 96 : index
    %get3A_133 = tpu.vector_load %arg6[%get3A_132] {strides = array<i32>} : memref<10000xi32, #tpu.memory_space<vmem>>, vector<16xi32>,
    %and3A_134 = arith.constant 65535 : i32
    %and3A_135 = vector.broadcast %and3A_134 : i32 to vector<16xi32>
    %and3A_136 = arith.andi %get3A_133, %and3A_135 : vector<16xi32>
    %swap3A_137 = arith.constant 16 : index
    %swap3A_138 = tpu.vector_load %arg9[%swap3A_137] {strides = array<i32>} : memref<80xi32, #tpu.memory_space<vmem>>, vector<16xi32>,
    tpu.vector_store %arg9[%swap3A_137], %and3A_136 {strides = array<i32>} : memref<80xi32, #tpu.memory_space<vmem>>, vector<16xi32>,
    %shift_right_logical3A_139 = arith.constant 16 : i32
    %shift_right_logical3A_140 = vector.broadcast %shift_right_logical3A_139 : i32 to vector<16xi32>
    %shift_right_logical3A_141 = arith.shrui %get3A_133, %shift_right_logical3A_140 : vector<16xi32>
    %and3A_142 = arith.constant 16383 : i32
    %and3A_143 = vector.broadcast %and3A_142 : i32 to vector<16xi32>
    %and3A_144 = arith.andi %shift_right_logical3A_141, %and3A_143 : vector<16xi32>
    %swap3A_145 = arith.constant 16 : index
    %swap3A_146 = tpu.vector_load %arg11[%swap3A_145] {strides = array<i32>} : memref<80xi32, #tpu.memory_space<vmem>>, vector<16xi32>,
    tpu.vector_store %arg11[%swap3A_145], %and3A_144 {strides = array<i32>} : memref<80xi32, #tpu.memory_space<vmem>>, vector<16xi32>,
    %get3A_147 = arith.constant 112 : index
    %get3A_148 = tpu.vector_load %arg6[%get3A_147] {strides = array<i32>} : memref<10000xi32, #tpu.memory_space<vmem>>, vector<16xi32>,
    %and3A_149 = arith.constant 65535 : i32
    %and3A_150 = vector.broadcast %and3A_149 : i32 to vector<16xi32>
    %and3A_151 = arith.andi %get3A_148, %and3A_150 : vector<16xi32>
    %swap3A_152 = arith.constant 32 : index
    %swap3A_153 = tpu.vector_load %arg9[%swap3A_152] {strides = array<i32>} : memref<80xi32, #tpu.memory_space<vmem>>, vector<16xi32>,
    tpu.vector_store %arg9[%swap3A_152], %and3A_151 {strides = array<i32>} : memref<80xi32, #tpu.memory_space<vmem>>, vector<16xi32>,
    %shift_right_logical3A_154 = arith.constant 16 : i32
    %shift_right_logical3A_155 = vector.broadcast %shift_right_logical3A_154 : i32 to vector<16xi32>
    %shift_right_logical3A_156 = arith.shrui %get3A_148, %shift_right_logical3A_155 : vector<16xi32>
    %and3A_157 = arith.constant 16383 : i32
    %and3A_158 = vector.broadcast %and3A_157 : i32 to vector<16xi32>
    %and3A_159 = arith.andi %shift_right_logical3A_156, %and3A_158 : vector<16xi32>
    %swap3A_160 = arith.constant 32 : index
    %swap3A_161 = tpu.vector_load %arg11[%swap3A_160] {strides = array<i32>} : memref<80xi32, #tpu.memory_space<vmem>>, vector<16xi32>,
    tpu.vector_store %arg11[%swap3A_160], %and3A_159 {strides = array<i32>} : memref<80xi32, #tpu.memory_space<vmem>>, vector<16xi32>,
    %get3A_162 = arith.constant 128 : index
    %get3A_163 = tpu.vector_load %arg6[%get3A_162] {strides = array<i32>} : memref<10000xi32, #tpu.memory_space<vmem>>, vector<16xi32>,
    %and3A_164 = arith.constant 65535 : i32
    %and3A_165 = vector.broadcast %and3A_164 : i32 to vector<16xi32>
    %and3A_166 = arith.andi %get3A_163, %and3A_165 : vector<16xi32>
    %swap3A_167 = arith.constant 48 : index
    %swap3A_168 = tpu.vector_load %arg9[%swap3A_167] {strides = array<i32>} : memref<80xi32, #tpu.memory_space<vmem>>, vector<16xi32>,
    tpu.vector_store %arg9[%swap3A_167], %and3A_166 {strides = array<i32>} : memref<80xi32, #tpu.memory_space<vmem>>, vector<16xi32>,
    %shift_right_logical3A_169 = arith.constant 16 : i32
    %shift_right_logical3A_170 = vector.broadcast %shift_right_logical3A_169 : i32 to vector<16xi32>
    %shift_right_logical3A_171 = arith.shrui %get3A_163, %shift_right_logical3A_170 : vector<16xi32>
    %and3A_172 = arith.constant 16383 : i32
    %and3A_173 = vector.broadcast %and3A_172 : i32 to vector<16xi32>
    %and3A_174 = arith.andi %shift_right_logical3A_171, %and3A_173 : vector<16xi32>
    %swap3A_175 = arith.constant 48 : index
    %swap3A_176 = tpu.vector_load %arg11[%swap3A_175] {strides = array<i32>} : memref<80xi32, #tpu.memory_space<vmem>>, vector<16xi32>,
    tpu.vector_store %arg11[%swap3A_175], %and3A_174 {strides = array<i32>} : memref<80xi32, #tpu.memory_space<vmem>>, vector<16xi32>,
    %get3A_177 = arith.constant 144 : index
    %get3A_178 = tpu.vector_load %arg6[%get3A_177] {strides = array<i32>} : memref<10000xi32, #tpu.memory_space<vmem>>, vector<16xi32>,
    %and3A_179 = arith.constant 65535 : i32
    %and3A_180 = vector.broadcast %and3A_179 : i32 to vector<16xi32>
    %and3A_181 = arith.andi %get3A_178, %and3A_180 : vector<16xi32>
    %swap3A_182 = arith.constant 64 : index
    %swap3A_183 = tpu.vector_load %arg9[%swap3A_182] {strides = array<i32>} : memref<80xi32, #tpu.memory_space<vmem>>, vector<16xi32>,
    tpu.vector_store %arg9[%swap3A_182], %and3A_181 {strides = array<i32>} : memref<80xi32, #tpu.memory_space<vmem>>, vector<16xi32>,
    %shift_right_logical3A_184 = arith.constant 16 : i32
    %shift_right_logical3A_185 = vector.broadcast %shift_right_logical3A_184 : i32 to vector<16xi32>
    %shift_right_logical3A_186 = arith.shrui %get3A_178, %shift_right_logical3A_185 : vector<16xi32>
    %and3A_187 = arith.constant 16383 : i32
    %and3A_188 = vector.broadcast %and3A_187 : i32 to vector<16xi32>
    %and3A_189 = arith.andi %shift_right_logical3A_186, %and3A_188 : vector<16xi32>
    %swap3A_190 = arith.constant 64 : index
    %swap3A_191 = tpu.vector_load %arg11[%swap3A_190] {strides = array<i32>} : memref<80xi32, #tpu.memory_space<vmem>>, vector<16xi32>,
    tpu.vector_store %arg11[%swap3A_190], %and3A_189 {strides = array<i32>} : memref<80xi32, #tpu.memory_space<vmem>>, vector<16xi32>,
    %dma_start3A_192 = arith.constant 0 : i32
    %dma_start3A_193 = arith.constant 0 : i32
    %dma_start3A_194 = tpu.memref_slice %arg2[%dma_start3A_192, %dma_start3A_193] : memref<40000x128xf32, #tpu.memory_space<hbm>> -> memref<40000x128xf32, #tpu.memory_space<hbm>>
    tpu.enqueue_indirect_dma source(%dma_start3A_194 : memref<40000x128xf32, #tpu.memory_space<hbm>>) target(%arg17 : memref<80x128xf32, #tpu.memory_space<vmem>>) offsets(%arg9 : memref<80xi32, #tpu.memory_space<vmem>>) semaphore(%arg20 : memref<!tpu.dma_semaphore, #tpu.memory_space<semaphore_mem>>)
    %parallel_loop3A = arith.constant 0 : i32
    %parallel_loop3A_195 = arith.constant 80 : i32
    %parallel_loop3A_196 = arith.constant 1 : i32
    scf.for %parallel_loop3A_215 = %parallel_loop3A to %parallel_loop3A_195 step %parallel_loop3A_196  : i32 {
      %parallel_loop3A_216 = arith.constant 0 : i32
      %parallel_loop3A_217 = arith.addi %parallel_loop3A_216, %parallel_loop3A_215 : i32
      %parallel_loop3A_218 = arith.index_cast %parallel_loop3A_217 : i32 to index
      %parallel_loop3A_219 = tpu.vector_load %arg7[%parallel_loop3A_218] {strides = array<i32>} : memref<10016xf32, #tpu.memory_space<vmem>>, vector<16xf32>,
      %parallel_loop3A_220 = vector.extract_strided_slice %parallel_loop3A_219 {offsets = [0], sizes = [1], strides = [1]} : vector<16xf32> to vector<1xf32>
      %parallel_loop3A_221 = vector.extract %parallel_loop3A_220[0] : f32 from vector<1xf32>
      %parallel_loop3A_222 = arith.index_cast %parallel_loop3A_215 : i32 to index
      %parallel_loop3A_223 = arith.constant 0 : index
      %parallel_loop3A_224 = tpu.vector_load %arg16[%parallel_loop3A_222, %parallel_loop3A_223] {strides = array<i32>} : memref<80x128xf32, #tpu.memory_space<vmem>>, vector<16xf32>,
      %parallel_loop3A_225 = vector.broadcast %parallel_loop3A_221 : f32 to vector<16xf32>
      %parallel_loop3A_226 = arith.mulf %parallel_loop3A_224, %parallel_loop3A_225 : vector<16xf32>
      %parallel_loop3A_227 = arith.index_cast %parallel_loop3A_215 : i32 to index
      %parallel_loop3A_228 = arith.constant 0 : index
      %parallel_loop3A_229 = tpu.vector_load %arg16[%parallel_loop3A_227, %parallel_loop3A_228] {strides = array<i32>} : memref<80x128xf32, #tpu.memory_space<vmem>>, vector<16xf32>,
      tpu.vector_store %arg16[%parallel_loop3A_227, %parallel_loop3A_228], %parallel_loop3A_226 {strides = array<i32>} : memref<80x128xf32, #tpu.memory_space<vmem>>, vector<16xf32>,
      %parallel_loop3A_230 = arith.index_cast %parallel_loop3A_215 : i32 to index
      %parallel_loop3A_231 = arith.constant 16 : index
      %parallel_loop3A_232 = tpu.vector_load %arg16[%parallel_loop3A_230, %parallel_loop3A_231] {strides = array<i32>} : memref<80x128xf32, #tpu.memory_space<vmem>>, vector<16xf32>,
      %parallel_loop3A_233 = vector.broadcast %parallel_loop3A_221 : f32 to vector<16xf32>
      %parallel_loop3A_234 = arith.mulf %parallel_loop3A_232, %parallel_loop3A_233 : vector<16xf32>
      %parallel_loop3A_235 = arith.index_cast %parallel_loop3A_215 : i32 to index
      %parallel_loop3A_236 = arith.constant 16 : index
      %parallel_loop3A_237 = tpu.vector_load %arg16[%parallel_loop3A_235, %parallel_loop3A_236] {strides = array<i32>} : memref<80x128xf32, #tpu.memory_space<vmem>>, vector<16xf32>,
      tpu.vector_store %arg16[%parallel_loop3A_235, %parallel_loop3A_236], %parallel_loop3A_234 {strides = array<i32>} : memref<80x128xf32, #tpu.memory_space<vmem>>, vector<16xf32>,
      %parallel_loop3A_238 = arith.index_cast %parallel_loop3A_215 : i32 to index
      %parallel_loop3A_239 = arith.constant 32 : index
      %parallel_loop3A_240 = tpu.vector_load %arg16[%parallel_loop3A_238, %parallel_loop3A_239] {strides = array<i32>} : memref<80x128xf32, #tpu.memory_space<vmem>>, vector<16xf32>,
      %parallel_loop3A_241 = vector.broadcast %parallel_loop3A_221 : f32 to vector<16xf32>
      %parallel_loop3A_242 = arith.mulf %parallel_loop3A_240, %parallel_loop3A_241 : vector<16xf32>
      %parallel_loop3A_243 = arith.index_cast %parallel_loop3A_215 : i32 to index
      %parallel_loop3A_244 = arith.constant 32 : index
      %parallel_loop3A_245 = tpu.vector_load %arg16[%parallel_loop3A_243, %parallel_loop3A_244] {strides = array<i32>} : memref<80x128xf32, #tpu.memory_space<vmem>>, vector<16xf32>,
      tpu.vector_store %arg16[%parallel_loop3A_243, %parallel_loop3A_244], %parallel_loop3A_242 {strides = array<i32>} : memref<80x128xf32, #tpu.memory_space<vmem>>, vector<16xf32>,
      %parallel_loop3A_246 = arith.index_cast %parallel_loop3A_215 : i32 to index
      %parallel_loop3A_247 = arith.constant 48 : index
      %parallel_loop3A_248 = tpu.vector_load %arg16[%parallel_loop3A_246, %parallel_loop3A_247] {strides = array<i32>} : memref<80x128xf32, #tpu.memory_space<vmem>>, vector<16xf32>,
      %parallel_loop3A_249 = vector.broadcast %parallel_loop3A_221 : f32 to vector<16xf32>
      %parallel_loop3A_250 = arith.mulf %parallel_loop3A_248, %parallel_loop3A_249 : vector<16xf32>
      %parallel_loop3A_251 = arith.index_cast %parallel_loop3A_215 : i32 to index
      %parallel_loop3A_252 = arith.constant 48 : index
      %parallel_loop3A_253 = tpu.vector_load %arg16[%parallel_loop3A_251, %parallel_loop3A_252] {strides = array<i32>} : memref<80x128xf32, #tpu.memory_space<vmem>>, vector<16xf32>,
      tpu.vector_store %arg16[%parallel_loop3A_251, %parallel_loop3A_252], %parallel_loop3A_250 {strides = array<i32>} : memref<80x128xf32, #tpu.memory_space<vmem>>, vector<16xf32>,
      %parallel_loop3A_254 = arith.index_cast %parallel_loop3A_215 : i32 to index
      %parallel_loop3A_255 = arith.constant 64 : index
      %parallel_loop3A_256 = tpu.vector_load %arg16[%parallel_loop3A_254, %parallel_loop3A_255] {strides = array<i32>} : memref<80x128xf32, #tpu.memory_space<vmem>>, vector<16xf32>,
      %parallel_loop3A_257 = vector.broadcast %parallel_loop3A_221 : f32 to vector<16xf32>
      %parallel_loop3A_258 = arith.mulf %parallel_loop3A_256, %parallel_loop3A_257 : vector<16xf32>
      %parallel_loop3A_259 = arith.index_cast %parallel_loop3A_215 : i32 to index
      %parallel_loop3A_260 = arith.constant 64 : index
      %parallel_loop3A_261 = tpu.vector_load %arg16[%parallel_loop3A_259, %parallel_loop3A_260] {strides = array<i32>} : memref<80x128xf32, #tpu.memory_space<vmem>>, vector<16xf32>,
      tpu.vector_store %arg16[%parallel_loop3A_259, %parallel_loop3A_260], %parallel_loop3A_258 {strides = array<i32>} : memref<80x128xf32, #tpu.memory_space<vmem>>, vector<16xf32>,
      %parallel_loop3A_262 = arith.index_cast %parallel_loop3A_215 : i32 to index
      %parallel_loop3A_263 = arith.constant 80 : index
      %parallel_loop3A_264 = tpu.vector_load %arg16[%parallel_loop3A_262, %parallel_loop3A_263] {strides = array<i32>} : memref<80x128xf32, #tpu.memory_space<vmem>>, vector<16xf32>,
      %parallel_loop3A_265 = vector.broadcast %parallel_loop3A_221 : f32 to vector<16xf32>
      %parallel_loop3A_266 = arith.mulf %parallel_loop3A_264, %parallel_loop3A_265 : vector<16xf32>
      %parallel_loop3A_267 = arith.index_cast %parallel_loop3A_215 : i32 to index
      %parallel_loop3A_268 = arith.constant 80 : index
      %parallel_loop3A_269 = tpu.vector_load %arg16[%parallel_loop3A_267, %parallel_loop3A_268] {strides = array<i32>} : memref<80x128xf32, #tpu.memory_space<vmem>>, vector<16xf32>,
      tpu.vector_store %arg16[%parallel_loop3A_267, %parallel_loop3A_268], %parallel_loop3A_266 {strides = array<i32>} : memref<80x128xf32, #tpu.memory_space<vmem>>, vector<16xf32>,
      %parallel_loop3A_270 = arith.index_cast %parallel_loop3A_215 : i32 to index
      %parallel_loop3A_271 = arith.constant 96 : index
      %parallel_loop3A_272 = tpu.vector_load %arg16[%parallel_loop3A_270, %parallel_loop3A_271] {strides = array<i32>} : memref<80x128xf32, #tpu.memory_space<vmem>>, vector<16xf32>,
      %parallel_loop3A_273 = vector.broadcast %parallel_loop3A_221 : f32 to vector<16xf32>
      %parallel_loop3A_274 = arith.mulf %parallel_loop3A_272, %parallel_loop3A_273 : vector<16xf32>
      %parallel_loop3A_275 = arith.index_cast %parallel_loop3A_215 : i32 to index
      %parallel_loop3A_276 = arith.constant 96 : index
      %parallel_loop3A_277 = tpu.vector_load %arg16[%parallel_loop3A_275, %parallel_loop3A_276] {strides = array<i32>} : memref<80x128xf32, #tpu.memory_space<vmem>>, vector<16xf32>,
      tpu.vector_store %arg16[%parallel_loop3A_275, %parallel_loop3A_276], %parallel_loop3A_274 {strides = array<i32>} : memref<80x128xf32, #tpu.memory_space<vmem>>, vector<16xf32>,
      %parallel_loop3A_278 = arith.index_cast %parallel_loop3A_215 : i32 to index
      %parallel_loop3A_279 = arith.constant 112 : index
      %parallel_loop3A_280 = tpu.vector_load %arg16[%parallel_loop3A_278, %parallel_loop3A_279] {strides = array<i32>} : memref<80x128xf32, #tpu.memory_space<vmem>>, vector<16xf32>,
      %parallel_loop3A_281 = vector.broadcast %parallel_loop3A_221 : f32 to vector<16xf32>
      %parallel_loop3A_282 = arith.mulf %parallel_loop3A_280, %parallel_loop3A_281 : vector<16xf32>
      %parallel_loop3A_283 = arith.index_cast %parallel_loop3A_215 : i32 to index
      %parallel_loop3A_284 = arith.constant 112 : index
      %parallel_loop3A_285 = tpu.vector_load %arg16[%parallel_loop3A_283, %parallel_loop3A_284] {strides = array<i32>} : memref<80x128xf32, #tpu.memory_space<vmem>>, vector<16xf32>,
      tpu.vector_store %arg16[%parallel_loop3A_283, %parallel_loop3A_284], %parallel_loop3A_282 {strides = array<i32>} : memref<80x128xf32, #tpu.memory_space<vmem>>, vector<16xf32>,
    } {sc.loop_unroll_factor = 4 : i64, sc.parallel_access}
    %dma_start3A_197 = arith.constant 0 : i32
    %dma_start3A_198 = arith.constant 0 : i32
    %dma_start3A_199 = tpu.memref_slice %arg18[%dma_start3A_197, %dma_start3A_198] : memref<10240x128xf32, #tpu.memory_space<vmem_shared>> -> memref<10240x128xf32, #tpu.memory_space<vmem_shared>>
    tpu.enqueue_indirect_dma source(%arg16 : memref<80x128xf32, #tpu.memory_space<vmem>>) target(%dma_start3A_199 : memref<10240x128xf32, #tpu.memory_space<vmem_shared>>) offsets(%arg10 : memref<80xi32, #tpu.memory_space<vmem>>) semaphore(%arg21 : memref<!tpu.dma_semaphore, #tpu.memory_space<semaphore_mem>>) {add = true}
    %scan3A_200 = arith.constant 0 : i32
    %scan3A_201 = arith.constant 0 : i32
    %scan3A_202 = arith.constant 62 : i32
    %scan3A_203 = arith.addi %scan3A_201, %scan3A_202 : i32
    %scan3A_204 = arith.constant 1 : i32
    %scan3A_205 = scf.for %scan3A_215 = %scan3A_201 to %scan3A_203 step %scan3A_204 iter_args(%scan3A_216 = %scan3A_200) -> (i32)  : i32 {
      %mul3A_217 = arith.constant 2 : i32
      %mul3A_218 = arith.muli %mul3A_217, %scan3A_215 : i32
      %add3A_219 = arith.constant 1 : i32
      %add3A_220 = arith.addi %mul3A_218, %add3A_219 : i32
      %dma_wait3A_221 = arith.constant 0 : i32
      %dma_wait3A_222 = arith.constant 0 : i32
      %dma_wait3A_223 = tpu.memref_slice %arg2[%dma_wait3A_221, %dma_wait3A_222] : memref<40000x128xf32, #tpu.memory_space<hbm>> -> memref<40000x128xf32, #tpu.memory_space<hbm>>
      tpu.wait_indirect_dma semaphore(%arg20 : memref<!tpu.dma_semaphore, #tpu.memory_space<semaphore_mem>>) src(%dma_wait3A_223 : memref<40000x128xf32, #tpu.memory_space<hbm>>) dst(%arg17 : memref<80x128xf32, #tpu.memory_space<vmem>>)
      %dma_wait3A_224 = arith.constant 0 : i32
      %dma_wait3A_225 = arith.constant 0 : i32
      %dma_wait3A_226 = tpu.memref_slice %arg18[%dma_wait3A_224, %dma_wait3A_225] : memref<10240x128xf32, #tpu.memory_space<vmem_shared>> -> memref<10240x128xf32, #tpu.memory_space<vmem_shared>>
      tpu.wait_indirect_dma semaphore(%arg21 : memref<!tpu.dma_semaphore, #tpu.memory_space<semaphore_mem>>) src(%arg16 : memref<80x128xf32, #tpu.memory_space<vmem>>) dst(%dma_wait3A_226 : memref<10240x128xf32, #tpu.memory_space<vmem_shared>>)
      %add3A_227 = arith.constant 1 : i32
      %add3A_228 = arith.addi %add3A_220, %add3A_227 : i32
      %lt3A = arith.constant 125 : i32
      %lt3A_229 = arith.cmpi slt, %add3A_228, %lt3A : i32
      %convert_element_type3A = arith.extui %lt3A_229 : i1 to i32
      %cond3A = arith.constant 0 : i32
      %cond3A_230 = arith.cmpi ne, %convert_element_type3A, %cond3A : i32
      scf.if %cond3A_230 {
        %add3A_265 = arith.constant 1 : i32
        %add3A_266 = arith.addi %add3A_220, %add3A_265 : i32
        %mul3A_267 = arith.constant 80 : i32
        %mul3A_268 = arith.muli %add3A_266, %mul3A_267 : i32
        %add3A_269 = arith.constant 0 : i32
        %add3A_270 = arith.addi %mul3A_268, %add3A_269 : i32
        %get3A_271 = arith.index_cast %add3A_270 : i32 to index
        %get3A_272 = tpu.vector_load %arg6[%get3A_271] {strides = array<i32>} : memref<10000xi32, #tpu.memory_space<vmem>>, vector<16xi32>,
        %and3A_273 = arith.constant 65535 : i32
        %and3A_274 = vector.broadcast %and3A_273 : i32 to vector<16xi32>
        %and3A_275 = arith.andi %get3A_272, %and3A_274 : vector<16xi32>
        %swap3A_276 = arith.constant 0 : index
        %swap3A_277 = tpu.vector_load %arg8[%swap3A_276] {strides = array<i32>} : memref<80xi32, #tpu.memory_space<vmem>>, vector<16xi32>,
        tpu.vector_store %arg8[%swap3A_276], %and3A_275 {strides = array<i32>} : memref<80xi32, #tpu.memory_space<vmem>>, vector<16xi32>,
        %shift_right_logical3A_278 = arith.constant 16 : i32
        %shift_right_logical3A_279 = vector.broadcast %shift_right_logical3A_278 : i32 to vector<16xi32>
        %shift_right_logical3A_280 = arith.shrui %get3A_272, %shift_right_logical3A_279 : vector<16xi32>
        %and3A_281 = arith.constant 16383 : i32
        %and3A_282 = vector.broadcast %and3A_281 : i32 to vector<16xi32>
        %and3A_283 = arith.andi %shift_right_logical3A_280, %and3A_282 : vector<16xi32>
        %swap3A_284 = arith.constant 0 : index
        %swap3A_285 = tpu.vector_load %arg10[%swap3A_284] {strides = array<i32>} : memref<80xi32, #tpu.memory_space<vmem>>, vector<16xi32>,
        tpu.vector_store %arg10[%swap3A_284], %and3A_283 {strides = array<i32>} : memref<80xi32, #tpu.memory_space<vmem>>, vector<16xi32>,
        %add3A_286 = arith.constant 16 : i32
        %add3A_287 = arith.addi %mul3A_268, %add3A_286 : i32
        %get3A_288 = arith.index_cast %add3A_287 : i32 to index
        %get3A_289 = tpu.vector_load %arg6[%get3A_288] {strides = array<i32>} : memref<10000xi32, #tpu.memory_space<vmem>>, vector<16xi32>,
        %and3A_290 = arith.constant 65535 : i32
        %and3A_291 = vector.broadcast %and3A_290 : i32 to vector<16xi32>
        %and3A_292 = arith.andi %get3A_289, %and3A_291 : vector<16xi32>
        %swap3A_293 = arith.constant 16 : index
        %swap3A_294 = tpu.vector_load %arg8[%swap3A_293] {strides = array<i32>} : memref<80xi32, #tpu.memory_space<vmem>>, vector<16xi32>,
        tpu.vector_store %arg8[%swap3A_293], %and3A_292 {strides = array<i32>} : memref<80xi32, #tpu.memory_space<vmem>>, vector<16xi32>,
        %shift_right_logical3A_295 = arith.constant 16 : i32
        %shift_right_logical3A_296 = vector.broadcast %shift_right_logical3A_295 : i32 to vector<16xi32>
        %shift_right_logical3A_297 = arith.shrui %get3A_289, %shift_right_logical3A_296 : vector<16xi32>
        %and3A_298 = arith.constant 16383 : i32
        %and3A_299 = vector.broadcast %and3A_298 : i32 to vector<16xi32>
        %and3A_300 = arith.andi %shift_right_logical3A_297, %and3A_299 : vector<16xi32>
        %swap3A_301 = arith.constant 16 : index
        %swap3A_302 = tpu.vector_load %arg10[%swap3A_301] {strides = array<i32>} : memref<80xi32, #tpu.memory_space<vmem>>, vector<16xi32>,
        tpu.vector_store %arg10[%swap3A_301], %and3A_300 {strides = array<i32>} : memref<80xi32, #tpu.memory_space<vmem>>, vector<16xi32>,
        %add3A_303 = arith.constant 32 : i32
        %add3A_304 = arith.addi %mul3A_268, %add3A_303 : i32
        %get3A_305 = arith.index_cast %add3A_304 : i32 to index
        %get3A_306 = tpu.vector_load %arg6[%get3A_305] {strides = array<i32>} : memref<10000xi32, #tpu.memory_space<vmem>>, vector<16xi32>,
        %and3A_307 = arith.constant 65535 : i32
        %and3A_308 = vector.broadcast %and3A_307 : i32 to vector<16xi32>
        %and3A_309 = arith.andi %get3A_306, %and3A_308 : vector<16xi32>
        %swap3A_310 = arith.constant 32 : index
        %swap3A_311 = tpu.vector_load %arg8[%swap3A_310] {strides = array<i32>} : memref<80xi32, #tpu.memory_space<vmem>>, vector<16xi32>,
        tpu.vector_store %arg8[%swap3A_310], %and3A_309 {strides = array<i32>} : memref<80xi32, #tpu.memory_space<vmem>>, vector<16xi32>,
        %shift_right_logical3A_312 = arith.constant 16 : i32
        %shift_right_logical3A_313 = vector.broadcast %shift_right_logical3A_312 : i32 to vector<16xi32>
        %shift_right_logical3A_314 = arith.shrui %get3A_306, %shift_right_logical3A_313 : vector<16xi32>
        %and3A_315 = arith.constant 16383 : i32
        %and3A_316 = vector.broadcast %and3A_315 : i32 to vector<16xi32>
        %and3A_317 = arith.andi %shift_right_logical3A_314, %and3A_316 : vector<16xi32>
        %swap3A_318 = arith.constant 32 : index
        %swap3A_319 = tpu.vector_load %arg10[%swap3A_318] {strides = array<i32>} : memref<80xi32, #tpu.memory_space<vmem>>, vector<16xi32>,
        tpu.vector_store %arg10[%swap3A_318], %and3A_317 {strides = array<i32>} : memref<80xi32, #tpu.memory_space<vmem>>, vector<16xi32>,
        %add3A_320 = arith.constant 48 : i32
        %add3A_321 = arith.addi %mul3A_268, %add3A_320 : i32
        %get3A_322 = arith.index_cast %add3A_321 : i32 to index
        %get3A_323 = tpu.vector_load %arg6[%get3A_322] {strides = array<i32>} : memref<10000xi32, #tpu.memory_space<vmem>>, vector<16xi32>,
        %and3A_324 = arith.constant 65535 : i32
        %and3A_325 = vector.broadcast %and3A_324 : i32 to vector<16xi32>
        %and3A_326 = arith.andi %get3A_323, %and3A_325 : vector<16xi32>
        %swap3A_327 = arith.constant 48 : index
        %swap3A_328 = tpu.vector_load %arg8[%swap3A_327] {strides = array<i32>} : memref<80xi32, #tpu.memory_space<vmem>>, vector<16xi32>,
        tpu.vector_store %arg8[%swap3A_327], %and3A_326 {strides = array<i32>} : memref<80xi32, #tpu.memory_space<vmem>>, vector<16xi32>,
        %shift_right_logical3A_329 = arith.constant 16 : i32
        %shift_right_logical3A_330 = vector.broadcast %shift_right_logical3A_329 : i32 to vector<16xi32>
        %shift_right_logical3A_331 = arith.shrui %get3A_323, %shift_right_logical3A_330 : vector<16xi32>
        %and3A_332 = arith.constant 16383 : i32
        %and3A_333 = vector.broadcast %and3A_332 : i32 to vector<16xi32>
        %and3A_334 = arith.andi %shift_right_logical3A_331, %and3A_333 : vector<16xi32>
        %swap3A_335 = arith.constant 48 : index
        %swap3A_336 = tpu.vector_load %arg10[%swap3A_335] {strides = array<i32>} : memref<80xi32, #tpu.memory_space<vmem>>, vector<16xi32>,
        tpu.vector_store %arg10[%swap3A_335], %and3A_334 {strides = array<i32>} : memref<80xi32, #tpu.memory_space<vmem>>, vector<16xi32>,
        %add3A_337 = arith.constant 64 : i32
        %add3A_338 = arith.addi %mul3A_268, %add3A_337 : i32
        %get3A_339 = arith.index_cast %add3A_338 : i32 to index
        %get3A_340 = tpu.vector_load %arg6[%get3A_339] {strides = array<i32>} : memref<10000xi32, #tpu.memory_space<vmem>>, vector<16xi32>,
        %and3A_341 = arith.constant 65535 : i32
        %and3A_342 = vector.broadcast %and3A_341 : i32 to vector<16xi32>
        %and3A_343 = arith.andi %get3A_340, %and3A_342 : vector<16xi32>
        %swap3A_344 = arith.constant 64 : index
        %swap3A_345 = tpu.vector_load %arg8[%swap3A_344] {strides = array<i32>} : memref<80xi32, #tpu.memory_space<vmem>>, vector<16xi32>,
        tpu.vector_store %arg8[%swap3A_344], %and3A_343 {strides = array<i32>} : memref<80xi32, #tpu.memory_space<vmem>>, vector<16xi32>,
        %shift_right_logical3A_346 = arith.constant 16 : i32
        %shift_right_logical3A_347 = vector.broadcast %shift_right_logical3A_346 : i32 to vector<16xi32>
        %shift_right_logical3A_348 = arith.shrui %get3A_340, %shift_right_logical3A_347 : vector<16xi32>
        %and3A_349 = arith.constant 16383 : i32
        %and3A_350 = vector.broadcast %and3A_349 : i32 to vector<16xi32>
        %and3A_351 = arith.andi %shift_right_logical3A_348, %and3A_350 : vector<16xi32>
        %swap3A_352 = arith.constant 64 : index
        %swap3A_353 = tpu.vector_load %arg10[%swap3A_352] {strides = array<i32>} : memref<80xi32, #tpu.memory_space<vmem>>, vector<16xi32>,
        tpu.vector_store %arg10[%swap3A_352], %and3A_351 {strides = array<i32>} : memref<80xi32, #tpu.memory_space<vmem>>, vector<16xi32>,
        %dma_start3A_354 = arith.constant 0 : i32
        %dma_start3A_355 = arith.constant 0 : i32
        %dma_start3A_356 = tpu.memref_slice %arg2[%dma_start3A_354, %dma_start3A_355] : memref<40000x128xf32, #tpu.memory_space<hbm>> -> memref<40000x128xf32, #tpu.memory_space<hbm>>
        tpu.enqueue_indirect_dma source(%dma_start3A_356 : memref<40000x128xf32, #tpu.memory_space<hbm>>) target(%arg16 : memref<80x128xf32, #tpu.memory_space<vmem>>) offsets(%arg8 : memref<80xi32, #tpu.memory_space<vmem>>) semaphore(%arg19 : memref<!tpu.dma_semaphore, #tpu.memory_space<semaphore_mem>>)
      } else {
      }
      %mul3A_231 = arith.constant 80 : i32
      %mul3A_232 = arith.muli %add3A_220, %mul3A_231 : i32
      %parallel_loop3A_233 = arith.constant 0 : i32
      %parallel_loop3A_234 = arith.constant 80 : i32
      %parallel_loop3A_235 = arith.constant 1 : i32
      scf.for %parallel_loop3A_265 = %parallel_loop3A_233 to %parallel_loop3A_234 step %parallel_loop3A_235  : i32 {
        %parallel_loop3A_266 = arith.addi %mul3A_232, %parallel_loop3A_265 : i32
        %parallel_loop3A_267 = arith.index_cast %parallel_loop3A_266 : i32 to index
        %parallel_loop3A_268 = tpu.vector_load %arg7[%parallel_loop3A_267] {strides = array<i32>} : memref<10016xf32, #tpu.memory_space<vmem>>, vector<16xf32>,
        %parallel_loop3A_269 = vector.extract_strided_slice %parallel_loop3A_268 {offsets = [0], sizes = [1], strides = [1]} : vector<16xf32> to vector<1xf32>
        %parallel_loop3A_270 = vector.extract %parallel_loop3A_269[0] : f32 from vector<1xf32>
        %parallel_loop3A_271 = arith.index_cast %parallel_loop3A_265 : i32 to index
        %parallel_loop3A_272 = arith.constant 0 : index
        %parallel_loop3A_273 = tpu.vector_load %arg17[%parallel_loop3A_271, %parallel_loop3A_272] {strides = array<i32>} : memref<80x128xf32, #tpu.memory_space<vmem>>, vector<16xf32>,
        %parallel_loop3A_274 = vector.broadcast %parallel_loop3A_270 : f32 to vector<16xf32>
        %parallel_loop3A_275 = arith.mulf %parallel_loop3A_273, %parallel_loop3A_274 : vector<16xf32>
        %parallel_loop3A_276 = arith.index_cast %parallel_loop3A_265 : i32 to index
        %parallel_loop3A_277 = arith.constant 0 : index
        %parallel_loop3A_278 = tpu.vector_load %arg17[%parallel_loop3A_276, %parallel_loop3A_277] {strides = array<i32>} : memref<80x128xf32, #tpu.memory_space<vmem>>, vector<16xf32>,
        tpu.vector_store %arg17[%parallel_loop3A_276, %parallel_loop3A_277], %parallel_loop3A_275 {strides = array<i32>} : memref<80x128xf32, #tpu.memory_space<vmem>>, vector<16xf32>,
        %parallel_loop3A_279 = arith.index_cast %parallel_loop3A_265 : i32 to index
        %parallel_loop3A_280 = arith.constant 16 : index
        %parallel_loop3A_281 = tpu.vector_load %arg17[%parallel_loop3A_279, %parallel_loop3A_280] {strides = array<i32>} : memref<80x128xf32, #tpu.memory_space<vmem>>, vector<16xf32>,
        %parallel_loop3A_282 = vector.broadcast %parallel_loop3A_270 : f32 to vector<16xf32>
        %parallel_loop3A_283 = arith.mulf %parallel_loop3A_281, %parallel_loop3A_282 : vector<16xf32>
        %parallel_loop3A_284 = arith.index_cast %parallel_loop3A_265 : i32 to index
        %parallel_loop3A_285 = arith.constant 16 : index
        %parallel_loop3A_286 = tpu.vector_load %arg17[%parallel_loop3A_284, %parallel_loop3A_285] {strides = array<i32>} : memref<80x128xf32, #tpu.memory_space<vmem>>, vector<16xf32>,
        tpu.vector_store %arg17[%parallel_loop3A_284, %parallel_loop3A_285], %parallel_loop3A_283 {strides = array<i32>} : memref<80x128xf32, #tpu.memory_space<vmem>>, vector<16xf32>,
        %parallel_loop3A_287 = arith.index_cast %parallel_loop3A_265 : i32 to index
        %parallel_loop3A_288 = arith.constant 32 : index
        %parallel_loop3A_289 = tpu.vector_load %arg17[%parallel_loop3A_287, %parallel_loop3A_288] {strides = array<i32>} : memref<80x128xf32, #tpu.memory_space<vmem>>, vector<16xf32>,
        %parallel_loop3A_290 = vector.broadcast %parallel_loop3A_270 : f32 to vector<16xf32>
        %parallel_loop3A_291 = arith.mulf %parallel_loop3A_289, %parallel_loop3A_290 : vector<16xf32>
        %parallel_loop3A_292 = arith.index_cast %parallel_loop3A_265 : i32 to index
        %parallel_loop3A_293 = arith.constant 32 : index
        %parallel_loop3A_294 = tpu.vector_load %arg17[%parallel_loop3A_292, %parallel_loop3A_293] {strides = array<i32>} : memref<80x128xf32, #tpu.memory_space<vmem>>, vector<16xf32>,
        tpu.vector_store %arg17[%parallel_loop3A_292, %parallel_loop3A_293], %parallel_loop3A_291 {strides = array<i32>} : memref<80x128xf32, #tpu.memory_space<vmem>>, vector<16xf32>,
        %parallel_loop3A_295 = arith.index_cast %parallel_loop3A_265 : i32 to index
        %parallel_loop3A_296 = arith.constant 48 : index
        %parallel_loop3A_297 = tpu.vector_load %arg17[%parallel_loop3A_295, %parallel_loop3A_296] {strides = array<i32>} : memref<80x128xf32, #tpu.memory_space<vmem>>, vector<16xf32>,
        %parallel_loop3A_298 = vector.broadcast %parallel_loop3A_270 : f32 to vector<16xf32>
        %parallel_loop3A_299 = arith.mulf %parallel_loop3A_297, %parallel_loop3A_298 : vector<16xf32>
        %parallel_loop3A_300 = arith.index_cast %parallel_loop3A_265 : i32 to index
        %parallel_loop3A_301 = arith.constant 48 : index
        %parallel_loop3A_302 = tpu.vector_load %arg17[%parallel_loop3A_300, %parallel_loop3A_301] {strides = array<i32>} : memref<80x128xf32, #tpu.memory_space<vmem>>, vector<16xf32>,
        tpu.vector_store %arg17[%parallel_loop3A_300, %parallel_loop3A_301], %parallel_loop3A_299 {strides = array<i32>} : memref<80x128xf32, #tpu.memory_space<vmem>>, vector<16xf32>,
        %parallel_loop3A_303 = arith.index_cast %parallel_loop3A_265 : i32 to index
        %parallel_loop3A_304 = arith.constant 64 : index
        %parallel_loop3A_305 = tpu.vector_load %arg17[%parallel_loop3A_303, %parallel_loop3A_304] {strides = array<i32>} : memref<80x128xf32, #tpu.memory_space<vmem>>, vector<16xf32>,
        %parallel_loop3A_306 = vector.broadcast %parallel_loop3A_270 : f32 to vector<16xf32>
        %parallel_loop3A_307 = arith.mulf %parallel_loop3A_305, %parallel_loop3A_306 : vector<16xf32>
        %parallel_loop3A_308 = arith.index_cast %parallel_loop3A_265 : i32 to index
        %parallel_loop3A_309 = arith.constant 64 : index
        %parallel_loop3A_310 = tpu.vector_load %arg17[%parallel_loop3A_308, %parallel_loop3A_309] {strides = array<i32>} : memref<80x128xf32, #tpu.memory_space<vmem>>, vector<16xf32>,
        tpu.vector_store %arg17[%parallel_loop3A_308, %parallel_loop3A_309], %parallel_loop3A_307 {strides = array<i32>} : memref<80x128xf32, #tpu.memory_space<vmem>>, vector<16xf32>,
        %parallel_loop3A_311 = arith.index_cast %parallel_loop3A_265 : i32 to index
        %parallel_loop3A_312 = arith.constant 80 : index
        %parallel_loop3A_313 = tpu.vector_load %arg17[%parallel_loop3A_311, %parallel_loop3A_312] {strides = array<i32>} : memref<80x128xf32, #tpu.memory_space<vmem>>, vector<16xf32>,
        %parallel_loop3A_314 = vector.broadcast %parallel_loop3A_270 : f32 to vector<16xf32>
        %parallel_loop3A_315 = arith.mulf %parallel_loop3A_313, %parallel_loop3A_314 : vector<16xf32>
        %parallel_loop3A_316 = arith.index_cast %parallel_loop3A_265 : i32 to index
        %parallel_loop3A_317 = arith.constant 80 : index
        %parallel_loop3A_318 = tpu.vector_load %arg17[%parallel_loop3A_316, %parallel_loop3A_317] {strides = array<i32>} : memref<80x128xf32, #tpu.memory_space<vmem>>, vector<16xf32>,
        tpu.vector_store %arg17[%parallel_loop3A_316, %parallel_loop3A_317], %parallel_loop3A_315 {strides = array<i32>} : memref<80x128xf32, #tpu.memory_space<vmem>>, vector<16xf32>,
        %parallel_loop3A_319 = arith.index_cast %parallel_loop3A_265 : i32 to index
        %parallel_loop3A_320 = arith.constant 96 : index
        %parallel_loop3A_321 = tpu.vector_load %arg17[%parallel_loop3A_319, %parallel_loop3A_320] {strides = array<i32>} : memref<80x128xf32, #tpu.memory_space<vmem>>, vector<16xf32>,
        %parallel_loop3A_322 = vector.broadcast %parallel_loop3A_270 : f32 to vector<16xf32>
        %parallel_loop3A_323 = arith.mulf %parallel_loop3A_321, %parallel_loop3A_322 : vector<16xf32>
        %parallel_loop3A_324 = arith.index_cast %parallel_loop3A_265 : i32 to index
        %parallel_loop3A_325 = arith.constant 96 : index
        %parallel_loop3A_326 = tpu.vector_load %arg17[%parallel_loop3A_324, %parallel_loop3A_325] {strides = array<i32>} : memref<80x128xf32, #tpu.memory_space<vmem>>, vector<16xf32>,
        tpu.vector_store %arg17[%parallel_loop3A_324, %parallel_loop3A_325], %parallel_loop3A_323 {strides = array<i32>} : memref<80x128xf32, #tpu.memory_space<vmem>>, vector<16xf32>,
        %parallel_loop3A_327 = arith.index_cast %parallel_loop3A_265 : i32 to index
        %parallel_loop3A_328 = arith.constant 112 : index
        %parallel_loop3A_329 = tpu.vector_load %arg17[%parallel_loop3A_327, %parallel_loop3A_328] {strides = array<i32>} : memref<80x128xf32, #tpu.memory_space<vmem>>, vector<16xf32>,
        %parallel_loop3A_330 = vector.broadcast %parallel_loop3A_270 : f32 to vector<16xf32>
        %parallel_loop3A_331 = arith.mulf %parallel_loop3A_329, %parallel_loop3A_330 : vector<16xf32>
        %parallel_loop3A_332 = arith.index_cast %parallel_loop3A_265 : i32 to index
        %parallel_loop3A_333 = arith.constant 112 : index
        %parallel_loop3A_334 = tpu.vector_load %arg17[%parallel_loop3A_332, %parallel_loop3A_333] {strides = array<i32>} : memref<80x128xf32, #tpu.memory_space<vmem>>, vector<16xf32>,
        tpu.vector_store %arg17[%parallel_loop3A_332, %parallel_loop3A_333], %parallel_loop3A_331 {strides = array<i32>} : memref<80x128xf32, #tpu.memory_space<vmem>>, vector<16xf32>,
      } {sc.loop_unroll_factor = 4 : i64, sc.parallel_access}
      %dma_start3A_236 = arith.constant 0 : i32
      %dma_start3A_237 = arith.constant 0 : i32
      %dma_start3A_238 = tpu.memref_slice %arg18[%dma_start3A_236, %dma_start3A_237] : memref<10240x128xf32, #tpu.memory_space<vmem_shared>> -> memref<10240x128xf32, #tpu.memory_space<vmem_shared>>
      tpu.enqueue_indirect_dma source(%arg17 : memref<80x128xf32, #tpu.memory_space<vmem>>) target(%dma_start3A_238 : memref<10240x128xf32, #tpu.memory_space<vmem_shared>>) offsets(%arg11 : memref<80xi32, #tpu.memory_space<vmem>>) semaphore(%arg22 : memref<!tpu.dma_semaphore, #tpu.memory_space<semaphore_mem>>) {add = true}
      %mul3A_239 = arith.constant 2 : i32
      %mul3A_240 = arith.muli %mul3A_239, %scan3A_215 : i32
      %add3A_241 = arith.constant 2 : i32
      %add3A_242 = arith.addi %mul3A_240, %add3A_241 : i32
      %dma_wait3A_243 = arith.constant 0 : i32
      %dma_wait3A_244 = arith.constant 0 : i32
      %dma_wait3A_245 = tpu.memref_slice %arg2[%dma_wait3A_243, %dma_wait3A_244] : memref<40000x128xf32, #tpu.memory_space<hbm>> -> memref<40000x128xf32, #tpu.memory_space<hbm>>
      tpu.wait_indirect_dma semaphore(%arg19 : memref<!tpu.dma_semaphore, #tpu.memory_space<semaphore_mem>>) src(%dma_wait3A_245 : memref<40000x128xf32, #tpu.memory_space<hbm>>) dst(%arg16 : memref<80x128xf32, #tpu.memory_space<vmem>>)
      %dma_wait3A_246 = arith.constant 0 : i32
      %dma_wait3A_247 = arith.constant 0 : i32
      %dma_wait3A_248 = tpu.memref_slice %arg18[%dma_wait3A_246, %dma_wait3A_247] : memref<10240x128xf32, #tpu.memory_space<vmem_shared>> -> memref<10240x128xf32, #tpu.memory_space<vmem_shared>>
      tpu.wait_indirect_dma semaphore(%arg22 : memref<!tpu.dma_semaphore, #tpu.memory_space<semaphore_mem>>) src(%arg17 : memref<80x128xf32, #tpu.memory_space<vmem>>) dst(%dma_wait3A_248 : memref<10240x128xf32, #tpu.memory_space<vmem_shared>>)
      %add3A_249 = arith.constant 1 : i32
      %add3A_250 = arith.addi %add3A_242, %add3A_249 : i32
      %lt3A_251 = arith.constant 125 : i32
      %lt3A_252 = arith.cmpi slt, %add3A_250, %lt3A_251 : i32
      %convert_element_type3A_253 = arith.extui %lt3A_252 : i1 to i32
      %cond3A_254 = arith.constant 0 : i32
      %cond3A_255 = arith.cmpi ne, %convert_element_type3A_253, %cond3A_254 : i32
      scf.if %cond3A_255 {
        %add3A_265 = arith.constant 1 : i32
        %add3A_266 = arith.addi %add3A_242, %add3A_265 : i32
        %mul3A_267 = arith.constant 80 : i32
        %mul3A_268 = arith.muli %add3A_266, %mul3A_267 : i32
        %add3A_269 = arith.constant 0 : i32
        %add3A_270 = arith.addi %mul3A_268, %add3A_269 : i32
        %get3A_271 = arith.index_cast %add3A_270 : i32 to index
        %get3A_272 = tpu.vector_load %arg6[%get3A_271] {strides = array<i32>} : memref<10000xi32, #tpu.memory_space<vmem>>, vector<16xi32>,
        %and3A_273 = arith.constant 65535 : i32
        %and3A_274 = vector.broadcast %and3A_273 : i32 to vector<16xi32>
        %and3A_275 = arith.andi %get3A_272, %and3A_274 : vector<16xi32>
        %swap3A_276 = arith.constant 0 : index
        %swap3A_277 = tpu.vector_load %arg9[%swap3A_276] {strides = array<i32>} : memref<80xi32, #tpu.memory_space<vmem>>, vector<16xi32>,
        tpu.vector_store %arg9[%swap3A_276], %and3A_275 {strides = array<i32>} : memref<80xi32, #tpu.memory_space<vmem>>, vector<16xi32>,
        %shift_right_logical3A_278 = arith.constant 16 : i32
        %shift_right_logical3A_279 = vector.broadcast %shift_right_logical3A_278 : i32 to vector<16xi32>
        %shift_right_logical3A_280 = arith.shrui %get3A_272, %shift_right_logical3A_279 : vector<16xi32>
        %and3A_281 = arith.constant 16383 : i32
        %and3A_282 = vector.broadcast %and3A_281 : i32 to vector<16xi32>
        %and3A_283 = arith.andi %shift_right_logical3A_280, %and3A_282 : vector<16xi32>
        %swap3A_284 = arith.constant 0 : index
        %swap3A_285 = tpu.vector_load %arg11[%swap3A_284] {strides = array<i32>} : memref<80xi32, #tpu.memory_space<vmem>>, vector<16xi32>,
        tpu.vector_store %arg11[%swap3A_284], %and3A_283 {strides = array<i32>} : memref<80xi32, #tpu.memory_space<vmem>>, vector<16xi32>,
        %add3A_286 = arith.constant 16 : i32
        %add3A_287 = arith.addi %mul3A_268, %add3A_286 : i32
        %get3A_288 = arith.index_cast %add3A_287 : i32 to index
        %get3A_289 = tpu.vector_load %arg6[%get3A_288] {strides = array<i32>} : memref<10000xi32, #tpu.memory_space<vmem>>, vector<16xi32>,
        %and3A_290 = arith.constant 65535 : i32
        %and3A_291 = vector.broadcast %and3A_290 : i32 to vector<16xi32>
        %and3A_292 = arith.andi %get3A_289, %and3A_291 : vector<16xi32>
        %swap3A_293 = arith.constant 16 : index
        %swap3A_294 = tpu.vector_load %arg9[%swap3A_293] {strides = array<i32>} : memref<80xi32, #tpu.memory_space<vmem>>, vector<16xi32>,
        tpu.vector_store %arg9[%swap3A_293], %and3A_292 {strides = array<i32>} : memref<80xi32, #tpu.memory_space<vmem>>, vector<16xi32>,
        %shift_right_logical3A_295 = arith.constant 16 : i32
        %shift_right_logical3A_296 = vector.broadcast %shift_right_logical3A_295 : i32 to vector<16xi32>
        %shift_right_logical3A_297 = arith.shrui %get3A_289, %shift_right_logical3A_296 : vector<16xi32>
        %and3A_298 = arith.constant 16383 : i32
        %and3A_299 = vector.broadcast %and3A_298 : i32 to vector<16xi32>
        %and3A_300 = arith.andi %shift_right_logical3A_297, %and3A_299 : vector<16xi32>
        %swap3A_301 = arith.constant 16 : index
        %swap3A_302 = tpu.vector_load %arg11[%swap3A_301] {strides = array<i32>} : memref<80xi32, #tpu.memory_space<vmem>>, vector<16xi32>,
        tpu.vector_store %arg11[%swap3A_301], %and3A_300 {strides = array<i32>} : memref<80xi32, #tpu.memory_space<vmem>>, vector<16xi32>,
        %add3A_303 = arith.constant 32 : i32
        %add3A_304 = arith.addi %mul3A_268, %add3A_303 : i32
        %get3A_305 = arith.index_cast %add3A_304 : i32 to index
        %get3A_306 = tpu.vector_load %arg6[%get3A_305] {strides = array<i32>} : memref<10000xi32, #tpu.memory_space<vmem>>, vector<16xi32>,
        %and3A_307 = arith.constant 65535 : i32
        %and3A_308 = vector.broadcast %and3A_307 : i32 to vector<16xi32>
        %and3A_309 = arith.andi %get3A_306, %and3A_308 : vector<16xi32>
        %swap3A_310 = arith.constant 32 : index
        %swap3A_311 = tpu.vector_load %arg9[%swap3A_310] {strides = array<i32>} : memref<80xi32, #tpu.memory_space<vmem>>, vector<16xi32>,
        tpu.vector_store %arg9[%swap3A_310], %and3A_309 {strides = array<i32>} : memref<80xi32, #tpu.memory_space<vmem>>, vector<16xi32>,
        %shift_right_logical3A_312 = arith.constant 16 : i32
        %shift_right_logical3A_313 = vector.broadcast %shift_right_logical3A_312 : i32 to vector<16xi32>
        %shift_right_logical3A_314 = arith.shrui %get3A_306, %shift_right_logical3A_313 : vector<16xi32>
        %and3A_315 = arith.constant 16383 : i32
        %and3A_316 = vector.broadcast %and3A_315 : i32 to vector<16xi32>
        %and3A_317 = arith.andi %shift_right_logical3A_314, %and3A_316 : vector<16xi32>
        %swap3A_318 = arith.constant 32 : index
        %swap3A_319 = tpu.vector_load %arg11[%swap3A_318] {strides = array<i32>} : memref<80xi32, #tpu.memory_space<vmem>>, vector<16xi32>,
        tpu.vector_store %arg11[%swap3A_318], %and3A_317 {strides = array<i32>} : memref<80xi32, #tpu.memory_space<vmem>>, vector<16xi32>,
        %add3A_320 = arith.constant 48 : i32
        %add3A_321 = arith.addi %mul3A_268, %add3A_320 : i32
        %get3A_322 = arith.index_cast %add3A_321 : i32 to index
        %get3A_323 = tpu.vector_load %arg6[%get3A_322] {strides = array<i32>} : memref<10000xi32, #tpu.memory_space<vmem>>, vector<16xi32>,
        %and3A_324 = arith.constant 65535 : i32
        %and3A_325 = vector.broadcast %and3A_324 : i32 to vector<16xi32>
        %and3A_326 = arith.andi %get3A_323, %and3A_325 : vector<16xi32>
        %swap3A_327 = arith.constant 48 : index
        %swap3A_328 = tpu.vector_load %arg9[%swap3A_327] {strides = array<i32>} : memref<80xi32, #tpu.memory_space<vmem>>, vector<16xi32>,
        tpu.vector_store %arg9[%swap3A_327], %and3A_326 {strides = array<i32>} : memref<80xi32, #tpu.memory_space<vmem>>, vector<16xi32>,
        %shift_right_logical3A_329 = arith.constant 16 : i32
        %shift_right_logical3A_330 = vector.broadcast %shift_right_logical3A_329 : i32 to vector<16xi32>
        %shift_right_logical3A_331 = arith.shrui %get3A_323, %shift_right_logical3A_330 : vector<16xi32>
        %and3A_332 = arith.constant 16383 : i32
        %and3A_333 = vector.broadcast %and3A_332 : i32 to vector<16xi32>
        %and3A_334 = arith.andi %shift_right_logical3A_331, %and3A_333 : vector<16xi32>
        %swap3A_335 = arith.constant 48 : index
        %swap3A_336 = tpu.vector_load %arg11[%swap3A_335] {strides = array<i32>} : memref<80xi32, #tpu.memory_space<vmem>>, vector<16xi32>,
        tpu.vector_store %arg11[%swap3A_335], %and3A_334 {strides = array<i32>} : memref<80xi32, #tpu.memory_space<vmem>>, vector<16xi32>,
        %add3A_337 = arith.constant 64 : i32
        %add3A_338 = arith.addi %mul3A_268, %add3A_337 : i32
        %get3A_339 = arith.index_cast %add3A_338 : i32 to index
        %get3A_340 = tpu.vector_load %arg6[%get3A_339] {strides = array<i32>} : memref<10000xi32, #tpu.memory_space<vmem>>, vector<16xi32>,
        %and3A_341 = arith.constant 65535 : i32
        %and3A_342 = vector.broadcast %and3A_341 : i32 to vector<16xi32>
        %and3A_343 = arith.andi %get3A_340, %and3A_342 : vector<16xi32>
        %swap3A_344 = arith.constant 64 : index
        %swap3A_345 = tpu.vector_load %arg9[%swap3A_344] {strides = array<i32>} : memref<80xi32, #tpu.memory_space<vmem>>, vector<16xi32>,
        tpu.vector_store %arg9[%swap3A_344], %and3A_343 {strides = array<i32>} : memref<80xi32, #tpu.memory_space<vmem>>, vector<16xi32>,
        %shift_right_logical3A_346 = arith.constant 16 : i32
        %shift_right_logical3A_347 = vector.broadcast %shift_right_logical3A_346 : i32 to vector<16xi32>
        %shift_right_logical3A_348 = arith.shrui %get3A_340, %shift_right_logical3A_347 : vector<16xi32>
        %and3A_349 = arith.constant 16383 : i32
        %and3A_350 = vector.broadcast %and3A_349 : i32 to vector<16xi32>
        %and3A_351 = arith.andi %shift_right_logical3A_348, %and3A_350 : vector<16xi32>
        %swap3A_352 = arith.constant 64 : index
        %swap3A_353 = tpu.vector_load %arg11[%swap3A_352] {strides = array<i32>} : memref<80xi32, #tpu.memory_space<vmem>>, vector<16xi32>,
        tpu.vector_store %arg11[%swap3A_352], %and3A_351 {strides = array<i32>} : memref<80xi32, #tpu.memory_space<vmem>>, vector<16xi32>,
        %dma_start3A_354 = arith.constant 0 : i32
        %dma_start3A_355 = arith.constant 0 : i32
        %dma_start3A_356 = tpu.memref_slice %arg2[%dma_start3A_354, %dma_start3A_355] : memref<40000x128xf32, #tpu.memory_space<hbm>> -> memref<40000x128xf32, #tpu.memory_space<hbm>>
        tpu.enqueue_indirect_dma source(%dma_start3A_356 : memref<40000x128xf32, #tpu.memory_space<hbm>>) target(%arg17 : memref<80x128xf32, #tpu.memory_space<vmem>>) offsets(%arg9 : memref<80xi32, #tpu.memory_space<vmem>>) semaphore(%arg20 : memref<!tpu.dma_semaphore, #tpu.memory_space<semaphore_mem>>)
      } else {
      }
      %mul3A_256 = arith.constant 80 : i32
      %mul3A_257 = arith.muli %add3A_242, %mul3A_256 : i32
      %parallel_loop3A_258 = arith.constant 0 : i32
      %parallel_loop3A_259 = arith.constant 80 : i32
      %parallel_loop3A_260 = arith.constant 1 : i32
      scf.for %parallel_loop3A_265 = %parallel_loop3A_258 to %parallel_loop3A_259 step %parallel_loop3A_260  : i32 {
        %parallel_loop3A_266 = arith.addi %mul3A_257, %parallel_loop3A_265 : i32
        %parallel_loop3A_267 = arith.index_cast %parallel_loop3A_266 : i32 to index
        %parallel_loop3A_268 = tpu.vector_load %arg7[%parallel_loop3A_267] {strides = array<i32>} : memref<10016xf32, #tpu.memory_space<vmem>>, vector<16xf32>,
        %parallel_loop3A_269 = vector.extract_strided_slice %parallel_loop3A_268 {offsets = [0], sizes = [1], strides = [1]} : vector<16xf32> to vector<1xf32>
        %parallel_loop3A_270 = vector.extract %parallel_loop3A_269[0] : f32 from vector<1xf32>
        %parallel_loop3A_271 = arith.index_cast %parallel_loop3A_265 : i32 to index
        %parallel_loop3A_272 = arith.constant 0 : index
        %parallel_loop3A_273 = tpu.vector_load %arg16[%parallel_loop3A_271, %parallel_loop3A_272] {strides = array<i32>} : memref<80x128xf32, #tpu.memory_space<vmem>>, vector<16xf32>,
        %parallel_loop3A_274 = vector.broadcast %parallel_loop3A_270 : f32 to vector<16xf32>
        %parallel_loop3A_275 = arith.mulf %parallel_loop3A_273, %parallel_loop3A_274 : vector<16xf32>
        %parallel_loop3A_276 = arith.index_cast %parallel_loop3A_265 : i32 to index
        %parallel_loop3A_277 = arith.constant 0 : index
        %parallel_loop3A_278 = tpu.vector_load %arg16[%parallel_loop3A_276, %parallel_loop3A_277] {strides = array<i32>} : memref<80x128xf32, #tpu.memory_space<vmem>>, vector<16xf32>,
        tpu.vector_store %arg16[%parallel_loop3A_276, %parallel_loop3A_277], %parallel_loop3A_275 {strides = array<i32>} : memref<80x128xf32, #tpu.memory_space<vmem>>, vector<16xf32>,
        %parallel_loop3A_279 = arith.index_cast %parallel_loop3A_265 : i32 to index
        %parallel_loop3A_280 = arith.constant 16 : index
        %parallel_loop3A_281 = tpu.vector_load %arg16[%parallel_loop3A_279, %parallel_loop3A_280] {strides = array<i32>} : memref<80x128xf32, #tpu.memory_space<vmem>>, vector<16xf32>,
        %parallel_loop3A_282 = vector.broadcast %parallel_loop3A_270 : f32 to vector<16xf32>
        %parallel_loop3A_283 = arith.mulf %parallel_loop3A_281, %parallel_loop3A_282 : vector<16xf32>
        %parallel_loop3A_284 = arith.index_cast %parallel_loop3A_265 : i32 to index
        %parallel_loop3A_285 = arith.constant 16 : index
        %parallel_loop3A_286 = tpu.vector_load %arg16[%parallel_loop3A_284, %parallel_loop3A_285] {strides = array<i32>} : memref<80x128xf32, #tpu.memory_space<vmem>>, vector<16xf32>,
        tpu.vector_store %arg16[%parallel_loop3A_284, %parallel_loop3A_285], %parallel_loop3A_283 {strides = array<i32>} : memref<80x128xf32, #tpu.memory_space<vmem>>, vector<16xf32>,
        %parallel_loop3A_287 = arith.index_cast %parallel_loop3A_265 : i32 to index
        %parallel_loop3A_288 = arith.constant 32 : index
        %parallel_loop3A_289 = tpu.vector_load %arg16[%parallel_loop3A_287, %parallel_loop3A_288] {strides = array<i32>} : memref<80x128xf32, #tpu.memory_space<vmem>>, vector<16xf32>,
        %parallel_loop3A_290 = vector.broadcast %parallel_loop3A_270 : f32 to vector<16xf32>
        %parallel_loop3A_291 = arith.mulf %parallel_loop3A_289, %parallel_loop3A_290 : vector<16xf32>
        %parallel_loop3A_292 = arith.index_cast %parallel_loop3A_265 : i32 to index
        %parallel_loop3A_293 = arith.constant 32 : index
        %parallel_loop3A_294 = tpu.vector_load %arg16[%parallel_loop3A_292, %parallel_loop3A_293] {strides = array<i32>} : memref<80x128xf32, #tpu.memory_space<vmem>>, vector<16xf32>,
        tpu.vector_store %arg16[%parallel_loop3A_292, %parallel_loop3A_293], %parallel_loop3A_291 {strides = array<i32>} : memref<80x128xf32, #tpu.memory_space<vmem>>, vector<16xf32>,
        %parallel_loop3A_295 = arith.index_cast %parallel_loop3A_265 : i32 to index
        %parallel_loop3A_296 = arith.constant 48 : index
        %parallel_loop3A_297 = tpu.vector_load %arg16[%parallel_loop3A_295, %parallel_loop3A_296] {strides = array<i32>} : memref<80x128xf32, #tpu.memory_space<vmem>>, vector<16xf32>,
        %parallel_loop3A_298 = vector.broadcast %parallel_loop3A_270 : f32 to vector<16xf32>
        %parallel_loop3A_299 = arith.mulf %parallel_loop3A_297, %parallel_loop3A_298 : vector<16xf32>
        %parallel_loop3A_300 = arith.index_cast %parallel_loop3A_265 : i32 to index
        %parallel_loop3A_301 = arith.constant 48 : index
        %parallel_loop3A_302 = tpu.vector_load %arg16[%parallel_loop3A_300, %parallel_loop3A_301] {strides = array<i32>} : memref<80x128xf32, #tpu.memory_space<vmem>>, vector<16xf32>,
        tpu.vector_store %arg16[%parallel_loop3A_300, %parallel_loop3A_301], %parallel_loop3A_299 {strides = array<i32>} : memref<80x128xf32, #tpu.memory_space<vmem>>, vector<16xf32>,
        %parallel_loop3A_303 = arith.index_cast %parallel_loop3A_265 : i32 to index
        %parallel_loop3A_304 = arith.constant 64 : index
        %parallel_loop3A_305 = tpu.vector_load %arg16[%parallel_loop3A_303, %parallel_loop3A_304] {strides = array<i32>} : memref<80x128xf32, #tpu.memory_space<vmem>>, vector<16xf32>,
        %parallel_loop3A_306 = vector.broadcast %parallel_loop3A_270 : f32 to vector<16xf32>
        %parallel_loop3A_307 = arith.mulf %parallel_loop3A_305, %parallel_loop3A_306 : vector<16xf32>
        %parallel_loop3A_308 = arith.index_cast %parallel_loop3A_265 : i32 to index
        %parallel_loop3A_309 = arith.constant 64 : index
        %parallel_loop3A_310 = tpu.vector_load %arg16[%parallel_loop3A_308, %parallel_loop3A_309] {strides = array<i32>} : memref<80x128xf32, #tpu.memory_space<vmem>>, vector<16xf32>,
        tpu.vector_store %arg16[%parallel_loop3A_308, %parallel_loop3A_309], %parallel_loop3A_307 {strides = array<i32>} : memref<80x128xf32, #tpu.memory_space<vmem>>, vector<16xf32>,
        %parallel_loop3A_311 = arith.index_cast %parallel_loop3A_265 : i32 to index
        %parallel_loop3A_312 = arith.constant 80 : index
        %parallel_loop3A_313 = tpu.vector_load %arg16[%parallel_loop3A_311, %parallel_loop3A_312] {strides = array<i32>} : memref<80x128xf32, #tpu.memory_space<vmem>>, vector<16xf32>,
        %parallel_loop3A_314 = vector.broadcast %parallel_loop3A_270 : f32 to vector<16xf32>
        %parallel_loop3A_315 = arith.mulf %parallel_loop3A_313, %parallel_loop3A_314 : vector<16xf32>
        %parallel_loop3A_316 = arith.index_cast %parallel_loop3A_265 : i32 to index
        %parallel_loop3A_317 = arith.constant 80 : index
        %parallel_loop3A_318 = tpu.vector_load %arg16[%parallel_loop3A_316, %parallel_loop3A_317] {strides = array<i32>} : memref<80x128xf32, #tpu.memory_space<vmem>>, vector<16xf32>,
        tpu.vector_store %arg16[%parallel_loop3A_316, %parallel_loop3A_317], %parallel_loop3A_315 {strides = array<i32>} : memref<80x128xf32, #tpu.memory_space<vmem>>, vector<16xf32>,
        %parallel_loop3A_319 = arith.index_cast %parallel_loop3A_265 : i32 to index
        %parallel_loop3A_320 = arith.constant 96 : index
        %parallel_loop3A_321 = tpu.vector_load %arg16[%parallel_loop3A_319, %parallel_loop3A_320] {strides = array<i32>} : memref<80x128xf32, #tpu.memory_space<vmem>>, vector<16xf32>,
        %parallel_loop3A_322 = vector.broadcast %parallel_loop3A_270 : f32 to vector<16xf32>
        %parallel_loop3A_323 = arith.mulf %parallel_loop3A_321, %parallel_loop3A_322 : vector<16xf32>
        %parallel_loop3A_324 = arith.index_cast %parallel_loop3A_265 : i32 to index
        %parallel_loop3A_325 = arith.constant 96 : index
        %parallel_loop3A_326 = tpu.vector_load %arg16[%parallel_loop3A_324, %parallel_loop3A_325] {strides = array<i32>} : memref<80x128xf32, #tpu.memory_space<vmem>>, vector<16xf32>,
        tpu.vector_store %arg16[%parallel_loop3A_324, %parallel_loop3A_325], %parallel_loop3A_323 {strides = array<i32>} : memref<80x128xf32, #tpu.memory_space<vmem>>, vector<16xf32>,
        %parallel_loop3A_327 = arith.index_cast %parallel_loop3A_265 : i32 to index
        %parallel_loop3A_328 = arith.constant 112 : index
        %parallel_loop3A_329 = tpu.vector_load %arg16[%parallel_loop3A_327, %parallel_loop3A_328] {strides = array<i32>} : memref<80x128xf32, #tpu.memory_space<vmem>>, vector<16xf32>,
        %parallel_loop3A_330 = vector.broadcast %parallel_loop3A_270 : f32 to vector<16xf32>
        %parallel_loop3A_331 = arith.mulf %parallel_loop3A_329, %parallel_loop3A_330 : vector<16xf32>
        %parallel_loop3A_332 = arith.index_cast %parallel_loop3A_265 : i32 to index
        %parallel_loop3A_333 = arith.constant 112 : index
        %parallel_loop3A_334 = tpu.vector_load %arg16[%parallel_loop3A_332, %parallel_loop3A_333] {strides = array<i32>} : memref<80x128xf32, #tpu.memory_space<vmem>>, vector<16xf32>,
        tpu.vector_store %arg16[%parallel_loop3A_332, %parallel_loop3A_333], %parallel_loop3A_331 {strides = array<i32>} : memref<80x128xf32, #tpu.memory_space<vmem>>, vector<16xf32>,
      } {sc.loop_unroll_factor = 4 : i64, sc.parallel_access}
      %dma_start3A_261 = arith.constant 0 : i32
      %dma_start3A_262 = arith.constant 0 : i32
      %dma_start3A_263 = tpu.memref_slice %arg18[%dma_start3A_261, %dma_start3A_262] : memref<10240x128xf32, #tpu.memory_space<vmem_shared>> -> memref<10240x128xf32, #tpu.memory_space<vmem_shared>>
      tpu.enqueue_indirect_dma source(%arg16 : memref<80x128xf32, #tpu.memory_space<vmem>>) target(%dma_start3A_263 : memref<10240x128xf32, #tpu.memory_space<vmem_shared>>) offsets(%arg10 : memref<80xi32, #tpu.memory_space<vmem>>) semaphore(%arg21 : memref<!tpu.dma_semaphore, #tpu.memory_space<semaphore_mem>>) {add = true}
      %scan3A_264 = arith.constant 0 : i32
      scf.yield %scan3A_264 : i32
    }
    %scan3A_206 = arith.constant 62 : i32
    %dma_wait3A_207 = arith.constant 0 : i32
    %dma_wait3A_208 = arith.constant 0 : i32
    %dma_wait3A_209 = tpu.memref_slice %arg18[%dma_wait3A_207, %dma_wait3A_208] : memref<10240x128xf32, #tpu.memory_space<vmem_shared>> -> memref<10240x128xf32, #tpu.memory_space<vmem_shared>>
    tpu.wait_indirect_dma semaphore(%arg21 : memref<!tpu.dma_semaphore, #tpu.memory_space<semaphore_mem>>) src(%arg16 : memref<80x128xf32, #tpu.memory_space<vmem>>) dst(%dma_wait3A_209 : memref<10240x128xf32, #tpu.memory_space<vmem_shared>>)
    %barrier3A_210 = arith.constant 0 : index
    tpu.barrier barrier_id(%barrier3A_210)
    %mul3A_211 = arith.constant 640 : i32
    %mul3A_212 = arith.muli %arg1, %mul3A_211 : i32
    %mul3A_213 = arith.constant 640 : i32
    %mul3A_214 = arith.muli %arg1, %mul3A_213 : i32
    "tpu.region"() ({
      %run_scoped3A = tpu.sem_alloc : memref<!tpu.dma_semaphore, #tpu.memory_space<semaphore_mem>>
      %dma_start3A_215 = arith.constant 0 : i32
      %dma_start3A_216 = tpu.memref_slice %arg5[%arg0, %mul3A_214, %dma_start3A_215] : memref<2x10240x128xf32, #tpu.memory_space<hbm>> -> memref<1x640x128xf32, #tpu.memory_space<hbm>>
      %dma_start3A_217 = tpu.memref_squeeze %dma_start3A_216 : memref<1x640x128xf32, #tpu.memory_space<hbm>> -> memref<640x128xf32, #tpu.memory_space<hbm>>
      %dma_start3A_218 = arith.constant 0 : i32
      %dma_start3A_219 = tpu.memref_slice %arg18[%mul3A_212, %dma_start3A_218] : memref<10240x128xf32, #tpu.memory_space<vmem_shared>> -> memref<640x128xf32, #tpu.memory_space<vmem_shared>>
      tpu.enqueue_dma source(%dma_start3A_219 : memref<640x128xf32, #tpu.memory_space<vmem_shared>>) target(%dma_start3A_217 : memref<640x128xf32, #tpu.memory_space<hbm>>) target_semaphore(%run_scoped3A : memref<!tpu.dma_semaphore, #tpu.memory_space<semaphore_mem>>)
      %dma_wait3A_220 = arith.constant 0 : i32
      %dma_wait3A_221 = tpu.memref_slice %arg5[%arg0, %mul3A_214, %dma_wait3A_220] : memref<2x10240x128xf32, #tpu.memory_space<hbm>> -> memref<1x640x128xf32, #tpu.memory_space<hbm>>
      %dma_wait3A_222 = tpu.memref_squeeze %dma_wait3A_221 : memref<1x640x128xf32, #tpu.memory_space<hbm>> -> memref<640x128xf32, #tpu.memory_space<hbm>>
      %dma_wait3A_223 = arith.constant 0 : i32
      %dma_wait3A_224 = tpu.memref_slice %arg18[%mul3A_212, %dma_wait3A_223] : memref<10240x128xf32, #tpu.memory_space<vmem_shared>> -> memref<640x128xf32, #tpu.memory_space<vmem_shared>>
      tpu.wait_dma2 semaphore(%run_scoped3A : memref<!tpu.dma_semaphore, #tpu.memory_space<semaphore_mem>>) src(%dma_wait3A_224 : memref<640x128xf32, #tpu.memory_space<vmem_shared>>) dst(%dma_wait3A_222 : memref<640x128xf32, #tpu.memory_space<hbm>>)
      tpu.yield
    }) : () -> ()
    return
  }
}

#map = affine_map<(d0, d1) -> (0)>
#map1 = affine_map<(d0, d1) -> (0, 0)>
module attributes {stable_mosaic.version = 14 : i64} {
  func.func @_count_kernel(%arg0: i32, %arg1: i32, %arg2: memref<320000xi32, #tpu.memory_space<hbm>>, %arg3: memref<320000xi32, #tpu.memory_space<hbm>>, %arg4: memref<320000xi32, #tpu.memory_space<hbm>>, %arg5: memref<320000xi32, #tpu.memory_space<hbm>>, %arg6: memref<2x40960xf32, #tpu.memory_space<hbm>>, %arg7: memref<80xi32, #tpu.memory_space<vmem>>, %arg8: memref<80xi32, #tpu.memory_space<vmem>>, %arg9: memref<80xi32, #tpu.memory_space<vmem>>, %arg10: memref<80xi32, #tpu.memory_space<vmem>>, %arg11: memref<80xi32, #tpu.memory_space<vmem>>, %arg12: memref<80xi32, #tpu.memory_space<vmem>>, %arg13: memref<80xi32, #tpu.memory_space<vmem>>, %arg14: memref<80xi32, #tpu.memory_space<vmem>>, %arg15: memref<80xi32, #tpu.memory_space<vmem>>, %arg16: memref<80xi32, #tpu.memory_space<vmem>>, %arg17: memref<80xf32, #tpu.memory_space<vmem>>, %arg18: memref<2560xf32, #tpu.memory_space<vmem>>, %arg19: memref<40960xf32, #tpu.memory_space<vmem_shared>>, %arg20: memref<!tpu.dma_semaphore, #tpu.memory_space<semaphore_mem>>, %arg21: memref<!tpu.dma_semaphore, #tpu.memory_space<semaphore_mem>>, %arg22: memref<!tpu.dma_semaphore, #tpu.memory_space<semaphore_mem>>, %arg23: memref<!tpu.dma_semaphore, #tpu.memory_space<semaphore_mem>>, %arg24: memref<!tpu.dma_semaphore, #tpu.memory_space<semaphore_mem>>, %arg25: memref<!tpu.dma_semaphore, #tpu.memory_space<semaphore_mem>>) attributes {dimension_semantics = [#tpu.dimension_semantics<core_parallel>, #tpu.dimension_semantics<subcore_parallel>], iteration_bounds = array<i64: 2, 16>, scalar_prefetch = 0 : i64, scratch_operands = 19 : i64, tpu.core_type = #tpu.core_type<sc_vector_subcore>, window_params = [{transform_indices = #map}, {transform_indices = #map}, {transform_indices = #map}, {transform_indices = #map}, {transform_indices = #map1}]} {
    %mul3A = arith.constant 16 : i32
    %mul3A_0 = arith.muli %arg0, %mul3A : i32
    %add3A = arith.addi %mul3A_0, %arg1 : i32
    %mul3A_1 = arith.constant 10000 : i32
    %mul3A_2 = arith.muli %add3A, %mul3A_1 : i32
    %broadcast_in_dim3A = arith.constant 0.000000e+00 : f32
    %broadcast_in_dim3A_3 = vector.broadcast %broadcast_in_dim3A : f32 to vector<16xf32>
    %broadcast_in_dim3A_4 = arith.constant 1.000000e+00 : f32
    %broadcast_in_dim3A_5 = vector.broadcast %broadcast_in_dim3A_4 : f32 to vector<16xf32>
    %scan3A = arith.constant 0 : i32
    %scan3A_6 = arith.constant 0 : i32
    %scan3A_7 = arith.constant 160 : i32
    %scan3A_8 = arith.addi %scan3A_6, %scan3A_7 : i32
    %scan3A_9 = arith.constant 1 : i32
    %scan3A_10 = scf.for %scan3A_193 = %scan3A_6 to %scan3A_8 step %scan3A_9 iter_args(%scan3A_194 = %scan3A) -> (i32)  : i32 {
      %mul3A_195 = arith.constant 16 : i32
      %mul3A_196 = arith.muli %scan3A_193, %mul3A_195 : i32
      %swap3A_197 = arith.index_cast %mul3A_196 : i32 to index
      %swap3A_198 = tpu.vector_load %arg18[%swap3A_197] {strides = array<i32>} : memref<2560xf32, #tpu.memory_space<vmem>>, vector<16xf32>,
      tpu.vector_store %arg18[%swap3A_197], %broadcast_in_dim3A_3 {strides = array<i32>} : memref<2560xf32, #tpu.memory_space<vmem>>, vector<16xf32>,
      %scan3A_199 = arith.constant 0 : i32
      scf.yield %scan3A_199 : i32
    }
    %scan3A_11 = arith.constant 160 : i32
    %swap3A = arith.constant 0 : index
    %swap3A_12 = tpu.vector_load %arg17[%swap3A] {strides = array<i32>} : memref<80xf32, #tpu.memory_space<vmem>>, vector<16xf32>,
    tpu.vector_store %arg17[%swap3A], %broadcast_in_dim3A_5 {strides = array<i32>} : memref<80xf32, #tpu.memory_space<vmem>>, vector<16xf32>,
    %swap3A_13 = arith.constant 16 : index
    %swap3A_14 = tpu.vector_load %arg17[%swap3A_13] {strides = array<i32>} : memref<80xf32, #tpu.memory_space<vmem>>, vector<16xf32>,
    tpu.vector_store %arg17[%swap3A_13], %broadcast_in_dim3A_5 {strides = array<i32>} : memref<80xf32, #tpu.memory_space<vmem>>, vector<16xf32>,
    %swap3A_15 = arith.constant 32 : index
    %swap3A_16 = tpu.vector_load %arg17[%swap3A_15] {strides = array<i32>} : memref<80xf32, #tpu.memory_space<vmem>>, vector<16xf32>,
    tpu.vector_store %arg17[%swap3A_15], %broadcast_in_dim3A_5 {strides = array<i32>} : memref<80xf32, #tpu.memory_space<vmem>>, vector<16xf32>,
    %swap3A_17 = arith.constant 48 : index
    %swap3A_18 = tpu.vector_load %arg17[%swap3A_17] {strides = array<i32>} : memref<80xf32, #tpu.memory_space<vmem>>, vector<16xf32>,
    tpu.vector_store %arg17[%swap3A_17], %broadcast_in_dim3A_5 {strides = array<i32>} : memref<80xf32, #tpu.memory_space<vmem>>, vector<16xf32>,
    %swap3A_19 = arith.constant 64 : index
    %swap3A_20 = tpu.vector_load %arg17[%swap3A_19] {strides = array<i32>} : memref<80xf32, #tpu.memory_space<vmem>>, vector<16xf32>,
    tpu.vector_store %arg17[%swap3A_19], %broadcast_in_dim3A_5 {strides = array<i32>} : memref<80xf32, #tpu.memory_space<vmem>>, vector<16xf32>,
    %mul3A_21 = arith.constant 2560 : i32
    %mul3A_22 = arith.muli %arg1, %mul3A_21 : i32
    "tpu.region"() ({
      %run_scoped3A = tpu.sem_alloc : memref<!tpu.dma_semaphore, #tpu.memory_space<semaphore_mem>>
      %dma_start3A_193 = tpu.memref_slice %arg19[%mul3A_22] : memref<40960xf32, #tpu.memory_space<vmem_shared>> -> memref<2560xf32, #tpu.memory_space<vmem_shared>>
      %dma_start3A_194 = tpu.memref_slice %arg19[%mul3A_22] : memref<40960xf32, #tpu.memory_space<vmem_shared>> -> memref<2560xf32, #tpu.memory_space<vmem_shared>>
      tpu.enqueue_dma source(%arg18 : memref<2560xf32, #tpu.memory_space<vmem>>) target(%dma_start3A_194 : memref<2560xf32, #tpu.memory_space<vmem_shared>>) target_semaphore(%run_scoped3A : memref<!tpu.dma_semaphore, #tpu.memory_space<semaphore_mem>>)
      %dma_wait3A_195 = tpu.memref_slice %arg19[%mul3A_22] : memref<40960xf32, #tpu.memory_space<vmem_shared>> -> memref<2560xf32, #tpu.memory_space<vmem_shared>>
      %dma_wait3A_196 = tpu.memref_slice %arg19[%mul3A_22] : memref<40960xf32, #tpu.memory_space<vmem_shared>> -> memref<2560xf32, #tpu.memory_space<vmem_shared>>
      tpu.wait_dma2 semaphore(%run_scoped3A : memref<!tpu.dma_semaphore, #tpu.memory_space<semaphore_mem>>) src(%arg18 : memref<2560xf32, #tpu.memory_space<vmem>>) dst(%dma_wait3A_196 : memref<2560xf32, #tpu.memory_space<vmem_shared>>)
      tpu.yield
    }) : () -> ()
    %dma_start3A = tpu.memref_slice %arg2[%mul3A_2] : memref<320000xi32, #tpu.memory_space<hbm>> -> memref<80xi32, #tpu.memory_space<hbm>>
    %dma_start3A_23 = tpu.memref_slice %arg2[%mul3A_2] : memref<320000xi32, #tpu.memory_space<hbm>> -> memref<80xi32, #tpu.memory_space<hbm>>
    tpu.enqueue_dma source(%dma_start3A_23 : memref<80xi32, #tpu.memory_space<hbm>>) target(%arg7 : memref<80xi32, #tpu.memory_space<vmem>>) target_semaphore(%arg20 : memref<!tpu.dma_semaphore, #tpu.memory_space<semaphore_mem>>)
    %dma_start3A_24 = tpu.memref_slice %arg3[%mul3A_2] : memref<320000xi32, #tpu.memory_space<hbm>> -> memref<80xi32, #tpu.memory_space<hbm>>
    %dma_start3A_25 = tpu.memref_slice %arg3[%mul3A_2] : memref<320000xi32, #tpu.memory_space<hbm>> -> memref<80xi32, #tpu.memory_space<hbm>>
    tpu.enqueue_dma source(%dma_start3A_25 : memref<80xi32, #tpu.memory_space<hbm>>) target(%arg9 : memref<80xi32, #tpu.memory_space<vmem>>) target_semaphore(%arg20 : memref<!tpu.dma_semaphore, #tpu.memory_space<semaphore_mem>>)
    %dma_start3A_26 = tpu.memref_slice %arg4[%mul3A_2] : memref<320000xi32, #tpu.memory_space<hbm>> -> memref<80xi32, #tpu.memory_space<hbm>>
    %dma_start3A_27 = tpu.memref_slice %arg4[%mul3A_2] : memref<320000xi32, #tpu.memory_space<hbm>> -> memref<80xi32, #tpu.memory_space<hbm>>
    tpu.enqueue_dma source(%dma_start3A_27 : memref<80xi32, #tpu.memory_space<hbm>>) target(%arg11 : memref<80xi32, #tpu.memory_space<vmem>>) target_semaphore(%arg20 : memref<!tpu.dma_semaphore, #tpu.memory_space<semaphore_mem>>)
    %barrier3A = arith.constant 0 : index
    tpu.barrier barrier_id(%barrier3A)
    %add3A_28 = arith.constant 0 : i32
    %add3A_29 = arith.addi %mul3A_2, %add3A_28 : i32
    %add3A_30 = arith.constant 80 : i32
    %add3A_31 = arith.addi %add3A_29, %add3A_30 : i32
    %dma_wait3A = tpu.memref_slice %arg2[%add3A_29] : memref<320000xi32, #tpu.memory_space<hbm>> -> memref<80xi32, #tpu.memory_space<hbm>>
    %dma_wait3A_32 = tpu.memref_slice %arg2[%add3A_29] : memref<320000xi32, #tpu.memory_space<hbm>> -> memref<80xi32, #tpu.memory_space<hbm>>
    tpu.wait_dma2 semaphore(%arg20 : memref<!tpu.dma_semaphore, #tpu.memory_space<semaphore_mem>>) src(%dma_wait3A_32 : memref<80xi32, #tpu.memory_space<hbm>>) dst(%arg7 : memref<80xi32, #tpu.memory_space<vmem>>)
    %dma_wait3A_33 = tpu.memref_slice %arg3[%add3A_29] : memref<320000xi32, #tpu.memory_space<hbm>> -> memref<80xi32, #tpu.memory_space<hbm>>
    %dma_wait3A_34 = tpu.memref_slice %arg3[%add3A_29] : memref<320000xi32, #tpu.memory_space<hbm>> -> memref<80xi32, #tpu.memory_space<hbm>>
    tpu.wait_dma2 semaphore(%arg20 : memref<!tpu.dma_semaphore, #tpu.memory_space<semaphore_mem>>) src(%dma_wait3A_34 : memref<80xi32, #tpu.memory_space<hbm>>) dst(%arg9 : memref<80xi32, #tpu.memory_space<vmem>>)
    %dma_wait3A_35 = tpu.memref_slice %arg4[%add3A_29] : memref<320000xi32, #tpu.memory_space<hbm>> -> memref<80xi32, #tpu.memory_space<hbm>>
    %dma_wait3A_36 = tpu.memref_slice %arg4[%add3A_29] : memref<320000xi32, #tpu.memory_space<hbm>> -> memref<80xi32, #tpu.memory_space<hbm>>
    tpu.wait_dma2 semaphore(%arg20 : memref<!tpu.dma_semaphore, #tpu.memory_space<semaphore_mem>>) src(%dma_wait3A_36 : memref<80xi32, #tpu.memory_space<hbm>>) dst(%arg11 : memref<80xi32, #tpu.memory_space<vmem>>)
    %dma_start3A_37 = tpu.memref_slice %arg2[%add3A_31] : memref<320000xi32, #tpu.memory_space<hbm>> -> memref<80xi32, #tpu.memory_space<hbm>>
    %dma_start3A_38 = tpu.memref_slice %arg2[%add3A_31] : memref<320000xi32, #tpu.memory_space<hbm>> -> memref<80xi32, #tpu.memory_space<hbm>>
    tpu.enqueue_dma source(%dma_start3A_38 : memref<80xi32, #tpu.memory_space<hbm>>) target(%arg8 : memref<80xi32, #tpu.memory_space<vmem>>) target_semaphore(%arg21 : memref<!tpu.dma_semaphore, #tpu.memory_space<semaphore_mem>>)
    %dma_start3A_39 = tpu.memref_slice %arg3[%add3A_31] : memref<320000xi32, #tpu.memory_space<hbm>> -> memref<80xi32, #tpu.memory_space<hbm>>
    %dma_start3A_40 = tpu.memref_slice %arg3[%add3A_31] : memref<320000xi32, #tpu.memory_space<hbm>> -> memref<80xi32, #tpu.memory_space<hbm>>
    tpu.enqueue_dma source(%dma_start3A_40 : memref<80xi32, #tpu.memory_space<hbm>>) target(%arg10 : memref<80xi32, #tpu.memory_space<vmem>>) target_semaphore(%arg21 : memref<!tpu.dma_semaphore, #tpu.memory_space<semaphore_mem>>)
    %dma_start3A_41 = tpu.memref_slice %arg4[%add3A_31] : memref<320000xi32, #tpu.memory_space<hbm>> -> memref<80xi32, #tpu.memory_space<hbm>>
    %dma_start3A_42 = tpu.memref_slice %arg4[%add3A_31] : memref<320000xi32, #tpu.memory_space<hbm>> -> memref<80xi32, #tpu.memory_space<hbm>>
    tpu.enqueue_dma source(%dma_start3A_42 : memref<80xi32, #tpu.memory_space<hbm>>) target(%arg12 : memref<80xi32, #tpu.memory_space<vmem>>) target_semaphore(%arg21 : memref<!tpu.dma_semaphore, #tpu.memory_space<semaphore_mem>>)
    %get3A = arith.constant 0 : index
    %get3A_43 = tpu.vector_load %arg11[%get3A] {strides = array<i32>} : memref<80xi32, #tpu.memory_space<vmem>>, vector<16xi32>,
    %mul3A_44 = arith.constant 10000 : i32
    %mul3A_45 = vector.broadcast %mul3A_44 : i32 to vector<16xi32>
    %mul3A_46 = arith.muli %get3A_43, %mul3A_45 : vector<16xi32>
    %get3A_47 = arith.constant 0 : index
    %get3A_48 = tpu.vector_load %arg7[%get3A_47] {strides = array<i32>} : memref<80xi32, #tpu.memory_space<vmem>>, vector<16xi32>,
    %add3A_49 = arith.addi %mul3A_46, %get3A_48 : vector<16xi32>
    %get3A_50 = arith.constant 0 : index
    %get3A_51 = tpu.vector_load %arg9[%get3A_50] {strides = array<i32>} : memref<80xi32, #tpu.memory_space<vmem>>, vector<16xi32>,
    %shift_left3A = arith.constant 16 : i32
    %shift_left3A_52 = vector.broadcast %shift_left3A : i32 to vector<16xi32>
    %shift_left3A_53 = arith.shli %get3A_51, %shift_left3A_52 : vector<16xi32>
    %or3A = arith.ori %add3A_49, %shift_left3A_53 : vector<16xi32>
    %shift_left3A_54 = arith.constant 30 : i32
    %shift_left3A_55 = vector.broadcast %shift_left3A_54 : i32 to vector<16xi32>
    %shift_left3A_56 = arith.shli %get3A_43, %shift_left3A_55 : vector<16xi32>
    %or3A_57 = arith.ori %or3A, %shift_left3A_56 : vector<16xi32>
    %swap3A_58 = arith.constant 0 : index
    %swap3A_59 = tpu.vector_load %arg13[%swap3A_58] {strides = array<i32>} : memref<80xi32, #tpu.memory_space<vmem>>, vector<16xi32>,
    tpu.vector_store %arg13[%swap3A_58], %or3A_57 {strides = array<i32>} : memref<80xi32, #tpu.memory_space<vmem>>, vector<16xi32>,
    %get3A_60 = arith.constant 0 : index
    %get3A_61 = tpu.vector_load %arg9[%get3A_60] {strides = array<i32>} : memref<80xi32, #tpu.memory_space<vmem>>, vector<16xi32>,
    %add3A_62 = arith.addi %mul3A_46, %get3A_61 : vector<16xi32>
    %swap3A_63 = arith.constant 0 : index
    %swap3A_64 = tpu.vector_load %arg15[%swap3A_63] {strides = array<i32>} : memref<80xi32, #tpu.memory_space<vmem>>, vector<16xi32>,
    tpu.vector_store %arg15[%swap3A_63], %add3A_62 {strides = array<i32>} : memref<80xi32, #tpu.memory_space<vmem>>, vector<16xi32>,
    %get3A_65 = arith.constant 16 : index
    %get3A_66 = tpu.vector_load %arg11[%get3A_65] {strides = array<i32>} : memref<80xi32, #tpu.memory_space<vmem>>, vector<16xi32>,
    %mul3A_67 = arith.constant 10000 : i32
    %mul3A_68 = vector.broadcast %mul3A_67 : i32 to vector<16xi32>
    %mul3A_69 = arith.muli %get3A_66, %mul3A_68 : vector<16xi32>
    %get3A_70 = arith.constant 16 : index
    %get3A_71 = tpu.vector_load %arg7[%get3A_70] {strides = array<i32>} : memref<80xi32, #tpu.memory_space<vmem>>, vector<16xi32>,
    %add3A_72 = arith.addi %mul3A_69, %get3A_71 : vector<16xi32>
    %get3A_73 = arith.constant 16 : index
    %get3A_74 = tpu.vector_load %arg9[%get3A_73] {strides = array<i32>} : memref<80xi32, #tpu.memory_space<vmem>>, vector<16xi32>,
    %shift_left3A_75 = arith.constant 16 : i32
    %shift_left3A_76 = vector.broadcast %shift_left3A_75 : i32 to vector<16xi32>
    %shift_left3A_77 = arith.shli %get3A_74, %shift_left3A_76 : vector<16xi32>
    %or3A_78 = arith.ori %add3A_72, %shift_left3A_77 : vector<16xi32>
    %shift_left3A_79 = arith.constant 30 : i32
    %shift_left3A_80 = vector.broadcast %shift_left3A_79 : i32 to vector<16xi32>
    %shift_left3A_81 = arith.shli %get3A_66, %shift_left3A_80 : vector<16xi32>
    %or3A_82 = arith.ori %or3A_78, %shift_left3A_81 : vector<16xi32>
    %swap3A_83 = arith.constant 16 : index
    %swap3A_84 = tpu.vector_load %arg13[%swap3A_83] {strides = array<i32>} : memref<80xi32, #tpu.memory_space<vmem>>, vector<16xi32>,
    tpu.vector_store %arg13[%swap3A_83], %or3A_82 {strides = array<i32>} : memref<80xi32, #tpu.memory_space<vmem>>, vector<16xi32>,
    %get3A_85 = arith.constant 16 : index
    %get3A_86 = tpu.vector_load %arg9[%get3A_85] {strides = array<i32>} : memref<80xi32, #tpu.memory_space<vmem>>, vector<16xi32>,
    %add3A_87 = arith.addi %mul3A_69, %get3A_86 : vector<16xi32>
    %swap3A_88 = arith.constant 16 : index
    %swap3A_89 = tpu.vector_load %arg15[%swap3A_88] {strides = array<i32>} : memref<80xi32, #tpu.memory_space<vmem>>, vector<16xi32>,
    tpu.vector_store %arg15[%swap3A_88], %add3A_87 {strides = array<i32>} : memref<80xi32, #tpu.memory_space<vmem>>, vector<16xi32>,
    %get3A_90 = arith.constant 32 : index
    %get3A_91 = tpu.vector_load %arg11[%get3A_90] {strides = array<i32>} : memref<80xi32, #tpu.memory_space<vmem>>, vector<16xi32>,
    %mul3A_92 = arith.constant 10000 : i32
    %mul3A_93 = vector.broadcast %mul3A_92 : i32 to vector<16xi32>
    %mul3A_94 = arith.muli %get3A_91, %mul3A_93 : vector<16xi32>
    %get3A_95 = arith.constant 32 : index
    %get3A_96 = tpu.vector_load %arg7[%get3A_95] {strides = array<i32>} : memref<80xi32, #tpu.memory_space<vmem>>, vector<16xi32>,
    %add3A_97 = arith.addi %mul3A_94, %get3A_96 : vector<16xi32>
    %get3A_98 = arith.constant 32 : index
    %get3A_99 = tpu.vector_load %arg9[%get3A_98] {strides = array<i32>} : memref<80xi32, #tpu.memory_space<vmem>>, vector<16xi32>,
    %shift_left3A_100 = arith.constant 16 : i32
    %shift_left3A_101 = vector.broadcast %shift_left3A_100 : i32 to vector<16xi32>
    %shift_left3A_102 = arith.shli %get3A_99, %shift_left3A_101 : vector<16xi32>
    %or3A_103 = arith.ori %add3A_97, %shift_left3A_102 : vector<16xi32>
    %shift_left3A_104 = arith.constant 30 : i32
    %shift_left3A_105 = vector.broadcast %shift_left3A_104 : i32 to vector<16xi32>
    %shift_left3A_106 = arith.shli %get3A_91, %shift_left3A_105 : vector<16xi32>
    %or3A_107 = arith.ori %or3A_103, %shift_left3A_106 : vector<16xi32>
    %swap3A_108 = arith.constant 32 : index
    %swap3A_109 = tpu.vector_load %arg13[%swap3A_108] {strides = array<i32>} : memref<80xi32, #tpu.memory_space<vmem>>, vector<16xi32>,
    tpu.vector_store %arg13[%swap3A_108], %or3A_107 {strides = array<i32>} : memref<80xi32, #tpu.memory_space<vmem>>, vector<16xi32>,
    %get3A_110 = arith.constant 32 : index
    %get3A_111 = tpu.vector_load %arg9[%get3A_110] {strides = array<i32>} : memref<80xi32, #tpu.memory_space<vmem>>, vector<16xi32>,
    %add3A_112 = arith.addi %mul3A_94, %get3A_111 : vector<16xi32>
    %swap3A_113 = arith.constant 32 : index
    %swap3A_114 = tpu.vector_load %arg15[%swap3A_113] {strides = array<i32>} : memref<80xi32, #tpu.memory_space<vmem>>, vector<16xi32>,
    tpu.vector_store %arg15[%swap3A_113], %add3A_112 {strides = array<i32>} : memref<80xi32, #tpu.memory_space<vmem>>, vector<16xi32>,
    %get3A_115 = arith.constant 48 : index
    %get3A_116 = tpu.vector_load %arg11[%get3A_115] {strides = array<i32>} : memref<80xi32, #tpu.memory_space<vmem>>, vector<16xi32>,
    %mul3A_117 = arith.constant 10000 : i32
    %mul3A_118 = vector.broadcast %mul3A_117 : i32 to vector<16xi32>
    %mul3A_119 = arith.muli %get3A_116, %mul3A_118 : vector<16xi32>
    %get3A_120 = arith.constant 48 : index
    %get3A_121 = tpu.vector_load %arg7[%get3A_120] {strides = array<i32>} : memref<80xi32, #tpu.memory_space<vmem>>, vector<16xi32>,
    %add3A_122 = arith.addi %mul3A_119, %get3A_121 : vector<16xi32>
    %get3A_123 = arith.constant 48 : index
    %get3A_124 = tpu.vector_load %arg9[%get3A_123] {strides = array<i32>} : memref<80xi32, #tpu.memory_space<vmem>>, vector<16xi32>,
    %shift_left3A_125 = arith.constant 16 : i32
    %shift_left3A_126 = vector.broadcast %shift_left3A_125 : i32 to vector<16xi32>
    %shift_left3A_127 = arith.shli %get3A_124, %shift_left3A_126 : vector<16xi32>
    %or3A_128 = arith.ori %add3A_122, %shift_left3A_127 : vector<16xi32>
    %shift_left3A_129 = arith.constant 30 : i32
    %shift_left3A_130 = vector.broadcast %shift_left3A_129 : i32 to vector<16xi32>
    %shift_left3A_131 = arith.shli %get3A_116, %shift_left3A_130 : vector<16xi32>
    %or3A_132 = arith.ori %or3A_128, %shift_left3A_131 : vector<16xi32>
    %swap3A_133 = arith.constant 48 : index
    %swap3A_134 = tpu.vector_load %arg13[%swap3A_133] {strides = array<i32>} : memref<80xi32, #tpu.memory_space<vmem>>, vector<16xi32>,
    tpu.vector_store %arg13[%swap3A_133], %or3A_132 {strides = array<i32>} : memref<80xi32, #tpu.memory_space<vmem>>, vector<16xi32>,
    %get3A_135 = arith.constant 48 : index
    %get3A_136 = tpu.vector_load %arg9[%get3A_135] {strides = array<i32>} : memref<80xi32, #tpu.memory_space<vmem>>, vector<16xi32>,
    %add3A_137 = arith.addi %mul3A_119, %get3A_136 : vector<16xi32>
    %swap3A_138 = arith.constant 48 : index
    %swap3A_139 = tpu.vector_load %arg15[%swap3A_138] {strides = array<i32>} : memref<80xi32, #tpu.memory_space<vmem>>, vector<16xi32>,
    tpu.vector_store %arg15[%swap3A_138], %add3A_137 {strides = array<i32>} : memref<80xi32, #tpu.memory_space<vmem>>, vector<16xi32>,
    %get3A_140 = arith.constant 64 : index
    %get3A_141 = tpu.vector_load %arg11[%get3A_140] {strides = array<i32>} : memref<80xi32, #tpu.memory_space<vmem>>, vector<16xi32>,
    %mul3A_142 = arith.constant 10000 : i32
    %mul3A_143 = vector.broadcast %mul3A_142 : i32 to vector<16xi32>
    %mul3A_144 = arith.muli %get3A_141, %mul3A_143 : vector<16xi32>
    %get3A_145 = arith.constant 64 : index
    %get3A_146 = tpu.vector_load %arg7[%get3A_145] {strides = array<i32>} : memref<80xi32, #tpu.memory_space<vmem>>, vector<16xi32>,
    %add3A_147 = arith.addi %mul3A_144, %get3A_146 : vector<16xi32>
    %get3A_148 = arith.constant 64 : index
    %get3A_149 = tpu.vector_load %arg9[%get3A_148] {strides = array<i32>} : memref<80xi32, #tpu.memory_space<vmem>>, vector<16xi32>,
    %shift_left3A_150 = arith.constant 16 : i32
    %shift_left3A_151 = vector.broadcast %shift_left3A_150 : i32 to vector<16xi32>
    %shift_left3A_152 = arith.shli %get3A_149, %shift_left3A_151 : vector<16xi32>
    %or3A_153 = arith.ori %add3A_147, %shift_left3A_152 : vector<16xi32>
    %shift_left3A_154 = arith.constant 30 : i32
    %shift_left3A_155 = vector.broadcast %shift_left3A_154 : i32 to vector<16xi32>
    %shift_left3A_156 = arith.shli %get3A_141, %shift_left3A_155 : vector<16xi32>
    %or3A_157 = arith.ori %or3A_153, %shift_left3A_156 : vector<16xi32>
    %swap3A_158 = arith.constant 64 : index
    %swap3A_159 = tpu.vector_load %arg13[%swap3A_158] {strides = array<i32>} : memref<80xi32, #tpu.memory_space<vmem>>, vector<16xi32>,
    tpu.vector_store %arg13[%swap3A_158], %or3A_157 {strides = array<i32>} : memref<80xi32, #tpu.memory_space<vmem>>, vector<16xi32>,
    %get3A_160 = arith.constant 64 : index
    %get3A_161 = tpu.vector_load %arg9[%get3A_160] {strides = array<i32>} : memref<80xi32, #tpu.memory_space<vmem>>, vector<16xi32>,
    %add3A_162 = arith.addi %mul3A_144, %get3A_161 : vector<16xi32>
    %swap3A_163 = arith.constant 64 : index
    %swap3A_164 = tpu.vector_load %arg15[%swap3A_163] {strides = array<i32>} : memref<80xi32, #tpu.memory_space<vmem>>, vector<16xi32>,
    tpu.vector_store %arg15[%swap3A_163], %add3A_162 {strides = array<i32>} : memref<80xi32, #tpu.memory_space<vmem>>, vector<16xi32>,
    %dma_start3A_165 = tpu.memref_slice %arg5[%add3A_29] : memref<320000xi32, #tpu.memory_space<hbm>> -> memref<80xi32, #tpu.memory_space<hbm>>
    %dma_start3A_166 = tpu.memref_slice %arg5[%add3A_29] : memref<320000xi32, #tpu.memory_space<hbm>> -> memref<80xi32, #tpu.memory_space<hbm>>
    tpu.enqueue_dma source(%arg13 : memref<80xi32, #tpu.memory_space<vmem>>) target(%dma_start3A_166 : memref<80xi32, #tpu.memory_space<hbm>>) target_semaphore(%arg22 : memref<!tpu.dma_semaphore, #tpu.memory_space<semaphore_mem>>)
    %dma_start3A_167 = arith.constant 0 : i32
    %dma_start3A_168 = tpu.memref_slice %arg19[%dma_start3A_167] : memref<40960xf32, #tpu.memory_space<vmem_shared>> -> memref<40960xf32, #tpu.memory_space<vmem_shared>>
    tpu.enqueue_indirect_dma source(%arg17 : memref<80xf32, #tpu.memory_space<vmem>>) target(%dma_start3A_168 : memref<40960xf32, #tpu.memory_space<vmem_shared>>) offsets(%arg15 : memref<80xi32, #tpu.memory_space<vmem>>) semaphore(%arg24 : memref<!tpu.dma_semaphore, #tpu.memory_space<semaphore_mem>>) {add = true}
    %scan3A_169 = arith.constant 0 : i32
    %scan3A_170 = arith.constant 0 : i32
    %scan3A_171 = arith.constant 62 : i32
    %scan3A_172 = arith.addi %scan3A_170, %scan3A_171 : i32
    %scan3A_173 = arith.constant 1 : i32
    %scan3A_174 = scf.for %scan3A_193 = %scan3A_170 to %scan3A_172 step %scan3A_173 iter_args(%scan3A_194 = %scan3A_169) -> (i32)  : i32 {
      %mul3A_195 = arith.constant 2 : i32
      %mul3A_196 = arith.muli %mul3A_195, %scan3A_193 : i32
      %add3A_197 = arith.constant 1 : i32
      %add3A_198 = arith.addi %mul3A_196, %add3A_197 : i32
      %mul3A_199 = arith.constant 80 : i32
      %mul3A_200 = arith.muli %add3A_198, %mul3A_199 : i32
      %add3A_201 = arith.addi %mul3A_2, %mul3A_200 : i32
      %add3A_202 = arith.constant 80 : i32
      %add3A_203 = arith.addi %add3A_201, %add3A_202 : i32
      %dma_wait3A_204 = tpu.memref_slice %arg2[%add3A_201] : memref<320000xi32, #tpu.memory_space<hbm>> -> memref<80xi32, #tpu.memory_space<hbm>>
      %dma_wait3A_205 = tpu.memref_slice %arg2[%add3A_201] : memref<320000xi32, #tpu.memory_space<hbm>> -> memref<80xi32, #tpu.memory_space<hbm>>
      tpu.wait_dma2 semaphore(%arg21 : memref<!tpu.dma_semaphore, #tpu.memory_space<semaphore_mem>>) src(%dma_wait3A_205 : memref<80xi32, #tpu.memory_space<hbm>>) dst(%arg8 : memref<80xi32, #tpu.memory_space<vmem>>)
      %dma_wait3A_206 = tpu.memref_slice %arg3[%add3A_201] : memref<320000xi32, #tpu.memory_space<hbm>> -> memref<80xi32, #tpu.memory_space<hbm>>
      %dma_wait3A_207 = tpu.memref_slice %arg3[%add3A_201] : memref<320000xi32, #tpu.memory_space<hbm>> -> memref<80xi32, #tpu.memory_space<hbm>>
      tpu.wait_dma2 semaphore(%arg21 : memref<!tpu.dma_semaphore, #tpu.memory_space<semaphore_mem>>) src(%dma_wait3A_207 : memref<80xi32, #tpu.memory_space<hbm>>) dst(%arg10 : memref<80xi32, #tpu.memory_space<vmem>>)
      %dma_wait3A_208 = tpu.memref_slice %arg4[%add3A_201] : memref<320000xi32, #tpu.memory_space<hbm>> -> memref<80xi32, #tpu.memory_space<hbm>>
      %dma_wait3A_209 = tpu.memref_slice %arg4[%add3A_201] : memref<320000xi32, #tpu.memory_space<hbm>> -> memref<80xi32, #tpu.memory_space<hbm>>
      tpu.wait_dma2 semaphore(%arg21 : memref<!tpu.dma_semaphore, #tpu.memory_space<semaphore_mem>>) src(%dma_wait3A_209 : memref<80xi32, #tpu.memory_space<hbm>>) dst(%arg12 : memref<80xi32, #tpu.memory_space<vmem>>)
      %add3A_210 = arith.constant 1 : i32
      %add3A_211 = arith.addi %add3A_198, %add3A_210 : i32
      %lt3A = arith.constant 125 : i32
      %lt3A_212 = arith.cmpi slt, %add3A_211, %lt3A : i32
      %convert_element_type3A = arith.extui %lt3A_212 : i1 to i32
      %cond3A = arith.constant 0 : i32
      %cond3A_213 = arith.cmpi ne, %convert_element_type3A, %cond3A : i32
      scf.if %cond3A_213 {
        %dma_start3A_504 = tpu.memref_slice %arg2[%add3A_203] : memref<320000xi32, #tpu.memory_space<hbm>> -> memref<80xi32, #tpu.memory_space<hbm>>
        %dma_start3A_505 = tpu.memref_slice %arg2[%add3A_203] : memref<320000xi32, #tpu.memory_space<hbm>> -> memref<80xi32, #tpu.memory_space<hbm>>
        tpu.enqueue_dma source(%dma_start3A_505 : memref<80xi32, #tpu.memory_space<hbm>>) target(%arg7 : memref<80xi32, #tpu.memory_space<vmem>>) target_semaphore(%arg20 : memref<!tpu.dma_semaphore, #tpu.memory_space<semaphore_mem>>)
        %dma_start3A_506 = tpu.memref_slice %arg3[%add3A_203] : memref<320000xi32, #tpu.memory_space<hbm>> -> memref<80xi32, #tpu.memory_space<hbm>>
        %dma_start3A_507 = tpu.memref_slice %arg3[%add3A_203] : memref<320000xi32, #tpu.memory_space<hbm>> -> memref<80xi32, #tpu.memory_space<hbm>>
        tpu.enqueue_dma source(%dma_start3A_507 : memref<80xi32, #tpu.memory_space<hbm>>) target(%arg9 : memref<80xi32, #tpu.memory_space<vmem>>) target_semaphore(%arg20 : memref<!tpu.dma_semaphore, #tpu.memory_space<semaphore_mem>>)
        %dma_start3A_508 = tpu.memref_slice %arg4[%add3A_203] : memref<320000xi32, #tpu.memory_space<hbm>> -> memref<80xi32, #tpu.memory_space<hbm>>
        %dma_start3A_509 = tpu.memref_slice %arg4[%add3A_203] : memref<320000xi32, #tpu.memory_space<hbm>> -> memref<80xi32, #tpu.memory_space<hbm>>
        tpu.enqueue_dma source(%dma_start3A_509 : memref<80xi32, #tpu.memory_space<hbm>>) target(%arg11 : memref<80xi32, #tpu.memory_space<vmem>>) target_semaphore(%arg20 : memref<!tpu.dma_semaphore, #tpu.memory_space<semaphore_mem>>)
      } else {
      }
      %ge3A = arith.constant 2 : i32
      %ge3A_214 = arith.cmpi sge, %add3A_198, %ge3A : i32
      %convert_element_type3A_215 = arith.extui %ge3A_214 : i1 to i32
      %cond3A_216 = arith.constant 0 : i32
      %cond3A_217 = arith.cmpi ne, %convert_element_type3A_215, %cond3A_216 : i32
      scf.if %cond3A_217 {
        %sub3A = arith.constant 160 : i32
        %sub3A_504 = arith.subi %add3A_201, %sub3A : i32
        %dma_wait3A_505 = tpu.memref_slice %arg5[%sub3A_504] : memref<320000xi32, #tpu.memory_space<hbm>> -> memref<80xi32, #tpu.memory_space<hbm>>
        %dma_wait3A_506 = tpu.memref_slice %arg5[%sub3A_504] : memref<320000xi32, #tpu.memory_space<hbm>> -> memref<80xi32, #tpu.memory_space<hbm>>
        tpu.wait_dma2 semaphore(%arg23 : memref<!tpu.dma_semaphore, #tpu.memory_space<semaphore_mem>>) src(%arg14 : memref<80xi32, #tpu.memory_space<vmem>>) dst(%dma_wait3A_506 : memref<80xi32, #tpu.memory_space<hbm>>)
        %dma_wait3A_507 = arith.constant 0 : i32
        %dma_wait3A_508 = tpu.memref_slice %arg19[%dma_wait3A_507] : memref<40960xf32, #tpu.memory_space<vmem_shared>> -> memref<40960xf32, #tpu.memory_space<vmem_shared>>
        tpu.wait_indirect_dma semaphore(%arg25 : memref<!tpu.dma_semaphore, #tpu.memory_space<semaphore_mem>>) src(%arg17 : memref<80xf32, #tpu.memory_space<vmem>>) dst(%dma_wait3A_508 : memref<40960xf32, #tpu.memory_space<vmem_shared>>)
      } else {
      }
      %get3A_218 = arith.constant 0 : index
      %get3A_219 = tpu.vector_load %arg12[%get3A_218] {strides = array<i32>} : memref<80xi32, #tpu.memory_space<vmem>>, vector<16xi32>,
      %mul3A_220 = arith.constant 10000 : i32
      %mul3A_221 = vector.broadcast %mul3A_220 : i32 to vector<16xi32>
      %mul3A_222 = arith.muli %get3A_219, %mul3A_221 : vector<16xi32>
      %get3A_223 = arith.constant 0 : index
      %get3A_224 = tpu.vector_load %arg8[%get3A_223] {strides = array<i32>} : memref<80xi32, #tpu.memory_space<vmem>>, vector<16xi32>,
      %add3A_225 = arith.addi %mul3A_222, %get3A_224 : vector<16xi32>
      %get3A_226 = arith.constant 0 : index
      %get3A_227 = tpu.vector_load %arg10[%get3A_226] {strides = array<i32>} : memref<80xi32, #tpu.memory_space<vmem>>, vector<16xi32>,
      %shift_left3A_228 = arith.constant 16 : i32
      %shift_left3A_229 = vector.broadcast %shift_left3A_228 : i32 to vector<16xi32>
      %shift_left3A_230 = arith.shli %get3A_227, %shift_left3A_229 : vector<16xi32>
      %or3A_231 = arith.ori %add3A_225, %shift_left3A_230 : vector<16xi32>
      %shift_left3A_232 = arith.constant 30 : i32
      %shift_left3A_233 = vector.broadcast %shift_left3A_232 : i32 to vector<16xi32>
      %shift_left3A_234 = arith.shli %get3A_219, %shift_left3A_233 : vector<16xi32>
      %or3A_235 = arith.ori %or3A_231, %shift_left3A_234 : vector<16xi32>
      %swap3A_236 = arith.constant 0 : index
      %swap3A_237 = tpu.vector_load %arg14[%swap3A_236] {strides = array<i32>} : memref<80xi32, #tpu.memory_space<vmem>>, vector<16xi32>,
      tpu.vector_store %arg14[%swap3A_236], %or3A_235 {strides = array<i32>} : memref<80xi32, #tpu.memory_space<vmem>>, vector<16xi32>,
      %get3A_238 = arith.constant 0 : index
      %get3A_239 = tpu.vector_load %arg10[%get3A_238] {strides = array<i32>} : memref<80xi32, #tpu.memory_space<vmem>>, vector<16xi32>,
      %add3A_240 = arith.addi %mul3A_222, %get3A_239 : vector<16xi32>
      %swap3A_241 = arith.constant 0 : index
      %swap3A_242 = tpu.vector_load %arg16[%swap3A_241] {strides = array<i32>} : memref<80xi32, #tpu.memory_space<vmem>>, vector<16xi32>,
      tpu.vector_store %arg16[%swap3A_241], %add3A_240 {strides = array<i32>} : memref<80xi32, #tpu.memory_space<vmem>>, vector<16xi32>,
      %get3A_243 = arith.constant 16 : index
      %get3A_244 = tpu.vector_load %arg12[%get3A_243] {strides = array<i32>} : memref<80xi32, #tpu.memory_space<vmem>>, vector<16xi32>,
      %mul3A_245 = arith.constant 10000 : i32
      %mul3A_246 = vector.broadcast %mul3A_245 : i32 to vector<16xi32>
      %mul3A_247 = arith.muli %get3A_244, %mul3A_246 : vector<16xi32>
      %get3A_248 = arith.constant 16 : index
      %get3A_249 = tpu.vector_load %arg8[%get3A_248] {strides = array<i32>} : memref<80xi32, #tpu.memory_space<vmem>>, vector<16xi32>,
      %add3A_250 = arith.addi %mul3A_247, %get3A_249 : vector<16xi32>
      %get3A_251 = arith.constant 16 : index
      %get3A_252 = tpu.vector_load %arg10[%get3A_251] {strides = array<i32>} : memref<80xi32, #tpu.memory_space<vmem>>, vector<16xi32>,
      %shift_left3A_253 = arith.constant 16 : i32
      %shift_left3A_254 = vector.broadcast %shift_left3A_253 : i32 to vector<16xi32>
      %shift_left3A_255 = arith.shli %get3A_252, %shift_left3A_254 : vector<16xi32>
      %or3A_256 = arith.ori %add3A_250, %shift_left3A_255 : vector<16xi32>
      %shift_left3A_257 = arith.constant 30 : i32
      %shift_left3A_258 = vector.broadcast %shift_left3A_257 : i32 to vector<16xi32>
      %shift_left3A_259 = arith.shli %get3A_244, %shift_left3A_258 : vector<16xi32>
      %or3A_260 = arith.ori %or3A_256, %shift_left3A_259 : vector<16xi32>
      %swap3A_261 = arith.constant 16 : index
      %swap3A_262 = tpu.vector_load %arg14[%swap3A_261] {strides = array<i32>} : memref<80xi32, #tpu.memory_space<vmem>>, vector<16xi32>,
      tpu.vector_store %arg14[%swap3A_261], %or3A_260 {strides = array<i32>} : memref<80xi32, #tpu.memory_space<vmem>>, vector<16xi32>,
      %get3A_263 = arith.constant 16 : index
      %get3A_264 = tpu.vector_load %arg10[%get3A_263] {strides = array<i32>} : memref<80xi32, #tpu.memory_space<vmem>>, vector<16xi32>,
      %add3A_265 = arith.addi %mul3A_247, %get3A_264 : vector<16xi32>
      %swap3A_266 = arith.constant 16 : index
      %swap3A_267 = tpu.vector_load %arg16[%swap3A_266] {strides = array<i32>} : memref<80xi32, #tpu.memory_space<vmem>>, vector<16xi32>,
      tpu.vector_store %arg16[%swap3A_266], %add3A_265 {strides = array<i32>} : memref<80xi32, #tpu.memory_space<vmem>>, vector<16xi32>,
      %get3A_268 = arith.constant 32 : index
      %get3A_269 = tpu.vector_load %arg12[%get3A_268] {strides = array<i32>} : memref<80xi32, #tpu.memory_space<vmem>>, vector<16xi32>,
      %mul3A_270 = arith.constant 10000 : i32
      %mul3A_271 = vector.broadcast %mul3A_270 : i32 to vector<16xi32>
      %mul3A_272 = arith.muli %get3A_269, %mul3A_271 : vector<16xi32>
      %get3A_273 = arith.constant 32 : index
      %get3A_274 = tpu.vector_load %arg8[%get3A_273] {strides = array<i32>} : memref<80xi32, #tpu.memory_space<vmem>>, vector<16xi32>,
      %add3A_275 = arith.addi %mul3A_272, %get3A_274 : vector<16xi32>
      %get3A_276 = arith.constant 32 : index
      %get3A_277 = tpu.vector_load %arg10[%get3A_276] {strides = array<i32>} : memref<80xi32, #tpu.memory_space<vmem>>, vector<16xi32>,
      %shift_left3A_278 = arith.constant 16 : i32
      %shift_left3A_279 = vector.broadcast %shift_left3A_278 : i32 to vector<16xi32>
      %shift_left3A_280 = arith.shli %get3A_277, %shift_left3A_279 : vector<16xi32>
      %or3A_281 = arith.ori %add3A_275, %shift_left3A_280 : vector<16xi32>
      %shift_left3A_282 = arith.constant 30 : i32
      %shift_left3A_283 = vector.broadcast %shift_left3A_282 : i32 to vector<16xi32>
      %shift_left3A_284 = arith.shli %get3A_269, %shift_left3A_283 : vector<16xi32>
      %or3A_285 = arith.ori %or3A_281, %shift_left3A_284 : vector<16xi32>
      %swap3A_286 = arith.constant 32 : index
      %swap3A_287 = tpu.vector_load %arg14[%swap3A_286] {strides = array<i32>} : memref<80xi32, #tpu.memory_space<vmem>>, vector<16xi32>,
      tpu.vector_store %arg14[%swap3A_286], %or3A_285 {strides = array<i32>} : memref<80xi32, #tpu.memory_space<vmem>>, vector<16xi32>,
      %get3A_288 = arith.constant 32 : index
      %get3A_289 = tpu.vector_load %arg10[%get3A_288] {strides = array<i32>} : memref<80xi32, #tpu.memory_space<vmem>>, vector<16xi32>,
      %add3A_290 = arith.addi %mul3A_272, %get3A_289 : vector<16xi32>
      %swap3A_291 = arith.constant 32 : index
      %swap3A_292 = tpu.vector_load %arg16[%swap3A_291] {strides = array<i32>} : memref<80xi32, #tpu.memory_space<vmem>>, vector<16xi32>,
      tpu.vector_store %arg16[%swap3A_291], %add3A_290 {strides = array<i32>} : memref<80xi32, #tpu.memory_space<vmem>>, vector<16xi32>,
      %get3A_293 = arith.constant 48 : index
      %get3A_294 = tpu.vector_load %arg12[%get3A_293] {strides = array<i32>} : memref<80xi32, #tpu.memory_space<vmem>>, vector<16xi32>,
      %mul3A_295 = arith.constant 10000 : i32
      %mul3A_296 = vector.broadcast %mul3A_295 : i32 to vector<16xi32>
      %mul3A_297 = arith.muli %get3A_294, %mul3A_296 : vector<16xi32>
      %get3A_298 = arith.constant 48 : index
      %get3A_299 = tpu.vector_load %arg8[%get3A_298] {strides = array<i32>} : memref<80xi32, #tpu.memory_space<vmem>>, vector<16xi32>,
      %add3A_300 = arith.addi %mul3A_297, %get3A_299 : vector<16xi32>
      %get3A_301 = arith.constant 48 : index
      %get3A_302 = tpu.vector_load %arg10[%get3A_301] {strides = array<i32>} : memref<80xi32, #tpu.memory_space<vmem>>, vector<16xi32>,
      %shift_left3A_303 = arith.constant 16 : i32
      %shift_left3A_304 = vector.broadcast %shift_left3A_303 : i32 to vector<16xi32>
      %shift_left3A_305 = arith.shli %get3A_302, %shift_left3A_304 : vector<16xi32>
      %or3A_306 = arith.ori %add3A_300, %shift_left3A_305 : vector<16xi32>
      %shift_left3A_307 = arith.constant 30 : i32
      %shift_left3A_308 = vector.broadcast %shift_left3A_307 : i32 to vector<16xi32>
      %shift_left3A_309 = arith.shli %get3A_294, %shift_left3A_308 : vector<16xi32>
      %or3A_310 = arith.ori %or3A_306, %shift_left3A_309 : vector<16xi32>
      %swap3A_311 = arith.constant 48 : index
      %swap3A_312 = tpu.vector_load %arg14[%swap3A_311] {strides = array<i32>} : memref<80xi32, #tpu.memory_space<vmem>>, vector<16xi32>,
      tpu.vector_store %arg14[%swap3A_311], %or3A_310 {strides = array<i32>} : memref<80xi32, #tpu.memory_space<vmem>>, vector<16xi32>,
      %get3A_313 = arith.constant 48 : index
      %get3A_314 = tpu.vector_load %arg10[%get3A_313] {strides = array<i32>} : memref<80xi32, #tpu.memory_space<vmem>>, vector<16xi32>,
      %add3A_315 = arith.addi %mul3A_297, %get3A_314 : vector<16xi32>
      %swap3A_316 = arith.constant 48 : index
      %swap3A_317 = tpu.vector_load %arg16[%swap3A_316] {strides = array<i32>} : memref<80xi32, #tpu.memory_space<vmem>>, vector<16xi32>,
      tpu.vector_store %arg16[%swap3A_316], %add3A_315 {strides = array<i32>} : memref<80xi32, #tpu.memory_space<vmem>>, vector<16xi32>,
      %get3A_318 = arith.constant 64 : index
      %get3A_319 = tpu.vector_load %arg12[%get3A_318] {strides = array<i32>} : memref<80xi32, #tpu.memory_space<vmem>>, vector<16xi32>,
      %mul3A_320 = arith.constant 10000 : i32
      %mul3A_321 = vector.broadcast %mul3A_320 : i32 to vector<16xi32>
      %mul3A_322 = arith.muli %get3A_319, %mul3A_321 : vector<16xi32>
      %get3A_323 = arith.constant 64 : index
      %get3A_324 = tpu.vector_load %arg8[%get3A_323] {strides = array<i32>} : memref<80xi32, #tpu.memory_space<vmem>>, vector<16xi32>,
      %add3A_325 = arith.addi %mul3A_322, %get3A_324 : vector<16xi32>
      %get3A_326 = arith.constant 64 : index
      %get3A_327 = tpu.vector_load %arg10[%get3A_326] {strides = array<i32>} : memref<80xi32, #tpu.memory_space<vmem>>, vector<16xi32>,
      %shift_left3A_328 = arith.constant 16 : i32
      %shift_left3A_329 = vector.broadcast %shift_left3A_328 : i32 to vector<16xi32>
      %shift_left3A_330 = arith.shli %get3A_327, %shift_left3A_329 : vector<16xi32>
      %or3A_331 = arith.ori %add3A_325, %shift_left3A_330 : vector<16xi32>
      %shift_left3A_332 = arith.constant 30 : i32
      %shift_left3A_333 = vector.broadcast %shift_left3A_332 : i32 to vector<16xi32>
      %shift_left3A_334 = arith.shli %get3A_319, %shift_left3A_333 : vector<16xi32>
      %or3A_335 = arith.ori %or3A_331, %shift_left3A_334 : vector<16xi32>
      %swap3A_336 = arith.constant 64 : index
      %swap3A_337 = tpu.vector_load %arg14[%swap3A_336] {strides = array<i32>} : memref<80xi32, #tpu.memory_space<vmem>>, vector<16xi32>,
      tpu.vector_store %arg14[%swap3A_336], %or3A_335 {strides = array<i32>} : memref<80xi32, #tpu.memory_space<vmem>>, vector<16xi32>,
      %get3A_338 = arith.constant 64 : index
      %get3A_339 = tpu.vector_load %arg10[%get3A_338] {strides = array<i32>} : memref<80xi32, #tpu.memory_space<vmem>>, vector<16xi32>,
      %add3A_340 = arith.addi %mul3A_322, %get3A_339 : vector<16xi32>
      %swap3A_341 = arith.constant 64 : index
      %swap3A_342 = tpu.vector_load %arg16[%swap3A_341] {strides = array<i32>} : memref<80xi32, #tpu.memory_space<vmem>>, vector<16xi32>,
      tpu.vector_store %arg16[%swap3A_341], %add3A_340 {strides = array<i32>} : memref<80xi32, #tpu.memory_space<vmem>>, vector<16xi32>,
      %dma_start3A_343 = tpu.memref_slice %arg5[%add3A_201] : memref<320000xi32, #tpu.memory_space<hbm>> -> memref<80xi32, #tpu.memory_space<hbm>>
      %dma_start3A_344 = tpu.memref_slice %arg5[%add3A_201] : memref<320000xi32, #tpu.memory_space<hbm>> -> memref<80xi32, #tpu.memory_space<hbm>>
      tpu.enqueue_dma source(%arg14 : memref<80xi32, #tpu.memory_space<vmem>>) target(%dma_start3A_344 : memref<80xi32, #tpu.memory_space<hbm>>) target_semaphore(%arg23 : memref<!tpu.dma_semaphore, #tpu.memory_space<semaphore_mem>>)
      %dma_start3A_345 = arith.constant 0 : i32
      %dma_start3A_346 = tpu.memref_slice %arg19[%dma_start3A_345] : memref<40960xf32, #tpu.memory_space<vmem_shared>> -> memref<40960xf32, #tpu.memory_space<vmem_shared>>
      tpu.enqueue_indirect_dma source(%arg17 : memref<80xf32, #tpu.memory_space<vmem>>) target(%dma_start3A_346 : memref<40960xf32, #tpu.memory_space<vmem_shared>>) offsets(%arg16 : memref<80xi32, #tpu.memory_space<vmem>>) semaphore(%arg25 : memref<!tpu.dma_semaphore, #tpu.memory_space<semaphore_mem>>) {add = true}
      %mul3A_347 = arith.constant 2 : i32
      %mul3A_348 = arith.muli %mul3A_347, %scan3A_193 : i32
      %add3A_349 = arith.constant 2 : i32
      %add3A_350 = arith.addi %mul3A_348, %add3A_349 : i32
      %mul3A_351 = arith.constant 80 : i32
      %mul3A_352 = arith.muli %add3A_350, %mul3A_351 : i32
      %add3A_353 = arith.addi %mul3A_2, %mul3A_352 : i32
      %add3A_354 = arith.constant 80 : i32
      %add3A_355 = arith.addi %add3A_353, %add3A_354 : i32
      %dma_wait3A_356 = tpu.memref_slice %arg2[%add3A_353] : memref<320000xi32, #tpu.memory_space<hbm>> -> memref<80xi32, #tpu.memory_space<hbm>>
      %dma_wait3A_357 = tpu.memref_slice %arg2[%add3A_353] : memref<320000xi32, #tpu.memory_space<hbm>> -> memref<80xi32, #tpu.memory_space<hbm>>
      tpu.wait_dma2 semaphore(%arg20 : memref<!tpu.dma_semaphore, #tpu.memory_space<semaphore_mem>>) src(%dma_wait3A_357 : memref<80xi32, #tpu.memory_space<hbm>>) dst(%arg7 : memref<80xi32, #tpu.memory_space<vmem>>)
      %dma_wait3A_358 = tpu.memref_slice %arg3[%add3A_353] : memref<320000xi32, #tpu.memory_space<hbm>> -> memref<80xi32, #tpu.memory_space<hbm>>
      %dma_wait3A_359 = tpu.memref_slice %arg3[%add3A_353] : memref<320000xi32, #tpu.memory_space<hbm>> -> memref<80xi32, #tpu.memory_space<hbm>>
      tpu.wait_dma2 semaphore(%arg20 : memref<!tpu.dma_semaphore, #tpu.memory_space<semaphore_mem>>) src(%dma_wait3A_359 : memref<80xi32, #tpu.memory_space<hbm>>) dst(%arg9 : memref<80xi32, #tpu.memory_space<vmem>>)
      %dma_wait3A_360 = tpu.memref_slice %arg4[%add3A_353] : memref<320000xi32, #tpu.memory_space<hbm>> -> memref<80xi32, #tpu.memory_space<hbm>>
      %dma_wait3A_361 = tpu.memref_slice %arg4[%add3A_353] : memref<320000xi32, #tpu.memory_space<hbm>> -> memref<80xi32, #tpu.memory_space<hbm>>
      tpu.wait_dma2 semaphore(%arg20 : memref<!tpu.dma_semaphore, #tpu.memory_space<semaphore_mem>>) src(%dma_wait3A_361 : memref<80xi32, #tpu.memory_space<hbm>>) dst(%arg11 : memref<80xi32, #tpu.memory_space<vmem>>)
      %add3A_362 = arith.constant 1 : i32
      %add3A_363 = arith.addi %add3A_350, %add3A_362 : i32
      %lt3A_364 = arith.constant 125 : i32
      %lt3A_365 = arith.cmpi slt, %add3A_363, %lt3A_364 : i32
      %convert_element_type3A_366 = arith.extui %lt3A_365 : i1 to i32
      %cond3A_367 = arith.constant 0 : i32
      %cond3A_368 = arith.cmpi ne, %convert_element_type3A_366, %cond3A_367 : i32
      scf.if %cond3A_368 {
        %dma_start3A_504 = tpu.memref_slice %arg2[%add3A_355] : memref<320000xi32, #tpu.memory_space<hbm>> -> memref<80xi32, #tpu.memory_space<hbm>>
        %dma_start3A_505 = tpu.memref_slice %arg2[%add3A_355] : memref<320000xi32, #tpu.memory_space<hbm>> -> memref<80xi32, #tpu.memory_space<hbm>>
        tpu.enqueue_dma source(%dma_start3A_505 : memref<80xi32, #tpu.memory_space<hbm>>) target(%arg8 : memref<80xi32, #tpu.memory_space<vmem>>) target_semaphore(%arg21 : memref<!tpu.dma_semaphore, #tpu.memory_space<semaphore_mem>>)
        %dma_start3A_506 = tpu.memref_slice %arg3[%add3A_355] : memref<320000xi32, #tpu.memory_space<hbm>> -> memref<80xi32, #tpu.memory_space<hbm>>
        %dma_start3A_507 = tpu.memref_slice %arg3[%add3A_355] : memref<320000xi32, #tpu.memory_space<hbm>> -> memref<80xi32, #tpu.memory_space<hbm>>
        tpu.enqueue_dma source(%dma_start3A_507 : memref<80xi32, #tpu.memory_space<hbm>>) target(%arg10 : memref<80xi32, #tpu.memory_space<vmem>>) target_semaphore(%arg21 : memref<!tpu.dma_semaphore, #tpu.memory_space<semaphore_mem>>)
        %dma_start3A_508 = tpu.memref_slice %arg4[%add3A_355] : memref<320000xi32, #tpu.memory_space<hbm>> -> memref<80xi32, #tpu.memory_space<hbm>>
        %dma_start3A_509 = tpu.memref_slice %arg4[%add3A_355] : memref<320000xi32, #tpu.memory_space<hbm>> -> memref<80xi32, #tpu.memory_space<hbm>>
        tpu.enqueue_dma source(%dma_start3A_509 : memref<80xi32, #tpu.memory_space<hbm>>) target(%arg12 : memref<80xi32, #tpu.memory_space<vmem>>) target_semaphore(%arg21 : memref<!tpu.dma_semaphore, #tpu.memory_space<semaphore_mem>>)
      } else {
      }
      %ge3A_369 = arith.constant 2 : i32
      %ge3A_370 = arith.cmpi sge, %add3A_350, %ge3A_369 : i32
      %convert_element_type3A_371 = arith.extui %ge3A_370 : i1 to i32
      %cond3A_372 = arith.constant 0 : i32
      %cond3A_373 = arith.cmpi ne, %convert_element_type3A_371, %cond3A_372 : i32
      scf.if %cond3A_373 {
        %sub3A = arith.constant 160 : i32
        %sub3A_504 = arith.subi %add3A_353, %sub3A : i32
        %dma_wait3A_505 = tpu.memref_slice %arg5[%sub3A_504] : memref<320000xi32, #tpu.memory_space<hbm>> -> memref<80xi32, #tpu.memory_space<hbm>>
        %dma_wait3A_506 = tpu.memref_slice %arg5[%sub3A_504] : memref<320000xi32, #tpu.memory_space<hbm>> -> memref<80xi32, #tpu.memory_space<hbm>>
        tpu.wait_dma2 semaphore(%arg22 : memref<!tpu.dma_semaphore, #tpu.memory_space<semaphore_mem>>) src(%arg13 : memref<80xi32, #tpu.memory_space<vmem>>) dst(%dma_wait3A_506 : memref<80xi32, #tpu.memory_space<hbm>>)
        %dma_wait3A_507 = arith.constant 0 : i32
        %dma_wait3A_508 = tpu.memref_slice %arg19[%dma_wait3A_507] : memref<40960xf32, #tpu.memory_space<vmem_shared>> -> memref<40960xf32, #tpu.memory_space<vmem_shared>>
        tpu.wait_indirect_dma semaphore(%arg24 : memref<!tpu.dma_semaphore, #tpu.memory_space<semaphore_mem>>) src(%arg17 : memref<80xf32, #tpu.memory_space<vmem>>) dst(%dma_wait3A_508 : memref<40960xf32, #tpu.memory_space<vmem_shared>>)
      } else {
      }
      %get3A_374 = arith.constant 0 : index
      %get3A_375 = tpu.vector_load %arg11[%get3A_374] {strides = array<i32>} : memref<80xi32, #tpu.memory_space<vmem>>, vector<16xi32>,
      %mul3A_376 = arith.constant 10000 : i32
      %mul3A_377 = vector.broadcast %mul3A_376 : i32 to vector<16xi32>
      %mul3A_378 = arith.muli %get3A_375, %mul3A_377 : vector<16xi32>
      %get3A_379 = arith.constant 0 : index
      %get3A_380 = tpu.vector_load %arg7[%get3A_379] {strides = array<i32>} : memref<80xi32, #tpu.memory_space<vmem>>, vector<16xi32>,
      %add3A_381 = arith.addi %mul3A_378, %get3A_380 : vector<16xi32>
      %get3A_382 = arith.constant 0 : index
      %get3A_383 = tpu.vector_load %arg9[%get3A_382] {strides = array<i32>} : memref<80xi32, #tpu.memory_space<vmem>>, vector<16xi32>,
      %shift_left3A_384 = arith.constant 16 : i32
      %shift_left3A_385 = vector.broadcast %shift_left3A_384 : i32 to vector<16xi32>
      %shift_left3A_386 = arith.shli %get3A_383, %shift_left3A_385 : vector<16xi32>
      %or3A_387 = arith.ori %add3A_381, %shift_left3A_386 : vector<16xi32>
      %shift_left3A_388 = arith.constant 30 : i32
      %shift_left3A_389 = vector.broadcast %shift_left3A_388 : i32 to vector<16xi32>
      %shift_left3A_390 = arith.shli %get3A_375, %shift_left3A_389 : vector<16xi32>
      %or3A_391 = arith.ori %or3A_387, %shift_left3A_390 : vector<16xi32>
      %swap3A_392 = arith.constant 0 : index
      %swap3A_393 = tpu.vector_load %arg13[%swap3A_392] {strides = array<i32>} : memref<80xi32, #tpu.memory_space<vmem>>, vector<16xi32>,
      tpu.vector_store %arg13[%swap3A_392], %or3A_391 {strides = array<i32>} : memref<80xi32, #tpu.memory_space<vmem>>, vector<16xi32>,
      %get3A_394 = arith.constant 0 : index
      %get3A_395 = tpu.vector_load %arg9[%get3A_394] {strides = array<i32>} : memref<80xi32, #tpu.memory_space<vmem>>, vector<16xi32>,
      %add3A_396 = arith.addi %mul3A_378, %get3A_395 : vector<16xi32>
      %swap3A_397 = arith.constant 0 : index
      %swap3A_398 = tpu.vector_load %arg15[%swap3A_397] {strides = array<i32>} : memref<80xi32, #tpu.memory_space<vmem>>, vector<16xi32>,
      tpu.vector_store %arg15[%swap3A_397], %add3A_396 {strides = array<i32>} : memref<80xi32, #tpu.memory_space<vmem>>, vector<16xi32>,
      %get3A_399 = arith.constant 16 : index
      %get3A_400 = tpu.vector_load %arg11[%get3A_399] {strides = array<i32>} : memref<80xi32, #tpu.memory_space<vmem>>, vector<16xi32>,
      %mul3A_401 = arith.constant 10000 : i32
      %mul3A_402 = vector.broadcast %mul3A_401 : i32 to vector<16xi32>
      %mul3A_403 = arith.muli %get3A_400, %mul3A_402 : vector<16xi32>
      %get3A_404 = arith.constant 16 : index
      %get3A_405 = tpu.vector_load %arg7[%get3A_404] {strides = array<i32>} : memref<80xi32, #tpu.memory_space<vmem>>, vector<16xi32>,
      %add3A_406 = arith.addi %mul3A_403, %get3A_405 : vector<16xi32>
      %get3A_407 = arith.constant 16 : index
      %get3A_408 = tpu.vector_load %arg9[%get3A_407] {strides = array<i32>} : memref<80xi32, #tpu.memory_space<vmem>>, vector<16xi32>,
      %shift_left3A_409 = arith.constant 16 : i32
      %shift_left3A_410 = vector.broadcast %shift_left3A_409 : i32 to vector<16xi32>
      %shift_left3A_411 = arith.shli %get3A_408, %shift_left3A_410 : vector<16xi32>
      %or3A_412 = arith.ori %add3A_406, %shift_left3A_411 : vector<16xi32>
      %shift_left3A_413 = arith.constant 30 : i32
      %shift_left3A_414 = vector.broadcast %shift_left3A_413 : i32 to vector<16xi32>
      %shift_left3A_415 = arith.shli %get3A_400, %shift_left3A_414 : vector<16xi32>
      %or3A_416 = arith.ori %or3A_412, %shift_left3A_415 : vector<16xi32>
      %swap3A_417 = arith.constant 16 : index
      %swap3A_418 = tpu.vector_load %arg13[%swap3A_417] {strides = array<i32>} : memref<80xi32, #tpu.memory_space<vmem>>, vector<16xi32>,
      tpu.vector_store %arg13[%swap3A_417], %or3A_416 {strides = array<i32>} : memref<80xi32, #tpu.memory_space<vmem>>, vector<16xi32>,
      %get3A_419 = arith.constant 16 : index
      %get3A_420 = tpu.vector_load %arg9[%get3A_419] {strides = array<i32>} : memref<80xi32, #tpu.memory_space<vmem>>, vector<16xi32>,
      %add3A_421 = arith.addi %mul3A_403, %get3A_420 : vector<16xi32>
      %swap3A_422 = arith.constant 16 : index
      %swap3A_423 = tpu.vector_load %arg15[%swap3A_422] {strides = array<i32>} : memref<80xi32, #tpu.memory_space<vmem>>, vector<16xi32>,
      tpu.vector_store %arg15[%swap3A_422], %add3A_421 {strides = array<i32>} : memref<80xi32, #tpu.memory_space<vmem>>, vector<16xi32>,
      %get3A_424 = arith.constant 32 : index
      %get3A_425 = tpu.vector_load %arg11[%get3A_424] {strides = array<i32>} : memref<80xi32, #tpu.memory_space<vmem>>, vector<16xi32>,
      %mul3A_426 = arith.constant 10000 : i32
      %mul3A_427 = vector.broadcast %mul3A_426 : i32 to vector<16xi32>
      %mul3A_428 = arith.muli %get3A_425, %mul3A_427 : vector<16xi32>
      %get3A_429 = arith.constant 32 : index
      %get3A_430 = tpu.vector_load %arg7[%get3A_429] {strides = array<i32>} : memref<80xi32, #tpu.memory_space<vmem>>, vector<16xi32>,
      %add3A_431 = arith.addi %mul3A_428, %get3A_430 : vector<16xi32>
      %get3A_432 = arith.constant 32 : index
      %get3A_433 = tpu.vector_load %arg9[%get3A_432] {strides = array<i32>} : memref<80xi32, #tpu.memory_space<vmem>>, vector<16xi32>,
      %shift_left3A_434 = arith.constant 16 : i32
      %shift_left3A_435 = vector.broadcast %shift_left3A_434 : i32 to vector<16xi32>
      %shift_left3A_436 = arith.shli %get3A_433, %shift_left3A_435 : vector<16xi32>
      %or3A_437 = arith.ori %add3A_431, %shift_left3A_436 : vector<16xi32>
      %shift_left3A_438 = arith.constant 30 : i32
      %shift_left3A_439 = vector.broadcast %shift_left3A_438 : i32 to vector<16xi32>
      %shift_left3A_440 = arith.shli %get3A_425, %shift_left3A_439 : vector<16xi32>
      %or3A_441 = arith.ori %or3A_437, %shift_left3A_440 : vector<16xi32>
      %swap3A_442 = arith.constant 32 : index
      %swap3A_443 = tpu.vector_load %arg13[%swap3A_442] {strides = array<i32>} : memref<80xi32, #tpu.memory_space<vmem>>, vector<16xi32>,
      tpu.vector_store %arg13[%swap3A_442], %or3A_441 {strides = array<i32>} : memref<80xi32, #tpu.memory_space<vmem>>, vector<16xi32>,
      %get3A_444 = arith.constant 32 : index
      %get3A_445 = tpu.vector_load %arg9[%get3A_444] {strides = array<i32>} : memref<80xi32, #tpu.memory_space<vmem>>, vector<16xi32>,
      %add3A_446 = arith.addi %mul3A_428, %get3A_445 : vector<16xi32>
      %swap3A_447 = arith.constant 32 : index
      %swap3A_448 = tpu.vector_load %arg15[%swap3A_447] {strides = array<i32>} : memref<80xi32, #tpu.memory_space<vmem>>, vector<16xi32>,
      tpu.vector_store %arg15[%swap3A_447], %add3A_446 {strides = array<i32>} : memref<80xi32, #tpu.memory_space<vmem>>, vector<16xi32>,
      %get3A_449 = arith.constant 48 : index
      %get3A_450 = tpu.vector_load %arg11[%get3A_449] {strides = array<i32>} : memref<80xi32, #tpu.memory_space<vmem>>, vector<16xi32>,
      %mul3A_451 = arith.constant 10000 : i32
      %mul3A_452 = vector.broadcast %mul3A_451 : i32 to vector<16xi32>
      %mul3A_453 = arith.muli %get3A_450, %mul3A_452 : vector<16xi32>
      %get3A_454 = arith.constant 48 : index
      %get3A_455 = tpu.vector_load %arg7[%get3A_454] {strides = array<i32>} : memref<80xi32, #tpu.memory_space<vmem>>, vector<16xi32>,
      %add3A_456 = arith.addi %mul3A_453, %get3A_455 : vector<16xi32>
      %get3A_457 = arith.constant 48 : index
      %get3A_458 = tpu.vector_load %arg9[%get3A_457] {strides = array<i32>} : memref<80xi32, #tpu.memory_space<vmem>>, vector<16xi32>,
      %shift_left3A_459 = arith.constant 16 : i32
      %shift_left3A_460 = vector.broadcast %shift_left3A_459 : i32 to vector<16xi32>
      %shift_left3A_461 = arith.shli %get3A_458, %shift_left3A_460 : vector<16xi32>
      %or3A_462 = arith.ori %add3A_456, %shift_left3A_461 : vector<16xi32>
      %shift_left3A_463 = arith.constant 30 : i32
      %shift_left3A_464 = vector.broadcast %shift_left3A_463 : i32 to vector<16xi32>
      %shift_left3A_465 = arith.shli %get3A_450, %shift_left3A_464 : vector<16xi32>
      %or3A_466 = arith.ori %or3A_462, %shift_left3A_465 : vector<16xi32>
      %swap3A_467 = arith.constant 48 : index
      %swap3A_468 = tpu.vector_load %arg13[%swap3A_467] {strides = array<i32>} : memref<80xi32, #tpu.memory_space<vmem>>, vector<16xi32>,
      tpu.vector_store %arg13[%swap3A_467], %or3A_466 {strides = array<i32>} : memref<80xi32, #tpu.memory_space<vmem>>, vector<16xi32>,
      %get3A_469 = arith.constant 48 : index
      %get3A_470 = tpu.vector_load %arg9[%get3A_469] {strides = array<i32>} : memref<80xi32, #tpu.memory_space<vmem>>, vector<16xi32>,
      %add3A_471 = arith.addi %mul3A_453, %get3A_470 : vector<16xi32>
      %swap3A_472 = arith.constant 48 : index
      %swap3A_473 = tpu.vector_load %arg15[%swap3A_472] {strides = array<i32>} : memref<80xi32, #tpu.memory_space<vmem>>, vector<16xi32>,
      tpu.vector_store %arg15[%swap3A_472], %add3A_471 {strides = array<i32>} : memref<80xi32, #tpu.memory_space<vmem>>, vector<16xi32>,
      %get3A_474 = arith.constant 64 : index
      %get3A_475 = tpu.vector_load %arg11[%get3A_474] {strides = array<i32>} : memref<80xi32, #tpu.memory_space<vmem>>, vector<16xi32>,
      %mul3A_476 = arith.constant 10000 : i32
      %mul3A_477 = vector.broadcast %mul3A_476 : i32 to vector<16xi32>
      %mul3A_478 = arith.muli %get3A_475, %mul3A_477 : vector<16xi32>
      %get3A_479 = arith.constant 64 : index
      %get3A_480 = tpu.vector_load %arg7[%get3A_479] {strides = array<i32>} : memref<80xi32, #tpu.memory_space<vmem>>, vector<16xi32>,
      %add3A_481 = arith.addi %mul3A_478, %get3A_480 : vector<16xi32>
      %get3A_482 = arith.constant 64 : index
      %get3A_483 = tpu.vector_load %arg9[%get3A_482] {strides = array<i32>} : memref<80xi32, #tpu.memory_space<vmem>>, vector<16xi32>,
      %shift_left3A_484 = arith.constant 16 : i32
      %shift_left3A_485 = vector.broadcast %shift_left3A_484 : i32 to vector<16xi32>
      %shift_left3A_486 = arith.shli %get3A_483, %shift_left3A_485 : vector<16xi32>
      %or3A_487 = arith.ori %add3A_481, %shift_left3A_486 : vector<16xi32>
      %shift_left3A_488 = arith.constant 30 : i32
      %shift_left3A_489 = vector.broadcast %shift_left3A_488 : i32 to vector<16xi32>
      %shift_left3A_490 = arith.shli %get3A_475, %shift_left3A_489 : vector<16xi32>
      %or3A_491 = arith.ori %or3A_487, %shift_left3A_490 : vector<16xi32>
      %swap3A_492 = arith.constant 64 : index
      %swap3A_493 = tpu.vector_load %arg13[%swap3A_492] {strides = array<i32>} : memref<80xi32, #tpu.memory_space<vmem>>, vector<16xi32>,
      tpu.vector_store %arg13[%swap3A_492], %or3A_491 {strides = array<i32>} : memref<80xi32, #tpu.memory_space<vmem>>, vector<16xi32>,
      %get3A_494 = arith.constant 64 : index
      %get3A_495 = tpu.vector_load %arg9[%get3A_494] {strides = array<i32>} : memref<80xi32, #tpu.memory_space<vmem>>, vector<16xi32>,
      %add3A_496 = arith.addi %mul3A_478, %get3A_495 : vector<16xi32>
      %swap3A_497 = arith.constant 64 : index
      %swap3A_498 = tpu.vector_load %arg15[%swap3A_497] {strides = array<i32>} : memref<80xi32, #tpu.memory_space<vmem>>, vector<16xi32>,
      tpu.vector_store %arg15[%swap3A_497], %add3A_496 {strides = array<i32>} : memref<80xi32, #tpu.memory_space<vmem>>, vector<16xi32>,
      %dma_start3A_499 = tpu.memref_slice %arg5[%add3A_353] : memref<320000xi32, #tpu.memory_space<hbm>> -> memref<80xi32, #tpu.memory_space<hbm>>
      %dma_start3A_500 = tpu.memref_slice %arg5[%add3A_353] : memref<320000xi32, #tpu.memory_space<hbm>> -> memref<80xi32, #tpu.memory_space<hbm>>
      tpu.enqueue_dma source(%arg13 : memref<80xi32, #tpu.memory_space<vmem>>) target(%dma_start3A_500 : memref<80xi32, #tpu.memory_space<hbm>>) target_semaphore(%arg22 : memref<!tpu.dma_semaphore, #tpu.memory_space<semaphore_mem>>)
      %dma_start3A_501 = arith.constant 0 : i32
      %dma_start3A_502 = tpu.memref_slice %arg19[%dma_start3A_501] : memref<40960xf32, #tpu.memory_space<vmem_shared>> -> memref<40960xf32, #tpu.memory_space<vmem_shared>>
      tpu.enqueue_indirect_dma source(%arg17 : memref<80xf32, #tpu.memory_space<vmem>>) target(%dma_start3A_502 : memref<40960xf32, #tpu.memory_space<vmem_shared>>) offsets(%arg15 : memref<80xi32, #tpu.memory_space<vmem>>) semaphore(%arg24 : memref<!tpu.dma_semaphore, #tpu.memory_space<semaphore_mem>>) {add = true}
      %scan3A_503 = arith.constant 0 : i32
      scf.yield %scan3A_503 : i32
    }
    %scan3A_175 = arith.constant 62 : i32
    %add3A_176 = arith.constant 9840 : i32
    %add3A_177 = arith.addi %mul3A_2, %add3A_176 : i32
    %dma_wait3A_178 = tpu.memref_slice %arg5[%add3A_177] : memref<320000xi32, #tpu.memory_space<hbm>> -> memref<80xi32, #tpu.memory_space<hbm>>
    %dma_wait3A_179 = tpu.memref_slice %arg5[%add3A_177] : memref<320000xi32, #tpu.memory_space<hbm>> -> memref<80xi32, #tpu.memory_space<hbm>>
    tpu.wait_dma2 semaphore(%arg23 : memref<!tpu.dma_semaphore, #tpu.memory_space<semaphore_mem>>) src(%arg14 : memref<80xi32, #tpu.memory_space<vmem>>) dst(%dma_wait3A_179 : memref<80xi32, #tpu.memory_space<hbm>>)
    %dma_wait3A_180 = arith.constant 0 : i32
    %dma_wait3A_181 = tpu.memref_slice %arg19[%dma_wait3A_180] : memref<40960xf32, #tpu.memory_space<vmem_shared>> -> memref<40960xf32, #tpu.memory_space<vmem_shared>>
    tpu.wait_indirect_dma semaphore(%arg25 : memref<!tpu.dma_semaphore, #tpu.memory_space<semaphore_mem>>) src(%arg17 : memref<80xf32, #tpu.memory_space<vmem>>) dst(%dma_wait3A_181 : memref<40960xf32, #tpu.memory_space<vmem_shared>>)
    %add3A_182 = arith.constant 9920 : i32
    %add3A_183 = arith.addi %mul3A_2, %add3A_182 : i32
    %dma_wait3A_184 = tpu.memref_slice %arg5[%add3A_183] : memref<320000xi32, #tpu.memory_space<hbm>> -> memref<80xi32, #tpu.memory_space<hbm>>
    %dma_wait3A_185 = tpu.memref_slice %arg5[%add3A_183] : memref<320000xi32, #tpu.memory_space<hbm>> -> memref<80xi32, #tpu.memory_space<hbm>>
    tpu.wait_dma2 semaphore(%arg22 : memref<!tpu.dma_semaphore, #tpu.memory_space<semaphore_mem>>) src(%arg13 : memref<80xi32, #tpu.memory_space<vmem>>) dst(%dma_wait3A_185 : memref<80xi32, #tpu.memory_space<hbm>>)
    %dma_wait3A_186 = arith.constant 0 : i32
    %dma_wait3A_187 = tpu.memref_slice %arg19[%dma_wait3A_186] : memref<40960xf32, #tpu.memory_space<vmem_shared>> -> memref<40960xf32, #tpu.memory_space<vmem_shared>>
    tpu.wait_indirect_dma semaphore(%arg24 : memref<!tpu.dma_semaphore, #tpu.memory_space<semaphore_mem>>) src(%arg17 : memref<80xf32, #tpu.memory_space<vmem>>) dst(%dma_wait3A_187 : memref<40960xf32, #tpu.memory_space<vmem_shared>>)
    %barrier3A_188 = arith.constant 0 : index
    tpu.barrier barrier_id(%barrier3A_188)
    %mul3A_189 = arith.constant 2560 : i32
    %mul3A_190 = arith.muli %arg1, %mul3A_189 : i32
    %mul3A_191 = arith.constant 2560 : i32
    %mul3A_192 = arith.muli %arg1, %mul3A_191 : i32
    "tpu.region"() ({
      %run_scoped3A = tpu.sem_alloc : memref<!tpu.dma_semaphore, #tpu.memory_space<semaphore_mem>>
      %dma_start3A_193 = tpu.memref_slice %arg6[%arg0, %mul3A_192] : memref<2x40960xf32, #tpu.memory_space<hbm>> -> memref<1x2560xf32, #tpu.memory_space<hbm>>
      %dma_start3A_194 = tpu.memref_squeeze %dma_start3A_193 : memref<1x2560xf32, #tpu.memory_space<hbm>> -> memref<2560xf32, #tpu.memory_space<hbm>>
      %dma_start3A_195 = tpu.memref_slice %arg19[%mul3A_190] : memref<40960xf32, #tpu.memory_space<vmem_shared>> -> memref<2560xf32, #tpu.memory_space<vmem_shared>>
      tpu.enqueue_dma source(%dma_start3A_195 : memref<2560xf32, #tpu.memory_space<vmem_shared>>) target(%dma_start3A_194 : memref<2560xf32, #tpu.memory_space<hbm>>) target_semaphore(%run_scoped3A : memref<!tpu.dma_semaphore, #tpu.memory_space<semaphore_mem>>)
      %dma_wait3A_196 = tpu.memref_slice %arg6[%arg0, %mul3A_192] : memref<2x40960xf32, #tpu.memory_space<hbm>> -> memref<1x2560xf32, #tpu.memory_space<hbm>>
      %dma_wait3A_197 = tpu.memref_squeeze %dma_wait3A_196 : memref<1x2560xf32, #tpu.memory_space<hbm>> -> memref<2560xf32, #tpu.memory_space<hbm>>
      %dma_wait3A_198 = tpu.memref_slice %arg19[%mul3A_190] : memref<40960xf32, #tpu.memory_space<vmem_shared>> -> memref<2560xf32, #tpu.memory_space<vmem_shared>>
      tpu.wait_dma2 semaphore(%run_scoped3A : memref<!tpu.dma_semaphore, #tpu.memory_space<semaphore_mem>>) src(%dma_wait3A_198 : memref<2560xf32, #tpu.memory_space<vmem_shared>>) dst(%dma_wait3A_197 : memref<2560xf32, #tpu.memory_space<hbm>>)
      tpu.yield
    }) : () -> ()
    return
  }
}

#map = affine_map<(d0, d1) -> (0, 0)>
#map1 = affine_map<(d0, d1) -> (0)>
#map2 = affine_map<(d0, d1) -> (0, 0, 0)>
module attributes {stable_mosaic.version = 14 : i64} {
  func.func @msg_kernel(%arg0: i32, %arg1: i32, %arg2: memref<50000x128xf32, #tpu.memory_space<hbm>>, %arg3: memref<320000xi32, #tpu.memory_space<hbm>>, %arg4: memref<40960xf32, #tpu.memory_space<hbm>>, %arg5: memref<2x10240x128xf32, #tpu.memory_space<hbm>>, %arg6: memref<320000xf32, #tpu.memory_space<hbm>>, %arg7: memref<10000xi32, #tpu.memory_space<vmem>>, %arg8: memref<10016xf32, #tpu.memory_space<vmem>>, %arg9: memref<80xi32, #tpu.memory_space<vmem>>, %arg10: memref<80xi32, #tpu.memory_space<vmem>>, %arg11: memref<80xi32, #tpu.memory_space<vmem>>, %arg12: memref<80xi32, #tpu.memory_space<vmem>>, %arg13: memref<80xi32, #tpu.memory_space<vmem>>, %arg14: memref<80xi32, #tpu.memory_space<vmem>>, %arg15: memref<96xf32, #tpu.memory_space<vmem>>, %arg16: memref<96xf32, #tpu.memory_space<vmem>>, %arg17: memref<80x128xf32, #tpu.memory_space<vmem>>, %arg18: memref<80x128xf32, #tpu.memory_space<vmem>>, %arg19: memref<10240x128xf32, #tpu.memory_space<vmem_shared>>, %arg20: memref<!tpu.dma_semaphore, #tpu.memory_space<semaphore_mem>>, %arg21: memref<!tpu.dma_semaphore, #tpu.memory_space<semaphore_mem>>, %arg22: memref<!tpu.dma_semaphore, #tpu.memory_space<semaphore_mem>>, %arg23: memref<!tpu.dma_semaphore, #tpu.memory_space<semaphore_mem>>, %arg24: memref<!tpu.dma_semaphore, #tpu.memory_space<semaphore_mem>>, %arg25: memref<!tpu.dma_semaphore, #tpu.memory_space<semaphore_mem>>, %arg26: memref<!tpu.dma_semaphore, #tpu.memory_space<semaphore_mem>>, %arg27: memref<!tpu.dma_semaphore, #tpu.memory_space<semaphore_mem>>) attributes {dimension_semantics = [#tpu.dimension_semantics<core_parallel>, #tpu.dimension_semantics<subcore_parallel>], iteration_bounds = array<i64: 2, 16>, scalar_prefetch = 0 : i64, scratch_operands = 21 : i64, tpu.core_type = #tpu.core_type<sc_vector_subcore>, window_params = [{transform_indices = #map}, {transform_indices = #map1}, {transform_indices = #map1}, {transform_indices = #map2}, {transform_indices = #map1}]} {
    %mul3A = arith.constant 16 : i32
    %mul3A_0 = arith.muli %arg0, %mul3A : i32
    %add3A = arith.addi %mul3A_0, %arg1 : i32
    %mul3A_1 = arith.constant 10000 : i32
    %mul3A_2 = arith.muli %add3A, %mul3A_1 : i32
    %broadcast_in_dim3A = arith.constant 0.000000e+00 : f32
    %broadcast_in_dim3A_3 = vector.broadcast %broadcast_in_dim3A : f32 to vector<16xf32>
    %scan3A = arith.constant 0 : i32
    %scan3A_4 = arith.constant 0 : i32
    %scan3A_5 = arith.constant 80 : i32
    %scan3A_6 = arith.addi %scan3A_4, %scan3A_5 : i32
    %scan3A_7 = arith.constant 1 : i32
    %scan3A_8 = scf.for %scan3A_337 = %scan3A_4 to %scan3A_6 step %scan3A_7 iter_args(%scan3A_338 = %scan3A) -> (i32)  : i32 {
      %swap3A_339 = arith.index_cast %scan3A_337 : i32 to index
      %swap3A_340 = arith.constant 0 : index
      %swap3A_341 = tpu.vector_load %arg18[%swap3A_339, %swap3A_340] {strides = array<i32>} : memref<80x128xf32, #tpu.memory_space<vmem>>, vector<16xf32>,
      tpu.vector_store %arg18[%swap3A_339, %swap3A_340], %broadcast_in_dim3A_3 {strides = array<i32>} : memref<80x128xf32, #tpu.memory_space<vmem>>, vector<16xf32>,
      %swap3A_342 = arith.index_cast %scan3A_337 : i32 to index
      %swap3A_343 = arith.constant 16 : index
      %swap3A_344 = tpu.vector_load %arg18[%swap3A_342, %swap3A_343] {strides = array<i32>} : memref<80x128xf32, #tpu.memory_space<vmem>>, vector<16xf32>,
      tpu.vector_store %arg18[%swap3A_342, %swap3A_343], %broadcast_in_dim3A_3 {strides = array<i32>} : memref<80x128xf32, #tpu.memory_space<vmem>>, vector<16xf32>,
      %swap3A_345 = arith.index_cast %scan3A_337 : i32 to index
      %swap3A_346 = arith.constant 32 : index
      %swap3A_347 = tpu.vector_load %arg18[%swap3A_345, %swap3A_346] {strides = array<i32>} : memref<80x128xf32, #tpu.memory_space<vmem>>, vector<16xf32>,
      tpu.vector_store %arg18[%swap3A_345, %swap3A_346], %broadcast_in_dim3A_3 {strides = array<i32>} : memref<80x128xf32, #tpu.memory_space<vmem>>, vector<16xf32>,
      %swap3A_348 = arith.index_cast %scan3A_337 : i32 to index
      %swap3A_349 = arith.constant 48 : index
      %swap3A_350 = tpu.vector_load %arg18[%swap3A_348, %swap3A_349] {strides = array<i32>} : memref<80x128xf32, #tpu.memory_space<vmem>>, vector<16xf32>,
      tpu.vector_store %arg18[%swap3A_348, %swap3A_349], %broadcast_in_dim3A_3 {strides = array<i32>} : memref<80x128xf32, #tpu.memory_space<vmem>>, vector<16xf32>,
      %swap3A_351 = arith.index_cast %scan3A_337 : i32 to index
      %swap3A_352 = arith.constant 64 : index
      %swap3A_353 = tpu.vector_load %arg18[%swap3A_351, %swap3A_352] {strides = array<i32>} : memref<80x128xf32, #tpu.memory_space<vmem>>, vector<16xf32>,
      tpu.vector_store %arg18[%swap3A_351, %swap3A_352], %broadcast_in_dim3A_3 {strides = array<i32>} : memref<80x128xf32, #tpu.memory_space<vmem>>, vector<16xf32>,
      %swap3A_354 = arith.index_cast %scan3A_337 : i32 to index
      %swap3A_355 = arith.constant 80 : index
      %swap3A_356 = tpu.vector_load %arg18[%swap3A_354, %swap3A_355] {strides = array<i32>} : memref<80x128xf32, #tpu.memory_space<vmem>>, vector<16xf32>,
      tpu.vector_store %arg18[%swap3A_354, %swap3A_355], %broadcast_in_dim3A_3 {strides = array<i32>} : memref<80x128xf32, #tpu.memory_space<vmem>>, vector<16xf32>,
      %swap3A_357 = arith.index_cast %scan3A_337 : i32 to index
      %swap3A_358 = arith.constant 96 : index
      %swap3A_359 = tpu.vector_load %arg18[%swap3A_357, %swap3A_358] {strides = array<i32>} : memref<80x128xf32, #tpu.memory_space<vmem>>, vector<16xf32>,
      tpu.vector_store %arg18[%swap3A_357, %swap3A_358], %broadcast_in_dim3A_3 {strides = array<i32>} : memref<80x128xf32, #tpu.memory_space<vmem>>, vector<16xf32>,
      %swap3A_360 = arith.index_cast %scan3A_337 : i32 to index
      %swap3A_361 = arith.constant 112 : index
      %swap3A_362 = tpu.vector_load %arg18[%swap3A_360, %swap3A_361] {strides = array<i32>} : memref<80x128xf32, #tpu.memory_space<vmem>>, vector<16xf32>,
      tpu.vector_store %arg18[%swap3A_360, %swap3A_361], %broadcast_in_dim3A_3 {strides = array<i32>} : memref<80x128xf32, #tpu.memory_space<vmem>>, vector<16xf32>,
      %scan3A_363 = arith.constant 0 : i32
      scf.yield %scan3A_363 : i32
    }
    %scan3A_9 = arith.constant 80 : i32
    %mul3A_10 = arith.constant 640 : i32
    %mul3A_11 = arith.muli %arg1, %mul3A_10 : i32
    %add3A_12 = arith.constant 0 : i32
    %add3A_13 = arith.addi %mul3A_11, %add3A_12 : i32
    "tpu.region"() ({
      %run_scoped3A = tpu.sem_alloc : memref<!tpu.dma_semaphore, #tpu.memory_space<semaphore_mem>>
      %dma_start3A_337 = arith.constant 0 : i32
      %dma_start3A_338 = tpu.memref_slice %arg19[%add3A_13, %dma_start3A_337] : memref<10240x128xf32, #tpu.memory_space<vmem_shared>> -> memref<80x128xf32, #tpu.memory_space<vmem_shared>>
      %dma_start3A_339 = arith.constant 0 : i32
      %dma_start3A_340 = tpu.memref_slice %arg19[%add3A_13, %dma_start3A_339] : memref<10240x128xf32, #tpu.memory_space<vmem_shared>> -> memref<80x128xf32, #tpu.memory_space<vmem_shared>>
      tpu.enqueue_dma source(%arg18 : memref<80x128xf32, #tpu.memory_space<vmem>>) target(%dma_start3A_340 : memref<80x128xf32, #tpu.memory_space<vmem_shared>>) target_semaphore(%run_scoped3A : memref<!tpu.dma_semaphore, #tpu.memory_space<semaphore_mem>>)
      %dma_wait3A_341 = arith.constant 0 : i32
      %dma_wait3A_342 = tpu.memref_slice %arg19[%add3A_13, %dma_wait3A_341] : memref<10240x128xf32, #tpu.memory_space<vmem_shared>> -> memref<80x128xf32, #tpu.memory_space<vmem_shared>>
      %dma_wait3A_343 = arith.constant 0 : i32
      %dma_wait3A_344 = tpu.memref_slice %arg19[%add3A_13, %dma_wait3A_343] : memref<10240x128xf32, #tpu.memory_space<vmem_shared>> -> memref<80x128xf32, #tpu.memory_space<vmem_shared>>
      tpu.wait_dma2 semaphore(%run_scoped3A : memref<!tpu.dma_semaphore, #tpu.memory_space<semaphore_mem>>) src(%arg18 : memref<80x128xf32, #tpu.memory_space<vmem>>) dst(%dma_wait3A_344 : memref<80x128xf32, #tpu.memory_space<vmem_shared>>)
      tpu.yield
    }) : () -> ()
    %mul3A_14 = arith.constant 640 : i32
    %mul3A_15 = arith.muli %arg1, %mul3A_14 : i32
    %add3A_16 = arith.constant 80 : i32
    %add3A_17 = arith.addi %mul3A_15, %add3A_16 : i32
    "tpu.region"() ({
      %run_scoped3A = tpu.sem_alloc : memref<!tpu.dma_semaphore, #tpu.memory_space<semaphore_mem>>
      %dma_start3A_337 = arith.constant 0 : i32
      %dma_start3A_338 = tpu.memref_slice %arg19[%add3A_17, %dma_start3A_337] : memref<10240x128xf32, #tpu.memory_space<vmem_shared>> -> memref<80x128xf32, #tpu.memory_space<vmem_shared>>
      %dma_start3A_339 = arith.constant 0 : i32
      %dma_start3A_340 = tpu.memref_slice %arg19[%add3A_17, %dma_start3A_339] : memref<10240x128xf32, #tpu.memory_space<vmem_shared>> -> memref<80x128xf32, #tpu.memory_space<vmem_shared>>
      tpu.enqueue_dma source(%arg18 : memref<80x128xf32, #tpu.memory_space<vmem>>) target(%dma_start3A_340 : memref<80x128xf32, #tpu.memory_space<vmem_shared>>) target_semaphore(%run_scoped3A : memref<!tpu.dma_semaphore, #tpu.memory_space<semaphore_mem>>)
      %dma_wait3A_341 = arith.constant 0 : i32
      %dma_wait3A_342 = tpu.memref_slice %arg19[%add3A_17, %dma_wait3A_341] : memref<10240x128xf32, #tpu.memory_space<vmem_shared>> -> memref<80x128xf32, #tpu.memory_space<vmem_shared>>
      %dma_wait3A_343 = arith.constant 0 : i32
      %dma_wait3A_344 = tpu.memref_slice %arg19[%add3A_17, %dma_wait3A_343] : memref<10240x128xf32, #tpu.memory_space<vmem_shared>> -> memref<80x128xf32, #tpu.memory_space<vmem_shared>>
      tpu.wait_dma2 semaphore(%run_scoped3A : memref<!tpu.dma_semaphore, #tpu.memory_space<semaphore_mem>>) src(%arg18 : memref<80x128xf32, #tpu.memory_space<vmem>>) dst(%dma_wait3A_344 : memref<80x128xf32, #tpu.memory_space<vmem_shared>>)
      tpu.yield
    }) : () -> ()
    %mul3A_18 = arith.constant 640 : i32
    %mul3A_19 = arith.muli %arg1, %mul3A_18 : i32
    %add3A_20 = arith.constant 160 : i32
    %add3A_21 = arith.addi %mul3A_19, %add3A_20 : i32
    "tpu.region"() ({
      %run_scoped3A = tpu.sem_alloc : memref<!tpu.dma_semaphore, #tpu.memory_space<semaphore_mem>>
      %dma_start3A_337 = arith.constant 0 : i32
      %dma_start3A_338 = tpu.memref_slice %arg19[%add3A_21, %dma_start3A_337] : memref<10240x128xf32, #tpu.memory_space<vmem_shared>> -> memref<80x128xf32, #tpu.memory_space<vmem_shared>>
      %dma_start3A_339 = arith.constant 0 : i32
      %dma_start3A_340 = tpu.memref_slice %arg19[%add3A_21, %dma_start3A_339] : memref<10240x128xf32, #tpu.memory_space<vmem_shared>> -> memref<80x128xf32, #tpu.memory_space<vmem_shared>>
      tpu.enqueue_dma source(%arg18 : memref<80x128xf32, #tpu.memory_space<vmem>>) target(%dma_start3A_340 : memref<80x128xf32, #tpu.memory_space<vmem_shared>>) target_semaphore(%run_scoped3A : memref<!tpu.dma_semaphore, #tpu.memory_space<semaphore_mem>>)
      %dma_wait3A_341 = arith.constant 0 : i32
      %dma_wait3A_342 = tpu.memref_slice %arg19[%add3A_21, %dma_wait3A_341] : memref<10240x128xf32, #tpu.memory_space<vmem_shared>> -> memref<80x128xf32, #tpu.memory_space<vmem_shared>>
      %dma_wait3A_343 = arith.constant 0 : i32
      %dma_wait3A_344 = tpu.memref_slice %arg19[%add3A_21, %dma_wait3A_343] : memref<10240x128xf32, #tpu.memory_space<vmem_shared>> -> memref<80x128xf32, #tpu.memory_space<vmem_shared>>
      tpu.wait_dma2 semaphore(%run_scoped3A : memref<!tpu.dma_semaphore, #tpu.memory_space<semaphore_mem>>) src(%arg18 : memref<80x128xf32, #tpu.memory_space<vmem>>) dst(%dma_wait3A_344 : memref<80x128xf32, #tpu.memory_space<vmem_shared>>)
      tpu.yield
    }) : () -> ()
    %mul3A_22 = arith.constant 640 : i32
    %mul3A_23 = arith.muli %arg1, %mul3A_22 : i32
    %add3A_24 = arith.constant 240 : i32
    %add3A_25 = arith.addi %mul3A_23, %add3A_24 : i32
    "tpu.region"() ({
      %run_scoped3A = tpu.sem_alloc : memref<!tpu.dma_semaphore, #tpu.memory_space<semaphore_mem>>
      %dma_start3A_337 = arith.constant 0 : i32
      %dma_start3A_338 = tpu.memref_slice %arg19[%add3A_25, %dma_start3A_337] : memref<10240x128xf32, #tpu.memory_space<vmem_shared>> -> memref<80x128xf32, #tpu.memory_space<vmem_shared>>
      %dma_start3A_339 = arith.constant 0 : i32
      %dma_start3A_340 = tpu.memref_slice %arg19[%add3A_25, %dma_start3A_339] : memref<10240x128xf32, #tpu.memory_space<vmem_shared>> -> memref<80x128xf32, #tpu.memory_space<vmem_shared>>
      tpu.enqueue_dma source(%arg18 : memref<80x128xf32, #tpu.memory_space<vmem>>) target(%dma_start3A_340 : memref<80x128xf32, #tpu.memory_space<vmem_shared>>) target_semaphore(%run_scoped3A : memref<!tpu.dma_semaphore, #tpu.memory_space<semaphore_mem>>)
      %dma_wait3A_341 = arith.constant 0 : i32
      %dma_wait3A_342 = tpu.memref_slice %arg19[%add3A_25, %dma_wait3A_341] : memref<10240x128xf32, #tpu.memory_space<vmem_shared>> -> memref<80x128xf32, #tpu.memory_space<vmem_shared>>
      %dma_wait3A_343 = arith.constant 0 : i32
      %dma_wait3A_344 = tpu.memref_slice %arg19[%add3A_25, %dma_wait3A_343] : memref<10240x128xf32, #tpu.memory_space<vmem_shared>> -> memref<80x128xf32, #tpu.memory_space<vmem_shared>>
      tpu.wait_dma2 semaphore(%run_scoped3A : memref<!tpu.dma_semaphore, #tpu.memory_space<semaphore_mem>>) src(%arg18 : memref<80x128xf32, #tpu.memory_space<vmem>>) dst(%dma_wait3A_344 : memref<80x128xf32, #tpu.memory_space<vmem_shared>>)
      tpu.yield
    }) : () -> ()
    %mul3A_26 = arith.constant 640 : i32
    %mul3A_27 = arith.muli %arg1, %mul3A_26 : i32
    %add3A_28 = arith.constant 320 : i32
    %add3A_29 = arith.addi %mul3A_27, %add3A_28 : i32
    "tpu.region"() ({
      %run_scoped3A = tpu.sem_alloc : memref<!tpu.dma_semaphore, #tpu.memory_space<semaphore_mem>>
      %dma_start3A_337 = arith.constant 0 : i32
      %dma_start3A_338 = tpu.memref_slice %arg19[%add3A_29, %dma_start3A_337] : memref<10240x128xf32, #tpu.memory_space<vmem_shared>> -> memref<80x128xf32, #tpu.memory_space<vmem_shared>>
      %dma_start3A_339 = arith.constant 0 : i32
      %dma_start3A_340 = tpu.memref_slice %arg19[%add3A_29, %dma_start3A_339] : memref<10240x128xf32, #tpu.memory_space<vmem_shared>> -> memref<80x128xf32, #tpu.memory_space<vmem_shared>>
      tpu.enqueue_dma source(%arg18 : memref<80x128xf32, #tpu.memory_space<vmem>>) target(%dma_start3A_340 : memref<80x128xf32, #tpu.memory_space<vmem_shared>>) target_semaphore(%run_scoped3A : memref<!tpu.dma_semaphore, #tpu.memory_space<semaphore_mem>>)
      %dma_wait3A_341 = arith.constant 0 : i32
      %dma_wait3A_342 = tpu.memref_slice %arg19[%add3A_29, %dma_wait3A_341] : memref<10240x128xf32, #tpu.memory_space<vmem_shared>> -> memref<80x128xf32, #tpu.memory_space<vmem_shared>>
      %dma_wait3A_343 = arith.constant 0 : i32
      %dma_wait3A_344 = tpu.memref_slice %arg19[%add3A_29, %dma_wait3A_343] : memref<10240x128xf32, #tpu.memory_space<vmem_shared>> -> memref<80x128xf32, #tpu.memory_space<vmem_shared>>
      tpu.wait_dma2 semaphore(%run_scoped3A : memref<!tpu.dma_semaphore, #tpu.memory_space<semaphore_mem>>) src(%arg18 : memref<80x128xf32, #tpu.memory_space<vmem>>) dst(%dma_wait3A_344 : memref<80x128xf32, #tpu.memory_space<vmem_shared>>)
      tpu.yield
    }) : () -> ()
    %mul3A_30 = arith.constant 640 : i32
    %mul3A_31 = arith.muli %arg1, %mul3A_30 : i32
    %add3A_32 = arith.constant 400 : i32
    %add3A_33 = arith.addi %mul3A_31, %add3A_32 : i32
    "tpu.region"() ({
      %run_scoped3A = tpu.sem_alloc : memref<!tpu.dma_semaphore, #tpu.memory_space<semaphore_mem>>
      %dma_start3A_337 = arith.constant 0 : i32
      %dma_start3A_338 = tpu.memref_slice %arg19[%add3A_33, %dma_start3A_337] : memref<10240x128xf32, #tpu.memory_space<vmem_shared>> -> memref<80x128xf32, #tpu.memory_space<vmem_shared>>
      %dma_start3A_339 = arith.constant 0 : i32
      %dma_start3A_340 = tpu.memref_slice %arg19[%add3A_33, %dma_start3A_339] : memref<10240x128xf32, #tpu.memory_space<vmem_shared>> -> memref<80x128xf32, #tpu.memory_space<vmem_shared>>
      tpu.enqueue_dma source(%arg18 : memref<80x128xf32, #tpu.memory_space<vmem>>) target(%dma_start3A_340 : memref<80x128xf32, #tpu.memory_space<vmem_shared>>) target_semaphore(%run_scoped3A : memref<!tpu.dma_semaphore, #tpu.memory_space<semaphore_mem>>)
      %dma_wait3A_341 = arith.constant 0 : i32
      %dma_wait3A_342 = tpu.memref_slice %arg19[%add3A_33, %dma_wait3A_341] : memref<10240x128xf32, #tpu.memory_space<vmem_shared>> -> memref<80x128xf32, #tpu.memory_space<vmem_shared>>
      %dma_wait3A_343 = arith.constant 0 : i32
      %dma_wait3A_344 = tpu.memref_slice %arg19[%add3A_33, %dma_wait3A_343] : memref<10240x128xf32, #tpu.memory_space<vmem_shared>> -> memref<80x128xf32, #tpu.memory_space<vmem_shared>>
      tpu.wait_dma2 semaphore(%run_scoped3A : memref<!tpu.dma_semaphore, #tpu.memory_space<semaphore_mem>>) src(%arg18 : memref<80x128xf32, #tpu.memory_space<vmem>>) dst(%dma_wait3A_344 : memref<80x128xf32, #tpu.memory_space<vmem_shared>>)
      tpu.yield
    }) : () -> ()
    %mul3A_34 = arith.constant 640 : i32
    %mul3A_35 = arith.muli %arg1, %mul3A_34 : i32
    %add3A_36 = arith.constant 480 : i32
    %add3A_37 = arith.addi %mul3A_35, %add3A_36 : i32
    "tpu.region"() ({
      %run_scoped3A = tpu.sem_alloc : memref<!tpu.dma_semaphore, #tpu.memory_space<semaphore_mem>>
      %dma_start3A_337 = arith.constant 0 : i32
      %dma_start3A_338 = tpu.memref_slice %arg19[%add3A_37, %dma_start3A_337] : memref<10240x128xf32, #tpu.memory_space<vmem_shared>> -> memref<80x128xf32, #tpu.memory_space<vmem_shared>>
      %dma_start3A_339 = arith.constant 0 : i32
      %dma_start3A_340 = tpu.memref_slice %arg19[%add3A_37, %dma_start3A_339] : memref<10240x128xf32, #tpu.memory_space<vmem_shared>> -> memref<80x128xf32, #tpu.memory_space<vmem_shared>>
      tpu.enqueue_dma source(%arg18 : memref<80x128xf32, #tpu.memory_space<vmem>>) target(%dma_start3A_340 : memref<80x128xf32, #tpu.memory_space<vmem_shared>>) target_semaphore(%run_scoped3A : memref<!tpu.dma_semaphore, #tpu.memory_space<semaphore_mem>>)
      %dma_wait3A_341 = arith.constant 0 : i32
      %dma_wait3A_342 = tpu.memref_slice %arg19[%add3A_37, %dma_wait3A_341] : memref<10240x128xf32, #tpu.memory_space<vmem_shared>> -> memref<80x128xf32, #tpu.memory_space<vmem_shared>>
      %dma_wait3A_343 = arith.constant 0 : i32
      %dma_wait3A_344 = tpu.memref_slice %arg19[%add3A_37, %dma_wait3A_343] : memref<10240x128xf32, #tpu.memory_space<vmem_shared>> -> memref<80x128xf32, #tpu.memory_space<vmem_shared>>
      tpu.wait_dma2 semaphore(%run_scoped3A : memref<!tpu.dma_semaphore, #tpu.memory_space<semaphore_mem>>) src(%arg18 : memref<80x128xf32, #tpu.memory_space<vmem>>) dst(%dma_wait3A_344 : memref<80x128xf32, #tpu.memory_space<vmem_shared>>)
      tpu.yield
    }) : () -> ()
    %mul3A_38 = arith.constant 640 : i32
    %mul3A_39 = arith.muli %arg1, %mul3A_38 : i32
    %add3A_40 = arith.constant 560 : i32
    %add3A_41 = arith.addi %mul3A_39, %add3A_40 : i32
    "tpu.region"() ({
      %run_scoped3A = tpu.sem_alloc : memref<!tpu.dma_semaphore, #tpu.memory_space<semaphore_mem>>
      %dma_start3A_337 = arith.constant 0 : i32
      %dma_start3A_338 = tpu.memref_slice %arg19[%add3A_41, %dma_start3A_337] : memref<10240x128xf32, #tpu.memory_space<vmem_shared>> -> memref<80x128xf32, #tpu.memory_space<vmem_shared>>
      %dma_start3A_339 = arith.constant 0 : i32
      %dma_start3A_340 = tpu.memref_slice %arg19[%add3A_41, %dma_start3A_339] : memref<10240x128xf32, #tpu.memory_space<vmem_shared>> -> memref<80x128xf32, #tpu.memory_space<vmem_shared>>
      tpu.enqueue_dma source(%arg18 : memref<80x128xf32, #tpu.memory_space<vmem>>) target(%dma_start3A_340 : memref<80x128xf32, #tpu.memory_space<vmem_shared>>) target_semaphore(%run_scoped3A : memref<!tpu.dma_semaphore, #tpu.memory_space<semaphore_mem>>)
      %dma_wait3A_341 = arith.constant 0 : i32
      %dma_wait3A_342 = tpu.memref_slice %arg19[%add3A_41, %dma_wait3A_341] : memref<10240x128xf32, #tpu.memory_space<vmem_shared>> -> memref<80x128xf32, #tpu.memory_space<vmem_shared>>
      %dma_wait3A_343 = arith.constant 0 : i32
      %dma_wait3A_344 = tpu.memref_slice %arg19[%add3A_41, %dma_wait3A_343] : memref<10240x128xf32, #tpu.memory_space<vmem_shared>> -> memref<80x128xf32, #tpu.memory_space<vmem_shared>>
      tpu.wait_dma2 semaphore(%run_scoped3A : memref<!tpu.dma_semaphore, #tpu.memory_space<semaphore_mem>>) src(%arg18 : memref<80x128xf32, #tpu.memory_space<vmem>>) dst(%dma_wait3A_344 : memref<80x128xf32, #tpu.memory_space<vmem_shared>>)
      tpu.yield
    }) : () -> ()
    "tpu.region"() ({
      %run_scoped3A = tpu.sem_alloc : memref<!tpu.dma_semaphore, #tpu.memory_space<semaphore_mem>>
      %dma_start3A_337 = tpu.memref_slice %arg3[%mul3A_2] : memref<320000xi32, #tpu.memory_space<hbm>> -> memref<10000xi32, #tpu.memory_space<hbm>>
      %dma_start3A_338 = tpu.memref_slice %arg3[%mul3A_2] : memref<320000xi32, #tpu.memory_space<hbm>> -> memref<10000xi32, #tpu.memory_space<hbm>>
      tpu.enqueue_dma source(%dma_start3A_338 : memref<10000xi32, #tpu.memory_space<hbm>>) target(%arg7 : memref<10000xi32, #tpu.memory_space<vmem>>) target_semaphore(%run_scoped3A : memref<!tpu.dma_semaphore, #tpu.memory_space<semaphore_mem>>)
      %dma_wait3A_339 = tpu.memref_slice %arg3[%mul3A_2] : memref<320000xi32, #tpu.memory_space<hbm>> -> memref<10000xi32, #tpu.memory_space<hbm>>
      %dma_wait3A_340 = tpu.memref_slice %arg3[%mul3A_2] : memref<320000xi32, #tpu.memory_space<hbm>> -> memref<10000xi32, #tpu.memory_space<hbm>>
      tpu.wait_dma2 semaphore(%run_scoped3A : memref<!tpu.dma_semaphore, #tpu.memory_space<semaphore_mem>>) src(%dma_wait3A_340 : memref<10000xi32, #tpu.memory_space<hbm>>) dst(%arg7 : memref<10000xi32, #tpu.memory_space<vmem>>)
      tpu.yield
    }) : () -> ()
    %get3A = arith.constant 0 : index
    %get3A_42 = tpu.vector_load %arg7[%get3A] {strides = array<i32>} : memref<10000xi32, #tpu.memory_space<vmem>>, vector<16xi32>,
    %and3A = arith.constant 65535 : i32
    %and3A_43 = vector.broadcast %and3A : i32 to vector<16xi32>
    %and3A_44 = arith.andi %get3A_42, %and3A_43 : vector<16xi32>
    %swap3A = arith.constant 0 : index
    %swap3A_45 = tpu.vector_load %arg9[%swap3A] {strides = array<i32>} : memref<80xi32, #tpu.memory_space<vmem>>, vector<16xi32>,
    tpu.vector_store %arg9[%swap3A], %and3A_44 {strides = array<i32>} : memref<80xi32, #tpu.memory_space<vmem>>, vector<16xi32>,
    %shift_right_logical3A = arith.constant 16 : i32
    %shift_right_logical3A_46 = vector.broadcast %shift_right_logical3A : i32 to vector<16xi32>
    %shift_right_logical3A_47 = arith.shrui %get3A_42, %shift_right_logical3A_46 : vector<16xi32>
    %and3A_48 = arith.constant 16383 : i32
    %and3A_49 = vector.broadcast %and3A_48 : i32 to vector<16xi32>
    %and3A_50 = arith.andi %shift_right_logical3A_47, %and3A_49 : vector<16xi32>
    %swap3A_51 = arith.constant 0 : index
    %swap3A_52 = tpu.vector_load %arg11[%swap3A_51] {strides = array<i32>} : memref<80xi32, #tpu.memory_space<vmem>>, vector<16xi32>,
    tpu.vector_store %arg11[%swap3A_51], %and3A_50 {strides = array<i32>} : memref<80xi32, #tpu.memory_space<vmem>>, vector<16xi32>,
    %shift_right_logical3A_53 = arith.constant 30 : i32
    %shift_right_logical3A_54 = vector.broadcast %shift_right_logical3A_53 : i32 to vector<16xi32>
    %shift_right_logical3A_55 = arith.shrui %get3A_42, %shift_right_logical3A_54 : vector<16xi32>
    %mul3A_56 = arith.constant 10000 : i32
    %mul3A_57 = vector.broadcast %mul3A_56 : i32 to vector<16xi32>
    %mul3A_58 = arith.muli %shift_right_logical3A_55, %mul3A_57 : vector<16xi32>
    %add3A_59 = arith.addi %mul3A_58, %and3A_50 : vector<16xi32>
    %swap3A_60 = arith.constant 0 : index
    %swap3A_61 = tpu.vector_load %arg13[%swap3A_60] {strides = array<i32>} : memref<80xi32, #tpu.memory_space<vmem>>, vector<16xi32>,
    tpu.vector_store %arg13[%swap3A_60], %add3A_59 {strides = array<i32>} : memref<80xi32, #tpu.memory_space<vmem>>, vector<16xi32>,
    %get3A_62 = arith.constant 16 : index
    %get3A_63 = tpu.vector_load %arg7[%get3A_62] {strides = array<i32>} : memref<10000xi32, #tpu.memory_space<vmem>>, vector<16xi32>,
    %and3A_64 = arith.constant 65535 : i32
    %and3A_65 = vector.broadcast %and3A_64 : i32 to vector<16xi32>
    %and3A_66 = arith.andi %get3A_63, %and3A_65 : vector<16xi32>
    %swap3A_67 = arith.constant 16 : index
    %swap3A_68 = tpu.vector_load %arg9[%swap3A_67] {strides = array<i32>} : memref<80xi32, #tpu.memory_space<vmem>>, vector<16xi32>,
    tpu.vector_store %arg9[%swap3A_67], %and3A_66 {strides = array<i32>} : memref<80xi32, #tpu.memory_space<vmem>>, vector<16xi32>,
    %shift_right_logical3A_69 = arith.constant 16 : i32
    %shift_right_logical3A_70 = vector.broadcast %shift_right_logical3A_69 : i32 to vector<16xi32>
    %shift_right_logical3A_71 = arith.shrui %get3A_63, %shift_right_logical3A_70 : vector<16xi32>
    %and3A_72 = arith.constant 16383 : i32
    %and3A_73 = vector.broadcast %and3A_72 : i32 to vector<16xi32>
    %and3A_74 = arith.andi %shift_right_logical3A_71, %and3A_73 : vector<16xi32>
    %swap3A_75 = arith.constant 16 : index
    %swap3A_76 = tpu.vector_load %arg11[%swap3A_75] {strides = array<i32>} : memref<80xi32, #tpu.memory_space<vmem>>, vector<16xi32>,
    tpu.vector_store %arg11[%swap3A_75], %and3A_74 {strides = array<i32>} : memref<80xi32, #tpu.memory_space<vmem>>, vector<16xi32>,
    %shift_right_logical3A_77 = arith.constant 30 : i32
    %shift_right_logical3A_78 = vector.broadcast %shift_right_logical3A_77 : i32 to vector<16xi32>
    %shift_right_logical3A_79 = arith.shrui %get3A_63, %shift_right_logical3A_78 : vector<16xi32>
    %mul3A_80 = arith.constant 10000 : i32
    %mul3A_81 = vector.broadcast %mul3A_80 : i32 to vector<16xi32>
    %mul3A_82 = arith.muli %shift_right_logical3A_79, %mul3A_81 : vector<16xi32>
    %add3A_83 = arith.addi %mul3A_82, %and3A_74 : vector<16xi32>
    %swap3A_84 = arith.constant 16 : index
    %swap3A_85 = tpu.vector_load %arg13[%swap3A_84] {strides = array<i32>} : memref<80xi32, #tpu.memory_space<vmem>>, vector<16xi32>,
    tpu.vector_store %arg13[%swap3A_84], %add3A_83 {strides = array<i32>} : memref<80xi32, #tpu.memory_space<vmem>>, vector<16xi32>,
    %get3A_86 = arith.constant 32 : index
    %get3A_87 = tpu.vector_load %arg7[%get3A_86] {strides = array<i32>} : memref<10000xi32, #tpu.memory_space<vmem>>, vector<16xi32>,
    %and3A_88 = arith.constant 65535 : i32
    %and3A_89 = vector.broadcast %and3A_88 : i32 to vector<16xi32>
    %and3A_90 = arith.andi %get3A_87, %and3A_89 : vector<16xi32>
    %swap3A_91 = arith.constant 32 : index
    %swap3A_92 = tpu.vector_load %arg9[%swap3A_91] {strides = array<i32>} : memref<80xi32, #tpu.memory_space<vmem>>, vector<16xi32>,
    tpu.vector_store %arg9[%swap3A_91], %and3A_90 {strides = array<i32>} : memref<80xi32, #tpu.memory_space<vmem>>, vector<16xi32>,
    %shift_right_logical3A_93 = arith.constant 16 : i32
    %shift_right_logical3A_94 = vector.broadcast %shift_right_logical3A_93 : i32 to vector<16xi32>
    %shift_right_logical3A_95 = arith.shrui %get3A_87, %shift_right_logical3A_94 : vector<16xi32>
    %and3A_96 = arith.constant 16383 : i32
    %and3A_97 = vector.broadcast %and3A_96 : i32 to vector<16xi32>
    %and3A_98 = arith.andi %shift_right_logical3A_95, %and3A_97 : vector<16xi32>
    %swap3A_99 = arith.constant 32 : index
    %swap3A_100 = tpu.vector_load %arg11[%swap3A_99] {strides = array<i32>} : memref<80xi32, #tpu.memory_space<vmem>>, vector<16xi32>,
    tpu.vector_store %arg11[%swap3A_99], %and3A_98 {strides = array<i32>} : memref<80xi32, #tpu.memory_space<vmem>>, vector<16xi32>,
    %shift_right_logical3A_101 = arith.constant 30 : i32
    %shift_right_logical3A_102 = vector.broadcast %shift_right_logical3A_101 : i32 to vector<16xi32>
    %shift_right_logical3A_103 = arith.shrui %get3A_87, %shift_right_logical3A_102 : vector<16xi32>
    %mul3A_104 = arith.constant 10000 : i32
    %mul3A_105 = vector.broadcast %mul3A_104 : i32 to vector<16xi32>
    %mul3A_106 = arith.muli %shift_right_logical3A_103, %mul3A_105 : vector<16xi32>
    %add3A_107 = arith.addi %mul3A_106, %and3A_98 : vector<16xi32>
    %swap3A_108 = arith.constant 32 : index
    %swap3A_109 = tpu.vector_load %arg13[%swap3A_108] {strides = array<i32>} : memref<80xi32, #tpu.memory_space<vmem>>, vector<16xi32>,
    tpu.vector_store %arg13[%swap3A_108], %add3A_107 {strides = array<i32>} : memref<80xi32, #tpu.memory_space<vmem>>, vector<16xi32>,
    %get3A_110 = arith.constant 48 : index
    %get3A_111 = tpu.vector_load %arg7[%get3A_110] {strides = array<i32>} : memref<10000xi32, #tpu.memory_space<vmem>>, vector<16xi32>,
    %and3A_112 = arith.constant 65535 : i32
    %and3A_113 = vector.broadcast %and3A_112 : i32 to vector<16xi32>
    %and3A_114 = arith.andi %get3A_111, %and3A_113 : vector<16xi32>
    %swap3A_115 = arith.constant 48 : index
    %swap3A_116 = tpu.vector_load %arg9[%swap3A_115] {strides = array<i32>} : memref<80xi32, #tpu.memory_space<vmem>>, vector<16xi32>,
    tpu.vector_store %arg9[%swap3A_115], %and3A_114 {strides = array<i32>} : memref<80xi32, #tpu.memory_space<vmem>>, vector<16xi32>,
    %shift_right_logical3A_117 = arith.constant 16 : i32
    %shift_right_logical3A_118 = vector.broadcast %shift_right_logical3A_117 : i32 to vector<16xi32>
    %shift_right_logical3A_119 = arith.shrui %get3A_111, %shift_right_logical3A_118 : vector<16xi32>
    %and3A_120 = arith.constant 16383 : i32
    %and3A_121 = vector.broadcast %and3A_120 : i32 to vector<16xi32>
    %and3A_122 = arith.andi %shift_right_logical3A_119, %and3A_121 : vector<16xi32>
    %swap3A_123 = arith.constant 48 : index
    %swap3A_124 = tpu.vector_load %arg11[%swap3A_123] {strides = array<i32>} : memref<80xi32, #tpu.memory_space<vmem>>, vector<16xi32>,
    tpu.vector_store %arg11[%swap3A_123], %and3A_122 {strides = array<i32>} : memref<80xi32, #tpu.memory_space<vmem>>, vector<16xi32>,
    %shift_right_logical3A_125 = arith.constant 30 : i32
    %shift_right_logical3A_126 = vector.broadcast %shift_right_logical3A_125 : i32 to vector<16xi32>
    %shift_right_logical3A_127 = arith.shrui %get3A_111, %shift_right_logical3A_126 : vector<16xi32>
    %mul3A_128 = arith.constant 10000 : i32
    %mul3A_129 = vector.broadcast %mul3A_128 : i32 to vector<16xi32>
    %mul3A_130 = arith.muli %shift_right_logical3A_127, %mul3A_129 : vector<16xi32>
    %add3A_131 = arith.addi %mul3A_130, %and3A_122 : vector<16xi32>
    %swap3A_132 = arith.constant 48 : index
    %swap3A_133 = tpu.vector_load %arg13[%swap3A_132] {strides = array<i32>} : memref<80xi32, #tpu.memory_space<vmem>>, vector<16xi32>,
    tpu.vector_store %arg13[%swap3A_132], %add3A_131 {strides = array<i32>} : memref<80xi32, #tpu.memory_space<vmem>>, vector<16xi32>,
    %get3A_134 = arith.constant 64 : index
    %get3A_135 = tpu.vector_load %arg7[%get3A_134] {strides = array<i32>} : memref<10000xi32, #tpu.memory_space<vmem>>, vector<16xi32>,
    %and3A_136 = arith.constant 65535 : i32
    %and3A_137 = vector.broadcast %and3A_136 : i32 to vector<16xi32>
    %and3A_138 = arith.andi %get3A_135, %and3A_137 : vector<16xi32>
    %swap3A_139 = arith.constant 64 : index
    %swap3A_140 = tpu.vector_load %arg9[%swap3A_139] {strides = array<i32>} : memref<80xi32, #tpu.memory_space<vmem>>, vector<16xi32>,
    tpu.vector_store %arg9[%swap3A_139], %and3A_138 {strides = array<i32>} : memref<80xi32, #tpu.memory_space<vmem>>, vector<16xi32>,
    %shift_right_logical3A_141 = arith.constant 16 : i32
    %shift_right_logical3A_142 = vector.broadcast %shift_right_logical3A_141 : i32 to vector<16xi32>
    %shift_right_logical3A_143 = arith.shrui %get3A_135, %shift_right_logical3A_142 : vector<16xi32>
    %and3A_144 = arith.constant 16383 : i32
    %and3A_145 = vector.broadcast %and3A_144 : i32 to vector<16xi32>
    %and3A_146 = arith.andi %shift_right_logical3A_143, %and3A_145 : vector<16xi32>
    %swap3A_147 = arith.constant 64 : index
    %swap3A_148 = tpu.vector_load %arg11[%swap3A_147] {strides = array<i32>} : memref<80xi32, #tpu.memory_space<vmem>>, vector<16xi32>,
    tpu.vector_store %arg11[%swap3A_147], %and3A_146 {strides = array<i32>} : memref<80xi32, #tpu.memory_space<vmem>>, vector<16xi32>,
    %shift_right_logical3A_149 = arith.constant 30 : i32
    %shift_right_logical3A_150 = vector.broadcast %shift_right_logical3A_149 : i32 to vector<16xi32>
    %shift_right_logical3A_151 = arith.shrui %get3A_135, %shift_right_logical3A_150 : vector<16xi32>
    %mul3A_152 = arith.constant 10000 : i32
    %mul3A_153 = vector.broadcast %mul3A_152 : i32 to vector<16xi32>
    %mul3A_154 = arith.muli %shift_right_logical3A_151, %mul3A_153 : vector<16xi32>
    %add3A_155 = arith.addi %mul3A_154, %and3A_146 : vector<16xi32>
    %swap3A_156 = arith.constant 64 : index
    %swap3A_157 = tpu.vector_load %arg13[%swap3A_156] {strides = array<i32>} : memref<80xi32, #tpu.memory_space<vmem>>, vector<16xi32>,
    tpu.vector_store %arg13[%swap3A_156], %add3A_155 {strides = array<i32>} : memref<80xi32, #tpu.memory_space<vmem>>, vector<16xi32>,
    %dma_start3A = arith.constant 0 : i32
    %dma_start3A_158 = arith.constant 0 : i32
    %dma_start3A_159 = tpu.memref_slice %arg2[%dma_start3A, %dma_start3A_158] : memref<50000x128xf32, #tpu.memory_space<hbm>> -> memref<50000x128xf32, #tpu.memory_space<hbm>>
    tpu.enqueue_indirect_dma source(%dma_start3A_159 : memref<50000x128xf32, #tpu.memory_space<hbm>>) target(%arg17 : memref<80x128xf32, #tpu.memory_space<vmem>>) offsets(%arg9 : memref<80xi32, #tpu.memory_space<vmem>>) semaphore(%arg20 : memref<!tpu.dma_semaphore, #tpu.memory_space<semaphore_mem>>)
    %barrier3A = arith.constant 0 : index
    tpu.barrier barrier_id(%barrier3A)
    %dma_wait3A = arith.constant 0 : i32
    %dma_wait3A_160 = arith.constant 0 : i32
    %dma_wait3A_161 = tpu.memref_slice %arg2[%dma_wait3A, %dma_wait3A_160] : memref<50000x128xf32, #tpu.memory_space<hbm>> -> memref<50000x128xf32, #tpu.memory_space<hbm>>
    tpu.wait_indirect_dma semaphore(%arg20 : memref<!tpu.dma_semaphore, #tpu.memory_space<semaphore_mem>>) src(%dma_wait3A_161 : memref<50000x128xf32, #tpu.memory_space<hbm>>) dst(%arg17 : memref<80x128xf32, #tpu.memory_space<vmem>>)
    %dma_start3A_162 = arith.constant 0 : i32
    %dma_start3A_163 = tpu.memref_slice %arg15[%dma_start3A_162] : memref<96xf32, #tpu.memory_space<vmem>> -> memref<80xf32, #tpu.memory_space<vmem>>
    %dma_start3A_164 = arith.constant 0 : i32
    %dma_start3A_165 = tpu.memref_slice %arg4[%dma_start3A_164] : memref<40960xf32, #tpu.memory_space<hbm>> -> memref<40960xf32, #tpu.memory_space<hbm>>
    tpu.enqueue_indirect_dma source(%dma_start3A_165 : memref<40960xf32, #tpu.memory_space<hbm>>) target(%dma_start3A_163 : memref<80xf32, #tpu.memory_space<vmem>>) offsets(%arg13 : memref<80xi32, #tpu.memory_space<vmem>>) semaphore(%arg24 : memref<!tpu.dma_semaphore, #tpu.memory_space<semaphore_mem>>)
    %get3A_166 = arith.constant 80 : index
    %get3A_167 = tpu.vector_load %arg7[%get3A_166] {strides = array<i32>} : memref<10000xi32, #tpu.memory_space<vmem>>, vector<16xi32>,
    %and3A_168 = arith.constant 65535 : i32
    %and3A_169 = vector.broadcast %and3A_168 : i32 to vector<16xi32>
    %and3A_170 = arith.andi %get3A_167, %and3A_169 : vector<16xi32>
    %swap3A_171 = arith.constant 0 : index
    %swap3A_172 = tpu.vector_load %arg10[%swap3A_171] {strides = array<i32>} : memref<80xi32, #tpu.memory_space<vmem>>, vector<16xi32>,
    tpu.vector_store %arg10[%swap3A_171], %and3A_170 {strides = array<i32>} : memref<80xi32, #tpu.memory_space<vmem>>, vector<16xi32>,
    %shift_right_logical3A_173 = arith.constant 16 : i32
    %shift_right_logical3A_174 = vector.broadcast %shift_right_logical3A_173 : i32 to vector<16xi32>
    %shift_right_logical3A_175 = arith.shrui %get3A_167, %shift_right_logical3A_174 : vector<16xi32>
    %and3A_176 = arith.constant 16383 : i32
    %and3A_177 = vector.broadcast %and3A_176 : i32 to vector<16xi32>
    %and3A_178 = arith.andi %shift_right_logical3A_175, %and3A_177 : vector<16xi32>
    %swap3A_179 = arith.constant 0 : index
    %swap3A_180 = tpu.vector_load %arg12[%swap3A_179] {strides = array<i32>} : memref<80xi32, #tpu.memory_space<vmem>>, vector<16xi32>,
    tpu.vector_store %arg12[%swap3A_179], %and3A_178 {strides = array<i32>} : memref<80xi32, #tpu.memory_space<vmem>>, vector<16xi32>,
    %shift_right_logical3A_181 = arith.constant 30 : i32
    %shift_right_logical3A_182 = vector.broadcast %shift_right_logical3A_181 : i32 to vector<16xi32>
    %shift_right_logical3A_183 = arith.shrui %get3A_167, %shift_right_logical3A_182 : vector<16xi32>
    %mul3A_184 = arith.constant 10000 : i32
    %mul3A_185 = vector.broadcast %mul3A_184 : i32 to vector<16xi32>
    %mul3A_186 = arith.muli %shift_right_logical3A_183, %mul3A_185 : vector<16xi32>
    %add3A_187 = arith.addi %mul3A_186, %and3A_178 : vector<16xi32>
    %swap3A_188 = arith.constant 0 : index
    %swap3A_189 = tpu.vector_load %arg14[%swap3A_188] {strides = array<i32>} : memref<80xi32, #tpu.memory_space<vmem>>, vector<16xi32>,
    tpu.vector_store %arg14[%swap3A_188], %add3A_187 {strides = array<i32>} : memref<80xi32, #tpu.memory_space<vmem>>, vector<16xi32>,
    %get3A_190 = arith.constant 96 : index
    %get3A_191 = tpu.vector_load %arg7[%get3A_190] {strides = array<i32>} : memref<10000xi32, #tpu.memory_space<vmem>>, vector<16xi32>,
    %and3A_192 = arith.constant 65535 : i32
    %and3A_193 = vector.broadcast %and3A_192 : i32 to vector<16xi32>
    %and3A_194 = arith.andi %get3A_191, %and3A_193 : vector<16xi32>
    %swap3A_195 = arith.constant 16 : index
    %swap3A_196 = tpu.vector_load %arg10[%swap3A_195] {strides = array<i32>} : memref<80xi32, #tpu.memory_space<vmem>>, vector<16xi32>,
    tpu.vector_store %arg10[%swap3A_195], %and3A_194 {strides = array<i32>} : memref<80xi32, #tpu.memory_space<vmem>>, vector<16xi32>,
    %shift_right_logical3A_197 = arith.constant 16 : i32
    %shift_right_logical3A_198 = vector.broadcast %shift_right_logical3A_197 : i32 to vector<16xi32>
    %shift_right_logical3A_199 = arith.shrui %get3A_191, %shift_right_logical3A_198 : vector<16xi32>
    %and3A_200 = arith.constant 16383 : i32
    %and3A_201 = vector.broadcast %and3A_200 : i32 to vector<16xi32>
    %and3A_202 = arith.andi %shift_right_logical3A_199, %and3A_201 : vector<16xi32>
    %swap3A_203 = arith.constant 16 : index
    %swap3A_204 = tpu.vector_load %arg12[%swap3A_203] {strides = array<i32>} : memref<80xi32, #tpu.memory_space<vmem>>, vector<16xi32>,
    tpu.vector_store %arg12[%swap3A_203], %and3A_202 {strides = array<i32>} : memref<80xi32, #tpu.memory_space<vmem>>, vector<16xi32>,
    %shift_right_logical3A_205 = arith.constant 30 : i32
    %shift_right_logical3A_206 = vector.broadcast %shift_right_logical3A_205 : i32 to vector<16xi32>
    %shift_right_logical3A_207 = arith.shrui %get3A_191, %shift_right_logical3A_206 : vector<16xi32>
    %mul3A_208 = arith.constant 10000 : i32
    %mul3A_209 = vector.broadcast %mul3A_208 : i32 to vector<16xi32>
    %mul3A_210 = arith.muli %shift_right_logical3A_207, %mul3A_209 : vector<16xi32>
    %add3A_211 = arith.addi %mul3A_210, %and3A_202 : vector<16xi32>
    %swap3A_212 = arith.constant 16 : index
    %swap3A_213 = tpu.vector_load %arg14[%swap3A_212] {strides = array<i32>} : memref<80xi32, #tpu.memory_space<vmem>>, vector<16xi32>,
    tpu.vector_store %arg14[%swap3A_212], %add3A_211 {strides = array<i32>} : memref<80xi32, #tpu.memory_space<vmem>>, vector<16xi32>,
    %get3A_214 = arith.constant 112 : index
    %get3A_215 = tpu.vector_load %arg7[%get3A_214] {strides = array<i32>} : memref<10000xi32, #tpu.memory_space<vmem>>, vector<16xi32>,
    %and3A_216 = arith.constant 65535 : i32
    %and3A_217 = vector.broadcast %and3A_216 : i32 to vector<16xi32>
    %and3A_218 = arith.andi %get3A_215, %and3A_217 : vector<16xi32>
    %swap3A_219 = arith.constant 32 : index
    %swap3A_220 = tpu.vector_load %arg10[%swap3A_219] {strides = array<i32>} : memref<80xi32, #tpu.memory_space<vmem>>, vector<16xi32>,
    tpu.vector_store %arg10[%swap3A_219], %and3A_218 {strides = array<i32>} : memref<80xi32, #tpu.memory_space<vmem>>, vector<16xi32>,
    %shift_right_logical3A_221 = arith.constant 16 : i32
    %shift_right_logical3A_222 = vector.broadcast %shift_right_logical3A_221 : i32 to vector<16xi32>
    %shift_right_logical3A_223 = arith.shrui %get3A_215, %shift_right_logical3A_222 : vector<16xi32>
    %and3A_224 = arith.constant 16383 : i32
    %and3A_225 = vector.broadcast %and3A_224 : i32 to vector<16xi32>
    %and3A_226 = arith.andi %shift_right_logical3A_223, %and3A_225 : vector<16xi32>
    %swap3A_227 = arith.constant 32 : index
    %swap3A_228 = tpu.vector_load %arg12[%swap3A_227] {strides = array<i32>} : memref<80xi32, #tpu.memory_space<vmem>>, vector<16xi32>,
    tpu.vector_store %arg12[%swap3A_227], %and3A_226 {strides = array<i32>} : memref<80xi32, #tpu.memory_space<vmem>>, vector<16xi32>,
    %shift_right_logical3A_229 = arith.constant 30 : i32
    %shift_right_logical3A_230 = vector.broadcast %shift_right_logical3A_229 : i32 to vector<16xi32>
    %shift_right_logical3A_231 = arith.shrui %get3A_215, %shift_right_logical3A_230 : vector<16xi32>
    %mul3A_232 = arith.constant 10000 : i32
    %mul3A_233 = vector.broadcast %mul3A_232 : i32 to vector<16xi32>
    %mul3A_234 = arith.muli %shift_right_logical3A_231, %mul3A_233 : vector<16xi32>
    %add3A_235 = arith.addi %mul3A_234, %and3A_226 : vector<16xi32>
    %swap3A_236 = arith.constant 32 : index
    %swap3A_237 = tpu.vector_load %arg14[%swap3A_236] {strides = array<i32>} : memref<80xi32, #tpu.memory_space<vmem>>, vector<16xi32>,
    tpu.vector_store %arg14[%swap3A_236], %add3A_235 {strides = array<i32>} : memref<80xi32, #tpu.memory_space<vmem>>, vector<16xi32>,
    %get3A_238 = arith.constant 128 : index
    %get3A_239 = tpu.vector_load %arg7[%get3A_238] {strides = array<i32>} : memref<10000xi32, #tpu.memory_space<vmem>>, vector<16xi32>,
    %and3A_240 = arith.constant 65535 : i32
    %and3A_241 = vector.broadcast %and3A_240 : i32 to vector<16xi32>
    %and3A_242 = arith.andi %get3A_239, %and3A_241 : vector<16xi32>
    %swap3A_243 = arith.constant 48 : index
    %swap3A_244 = tpu.vector_load %arg10[%swap3A_243] {strides = array<i32>} : memref<80xi32, #tpu.memory_space<vmem>>, vector<16xi32>,
    tpu.vector_store %arg10[%swap3A_243], %and3A_242 {strides = array<i32>} : memref<80xi32, #tpu.memory_space<vmem>>, vector<16xi32>,
    %shift_right_logical3A_245 = arith.constant 16 : i32
    %shift_right_logical3A_246 = vector.broadcast %shift_right_logical3A_245 : i32 to vector<16xi32>
    %shift_right_logical3A_247 = arith.shrui %get3A_239, %shift_right_logical3A_246 : vector<16xi32>
    %and3A_248 = arith.constant 16383 : i32
    %and3A_249 = vector.broadcast %and3A_248 : i32 to vector<16xi32>
    %and3A_250 = arith.andi %shift_right_logical3A_247, %and3A_249 : vector<16xi32>
    %swap3A_251 = arith.constant 48 : index
    %swap3A_252 = tpu.vector_load %arg12[%swap3A_251] {strides = array<i32>} : memref<80xi32, #tpu.memory_space<vmem>>, vector<16xi32>,
    tpu.vector_store %arg12[%swap3A_251], %and3A_250 {strides = array<i32>} : memref<80xi32, #tpu.memory_space<vmem>>, vector<16xi32>,
    %shift_right_logical3A_253 = arith.constant 30 : i32
    %shift_right_logical3A_254 = vector.broadcast %shift_right_logical3A_253 : i32 to vector<16xi32>
    %shift_right_logical3A_255 = arith.shrui %get3A_239, %shift_right_logical3A_254 : vector<16xi32>
    %mul3A_256 = arith.constant 10000 : i32
    %mul3A_257 = vector.broadcast %mul3A_256 : i32 to vector<16xi32>
    %mul3A_258 = arith.muli %shift_right_logical3A_255, %mul3A_257 : vector<16xi32>
    %add3A_259 = arith.addi %mul3A_258, %and3A_250 : vector<16xi32>
    %swap3A_260 = arith.constant 48 : index
    %swap3A_261 = tpu.vector_load %arg14[%swap3A_260] {strides = array<i32>} : memref<80xi32, #tpu.memory_space<vmem>>, vector<16xi32>,
    tpu.vector_store %arg14[%swap3A_260], %add3A_259 {strides = array<i32>} : memref<80xi32, #tpu.memory_space<vmem>>, vector<16xi32>,
    %get3A_262 = arith.constant 144 : index
    %get3A_263 = tpu.vector_load %arg7[%get3A_262] {strides = array<i32>} : memref<10000xi32, #tpu.memory_space<vmem>>, vector<16xi32>,
    %and3A_264 = arith.constant 65535 : i32
    %and3A_265 = vector.broadcast %and3A_264 : i32 to vector<16xi32>
    %and3A_266 = arith.andi %get3A_263, %and3A_265 : vector<16xi32>
    %swap3A_267 = arith.constant 64 : index
    %swap3A_268 = tpu.vector_load %arg10[%swap3A_267] {strides = array<i32>} : memref<80xi32, #tpu.memory_space<vmem>>, vector<16xi32>,
    tpu.vector_store %arg10[%swap3A_267], %and3A_266 {strides = array<i32>} : memref<80xi32, #tpu.memory_space<vmem>>, vector<16xi32>,
    %shift_right_logical3A_269 = arith.constant 16 : i32
    %shift_right_logical3A_270 = vector.broadcast %shift_right_logical3A_269 : i32 to vector<16xi32>
    %shift_right_logical3A_271 = arith.shrui %get3A_263, %shift_right_logical3A_270 : vector<16xi32>
    %and3A_272 = arith.constant 16383 : i32
    %and3A_273 = vector.broadcast %and3A_272 : i32 to vector<16xi32>
    %and3A_274 = arith.andi %shift_right_logical3A_271, %and3A_273 : vector<16xi32>
    %swap3A_275 = arith.constant 64 : index
    %swap3A_276 = tpu.vector_load %arg12[%swap3A_275] {strides = array<i32>} : memref<80xi32, #tpu.memory_space<vmem>>, vector<16xi32>,
    tpu.vector_store %arg12[%swap3A_275], %and3A_274 {strides = array<i32>} : memref<80xi32, #tpu.memory_space<vmem>>, vector<16xi32>,
    %shift_right_logical3A_277 = arith.constant 30 : i32
    %shift_right_logical3A_278 = vector.broadcast %shift_right_logical3A_277 : i32 to vector<16xi32>
    %shift_right_logical3A_279 = arith.shrui %get3A_263, %shift_right_logical3A_278 : vector<16xi32>
    %mul3A_280 = arith.constant 10000 : i32
    %mul3A_281 = vector.broadcast %mul3A_280 : i32 to vector<16xi32>
    %mul3A_282 = arith.muli %shift_right_logical3A_279, %mul3A_281 : vector<16xi32>
    %add3A_283 = arith.addi %mul3A_282, %and3A_274 : vector<16xi32>
    %swap3A_284 = arith.constant 64 : index
    %swap3A_285 = tpu.vector_load %arg14[%swap3A_284] {strides = array<i32>} : memref<80xi32, #tpu.memory_space<vmem>>, vector<16xi32>,
    tpu.vector_store %arg14[%swap3A_284], %add3A_283 {strides = array<i32>} : memref<80xi32, #tpu.memory_space<vmem>>, vector<16xi32>,
    %dma_start3A_286 = arith.constant 0 : i32
    %dma_start3A_287 = arith.constant 0 : i32
    %dma_start3A_288 = tpu.memref_slice %arg2[%dma_start3A_286, %dma_start3A_287] : memref<50000x128xf32, #tpu.memory_space<hbm>> -> memref<50000x128xf32, #tpu.memory_space<hbm>>
    tpu.enqueue_indirect_dma source(%dma_start3A_288 : memref<50000x128xf32, #tpu.memory_space<hbm>>) target(%arg18 : memref<80x128xf32, #tpu.memory_space<vmem>>) offsets(%arg10 : memref<80xi32, #tpu.memory_space<vmem>>) semaphore(%arg21 : memref<!tpu.dma_semaphore, #tpu.memory_space<semaphore_mem>>)
    %dma_wait3A_289 = arith.constant 0 : i32
    %dma_wait3A_290 = tpu.memref_slice %arg15[%dma_wait3A_289] : memref<96xf32, #tpu.memory_space<vmem>> -> memref<80xf32, #tpu.memory_space<vmem>>
    %dma_wait3A_291 = arith.constant 0 : i32
    %dma_wait3A_292 = tpu.memref_slice %arg4[%dma_wait3A_291] : memref<40960xf32, #tpu.memory_space<hbm>> -> memref<40960xf32, #tpu.memory_space<hbm>>
    tpu.wait_indirect_dma semaphore(%arg24 : memref<!tpu.dma_semaphore, #tpu.memory_space<semaphore_mem>>) src(%dma_wait3A_292 : memref<40960xf32, #tpu.memory_space<hbm>>) dst(%dma_wait3A_290 : memref<80xf32, #tpu.memory_space<vmem>>)
    %parallel_loop3A = arith.constant 0 : i32
    %parallel_loop3A_293 = arith.constant 80 : i32
    %parallel_loop3A_294 = arith.constant 1 : i32
    scf.for %parallel_loop3A_337 = %parallel_loop3A to %parallel_loop3A_293 step %parallel_loop3A_294  : i32 {
      %parallel_loop3A_338 = arith.index_cast %parallel_loop3A_337 : i32 to index
      %parallel_loop3A_339 = tpu.vector_load %arg15[%parallel_loop3A_338] {strides = array<i32>} : memref<96xf32, #tpu.memory_space<vmem>>, vector<16xf32>,
      %parallel_loop3A_340 = vector.extract_strided_slice %parallel_loop3A_339 {offsets = [0], sizes = [1], strides = [1]} : vector<16xf32> to vector<1xf32>
      %parallel_loop3A_341 = vector.extract %parallel_loop3A_340[0] : f32 from vector<1xf32>
      %parallel_loop3A_342 = arith.index_cast %parallel_loop3A_337 : i32 to index
      %parallel_loop3A_343 = arith.constant 0 : index
      %parallel_loop3A_344 = tpu.vector_load %arg17[%parallel_loop3A_342, %parallel_loop3A_343] {strides = array<i32>} : memref<80x128xf32, #tpu.memory_space<vmem>>, vector<16xf32>,
      %parallel_loop3A_345 = vector.broadcast %parallel_loop3A_341 : f32 to vector<16xf32>
      %parallel_loop3A_346 = arith.mulf %parallel_loop3A_344, %parallel_loop3A_345 : vector<16xf32>
      %parallel_loop3A_347 = arith.index_cast %parallel_loop3A_337 : i32 to index
      %parallel_loop3A_348 = arith.constant 0 : index
      %parallel_loop3A_349 = tpu.vector_load %arg17[%parallel_loop3A_347, %parallel_loop3A_348] {strides = array<i32>} : memref<80x128xf32, #tpu.memory_space<vmem>>, vector<16xf32>,
      tpu.vector_store %arg17[%parallel_loop3A_347, %parallel_loop3A_348], %parallel_loop3A_346 {strides = array<i32>} : memref<80x128xf32, #tpu.memory_space<vmem>>, vector<16xf32>,
      %parallel_loop3A_350 = arith.index_cast %parallel_loop3A_337 : i32 to index
      %parallel_loop3A_351 = arith.constant 16 : index
      %parallel_loop3A_352 = tpu.vector_load %arg17[%parallel_loop3A_350, %parallel_loop3A_351] {strides = array<i32>} : memref<80x128xf32, #tpu.memory_space<vmem>>, vector<16xf32>,
      %parallel_loop3A_353 = vector.broadcast %parallel_loop3A_341 : f32 to vector<16xf32>
      %parallel_loop3A_354 = arith.mulf %parallel_loop3A_352, %parallel_loop3A_353 : vector<16xf32>
      %parallel_loop3A_355 = arith.index_cast %parallel_loop3A_337 : i32 to index
      %parallel_loop3A_356 = arith.constant 16 : index
      %parallel_loop3A_357 = tpu.vector_load %arg17[%parallel_loop3A_355, %parallel_loop3A_356] {strides = array<i32>} : memref<80x128xf32, #tpu.memory_space<vmem>>, vector<16xf32>,
      tpu.vector_store %arg17[%parallel_loop3A_355, %parallel_loop3A_356], %parallel_loop3A_354 {strides = array<i32>} : memref<80x128xf32, #tpu.memory_space<vmem>>, vector<16xf32>,
      %parallel_loop3A_358 = arith.index_cast %parallel_loop3A_337 : i32 to index
      %parallel_loop3A_359 = arith.constant 32 : index
      %parallel_loop3A_360 = tpu.vector_load %arg17[%parallel_loop3A_358, %parallel_loop3A_359] {strides = array<i32>} : memref<80x128xf32, #tpu.memory_space<vmem>>, vector<16xf32>,
      %parallel_loop3A_361 = vector.broadcast %parallel_loop3A_341 : f32 to vector<16xf32>
      %parallel_loop3A_362 = arith.mulf %parallel_loop3A_360, %parallel_loop3A_361 : vector<16xf32>
      %parallel_loop3A_363 = arith.index_cast %parallel_loop3A_337 : i32 to index
      %parallel_loop3A_364 = arith.constant 32 : index
      %parallel_loop3A_365 = tpu.vector_load %arg17[%parallel_loop3A_363, %parallel_loop3A_364] {strides = array<i32>} : memref<80x128xf32, #tpu.memory_space<vmem>>, vector<16xf32>,
      tpu.vector_store %arg17[%parallel_loop3A_363, %parallel_loop3A_364], %parallel_loop3A_362 {strides = array<i32>} : memref<80x128xf32, #tpu.memory_space<vmem>>, vector<16xf32>,
      %parallel_loop3A_366 = arith.index_cast %parallel_loop3A_337 : i32 to index
      %parallel_loop3A_367 = arith.constant 48 : index
      %parallel_loop3A_368 = tpu.vector_load %arg17[%parallel_loop3A_366, %parallel_loop3A_367] {strides = array<i32>} : memref<80x128xf32, #tpu.memory_space<vmem>>, vector<16xf32>,
      %parallel_loop3A_369 = vector.broadcast %parallel_loop3A_341 : f32 to vector<16xf32>
      %parallel_loop3A_370 = arith.mulf %parallel_loop3A_368, %parallel_loop3A_369 : vector<16xf32>
      %parallel_loop3A_371 = arith.index_cast %parallel_loop3A_337 : i32 to index
      %parallel_loop3A_372 = arith.constant 48 : index
      %parallel_loop3A_373 = tpu.vector_load %arg17[%parallel_loop3A_371, %parallel_loop3A_372] {strides = array<i32>} : memref<80x128xf32, #tpu.memory_space<vmem>>, vector<16xf32>,
      tpu.vector_store %arg17[%parallel_loop3A_371, %parallel_loop3A_372], %parallel_loop3A_370 {strides = array<i32>} : memref<80x128xf32, #tpu.memory_space<vmem>>, vector<16xf32>,
      %parallel_loop3A_374 = arith.index_cast %parallel_loop3A_337 : i32 to index
      %parallel_loop3A_375 = arith.constant 64 : index
      %parallel_loop3A_376 = tpu.vector_load %arg17[%parallel_loop3A_374, %parallel_loop3A_375] {strides = array<i32>} : memref<80x128xf32, #tpu.memory_space<vmem>>, vector<16xf32>,
      %parallel_loop3A_377 = vector.broadcast %parallel_loop3A_341 : f32 to vector<16xf32>
      %parallel_loop3A_378 = arith.mulf %parallel_loop3A_376, %parallel_loop3A_377 : vector<16xf32>
      %parallel_loop3A_379 = arith.index_cast %parallel_loop3A_337 : i32 to index
      %parallel_loop3A_380 = arith.constant 64 : index
      %parallel_loop3A_381 = tpu.vector_load %arg17[%parallel_loop3A_379, %parallel_loop3A_380] {strides = array<i32>} : memref<80x128xf32, #tpu.memory_space<vmem>>, vector<16xf32>,
      tpu.vector_store %arg17[%parallel_loop3A_379, %parallel_loop3A_380], %parallel_loop3A_378 {strides = array<i32>} : memref<80x128xf32, #tpu.memory_space<vmem>>, vector<16xf32>,
      %parallel_loop3A_382 = arith.index_cast %parallel_loop3A_337 : i32 to index
      %parallel_loop3A_383 = arith.constant 80 : index
      %parallel_loop3A_384 = tpu.vector_load %arg17[%parallel_loop3A_382, %parallel_loop3A_383] {strides = array<i32>} : memref<80x128xf32, #tpu.memory_space<vmem>>, vector<16xf32>,
      %parallel_loop3A_385 = vector.broadcast %parallel_loop3A_341 : f32 to vector<16xf32>
      %parallel_loop3A_386 = arith.mulf %parallel_loop3A_384, %parallel_loop3A_385 : vector<16xf32>
      %parallel_loop3A_387 = arith.index_cast %parallel_loop3A_337 : i32 to index
      %parallel_loop3A_388 = arith.constant 80 : index
      %parallel_loop3A_389 = tpu.vector_load %arg17[%parallel_loop3A_387, %parallel_loop3A_388] {strides = array<i32>} : memref<80x128xf32, #tpu.memory_space<vmem>>, vector<16xf32>,
      tpu.vector_store %arg17[%parallel_loop3A_387, %parallel_loop3A_388], %parallel_loop3A_386 {strides = array<i32>} : memref<80x128xf32, #tpu.memory_space<vmem>>, vector<16xf32>,
      %parallel_loop3A_390 = arith.index_cast %parallel_loop3A_337 : i32 to index
      %parallel_loop3A_391 = arith.constant 96 : index
      %parallel_loop3A_392 = tpu.vector_load %arg17[%parallel_loop3A_390, %parallel_loop3A_391] {strides = array<i32>} : memref<80x128xf32, #tpu.memory_space<vmem>>, vector<16xf32>,
      %parallel_loop3A_393 = vector.broadcast %parallel_loop3A_341 : f32 to vector<16xf32>
      %parallel_loop3A_394 = arith.mulf %parallel_loop3A_392, %parallel_loop3A_393 : vector<16xf32>
      %parallel_loop3A_395 = arith.index_cast %parallel_loop3A_337 : i32 to index
      %parallel_loop3A_396 = arith.constant 96 : index
      %parallel_loop3A_397 = tpu.vector_load %arg17[%parallel_loop3A_395, %parallel_loop3A_396] {strides = array<i32>} : memref<80x128xf32, #tpu.memory_space<vmem>>, vector<16xf32>,
      tpu.vector_store %arg17[%parallel_loop3A_395, %parallel_loop3A_396], %parallel_loop3A_394 {strides = array<i32>} : memref<80x128xf32, #tpu.memory_space<vmem>>, vector<16xf32>,
      %parallel_loop3A_398 = arith.index_cast %parallel_loop3A_337 : i32 to index
      %parallel_loop3A_399 = arith.constant 112 : index
      %parallel_loop3A_400 = tpu.vector_load %arg17[%parallel_loop3A_398, %parallel_loop3A_399] {strides = array<i32>} : memref<80x128xf32, #tpu.memory_space<vmem>>, vector<16xf32>,
      %parallel_loop3A_401 = vector.broadcast %parallel_loop3A_341 : f32 to vector<16xf32>
      %parallel_loop3A_402 = arith.mulf %parallel_loop3A_400, %parallel_loop3A_401 : vector<16xf32>
      %parallel_loop3A_403 = arith.index_cast %parallel_loop3A_337 : i32 to index
      %parallel_loop3A_404 = arith.constant 112 : index
      %parallel_loop3A_405 = tpu.vector_load %arg17[%parallel_loop3A_403, %parallel_loop3A_404] {strides = array<i32>} : memref<80x128xf32, #tpu.memory_space<vmem>>, vector<16xf32>,
      tpu.vector_store %arg17[%parallel_loop3A_403, %parallel_loop3A_404], %parallel_loop3A_402 {strides = array<i32>} : memref<80x128xf32, #tpu.memory_space<vmem>>, vector<16xf32>,
    } {sc.loop_unroll_factor = 4 : i64, sc.parallel_access}
    %add3A_295 = arith.constant 0 : i32
    %add3A_296 = arith.addi %mul3A_2, %add3A_295 : i32
    %dma_start3A_297 = arith.constant 0 : i32
    %dma_start3A_298 = tpu.memref_slice %arg15[%dma_start3A_297] : memref<96xf32, #tpu.memory_space<vmem>> -> memref<80xf32, #tpu.memory_space<vmem>>
    %dma_start3A_299 = tpu.memref_slice %arg6[%add3A_296] : memref<320000xf32, #tpu.memory_space<hbm>> -> memref<80xf32, #tpu.memory_space<hbm>>
    %dma_start3A_300 = tpu.memref_slice %arg6[%add3A_296] : memref<320000xf32, #tpu.memory_space<hbm>> -> memref<80xf32, #tpu.memory_space<hbm>>
    %dma_start3A_301 = arith.constant 0 : i32
    %dma_start3A_302 = tpu.memref_slice %arg15[%dma_start3A_301] : memref<96xf32, #tpu.memory_space<vmem>> -> memref<80xf32, #tpu.memory_space<vmem>>
    tpu.enqueue_dma source(%dma_start3A_302 : memref<80xf32, #tpu.memory_space<vmem>>) target(%dma_start3A_300 : memref<80xf32, #tpu.memory_space<hbm>>) target_semaphore(%arg26 : memref<!tpu.dma_semaphore, #tpu.memory_space<semaphore_mem>>)
    %dma_start3A_303 = arith.constant 0 : i32
    %dma_start3A_304 = arith.constant 0 : i32
    %dma_start3A_305 = tpu.memref_slice %arg19[%dma_start3A_303, %dma_start3A_304] : memref<10240x128xf32, #tpu.memory_space<vmem_shared>> -> memref<10240x128xf32, #tpu.memory_space<vmem_shared>>
    tpu.enqueue_indirect_dma source(%arg17 : memref<80x128xf32, #tpu.memory_space<vmem>>) target(%dma_start3A_305 : memref<10240x128xf32, #tpu.memory_space<vmem_shared>>) offsets(%arg11 : memref<80xi32, #tpu.memory_space<vmem>>) semaphore(%arg22 : memref<!tpu.dma_semaphore, #tpu.memory_space<semaphore_mem>>) {add = true}
    %scan3A_306 = arith.constant 0 : i32
    %scan3A_307 = arith.constant 0 : i32
    %scan3A_308 = arith.constant 62 : i32
    %scan3A_309 = arith.addi %scan3A_307, %scan3A_308 : i32
    %scan3A_310 = arith.constant 1 : i32
    %scan3A_311 = scf.for %scan3A_337 = %scan3A_307 to %scan3A_309 step %scan3A_310 iter_args(%scan3A_338 = %scan3A_306) -> (i32)  : i32 {
      %mul3A_339 = arith.constant 2 : i32
      %mul3A_340 = arith.muli %mul3A_339, %scan3A_337 : i32
      %add3A_341 = arith.constant 1 : i32
      %add3A_342 = arith.addi %mul3A_340, %add3A_341 : i32
      %dma_wait3A_343 = arith.constant 0 : i32
      %dma_wait3A_344 = arith.constant 0 : i32
      %dma_wait3A_345 = tpu.memref_slice %arg2[%dma_wait3A_343, %dma_wait3A_344] : memref<50000x128xf32, #tpu.memory_space<hbm>> -> memref<50000x128xf32, #tpu.memory_space<hbm>>
      tpu.wait_indirect_dma semaphore(%arg21 : memref<!tpu.dma_semaphore, #tpu.memory_space<semaphore_mem>>) src(%dma_wait3A_345 : memref<50000x128xf32, #tpu.memory_space<hbm>>) dst(%arg18 : memref<80x128xf32, #tpu.memory_space<vmem>>)
      %ge3A = arith.constant 2 : i32
      %ge3A_346 = arith.cmpi sge, %add3A_342, %ge3A : i32
      %convert_element_type3A = arith.extui %ge3A_346 : i1 to i32
      %cond3A = arith.constant 0 : i32
      %cond3A_347 = arith.cmpi ne, %convert_element_type3A, %cond3A : i32
      scf.if %cond3A_347 {
        %sub3A = arith.constant 2 : i32
        %sub3A_426 = arith.subi %add3A_342, %sub3A : i32
        %mul3A_427 = arith.constant 80 : i32
        %mul3A_428 = arith.muli %sub3A_426, %mul3A_427 : i32
        %add3A_429 = arith.addi %mul3A_2, %mul3A_428 : i32
        %dma_wait3A_430 = arith.constant 0 : i32
        %dma_wait3A_431 = tpu.memref_slice %arg16[%dma_wait3A_430] : memref<96xf32, #tpu.memory_space<vmem>> -> memref<80xf32, #tpu.memory_space<vmem>>
        %dma_wait3A_432 = tpu.memref_slice %arg6[%add3A_429] : memref<320000xf32, #tpu.memory_space<hbm>> -> memref<80xf32, #tpu.memory_space<hbm>>
        %dma_wait3A_433 = tpu.memref_slice %arg6[%add3A_429] : memref<320000xf32, #tpu.memory_space<hbm>> -> memref<80xf32, #tpu.memory_space<hbm>>
        %dma_wait3A_434 = arith.constant 0 : i32
        %dma_wait3A_435 = tpu.memref_slice %arg16[%dma_wait3A_434] : memref<96xf32, #tpu.memory_space<vmem>> -> memref<80xf32, #tpu.memory_space<vmem>>
        tpu.wait_dma2 semaphore(%arg27 : memref<!tpu.dma_semaphore, #tpu.memory_space<semaphore_mem>>) src(%dma_wait3A_435 : memref<80xf32, #tpu.memory_space<vmem>>) dst(%dma_wait3A_433 : memref<80xf32, #tpu.memory_space<hbm>>)
      } else {
      }
      %dma_start3A_348 = arith.constant 0 : i32
      %dma_start3A_349 = tpu.memref_slice %arg16[%dma_start3A_348] : memref<96xf32, #tpu.memory_space<vmem>> -> memref<80xf32, #tpu.memory_space<vmem>>
      %dma_start3A_350 = arith.constant 0 : i32
      %dma_start3A_351 = tpu.memref_slice %arg4[%dma_start3A_350] : memref<40960xf32, #tpu.memory_space<hbm>> -> memref<40960xf32, #tpu.memory_space<hbm>>
      tpu.enqueue_indirect_dma source(%dma_start3A_351 : memref<40960xf32, #tpu.memory_space<hbm>>) target(%dma_start3A_349 : memref<80xf32, #tpu.memory_space<vmem>>) offsets(%arg14 : memref<80xi32, #tpu.memory_space<vmem>>) semaphore(%arg25 : memref<!tpu.dma_semaphore, #tpu.memory_space<semaphore_mem>>)
      %dma_wait3A_352 = arith.constant 0 : i32
      %dma_wait3A_353 = arith.constant 0 : i32
      %dma_wait3A_354 = tpu.memref_slice %arg19[%dma_wait3A_352, %dma_wait3A_353] : memref<10240x128xf32, #tpu.memory_space<vmem_shared>> -> memref<10240x128xf32, #tpu.memory_space<vmem_shared>>
      tpu.wait_indirect_dma semaphore(%arg22 : memref<!tpu.dma_semaphore, #tpu.memory_space<semaphore_mem>>) src(%arg17 : memref<80x128xf32, #tpu.memory_space<vmem>>) dst(%dma_wait3A_354 : memref<10240x128xf32, #tpu.memory_space<vmem_shared>>)
      %add3A_355 = arith.constant 1 : i32
      %add3A_356 = arith.addi %add3A_342, %add3A_355 : i32
      %lt3A = arith.constant 125 : i32
      %lt3A_357 = arith.cmpi slt, %add3A_356, %lt3A : i32
      %convert_element_type3A_358 = arith.extui %lt3A_357 : i1 to i32
      %cond3A_359 = arith.constant 0 : i32
      %cond3A_360 = arith.cmpi ne, %convert_element_type3A_358, %cond3A_359 : i32
      scf.if %cond3A_360 {
        %add3A_426 = arith.constant 1 : i32
        %add3A_427 = arith.addi %add3A_342, %add3A_426 : i32
        %mul3A_428 = arith.constant 80 : i32
        %mul3A_429 = arith.muli %add3A_427, %mul3A_428 : i32
        %add3A_430 = arith.constant 0 : i32
        %add3A_431 = arith.addi %mul3A_429, %add3A_430 : i32
        %get3A_432 = arith.index_cast %add3A_431 : i32 to index
        %get3A_433 = tpu.vector_load %arg7[%get3A_432] {strides = array<i32>} : memref<10000xi32, #tpu.memory_space<vmem>>, vector<16xi32>,
        %and3A_434 = arith.constant 65535 : i32
        %and3A_435 = vector.broadcast %and3A_434 : i32 to vector<16xi32>
        %and3A_436 = arith.andi %get3A_433, %and3A_435 : vector<16xi32>
        %swap3A_437 = arith.constant 0 : index
        %swap3A_438 = tpu.vector_load %arg9[%swap3A_437] {strides = array<i32>} : memref<80xi32, #tpu.memory_space<vmem>>, vector<16xi32>,
        tpu.vector_store %arg9[%swap3A_437], %and3A_436 {strides = array<i32>} : memref<80xi32, #tpu.memory_space<vmem>>, vector<16xi32>,
        %shift_right_logical3A_439 = arith.constant 16 : i32
        %shift_right_logical3A_440 = vector.broadcast %shift_right_logical3A_439 : i32 to vector<16xi32>
        %shift_right_logical3A_441 = arith.shrui %get3A_433, %shift_right_logical3A_440 : vector<16xi32>
        %and3A_442 = arith.constant 16383 : i32
        %and3A_443 = vector.broadcast %and3A_442 : i32 to vector<16xi32>
        %and3A_444 = arith.andi %shift_right_logical3A_441, %and3A_443 : vector<16xi32>
        %swap3A_445 = arith.constant 0 : index
        %swap3A_446 = tpu.vector_load %arg11[%swap3A_445] {strides = array<i32>} : memref<80xi32, #tpu.memory_space<vmem>>, vector<16xi32>,
        tpu.vector_store %arg11[%swap3A_445], %and3A_444 {strides = array<i32>} : memref<80xi32, #tpu.memory_space<vmem>>, vector<16xi32>,
        %shift_right_logical3A_447 = arith.constant 30 : i32
        %shift_right_logical3A_448 = vector.broadcast %shift_right_logical3A_447 : i32 to vector<16xi32>
        %shift_right_logical3A_449 = arith.shrui %get3A_433, %shift_right_logical3A_448 : vector<16xi32>
        %mul3A_450 = arith.constant 10000 : i32
        %mul3A_451 = vector.broadcast %mul3A_450 : i32 to vector<16xi32>
        %mul3A_452 = arith.muli %shift_right_logical3A_449, %mul3A_451 : vector<16xi32>
        %add3A_453 = arith.addi %mul3A_452, %and3A_444 : vector<16xi32>
        %swap3A_454 = arith.constant 0 : index
        %swap3A_455 = tpu.vector_load %arg13[%swap3A_454] {strides = array<i32>} : memref<80xi32, #tpu.memory_space<vmem>>, vector<16xi32>,
        tpu.vector_store %arg13[%swap3A_454], %add3A_453 {strides = array<i32>} : memref<80xi32, #tpu.memory_space<vmem>>, vector<16xi32>,
        %add3A_456 = arith.constant 16 : i32
        %add3A_457 = arith.addi %mul3A_429, %add3A_456 : i32
        %get3A_458 = arith.index_cast %add3A_457 : i32 to index
        %get3A_459 = tpu.vector_load %arg7[%get3A_458] {strides = array<i32>} : memref<10000xi32, #tpu.memory_space<vmem>>, vector<16xi32>,
        %and3A_460 = arith.constant 65535 : i32
        %and3A_461 = vector.broadcast %and3A_460 : i32 to vector<16xi32>
        %and3A_462 = arith.andi %get3A_459, %and3A_461 : vector<16xi32>
        %swap3A_463 = arith.constant 16 : index
        %swap3A_464 = tpu.vector_load %arg9[%swap3A_463] {strides = array<i32>} : memref<80xi32, #tpu.memory_space<vmem>>, vector<16xi32>,
        tpu.vector_store %arg9[%swap3A_463], %and3A_462 {strides = array<i32>} : memref<80xi32, #tpu.memory_space<vmem>>, vector<16xi32>,
        %shift_right_logical3A_465 = arith.constant 16 : i32
        %shift_right_logical3A_466 = vector.broadcast %shift_right_logical3A_465 : i32 to vector<16xi32>
        %shift_right_logical3A_467 = arith.shrui %get3A_459, %shift_right_logical3A_466 : vector<16xi32>
        %and3A_468 = arith.constant 16383 : i32
        %and3A_469 = vector.broadcast %and3A_468 : i32 to vector<16xi32>
        %and3A_470 = arith.andi %shift_right_logical3A_467, %and3A_469 : vector<16xi32>
        %swap3A_471 = arith.constant 16 : index
        %swap3A_472 = tpu.vector_load %arg11[%swap3A_471] {strides = array<i32>} : memref<80xi32, #tpu.memory_space<vmem>>, vector<16xi32>,
        tpu.vector_store %arg11[%swap3A_471], %and3A_470 {strides = array<i32>} : memref<80xi32, #tpu.memory_space<vmem>>, vector<16xi32>,
        %shift_right_logical3A_473 = arith.constant 30 : i32
        %shift_right_logical3A_474 = vector.broadcast %shift_right_logical3A_473 : i32 to vector<16xi32>
        %shift_right_logical3A_475 = arith.shrui %get3A_459, %shift_right_logical3A_474 : vector<16xi32>
        %mul3A_476 = arith.constant 10000 : i32
        %mul3A_477 = vector.broadcast %mul3A_476 : i32 to vector<16xi32>
        %mul3A_478 = arith.muli %shift_right_logical3A_475, %mul3A_477 : vector<16xi32>
        %add3A_479 = arith.addi %mul3A_478, %and3A_470 : vector<16xi32>
        %swap3A_480 = arith.constant 16 : index
        %swap3A_481 = tpu.vector_load %arg13[%swap3A_480] {strides = array<i32>} : memref<80xi32, #tpu.memory_space<vmem>>, vector<16xi32>,
        tpu.vector_store %arg13[%swap3A_480], %add3A_479 {strides = array<i32>} : memref<80xi32, #tpu.memory_space<vmem>>, vector<16xi32>,
        %add3A_482 = arith.constant 32 : i32
        %add3A_483 = arith.addi %mul3A_429, %add3A_482 : i32
        %get3A_484 = arith.index_cast %add3A_483 : i32 to index
        %get3A_485 = tpu.vector_load %arg7[%get3A_484] {strides = array<i32>} : memref<10000xi32, #tpu.memory_space<vmem>>, vector<16xi32>,
        %and3A_486 = arith.constant 65535 : i32
        %and3A_487 = vector.broadcast %and3A_486 : i32 to vector<16xi32>
        %and3A_488 = arith.andi %get3A_485, %and3A_487 : vector<16xi32>
        %swap3A_489 = arith.constant 32 : index
        %swap3A_490 = tpu.vector_load %arg9[%swap3A_489] {strides = array<i32>} : memref<80xi32, #tpu.memory_space<vmem>>, vector<16xi32>,
        tpu.vector_store %arg9[%swap3A_489], %and3A_488 {strides = array<i32>} : memref<80xi32, #tpu.memory_space<vmem>>, vector<16xi32>,
        %shift_right_logical3A_491 = arith.constant 16 : i32
        %shift_right_logical3A_492 = vector.broadcast %shift_right_logical3A_491 : i32 to vector<16xi32>
        %shift_right_logical3A_493 = arith.shrui %get3A_485, %shift_right_logical3A_492 : vector<16xi32>
        %and3A_494 = arith.constant 16383 : i32
        %and3A_495 = vector.broadcast %and3A_494 : i32 to vector<16xi32>
        %and3A_496 = arith.andi %shift_right_logical3A_493, %and3A_495 : vector<16xi32>
        %swap3A_497 = arith.constant 32 : index
        %swap3A_498 = tpu.vector_load %arg11[%swap3A_497] {strides = array<i32>} : memref<80xi32, #tpu.memory_space<vmem>>, vector<16xi32>,
        tpu.vector_store %arg11[%swap3A_497], %and3A_496 {strides = array<i32>} : memref<80xi32, #tpu.memory_space<vmem>>, vector<16xi32>,
        %shift_right_logical3A_499 = arith.constant 30 : i32
        %shift_right_logical3A_500 = vector.broadcast %shift_right_logical3A_499 : i32 to vector<16xi32>
        %shift_right_logical3A_501 = arith.shrui %get3A_485, %shift_right_logical3A_500 : vector<16xi32>
        %mul3A_502 = arith.constant 10000 : i32
        %mul3A_503 = vector.broadcast %mul3A_502 : i32 to vector<16xi32>
        %mul3A_504 = arith.muli %shift_right_logical3A_501, %mul3A_503 : vector<16xi32>
        %add3A_505 = arith.addi %mul3A_504, %and3A_496 : vector<16xi32>
        %swap3A_506 = arith.constant 32 : index
        %swap3A_507 = tpu.vector_load %arg13[%swap3A_506] {strides = array<i32>} : memref<80xi32, #tpu.memory_space<vmem>>, vector<16xi32>,
        tpu.vector_store %arg13[%swap3A_506], %add3A_505 {strides = array<i32>} : memref<80xi32, #tpu.memory_space<vmem>>, vector<16xi32>,
        %add3A_508 = arith.constant 48 : i32
        %add3A_509 = arith.addi %mul3A_429, %add3A_508 : i32
        %get3A_510 = arith.index_cast %add3A_509 : i32 to index
        %get3A_511 = tpu.vector_load %arg7[%get3A_510] {strides = array<i32>} : memref<10000xi32, #tpu.memory_space<vmem>>, vector<16xi32>,
        %and3A_512 = arith.constant 65535 : i32
        %and3A_513 = vector.broadcast %and3A_512 : i32 to vector<16xi32>
        %and3A_514 = arith.andi %get3A_511, %and3A_513 : vector<16xi32>
        %swap3A_515 = arith.constant 48 : index
        %swap3A_516 = tpu.vector_load %arg9[%swap3A_515] {strides = array<i32>} : memref<80xi32, #tpu.memory_space<vmem>>, vector<16xi32>,
        tpu.vector_store %arg9[%swap3A_515], %and3A_514 {strides = array<i32>} : memref<80xi32, #tpu.memory_space<vmem>>, vector<16xi32>,
        %shift_right_logical3A_517 = arith.constant 16 : i32
        %shift_right_logical3A_518 = vector.broadcast %shift_right_logical3A_517 : i32 to vector<16xi32>
        %shift_right_logical3A_519 = arith.shrui %get3A_511, %shift_right_logical3A_518 : vector<16xi32>
        %and3A_520 = arith.constant 16383 : i32
        %and3A_521 = vector.broadcast %and3A_520 : i32 to vector<16xi32>
        %and3A_522 = arith.andi %shift_right_logical3A_519, %and3A_521 : vector<16xi32>
        %swap3A_523 = arith.constant 48 : index
        %swap3A_524 = tpu.vector_load %arg11[%swap3A_523] {strides = array<i32>} : memref<80xi32, #tpu.memory_space<vmem>>, vector<16xi32>,
        tpu.vector_store %arg11[%swap3A_523], %and3A_522 {strides = array<i32>} : memref<80xi32, #tpu.memory_space<vmem>>, vector<16xi32>,
        %shift_right_logical3A_525 = arith.constant 30 : i32
        %shift_right_logical3A_526 = vector.broadcast %shift_right_logical3A_525 : i32 to vector<16xi32>
        %shift_right_logical3A_527 = arith.shrui %get3A_511, %shift_right_logical3A_526 : vector<16xi32>
        %mul3A_528 = arith.constant 10000 : i32
        %mul3A_529 = vector.broadcast %mul3A_528 : i32 to vector<16xi32>
        %mul3A_530 = arith.muli %shift_right_logical3A_527, %mul3A_529 : vector<16xi32>
        %add3A_531 = arith.addi %mul3A_530, %and3A_522 : vector<16xi32>
        %swap3A_532 = arith.constant 48 : index
        %swap3A_533 = tpu.vector_load %arg13[%swap3A_532] {strides = array<i32>} : memref<80xi32, #tpu.memory_space<vmem>>, vector<16xi32>,
        tpu.vector_store %arg13[%swap3A_532], %add3A_531 {strides = array<i32>} : memref<80xi32, #tpu.memory_space<vmem>>, vector<16xi32>,
        %add3A_534 = arith.constant 64 : i32
        %add3A_535 = arith.addi %mul3A_429, %add3A_534 : i32
        %get3A_536 = arith.index_cast %add3A_535 : i32 to index
        %get3A_537 = tpu.vector_load %arg7[%get3A_536] {strides = array<i32>} : memref<10000xi32, #tpu.memory_space<vmem>>, vector<16xi32>,
        %and3A_538 = arith.constant 65535 : i32
        %and3A_539 = vector.broadcast %and3A_538 : i32 to vector<16xi32>
        %and3A_540 = arith.andi %get3A_537, %and3A_539 : vector<16xi32>
        %swap3A_541 = arith.constant 64 : index
        %swap3A_542 = tpu.vector_load %arg9[%swap3A_541] {strides = array<i32>} : memref<80xi32, #tpu.memory_space<vmem>>, vector<16xi32>,
        tpu.vector_store %arg9[%swap3A_541], %and3A_540 {strides = array<i32>} : memref<80xi32, #tpu.memory_space<vmem>>, vector<16xi32>,
        %shift_right_logical3A_543 = arith.constant 16 : i32
        %shift_right_logical3A_544 = vector.broadcast %shift_right_logical3A_543 : i32 to vector<16xi32>
        %shift_right_logical3A_545 = arith.shrui %get3A_537, %shift_right_logical3A_544 : vector<16xi32>
        %and3A_546 = arith.constant 16383 : i32
        %and3A_547 = vector.broadcast %and3A_546 : i32 to vector<16xi32>
        %and3A_548 = arith.andi %shift_right_logical3A_545, %and3A_547 : vector<16xi32>
        %swap3A_549 = arith.constant 64 : index
        %swap3A_550 = tpu.vector_load %arg11[%swap3A_549] {strides = array<i32>} : memref<80xi32, #tpu.memory_space<vmem>>, vector<16xi32>,
        tpu.vector_store %arg11[%swap3A_549], %and3A_548 {strides = array<i32>} : memref<80xi32, #tpu.memory_space<vmem>>, vector<16xi32>,
        %shift_right_logical3A_551 = arith.constant 30 : i32
        %shift_right_logical3A_552 = vector.broadcast %shift_right_logical3A_551 : i32 to vector<16xi32>
        %shift_right_logical3A_553 = arith.shrui %get3A_537, %shift_right_logical3A_552 : vector<16xi32>
        %mul3A_554 = arith.constant 10000 : i32
        %mul3A_555 = vector.broadcast %mul3A_554 : i32 to vector<16xi32>
        %mul3A_556 = arith.muli %shift_right_logical3A_553, %mul3A_555 : vector<16xi32>
        %add3A_557 = arith.addi %mul3A_556, %and3A_548 : vector<16xi32>
        %swap3A_558 = arith.constant 64 : index
        %swap3A_559 = tpu.vector_load %arg13[%swap3A_558] {strides = array<i32>} : memref<80xi32, #tpu.memory_space<vmem>>, vector<16xi32>,
        tpu.vector_store %arg13[%swap3A_558], %add3A_557 {strides = array<i32>} : memref<80xi32, #tpu.memory_space<vmem>>, vector<16xi32>,
        %dma_start3A_560 = arith.constant 0 : i32
        %dma_start3A_561 = arith.constant 0 : i32
        %dma_start3A_562 = tpu.memref_slice %arg2[%dma_start3A_560, %dma_start3A_561] : memref<50000x128xf32, #tpu.memory_space<hbm>> -> memref<50000x128xf32, #tpu.memory_space<hbm>>
        tpu.enqueue_indirect_dma source(%dma_start3A_562 : memref<50000x128xf32, #tpu.memory_space<hbm>>) target(%arg17 : memref<80x128xf32, #tpu.memory_space<vmem>>) offsets(%arg9 : memref<80xi32, #tpu.memory_space<vmem>>) semaphore(%arg20 : memref<!tpu.dma_semaphore, #tpu.memory_space<semaphore_mem>>)
      } else {
      }
      %dma_wait3A_361 = arith.constant 0 : i32
      %dma_wait3A_362 = tpu.memref_slice %arg16[%dma_wait3A_361] : memref<96xf32, #tpu.memory_space<vmem>> -> memref<80xf32, #tpu.memory_space<vmem>>
      %dma_wait3A_363 = arith.constant 0 : i32
      %dma_wait3A_364 = tpu.memref_slice %arg4[%dma_wait3A_363] : memref<40960xf32, #tpu.memory_space<hbm>> -> memref<40960xf32, #tpu.memory_space<hbm>>
      tpu.wait_indirect_dma semaphore(%arg25 : memref<!tpu.dma_semaphore, #tpu.memory_space<semaphore_mem>>) src(%dma_wait3A_364 : memref<40960xf32, #tpu.memory_space<hbm>>) dst(%dma_wait3A_362 : memref<80xf32, #tpu.memory_space<vmem>>)
      %parallel_loop3A_365 = arith.constant 0 : i32
      %parallel_loop3A_366 = arith.constant 80 : i32
      %parallel_loop3A_367 = arith.constant 1 : i32
      scf.for %parallel_loop3A_426 = %parallel_loop3A_365 to %parallel_loop3A_366 step %parallel_loop3A_367  : i32 {
        %parallel_loop3A_427 = arith.index_cast %parallel_loop3A_426 : i32 to index
        %parallel_loop3A_428 = tpu.vector_load %arg16[%parallel_loop3A_427] {strides = array<i32>} : memref<96xf32, #tpu.memory_space<vmem>>, vector<16xf32>,
        %parallel_loop3A_429 = vector.extract_strided_slice %parallel_loop3A_428 {offsets = [0], sizes = [1], strides = [1]} : vector<16xf32> to vector<1xf32>
        %parallel_loop3A_430 = vector.extract %parallel_loop3A_429[0] : f32 from vector<1xf32>
        %parallel_loop3A_431 = arith.index_cast %parallel_loop3A_426 : i32 to index
        %parallel_loop3A_432 = arith.constant 0 : index
        %parallel_loop3A_433 = tpu.vector_load %arg18[%parallel_loop3A_431, %parallel_loop3A_432] {strides = array<i32>} : memref<80x128xf32, #tpu.memory_space<vmem>>, vector<16xf32>,
        %parallel_loop3A_434 = vector.broadcast %parallel_loop3A_430 : f32 to vector<16xf32>
        %parallel_loop3A_435 = arith.mulf %parallel_loop3A_433, %parallel_loop3A_434 : vector<16xf32>
        %parallel_loop3A_436 = arith.index_cast %parallel_loop3A_426 : i32 to index
        %parallel_loop3A_437 = arith.constant 0 : index
        %parallel_loop3A_438 = tpu.vector_load %arg18[%parallel_loop3A_436, %parallel_loop3A_437] {strides = array<i32>} : memref<80x128xf32, #tpu.memory_space<vmem>>, vector<16xf32>,
        tpu.vector_store %arg18[%parallel_loop3A_436, %parallel_loop3A_437], %parallel_loop3A_435 {strides = array<i32>} : memref<80x128xf32, #tpu.memory_space<vmem>>, vector<16xf32>,
        %parallel_loop3A_439 = arith.index_cast %parallel_loop3A_426 : i32 to index
        %parallel_loop3A_440 = arith.constant 16 : index
        %parallel_loop3A_441 = tpu.vector_load %arg18[%parallel_loop3A_439, %parallel_loop3A_440] {strides = array<i32>} : memref<80x128xf32, #tpu.memory_space<vmem>>, vector<16xf32>,
        %parallel_loop3A_442 = vector.broadcast %parallel_loop3A_430 : f32 to vector<16xf32>
        %parallel_loop3A_443 = arith.mulf %parallel_loop3A_441, %parallel_loop3A_442 : vector<16xf32>
        %parallel_loop3A_444 = arith.index_cast %parallel_loop3A_426 : i32 to index
        %parallel_loop3A_445 = arith.constant 16 : index
        %parallel_loop3A_446 = tpu.vector_load %arg18[%parallel_loop3A_444, %parallel_loop3A_445] {strides = array<i32>} : memref<80x128xf32, #tpu.memory_space<vmem>>, vector<16xf32>,
        tpu.vector_store %arg18[%parallel_loop3A_444, %parallel_loop3A_445], %parallel_loop3A_443 {strides = array<i32>} : memref<80x128xf32, #tpu.memory_space<vmem>>, vector<16xf32>,
        %parallel_loop3A_447 = arith.index_cast %parallel_loop3A_426 : i32 to index
        %parallel_loop3A_448 = arith.constant 32 : index
        %parallel_loop3A_449 = tpu.vector_load %arg18[%parallel_loop3A_447, %parallel_loop3A_448] {strides = array<i32>} : memref<80x128xf32, #tpu.memory_space<vmem>>, vector<16xf32>,
        %parallel_loop3A_450 = vector.broadcast %parallel_loop3A_430 : f32 to vector<16xf32>
        %parallel_loop3A_451 = arith.mulf %parallel_loop3A_449, %parallel_loop3A_450 : vector<16xf32>
        %parallel_loop3A_452 = arith.index_cast %parallel_loop3A_426 : i32 to index
        %parallel_loop3A_453 = arith.constant 32 : index
        %parallel_loop3A_454 = tpu.vector_load %arg18[%parallel_loop3A_452, %parallel_loop3A_453] {strides = array<i32>} : memref<80x128xf32, #tpu.memory_space<vmem>>, vector<16xf32>,
        tpu.vector_store %arg18[%parallel_loop3A_452, %parallel_loop3A_453], %parallel_loop3A_451 {strides = array<i32>} : memref<80x128xf32, #tpu.memory_space<vmem>>, vector<16xf32>,
        %parallel_loop3A_455 = arith.index_cast %parallel_loop3A_426 : i32 to index
        %parallel_loop3A_456 = arith.constant 48 : index
        %parallel_loop3A_457 = tpu.vector_load %arg18[%parallel_loop3A_455, %parallel_loop3A_456] {strides = array<i32>} : memref<80x128xf32, #tpu.memory_space<vmem>>, vector<16xf32>,
        %parallel_loop3A_458 = vector.broadcast %parallel_loop3A_430 : f32 to vector<16xf32>
        %parallel_loop3A_459 = arith.mulf %parallel_loop3A_457, %parallel_loop3A_458 : vector<16xf32>
        %parallel_loop3A_460 = arith.index_cast %parallel_loop3A_426 : i32 to index
        %parallel_loop3A_461 = arith.constant 48 : index
        %parallel_loop3A_462 = tpu.vector_load %arg18[%parallel_loop3A_460, %parallel_loop3A_461] {strides = array<i32>} : memref<80x128xf32, #tpu.memory_space<vmem>>, vector<16xf32>,
        tpu.vector_store %arg18[%parallel_loop3A_460, %parallel_loop3A_461], %parallel_loop3A_459 {strides = array<i32>} : memref<80x128xf32, #tpu.memory_space<vmem>>, vector<16xf32>,
        %parallel_loop3A_463 = arith.index_cast %parallel_loop3A_426 : i32 to index
        %parallel_loop3A_464 = arith.constant 64 : index
        %parallel_loop3A_465 = tpu.vector_load %arg18[%parallel_loop3A_463, %parallel_loop3A_464] {strides = array<i32>} : memref<80x128xf32, #tpu.memory_space<vmem>>, vector<16xf32>,
        %parallel_loop3A_466 = vector.broadcast %parallel_loop3A_430 : f32 to vector<16xf32>
        %parallel_loop3A_467 = arith.mulf %parallel_loop3A_465, %parallel_loop3A_466 : vector<16xf32>
        %parallel_loop3A_468 = arith.index_cast %parallel_loop3A_426 : i32 to index
        %parallel_loop3A_469 = arith.constant 64 : index
        %parallel_loop3A_470 = tpu.vector_load %arg18[%parallel_loop3A_468, %parallel_loop3A_469] {strides = array<i32>} : memref<80x128xf32, #tpu.memory_space<vmem>>, vector<16xf32>,
        tpu.vector_store %arg18[%parallel_loop3A_468, %parallel_loop3A_469], %parallel_loop3A_467 {strides = array<i32>} : memref<80x128xf32, #tpu.memory_space<vmem>>, vector<16xf32>,
        %parallel_loop3A_471 = arith.index_cast %parallel_loop3A_426 : i32 to index
        %parallel_loop3A_472 = arith.constant 80 : index
        %parallel_loop3A_473 = tpu.vector_load %arg18[%parallel_loop3A_471, %parallel_loop3A_472] {strides = array<i32>} : memref<80x128xf32, #tpu.memory_space<vmem>>, vector<16xf32>,
        %parallel_loop3A_474 = vector.broadcast %parallel_loop3A_430 : f32 to vector<16xf32>
        %parallel_loop3A_475 = arith.mulf %parallel_loop3A_473, %parallel_loop3A_474 : vector<16xf32>
        %parallel_loop3A_476 = arith.index_cast %parallel_loop3A_426 : i32 to index
        %parallel_loop3A_477 = arith.constant 80 : index
        %parallel_loop3A_478 = tpu.vector_load %arg18[%parallel_loop3A_476, %parallel_loop3A_477] {strides = array<i32>} : memref<80x128xf32, #tpu.memory_space<vmem>>, vector<16xf32>,
        tpu.vector_store %arg18[%parallel_loop3A_476, %parallel_loop3A_477], %parallel_loop3A_475 {strides = array<i32>} : memref<80x128xf32, #tpu.memory_space<vmem>>, vector<16xf32>,
        %parallel_loop3A_479 = arith.index_cast %parallel_loop3A_426 : i32 to index
        %parallel_loop3A_480 = arith.constant 96 : index
        %parallel_loop3A_481 = tpu.vector_load %arg18[%parallel_loop3A_479, %parallel_loop3A_480] {strides = array<i32>} : memref<80x128xf32, #tpu.memory_space<vmem>>, vector<16xf32>,
        %parallel_loop3A_482 = vector.broadcast %parallel_loop3A_430 : f32 to vector<16xf32>
        %parallel_loop3A_483 = arith.mulf %parallel_loop3A_481, %parallel_loop3A_482 : vector<16xf32>
        %parallel_loop3A_484 = arith.index_cast %parallel_loop3A_426 : i32 to index
        %parallel_loop3A_485 = arith.constant 96 : index
        %parallel_loop3A_486 = tpu.vector_load %arg18[%parallel_loop3A_484, %parallel_loop3A_485] {strides = array<i32>} : memref<80x128xf32, #tpu.memory_space<vmem>>, vector<16xf32>,
        tpu.vector_store %arg18[%parallel_loop3A_484, %parallel_loop3A_485], %parallel_loop3A_483 {strides = array<i32>} : memref<80x128xf32, #tpu.memory_space<vmem>>, vector<16xf32>,
        %parallel_loop3A_487 = arith.index_cast %parallel_loop3A_426 : i32 to index
        %parallel_loop3A_488 = arith.constant 112 : index
        %parallel_loop3A_489 = tpu.vector_load %arg18[%parallel_loop3A_487, %parallel_loop3A_488] {strides = array<i32>} : memref<80x128xf32, #tpu.memory_space<vmem>>, vector<16xf32>,
        %parallel_loop3A_490 = vector.broadcast %parallel_loop3A_430 : f32 to vector<16xf32>
        %parallel_loop3A_491 = arith.mulf %parallel_loop3A_489, %parallel_loop3A_490 : vector<16xf32>
        %parallel_loop3A_492 = arith.index_cast %parallel_loop3A_426 : i32 to index
        %parallel_loop3A_493 = arith.constant 112 : index
        %parallel_loop3A_494 = tpu.vector_load %arg18[%parallel_loop3A_492, %parallel_loop3A_493] {strides = array<i32>} : memref<80x128xf32, #tpu.memory_space<vmem>>, vector<16xf32>,
        tpu.vector_store %arg18[%parallel_loop3A_492, %parallel_loop3A_493], %parallel_loop3A_491 {strides = array<i32>} : memref<80x128xf32, #tpu.memory_space<vmem>>, vector<16xf32>,
      } {sc.loop_unroll_factor = 4 : i64, sc.parallel_access}
      %mul3A_368 = arith.constant 80 : i32
      %mul3A_369 = arith.muli %add3A_342, %mul3A_368 : i32
      %add3A_370 = arith.addi %mul3A_2, %mul3A_369 : i32
      %dma_start3A_371 = arith.constant 0 : i32
      %dma_start3A_372 = tpu.memref_slice %arg16[%dma_start3A_371] : memref<96xf32, #tpu.memory_space<vmem>> -> memref<80xf32, #tpu.memory_space<vmem>>
      %dma_start3A_373 = tpu.memref_slice %arg6[%add3A_370] : memref<320000xf32, #tpu.memory_space<hbm>> -> memref<80xf32, #tpu.memory_space<hbm>>
      %dma_start3A_374 = tpu.memref_slice %arg6[%add3A_370] : memref<320000xf32, #tpu.memory_space<hbm>> -> memref<80xf32, #tpu.memory_space<hbm>>
      %dma_start3A_375 = arith.constant 0 : i32
      %dma_start3A_376 = tpu.memref_slice %arg16[%dma_start3A_375] : memref<96xf32, #tpu.memory_space<vmem>> -> memref<80xf32, #tpu.memory_space<vmem>>
      tpu.enqueue_dma source(%dma_start3A_376 : memref<80xf32, #tpu.memory_space<vmem>>) target(%dma_start3A_374 : memref<80xf32, #tpu.memory_space<hbm>>) target_semaphore(%arg27 : memref<!tpu.dma_semaphore, #tpu.memory_space<semaphore_mem>>)
      %dma_start3A_377 = arith.constant 0 : i32
      %dma_start3A_378 = arith.constant 0 : i32
      %dma_start3A_379 = tpu.memref_slice %arg19[%dma_start3A_377, %dma_start3A_378] : memref<10240x128xf32, #tpu.memory_space<vmem_shared>> -> memref<10240x128xf32, #tpu.memory_space<vmem_shared>>
      tpu.enqueue_indirect_dma source(%arg18 : memref<80x128xf32, #tpu.memory_space<vmem>>) target(%dma_start3A_379 : memref<10240x128xf32, #tpu.memory_space<vmem_shared>>) offsets(%arg12 : memref<80xi32, #tpu.memory_space<vmem>>) semaphore(%arg23 : memref<!tpu.dma_semaphore, #tpu.memory_space<semaphore_mem>>) {add = true}
      %mul3A_380 = arith.constant 2 : i32
      %mul3A_381 = arith.muli %mul3A_380, %scan3A_337 : i32
      %add3A_382 = arith.constant 2 : i32
      %add3A_383 = arith.addi %mul3A_381, %add3A_382 : i32
      %dma_wait3A_384 = arith.constant 0 : i32
      %dma_wait3A_385 = arith.constant 0 : i32
      %dma_wait3A_386 = tpu.memref_slice %arg2[%dma_wait3A_384, %dma_wait3A_385] : memref<50000x128xf32, #tpu.memory_space<hbm>> -> memref<50000x128xf32, #tpu.memory_space<hbm>>
      tpu.wait_indirect_dma semaphore(%arg20 : memref<!tpu.dma_semaphore, #tpu.memory_space<semaphore_mem>>) src(%dma_wait3A_386 : memref<50000x128xf32, #tpu.memory_space<hbm>>) dst(%arg17 : memref<80x128xf32, #tpu.memory_space<vmem>>)
      %ge3A_387 = arith.constant 2 : i32
      %ge3A_388 = arith.cmpi sge, %add3A_383, %ge3A_387 : i32
      %convert_element_type3A_389 = arith.extui %ge3A_388 : i1 to i32
      %cond3A_390 = arith.constant 0 : i32
      %cond3A_391 = arith.cmpi ne, %convert_element_type3A_389, %cond3A_390 : i32
      scf.if %cond3A_391 {
        %sub3A = arith.constant 2 : i32
        %sub3A_426 = arith.subi %add3A_383, %sub3A : i32
        %mul3A_427 = arith.constant 80 : i32
        %mul3A_428 = arith.muli %sub3A_426, %mul3A_427 : i32
        %add3A_429 = arith.addi %mul3A_2, %mul3A_428 : i32
        %dma_wait3A_430 = arith.constant 0 : i32
        %dma_wait3A_431 = tpu.memref_slice %arg15[%dma_wait3A_430] : memref<96xf32, #tpu.memory_space<vmem>> -> memref<80xf32, #tpu.memory_space<vmem>>
        %dma_wait3A_432 = tpu.memref_slice %arg6[%add3A_429] : memref<320000xf32, #tpu.memory_space<hbm>> -> memref<80xf32, #tpu.memory_space<hbm>>
        %dma_wait3A_433 = tpu.memref_slice %arg6[%add3A_429] : memref<320000xf32, #tpu.memory_space<hbm>> -> memref<80xf32, #tpu.memory_space<hbm>>
        %dma_wait3A_434 = arith.constant 0 : i32
        %dma_wait3A_435 = tpu.memref_slice %arg15[%dma_wait3A_434] : memref<96xf32, #tpu.memory_space<vmem>> -> memref<80xf32, #tpu.memory_space<vmem>>
        tpu.wait_dma2 semaphore(%arg26 : memref<!tpu.dma_semaphore, #tpu.memory_space<semaphore_mem>>) src(%dma_wait3A_435 : memref<80xf32, #tpu.memory_space<vmem>>) dst(%dma_wait3A_433 : memref<80xf32, #tpu.memory_space<hbm>>)
      } else {
      }
      %dma_start3A_392 = arith.constant 0 : i32
      %dma_start3A_393 = tpu.memref_slice %arg15[%dma_start3A_392] : memref<96xf32, #tpu.memory_space<vmem>> -> memref<80xf32, #tpu.memory_space<vmem>>
      %dma_start3A_394 = arith.constant 0 : i32
      %dma_start3A_395 = tpu.memref_slice %arg4[%dma_start3A_394] : memref<40960xf32, #tpu.memory_space<hbm>> -> memref<40960xf32, #tpu.memory_space<hbm>>
      tpu.enqueue_indirect_dma source(%dma_start3A_395 : memref<40960xf32, #tpu.memory_space<hbm>>) target(%dma_start3A_393 : memref<80xf32, #tpu.memory_space<vmem>>) offsets(%arg13 : memref<80xi32, #tpu.memory_space<vmem>>) semaphore(%arg24 : memref<!tpu.dma_semaphore, #tpu.memory_space<semaphore_mem>>)
      %dma_wait3A_396 = arith.constant 0 : i32
      %dma_wait3A_397 = arith.constant 0 : i32
      %dma_wait3A_398 = tpu.memref_slice %arg19[%dma_wait3A_396, %dma_wait3A_397] : memref<10240x128xf32, #tpu.memory_space<vmem_shared>> -> memref<10240x128xf32, #tpu.memory_space<vmem_shared>>
      tpu.wait_indirect_dma semaphore(%arg23 : memref<!tpu.dma_semaphore, #tpu.memory_space<semaphore_mem>>) src(%arg18 : memref<80x128xf32, #tpu.memory_space<vmem>>) dst(%dma_wait3A_398 : memref<10240x128xf32, #tpu.memory_space<vmem_shared>>)
      %add3A_399 = arith.constant 1 : i32
      %add3A_400 = arith.addi %add3A_383, %add3A_399 : i32
      %lt3A_401 = arith.constant 125 : i32
      %lt3A_402 = arith.cmpi slt, %add3A_400, %lt3A_401 : i32
      %convert_element_type3A_403 = arith.extui %lt3A_402 : i1 to i32
      %cond3A_404 = arith.constant 0 : i32
      %cond3A_405 = arith.cmpi ne, %convert_element_type3A_403, %cond3A_404 : i32
      scf.if %cond3A_405 {
        %add3A_426 = arith.constant 1 : i32
        %add3A_427 = arith.addi %add3A_383, %add3A_426 : i32
        %mul3A_428 = arith.constant 80 : i32
        %mul3A_429 = arith.muli %add3A_427, %mul3A_428 : i32
        %add3A_430 = arith.constant 0 : i32
        %add3A_431 = arith.addi %mul3A_429, %add3A_430 : i32
        %get3A_432 = arith.index_cast %add3A_431 : i32 to index
        %get3A_433 = tpu.vector_load %arg7[%get3A_432] {strides = array<i32>} : memref<10000xi32, #tpu.memory_space<vmem>>, vector<16xi32>,
        %and3A_434 = arith.constant 65535 : i32
        %and3A_435 = vector.broadcast %and3A_434 : i32 to vector<16xi32>
        %and3A_436 = arith.andi %get3A_433, %and3A_435 : vector<16xi32>
        %swap3A_437 = arith.constant 0 : index
        %swap3A_438 = tpu.vector_load %arg10[%swap3A_437] {strides = array<i32>} : memref<80xi32, #tpu.memory_space<vmem>>, vector<16xi32>,
        tpu.vector_store %arg10[%swap3A_437], %and3A_436 {strides = array<i32>} : memref<80xi32, #tpu.memory_space<vmem>>, vector<16xi32>,
        %shift_right_logical3A_439 = arith.constant 16 : i32
        %shift_right_logical3A_440 = vector.broadcast %shift_right_logical3A_439 : i32 to vector<16xi32>
        %shift_right_logical3A_441 = arith.shrui %get3A_433, %shift_right_logical3A_440 : vector<16xi32>
        %and3A_442 = arith.constant 16383 : i32
        %and3A_443 = vector.broadcast %and3A_442 : i32 to vector<16xi32>
        %and3A_444 = arith.andi %shift_right_logical3A_441, %and3A_443 : vector<16xi32>
        %swap3A_445 = arith.constant 0 : index
        %swap3A_446 = tpu.vector_load %arg12[%swap3A_445] {strides = array<i32>} : memref<80xi32, #tpu.memory_space<vmem>>, vector<16xi32>,
        tpu.vector_store %arg12[%swap3A_445], %and3A_444 {strides = array<i32>} : memref<80xi32, #tpu.memory_space<vmem>>, vector<16xi32>,
        %shift_right_logical3A_447 = arith.constant 30 : i32
        %shift_right_logical3A_448 = vector.broadcast %shift_right_logical3A_447 : i32 to vector<16xi32>
        %shift_right_logical3A_449 = arith.shrui %get3A_433, %shift_right_logical3A_448 : vector<16xi32>
        %mul3A_450 = arith.constant 10000 : i32
        %mul3A_451 = vector.broadcast %mul3A_450 : i32 to vector<16xi32>
        %mul3A_452 = arith.muli %shift_right_logical3A_449, %mul3A_451 : vector<16xi32>
        %add3A_453 = arith.addi %mul3A_452, %and3A_444 : vector<16xi32>
        %swap3A_454 = arith.constant 0 : index
        %swap3A_455 = tpu.vector_load %arg14[%swap3A_454] {strides = array<i32>} : memref<80xi32, #tpu.memory_space<vmem>>, vector<16xi32>,
        tpu.vector_store %arg14[%swap3A_454], %add3A_453 {strides = array<i32>} : memref<80xi32, #tpu.memory_space<vmem>>, vector<16xi32>,
        %add3A_456 = arith.constant 16 : i32
        %add3A_457 = arith.addi %mul3A_429, %add3A_456 : i32
        %get3A_458 = arith.index_cast %add3A_457 : i32 to index
        %get3A_459 = tpu.vector_load %arg7[%get3A_458] {strides = array<i32>} : memref<10000xi32, #tpu.memory_space<vmem>>, vector<16xi32>,
        %and3A_460 = arith.constant 65535 : i32
        %and3A_461 = vector.broadcast %and3A_460 : i32 to vector<16xi32>
        %and3A_462 = arith.andi %get3A_459, %and3A_461 : vector<16xi32>
        %swap3A_463 = arith.constant 16 : index
        %swap3A_464 = tpu.vector_load %arg10[%swap3A_463] {strides = array<i32>} : memref<80xi32, #tpu.memory_space<vmem>>, vector<16xi32>,
        tpu.vector_store %arg10[%swap3A_463], %and3A_462 {strides = array<i32>} : memref<80xi32, #tpu.memory_space<vmem>>, vector<16xi32>,
        %shift_right_logical3A_465 = arith.constant 16 : i32
        %shift_right_logical3A_466 = vector.broadcast %shift_right_logical3A_465 : i32 to vector<16xi32>
        %shift_right_logical3A_467 = arith.shrui %get3A_459, %shift_right_logical3A_466 : vector<16xi32>
        %and3A_468 = arith.constant 16383 : i32
        %and3A_469 = vector.broadcast %and3A_468 : i32 to vector<16xi32>
        %and3A_470 = arith.andi %shift_right_logical3A_467, %and3A_469 : vector<16xi32>
        %swap3A_471 = arith.constant 16 : index
        %swap3A_472 = tpu.vector_load %arg12[%swap3A_471] {strides = array<i32>} : memref<80xi32, #tpu.memory_space<vmem>>, vector<16xi32>,
        tpu.vector_store %arg12[%swap3A_471], %and3A_470 {strides = array<i32>} : memref<80xi32, #tpu.memory_space<vmem>>, vector<16xi32>,
        %shift_right_logical3A_473 = arith.constant 30 : i32
        %shift_right_logical3A_474 = vector.broadcast %shift_right_logical3A_473 : i32 to vector<16xi32>
        %shift_right_logical3A_475 = arith.shrui %get3A_459, %shift_right_logical3A_474 : vector<16xi32>
        %mul3A_476 = arith.constant 10000 : i32
        %mul3A_477 = vector.broadcast %mul3A_476 : i32 to vector<16xi32>
        %mul3A_478 = arith.muli %shift_right_logical3A_475, %mul3A_477 : vector<16xi32>
        %add3A_479 = arith.addi %mul3A_478, %and3A_470 : vector<16xi32>
        %swap3A_480 = arith.constant 16 : index
        %swap3A_481 = tpu.vector_load %arg14[%swap3A_480] {strides = array<i32>} : memref<80xi32, #tpu.memory_space<vmem>>, vector<16xi32>,
        tpu.vector_store %arg14[%swap3A_480], %add3A_479 {strides = array<i32>} : memref<80xi32, #tpu.memory_space<vmem>>, vector<16xi32>,
        %add3A_482 = arith.constant 32 : i32
        %add3A_483 = arith.addi %mul3A_429, %add3A_482 : i32
        %get3A_484 = arith.index_cast %add3A_483 : i32 to index
        %get3A_485 = tpu.vector_load %arg7[%get3A_484] {strides = array<i32>} : memref<10000xi32, #tpu.memory_space<vmem>>, vector<16xi32>,
        %and3A_486 = arith.constant 65535 : i32
        %and3A_487 = vector.broadcast %and3A_486 : i32 to vector<16xi32>
        %and3A_488 = arith.andi %get3A_485, %and3A_487 : vector<16xi32>
        %swap3A_489 = arith.constant 32 : index
        %swap3A_490 = tpu.vector_load %arg10[%swap3A_489] {strides = array<i32>} : memref<80xi32, #tpu.memory_space<vmem>>, vector<16xi32>,
        tpu.vector_store %arg10[%swap3A_489], %and3A_488 {strides = array<i32>} : memref<80xi32, #tpu.memory_space<vmem>>, vector<16xi32>,
        %shift_right_logical3A_491 = arith.constant 16 : i32
        %shift_right_logical3A_492 = vector.broadcast %shift_right_logical3A_491 : i32 to vector<16xi32>
        %shift_right_logical3A_493 = arith.shrui %get3A_485, %shift_right_logical3A_492 : vector<16xi32>
        %and3A_494 = arith.constant 16383 : i32
        %and3A_495 = vector.broadcast %and3A_494 : i32 to vector<16xi32>
        %and3A_496 = arith.andi %shift_right_logical3A_493, %and3A_495 : vector<16xi32>
        %swap3A_497 = arith.constant 32 : index
        %swap3A_498 = tpu.vector_load %arg12[%swap3A_497] {strides = array<i32>} : memref<80xi32, #tpu.memory_space<vmem>>, vector<16xi32>,
        tpu.vector_store %arg12[%swap3A_497], %and3A_496 {strides = array<i32>} : memref<80xi32, #tpu.memory_space<vmem>>, vector<16xi32>,
        %shift_right_logical3A_499 = arith.constant 30 : i32
        %shift_right_logical3A_500 = vector.broadcast %shift_right_logical3A_499 : i32 to vector<16xi32>
        %shift_right_logical3A_501 = arith.shrui %get3A_485, %shift_right_logical3A_500 : vector<16xi32>
        %mul3A_502 = arith.constant 10000 : i32
        %mul3A_503 = vector.broadcast %mul3A_502 : i32 to vector<16xi32>
        %mul3A_504 = arith.muli %shift_right_logical3A_501, %mul3A_503 : vector<16xi32>
        %add3A_505 = arith.addi %mul3A_504, %and3A_496 : vector<16xi32>
        %swap3A_506 = arith.constant 32 : index
        %swap3A_507 = tpu.vector_load %arg14[%swap3A_506] {strides = array<i32>} : memref<80xi32, #tpu.memory_space<vmem>>, vector<16xi32>,
        tpu.vector_store %arg14[%swap3A_506], %add3A_505 {strides = array<i32>} : memref<80xi32, #tpu.memory_space<vmem>>, vector<16xi32>,
        %add3A_508 = arith.constant 48 : i32
        %add3A_509 = arith.addi %mul3A_429, %add3A_508 : i32
        %get3A_510 = arith.index_cast %add3A_509 : i32 to index
        %get3A_511 = tpu.vector_load %arg7[%get3A_510] {strides = array<i32>} : memref<10000xi32, #tpu.memory_space<vmem>>, vector<16xi32>,
        %and3A_512 = arith.constant 65535 : i32
        %and3A_513 = vector.broadcast %and3A_512 : i32 to vector<16xi32>
        %and3A_514 = arith.andi %get3A_511, %and3A_513 : vector<16xi32>
        %swap3A_515 = arith.constant 48 : index
        %swap3A_516 = tpu.vector_load %arg10[%swap3A_515] {strides = array<i32>} : memref<80xi32, #tpu.memory_space<vmem>>, vector<16xi32>,
        tpu.vector_store %arg10[%swap3A_515], %and3A_514 {strides = array<i32>} : memref<80xi32, #tpu.memory_space<vmem>>, vector<16xi32>,
        %shift_right_logical3A_517 = arith.constant 16 : i32
        %shift_right_logical3A_518 = vector.broadcast %shift_right_logical3A_517 : i32 to vector<16xi32>
        %shift_right_logical3A_519 = arith.shrui %get3A_511, %shift_right_logical3A_518 : vector<16xi32>
        %and3A_520 = arith.constant 16383 : i32
        %and3A_521 = vector.broadcast %and3A_520 : i32 to vector<16xi32>
        %and3A_522 = arith.andi %shift_right_logical3A_519, %and3A_521 : vector<16xi32>
        %swap3A_523 = arith.constant 48 : index
        %swap3A_524 = tpu.vector_load %arg12[%swap3A_523] {strides = array<i32>} : memref<80xi32, #tpu.memory_space<vmem>>, vector<16xi32>,
        tpu.vector_store %arg12[%swap3A_523], %and3A_522 {strides = array<i32>} : memref<80xi32, #tpu.memory_space<vmem>>, vector<16xi32>,
        %shift_right_logical3A_525 = arith.constant 30 : i32
        %shift_right_logical3A_526 = vector.broadcast %shift_right_logical3A_525 : i32 to vector<16xi32>
        %shift_right_logical3A_527 = arith.shrui %get3A_511, %shift_right_logical3A_526 : vector<16xi32>
        %mul3A_528 = arith.constant 10000 : i32
        %mul3A_529 = vector.broadcast %mul3A_528 : i32 to vector<16xi32>
        %mul3A_530 = arith.muli %shift_right_logical3A_527, %mul3A_529 : vector<16xi32>
        %add3A_531 = arith.addi %mul3A_530, %and3A_522 : vector<16xi32>
        %swap3A_532 = arith.constant 48 : index
        %swap3A_533 = tpu.vector_load %arg14[%swap3A_532] {strides = array<i32>} : memref<80xi32, #tpu.memory_space<vmem>>, vector<16xi32>,
        tpu.vector_store %arg14[%swap3A_532], %add3A_531 {strides = array<i32>} : memref<80xi32, #tpu.memory_space<vmem>>, vector<16xi32>,
        %add3A_534 = arith.constant 64 : i32
        %add3A_535 = arith.addi %mul3A_429, %add3A_534 : i32
        %get3A_536 = arith.index_cast %add3A_535 : i32 to index
        %get3A_537 = tpu.vector_load %arg7[%get3A_536] {strides = array<i32>} : memref<10000xi32, #tpu.memory_space<vmem>>, vector<16xi32>,
        %and3A_538 = arith.constant 65535 : i32
        %and3A_539 = vector.broadcast %and3A_538 : i32 to vector<16xi32>
        %and3A_540 = arith.andi %get3A_537, %and3A_539 : vector<16xi32>
        %swap3A_541 = arith.constant 64 : index
        %swap3A_542 = tpu.vector_load %arg10[%swap3A_541] {strides = array<i32>} : memref<80xi32, #tpu.memory_space<vmem>>, vector<16xi32>,
        tpu.vector_store %arg10[%swap3A_541], %and3A_540 {strides = array<i32>} : memref<80xi32, #tpu.memory_space<vmem>>, vector<16xi32>,
        %shift_right_logical3A_543 = arith.constant 16 : i32
        %shift_right_logical3A_544 = vector.broadcast %shift_right_logical3A_543 : i32 to vector<16xi32>
        %shift_right_logical3A_545 = arith.shrui %get3A_537, %shift_right_logical3A_544 : vector<16xi32>
        %and3A_546 = arith.constant 16383 : i32
        %and3A_547 = vector.broadcast %and3A_546 : i32 to vector<16xi32>
        %and3A_548 = arith.andi %shift_right_logical3A_545, %and3A_547 : vector<16xi32>
        %swap3A_549 = arith.constant 64 : index
        %swap3A_550 = tpu.vector_load %arg12[%swap3A_549] {strides = array<i32>} : memref<80xi32, #tpu.memory_space<vmem>>, vector<16xi32>,
        tpu.vector_store %arg12[%swap3A_549], %and3A_548 {strides = array<i32>} : memref<80xi32, #tpu.memory_space<vmem>>, vector<16xi32>,
        %shift_right_logical3A_551 = arith.constant 30 : i32
        %shift_right_logical3A_552 = vector.broadcast %shift_right_logical3A_551 : i32 to vector<16xi32>
        %shift_right_logical3A_553 = arith.shrui %get3A_537, %shift_right_logical3A_552 : vector<16xi32>
        %mul3A_554 = arith.constant 10000 : i32
        %mul3A_555 = vector.broadcast %mul3A_554 : i32 to vector<16xi32>
        %mul3A_556 = arith.muli %shift_right_logical3A_553, %mul3A_555 : vector<16xi32>
        %add3A_557 = arith.addi %mul3A_556, %and3A_548 : vector<16xi32>
        %swap3A_558 = arith.constant 64 : index
        %swap3A_559 = tpu.vector_load %arg14[%swap3A_558] {strides = array<i32>} : memref<80xi32, #tpu.memory_space<vmem>>, vector<16xi32>,
        tpu.vector_store %arg14[%swap3A_558], %add3A_557 {strides = array<i32>} : memref<80xi32, #tpu.memory_space<vmem>>, vector<16xi32>,
        %dma_start3A_560 = arith.constant 0 : i32
        %dma_start3A_561 = arith.constant 0 : i32
        %dma_start3A_562 = tpu.memref_slice %arg2[%dma_start3A_560, %dma_start3A_561] : memref<50000x128xf32, #tpu.memory_space<hbm>> -> memref<50000x128xf32, #tpu.memory_space<hbm>>
        tpu.enqueue_indirect_dma source(%dma_start3A_562 : memref<50000x128xf32, #tpu.memory_space<hbm>>) target(%arg18 : memref<80x128xf32, #tpu.memory_space<vmem>>) offsets(%arg10 : memref<80xi32, #tpu.memory_space<vmem>>) semaphore(%arg21 : memref<!tpu.dma_semaphore, #tpu.memory_space<semaphore_mem>>)
      } else {
      }
      %dma_wait3A_406 = arith.constant 0 : i32
      %dma_wait3A_407 = tpu.memref_slice %arg15[%dma_wait3A_406] : memref<96xf32, #tpu.memory_space<vmem>> -> memref<80xf32, #tpu.memory_space<vmem>>
      %dma_wait3A_408 = arith.constant 0 : i32
      %dma_wait3A_409 = tpu.memref_slice %arg4[%dma_wait3A_408] : memref<40960xf32, #tpu.memory_space<hbm>> -> memref<40960xf32, #tpu.memory_space<hbm>>
      tpu.wait_indirect_dma semaphore(%arg24 : memref<!tpu.dma_semaphore, #tpu.memory_space<semaphore_mem>>) src(%dma_wait3A_409 : memref<40960xf32, #tpu.memory_space<hbm>>) dst(%dma_wait3A_407 : memref<80xf32, #tpu.memory_space<vmem>>)
      %parallel_loop3A_410 = arith.constant 0 : i32
      %parallel_loop3A_411 = arith.constant 80 : i32
      %parallel_loop3A_412 = arith.constant 1 : i32
      scf.for %parallel_loop3A_426 = %parallel_loop3A_410 to %parallel_loop3A_411 step %parallel_loop3A_412  : i32 {
        %parallel_loop3A_427 = arith.index_cast %parallel_loop3A_426 : i32 to index
        %parallel_loop3A_428 = tpu.vector_load %arg15[%parallel_loop3A_427] {strides = array<i32>} : memref<96xf32, #tpu.memory_space<vmem>>, vector<16xf32>,
        %parallel_loop3A_429 = vector.extract_strided_slice %parallel_loop3A_428 {offsets = [0], sizes = [1], strides = [1]} : vector<16xf32> to vector<1xf32>
        %parallel_loop3A_430 = vector.extract %parallel_loop3A_429[0] : f32 from vector<1xf32>
        %parallel_loop3A_431 = arith.index_cast %parallel_loop3A_426 : i32 to index
        %parallel_loop3A_432 = arith.constant 0 : index
        %parallel_loop3A_433 = tpu.vector_load %arg17[%parallel_loop3A_431, %parallel_loop3A_432] {strides = array<i32>} : memref<80x128xf32, #tpu.memory_space<vmem>>, vector<16xf32>,
        %parallel_loop3A_434 = vector.broadcast %parallel_loop3A_430 : f32 to vector<16xf32>
        %parallel_loop3A_435 = arith.mulf %parallel_loop3A_433, %parallel_loop3A_434 : vector<16xf32>
        %parallel_loop3A_436 = arith.index_cast %parallel_loop3A_426 : i32 to index
        %parallel_loop3A_437 = arith.constant 0 : index
        %parallel_loop3A_438 = tpu.vector_load %arg17[%parallel_loop3A_436, %parallel_loop3A_437] {strides = array<i32>} : memref<80x128xf32, #tpu.memory_space<vmem>>, vector<16xf32>,
        tpu.vector_store %arg17[%parallel_loop3A_436, %parallel_loop3A_437], %parallel_loop3A_435 {strides = array<i32>} : memref<80x128xf32, #tpu.memory_space<vmem>>, vector<16xf32>,
        %parallel_loop3A_439 = arith.index_cast %parallel_loop3A_426 : i32 to index
        %parallel_loop3A_440 = arith.constant 16 : index
        %parallel_loop3A_441 = tpu.vector_load %arg17[%parallel_loop3A_439, %parallel_loop3A_440] {strides = array<i32>} : memref<80x128xf32, #tpu.memory_space<vmem>>, vector<16xf32>,
        %parallel_loop3A_442 = vector.broadcast %parallel_loop3A_430 : f32 to vector<16xf32>
        %parallel_loop3A_443 = arith.mulf %parallel_loop3A_441, %parallel_loop3A_442 : vector<16xf32>
        %parallel_loop3A_444 = arith.index_cast %parallel_loop3A_426 : i32 to index
        %parallel_loop3A_445 = arith.constant 16 : index
        %parallel_loop3A_446 = tpu.vector_load %arg17[%parallel_loop3A_444, %parallel_loop3A_445] {strides = array<i32>} : memref<80x128xf32, #tpu.memory_space<vmem>>, vector<16xf32>,
        tpu.vector_store %arg17[%parallel_loop3A_444, %parallel_loop3A_445], %parallel_loop3A_443 {strides = array<i32>} : memref<80x128xf32, #tpu.memory_space<vmem>>, vector<16xf32>,
        %parallel_loop3A_447 = arith.index_cast %parallel_loop3A_426 : i32 to index
        %parallel_loop3A_448 = arith.constant 32 : index
        %parallel_loop3A_449 = tpu.vector_load %arg17[%parallel_loop3A_447, %parallel_loop3A_448] {strides = array<i32>} : memref<80x128xf32, #tpu.memory_space<vmem>>, vector<16xf32>,
        %parallel_loop3A_450 = vector.broadcast %parallel_loop3A_430 : f32 to vector<16xf32>
        %parallel_loop3A_451 = arith.mulf %parallel_loop3A_449, %parallel_loop3A_450 : vector<16xf32>
        %parallel_loop3A_452 = arith.index_cast %parallel_loop3A_426 : i32 to index
        %parallel_loop3A_453 = arith.constant 32 : index
        %parallel_loop3A_454 = tpu.vector_load %arg17[%parallel_loop3A_452, %parallel_loop3A_453] {strides = array<i32>} : memref<80x128xf32, #tpu.memory_space<vmem>>, vector<16xf32>,
        tpu.vector_store %arg17[%parallel_loop3A_452, %parallel_loop3A_453], %parallel_loop3A_451 {strides = array<i32>} : memref<80x128xf32, #tpu.memory_space<vmem>>, vector<16xf32>,
        %parallel_loop3A_455 = arith.index_cast %parallel_loop3A_426 : i32 to index
        %parallel_loop3A_456 = arith.constant 48 : index
        %parallel_loop3A_457 = tpu.vector_load %arg17[%parallel_loop3A_455, %parallel_loop3A_456] {strides = array<i32>} : memref<80x128xf32, #tpu.memory_space<vmem>>, vector<16xf32>,
        %parallel_loop3A_458 = vector.broadcast %parallel_loop3A_430 : f32 to vector<16xf32>
        %parallel_loop3A_459 = arith.mulf %parallel_loop3A_457, %parallel_loop3A_458 : vector<16xf32>
        %parallel_loop3A_460 = arith.index_cast %parallel_loop3A_426 : i32 to index
        %parallel_loop3A_461 = arith.constant 48 : index
        %parallel_loop3A_462 = tpu.vector_load %arg17[%parallel_loop3A_460, %parallel_loop3A_461] {strides = array<i32>} : memref<80x128xf32, #tpu.memory_space<vmem>>, vector<16xf32>,
        tpu.vector_store %arg17[%parallel_loop3A_460, %parallel_loop3A_461], %parallel_loop3A_459 {strides = array<i32>} : memref<80x128xf32, #tpu.memory_space<vmem>>, vector<16xf32>,
        %parallel_loop3A_463 = arith.index_cast %parallel_loop3A_426 : i32 to index
        %parallel_loop3A_464 = arith.constant 64 : index
        %parallel_loop3A_465 = tpu.vector_load %arg17[%parallel_loop3A_463, %parallel_loop3A_464] {strides = array<i32>} : memref<80x128xf32, #tpu.memory_space<vmem>>, vector<16xf32>,
        %parallel_loop3A_466 = vector.broadcast %parallel_loop3A_430 : f32 to vector<16xf32>
        %parallel_loop3A_467 = arith.mulf %parallel_loop3A_465, %parallel_loop3A_466 : vector<16xf32>
        %parallel_loop3A_468 = arith.index_cast %parallel_loop3A_426 : i32 to index
        %parallel_loop3A_469 = arith.constant 64 : index
        %parallel_loop3A_470 = tpu.vector_load %arg17[%parallel_loop3A_468, %parallel_loop3A_469] {strides = array<i32>} : memref<80x128xf32, #tpu.memory_space<vmem>>, vector<16xf32>,
        tpu.vector_store %arg17[%parallel_loop3A_468, %parallel_loop3A_469], %parallel_loop3A_467 {strides = array<i32>} : memref<80x128xf32, #tpu.memory_space<vmem>>, vector<16xf32>,
        %parallel_loop3A_471 = arith.index_cast %parallel_loop3A_426 : i32 to index
        %parallel_loop3A_472 = arith.constant 80 : index
        %parallel_loop3A_473 = tpu.vector_load %arg17[%parallel_loop3A_471, %parallel_loop3A_472] {strides = array<i32>} : memref<80x128xf32, #tpu.memory_space<vmem>>, vector<16xf32>,
        %parallel_loop3A_474 = vector.broadcast %parallel_loop3A_430 : f32 to vector<16xf32>
        %parallel_loop3A_475 = arith.mulf %parallel_loop3A_473, %parallel_loop3A_474 : vector<16xf32>
        %parallel_loop3A_476 = arith.index_cast %parallel_loop3A_426 : i32 to index
        %parallel_loop3A_477 = arith.constant 80 : index
        %parallel_loop3A_478 = tpu.vector_load %arg17[%parallel_loop3A_476, %parallel_loop3A_477] {strides = array<i32>} : memref<80x128xf32, #tpu.memory_space<vmem>>, vector<16xf32>,
        tpu.vector_store %arg17[%parallel_loop3A_476, %parallel_loop3A_477], %parallel_loop3A_475 {strides = array<i32>} : memref<80x128xf32, #tpu.memory_space<vmem>>, vector<16xf32>,
        %parallel_loop3A_479 = arith.index_cast %parallel_loop3A_426 : i32 to index
        %parallel_loop3A_480 = arith.constant 96 : index
        %parallel_loop3A_481 = tpu.vector_load %arg17[%parallel_loop3A_479, %parallel_loop3A_480] {strides = array<i32>} : memref<80x128xf32, #tpu.memory_space<vmem>>, vector<16xf32>,
        %parallel_loop3A_482 = vector.broadcast %parallel_loop3A_430 : f32 to vector<16xf32>
        %parallel_loop3A_483 = arith.mulf %parallel_loop3A_481, %parallel_loop3A_482 : vector<16xf32>
        %parallel_loop3A_484 = arith.index_cast %parallel_loop3A_426 : i32 to index
        %parallel_loop3A_485 = arith.constant 96 : index
        %parallel_loop3A_486 = tpu.vector_load %arg17[%parallel_loop3A_484, %parallel_loop3A_485] {strides = array<i32>} : memref<80x128xf32, #tpu.memory_space<vmem>>, vector<16xf32>,
        tpu.vector_store %arg17[%parallel_loop3A_484, %parallel_loop3A_485], %parallel_loop3A_483 {strides = array<i32>} : memref<80x128xf32, #tpu.memory_space<vmem>>, vector<16xf32>,
        %parallel_loop3A_487 = arith.index_cast %parallel_loop3A_426 : i32 to index
        %parallel_loop3A_488 = arith.constant 112 : index
        %parallel_loop3A_489 = tpu.vector_load %arg17[%parallel_loop3A_487, %parallel_loop3A_488] {strides = array<i32>} : memref<80x128xf32, #tpu.memory_space<vmem>>, vector<16xf32>,
        %parallel_loop3A_490 = vector.broadcast %parallel_loop3A_430 : f32 to vector<16xf32>
        %parallel_loop3A_491 = arith.mulf %parallel_loop3A_489, %parallel_loop3A_490 : vector<16xf32>
        %parallel_loop3A_492 = arith.index_cast %parallel_loop3A_426 : i32 to index
        %parallel_loop3A_493 = arith.constant 112 : index
        %parallel_loop3A_494 = tpu.vector_load %arg17[%parallel_loop3A_492, %parallel_loop3A_493] {strides = array<i32>} : memref<80x128xf32, #tpu.memory_space<vmem>>, vector<16xf32>,
        tpu.vector_store %arg17[%parallel_loop3A_492, %parallel_loop3A_493], %parallel_loop3A_491 {strides = array<i32>} : memref<80x128xf32, #tpu.memory_space<vmem>>, vector<16xf32>,
      } {sc.loop_unroll_factor = 4 : i64, sc.parallel_access}
      %mul3A_413 = arith.constant 80 : i32
      %mul3A_414 = arith.muli %add3A_383, %mul3A_413 : i32
      %add3A_415 = arith.addi %mul3A_2, %mul3A_414 : i32
      %dma_start3A_416 = arith.constant 0 : i32
      %dma_start3A_417 = tpu.memref_slice %arg15[%dma_start3A_416] : memref<96xf32, #tpu.memory_space<vmem>> -> memref<80xf32, #tpu.memory_space<vmem>>
      %dma_start3A_418 = tpu.memref_slice %arg6[%add3A_415] : memref<320000xf32, #tpu.memory_space<hbm>> -> memref<80xf32, #tpu.memory_space<hbm>>
      %dma_start3A_419 = tpu.memref_slice %arg6[%add3A_415] : memref<320000xf32, #tpu.memory_space<hbm>> -> memref<80xf32, #tpu.memory_space<hbm>>
      %dma_start3A_420 = arith.constant 0 : i32
      %dma_start3A_421 = tpu.memref_slice %arg15[%dma_start3A_420] : memref<96xf32, #tpu.memory_space<vmem>> -> memref<80xf32, #tpu.memory_space<vmem>>
      tpu.enqueue_dma source(%dma_start3A_421 : memref<80xf32, #tpu.memory_space<vmem>>) target(%dma_start3A_419 : memref<80xf32, #tpu.memory_space<hbm>>) target_semaphore(%arg26 : memref<!tpu.dma_semaphore, #tpu.memory_space<semaphore_mem>>)
      %dma_start3A_422 = arith.constant 0 : i32
      %dma_start3A_423 = arith.constant 0 : i32
      %dma_start3A_424 = tpu.memref_slice %arg19[%dma_start3A_422, %dma_start3A_423] : memref<10240x128xf32, #tpu.memory_space<vmem_shared>> -> memref<10240x128xf32, #tpu.memory_space<vmem_shared>>
      tpu.enqueue_indirect_dma source(%arg17 : memref<80x128xf32, #tpu.memory_space<vmem>>) target(%dma_start3A_424 : memref<10240x128xf32, #tpu.memory_space<vmem_shared>>) offsets(%arg11 : memref<80xi32, #tpu.memory_space<vmem>>) semaphore(%arg22 : memref<!tpu.dma_semaphore, #tpu.memory_space<semaphore_mem>>) {add = true}
      %scan3A_425 = arith.constant 0 : i32
      scf.yield %scan3A_425 : i32
    }
    %scan3A_312 = arith.constant 62 : i32
    %dma_wait3A_313 = arith.constant 0 : i32
    %dma_wait3A_314 = arith.constant 0 : i32
    %dma_wait3A_315 = tpu.memref_slice %arg19[%dma_wait3A_313, %dma_wait3A_314] : memref<10240x128xf32, #tpu.memory_space<vmem_shared>> -> memref<10240x128xf32, #tpu.memory_space<vmem_shared>>
    tpu.wait_indirect_dma semaphore(%arg22 : memref<!tpu.dma_semaphore, #tpu.memory_space<semaphore_mem>>) src(%arg17 : memref<80x128xf32, #tpu.memory_space<vmem>>) dst(%dma_wait3A_315 : memref<10240x128xf32, #tpu.memory_space<vmem_shared>>)
    %add3A_316 = arith.constant 9840 : i32
    %add3A_317 = arith.addi %mul3A_2, %add3A_316 : i32
    %dma_wait3A_318 = arith.constant 0 : i32
    %dma_wait3A_319 = tpu.memref_slice %arg16[%dma_wait3A_318] : memref<96xf32, #tpu.memory_space<vmem>> -> memref<80xf32, #tpu.memory_space<vmem>>
    %dma_wait3A_320 = tpu.memref_slice %arg6[%add3A_317] : memref<320000xf32, #tpu.memory_space<hbm>> -> memref<80xf32, #tpu.memory_space<hbm>>
    %dma_wait3A_321 = tpu.memref_slice %arg6[%add3A_317] : memref<320000xf32, #tpu.memory_space<hbm>> -> memref<80xf32, #tpu.memory_space<hbm>>
    %dma_wait3A_322 = arith.constant 0 : i32
    %dma_wait3A_323 = tpu.memref_slice %arg16[%dma_wait3A_322] : memref<96xf32, #tpu.memory_space<vmem>> -> memref<80xf32, #tpu.memory_space<vmem>>
    tpu.wait_dma2 semaphore(%arg27 : memref<!tpu.dma_semaphore, #tpu.memory_space<semaphore_mem>>) src(%dma_wait3A_323 : memref<80xf32, #tpu.memory_space<vmem>>) dst(%dma_wait3A_321 : memref<80xf32, #tpu.memory_space<hbm>>)
    %add3A_324 = arith.constant 9920 : i32
    %add3A_325 = arith.addi %mul3A_2, %add3A_324 : i32
    %dma_wait3A_326 = arith.constant 0 : i32
    %dma_wait3A_327 = tpu.memref_slice %arg15[%dma_wait3A_326] : memref<96xf32, #tpu.memory_space<vmem>> -> memref<80xf32, #tpu.memory_space<vmem>>
    %dma_wait3A_328 = tpu.memref_slice %arg6[%add3A_325] : memref<320000xf32, #tpu.memory_space<hbm>> -> memref<80xf32, #tpu.memory_space<hbm>>
    %dma_wait3A_329 = tpu.memref_slice %arg6[%add3A_325] : memref<320000xf32, #tpu.memory_space<hbm>> -> memref<80xf32, #tpu.memory_space<hbm>>
    %dma_wait3A_330 = arith.constant 0 : i32
    %dma_wait3A_331 = tpu.memref_slice %arg15[%dma_wait3A_330] : memref<96xf32, #tpu.memory_space<vmem>> -> memref<80xf32, #tpu.memory_space<vmem>>
    tpu.wait_dma2 semaphore(%arg26 : memref<!tpu.dma_semaphore, #tpu.memory_space<semaphore_mem>>) src(%dma_wait3A_331 : memref<80xf32, #tpu.memory_space<vmem>>) dst(%dma_wait3A_329 : memref<80xf32, #tpu.memory_space<hbm>>)
    %barrier3A_332 = arith.constant 0 : index
    tpu.barrier barrier_id(%barrier3A_332)
    %mul3A_333 = arith.constant 640 : i32
    %mul3A_334 = arith.muli %arg1, %mul3A_333 : i32
    %mul3A_335 = arith.constant 640 : i32
    %mul3A_336 = arith.muli %arg1, %mul3A_335 : i32
    "tpu.region"() ({
      %run_scoped3A = tpu.sem_alloc : memref<!tpu.dma_semaphore, #tpu.memory_space<semaphore_mem>>
      %dma_start3A_337 = arith.constant 0 : i32
      %dma_start3A_338 = tpu.memref_slice %arg5[%arg0, %mul3A_336, %dma_start3A_337] : memref<2x10240x128xf32, #tpu.memory_space<hbm>> -> memref<1x640x128xf32, #tpu.memory_space<hbm>>
      %dma_start3A_339 = tpu.memref_squeeze %dma_start3A_338 : memref<1x640x128xf32, #tpu.memory_space<hbm>> -> memref<640x128xf32, #tpu.memory_space<hbm>>
      %dma_start3A_340 = arith.constant 0 : i32
      %dma_start3A_341 = tpu.memref_slice %arg19[%mul3A_334, %dma_start3A_340] : memref<10240x128xf32, #tpu.memory_space<vmem_shared>> -> memref<640x128xf32, #tpu.memory_space<vmem_shared>>
      tpu.enqueue_dma source(%dma_start3A_341 : memref<640x128xf32, #tpu.memory_space<vmem_shared>>) target(%dma_start3A_339 : memref<640x128xf32, #tpu.memory_space<hbm>>) target_semaphore(%run_scoped3A : memref<!tpu.dma_semaphore, #tpu.memory_space<semaphore_mem>>)
      %dma_wait3A_342 = arith.constant 0 : i32
      %dma_wait3A_343 = tpu.memref_slice %arg5[%arg0, %mul3A_336, %dma_wait3A_342] : memref<2x10240x128xf32, #tpu.memory_space<hbm>> -> memref<1x640x128xf32, #tpu.memory_space<hbm>>
      %dma_wait3A_344 = tpu.memref_squeeze %dma_wait3A_343 : memref<1x640x128xf32, #tpu.memory_space<hbm>> -> memref<640x128xf32, #tpu.memory_space<hbm>>
      %dma_wait3A_345 = arith.constant 0 : i32
      %dma_wait3A_346 = tpu.memref_slice %arg19[%mul3A_334, %dma_wait3A_345] : memref<10240x128xf32, #tpu.memory_space<vmem_shared>> -> memref<640x128xf32, #tpu.memory_space<vmem_shared>>
      tpu.wait_dma2 semaphore(%run_scoped3A : memref<!tpu.dma_semaphore, #tpu.memory_space<semaphore_mem>>) src(%dma_wait3A_346 : memref<640x128xf32, #tpu.memory_space<vmem_shared>>) dst(%dma_wait3A_344 : memref<640x128xf32, #tpu.memory_space<hbm>>)
      tpu.yield
    }) : () -> ()
    return
  }
}

module attributes {stable_mosaic.version = 14 : i64} {
  func.func @body(%arg0: i32, %arg1: i32, %arg2: memref<1000x128xf32, #tpu.memory_space<vmem>>, %arg3: memref<1x128x128xf32, #tpu.memory_space<vmem>>, %arg4: memref<1x128xf32, #tpu.memory_space<vmem>>, %arg5: memref<1x1000x128xf32, #tpu.memory_space<vmem>>) attributes {dimension_semantics = [#tpu.dimension_semantics<arbitrary>, #tpu.dimension_semantics<arbitrary>], iteration_bounds = array<i64: 5, 10>, scalar_prefetch = 0 : i64, scratch_operands = 0 : i64, tpu.core_type = #tpu.core_type<tc>, window_params = [{transform_indices = @transform_0, window_bounds = array<i64: 1000, 128>}, {transform_indices = @transform_1, window_bounds = array<i64: 1, 128, 128>}, {pipeline_mode = #tpu.pipeline_mode<synchronous>, transform_indices = @transform_2, window_bounds = array<i64: 1, 128>}, {transform_indices = @transform_3, window_bounds = array<i64: 1, 1000, 128>}]} {
    %get3A = arith.constant 0 : index
    %get3A_0 = arith.constant 0 : index
    %get3A_1 = vector.load %arg2[%get3A, %get3A_0] : memref<1000x128xf32, #tpu.memory_space<vmem>>, vector<1000x128xf32>
    %get3A_2 = arith.constant 0 : index
    %get3A_3 = arith.constant 0 : index
    %get3A_4 = arith.constant 0 : index
    %get3A_5 = vector.load %arg3[%get3A_2, %get3A_3, %get3A_4] : memref<1x128x128xf32, #tpu.memory_space<vmem>>, vector<1x128x128xf32>
    %get3A_6 = vector.shape_cast %get3A_5 : vector<1x128x128xf32> to vector<128x128xf32>
    %dot_general3A = arith.constant dense<0.000000e+00> : vector<1000x128xf32>
    %dot_general3A_7 = tpu.matmul %get3A_1, %get3A_6, %dot_general3A {dimension_numbers = #tpu.dot_dimension_numbers<[1], [0], [0], [1], [0, 0, 1, 1], [], []>, transpose_lhs_hint = false} : vector<1000x128xf32>, vector<128x128xf32>, vector<1000x128xf32> -> vector<1000x128xf32>
    %eq3A = arith.constant 4 : i32
    %eq3A_8 = arith.cmpi eq, %arg0, %eq3A : i32
    %get3A_9 = arith.constant 0 : index
    %get3A_10 = arith.constant 0 : index
    %get3A_11 = vector.load %arg4[%get3A_9, %get3A_10] : memref<1x128xf32, #tpu.memory_space<vmem>>, vector<1x128xf32>
    %add3A = vector.broadcast %get3A_11 : vector<1x128xf32> to vector<1000x128xf32>
    %add3A_12 = arith.addf %dot_general3A_7, %add3A : vector<1000x128xf32>
    %select_n3A = arith.select %eq3A_8, %add3A_12, %dot_general3A_7 : vector<1000x128xf32>
    %swap3A = arith.constant 0 : index
    %swap3A_13 = arith.constant 0 : index
    %swap3A_14 = arith.constant 0 : index
    %swap3A_15 = vector.load %arg5[%swap3A, %swap3A_13, %swap3A_14] : memref<1x1000x128xf32, #tpu.memory_space<vmem>>, vector<1x1000x128xf32>
    %swap3A_16 = vector.shape_cast %swap3A_15 : vector<1x1000x128xf32> to vector<1000x128xf32>
    %swap3A_17 = vector.shape_cast %select_n3A : vector<1000x128xf32> to vector<1x1000x128xf32>
    tpu.vector_store %arg5[%swap3A, %swap3A_13, %swap3A_14], %swap3A_17 {strides = array<i32>} : memref<1x1000x128xf32, #tpu.memory_space<vmem>>, vector<1x1000x128xf32>,
    return
  }
  func.func @transform_0(%arg0: i32, %arg1: i32) -> (i32, i32) {
    %c0_i32 = arith.constant 0 : i32
    %c0_i32_0 = arith.constant 0 : i32
    return %arg1, %c0_i32 : i32, i32
  }
  func.func @transform_1(%arg0: i32, %arg1: i32) -> (i32, i32, i32) {
    %c0_i32 = arith.constant 0 : i32
    %c0_i32_0 = arith.constant 0 : i32
    %c0_i32_1 = arith.constant 0 : i32
    return %arg0, %c0_i32, %c0_i32_0 : i32, i32, i32
  }
  func.func @transform_2(%arg0: i32, %arg1: i32) -> (i32, i32) {
    %c0_i32 = arith.constant 0 : i32
    %c0_i32_0 = arith.constant 0 : i32
    %c0_i32_1 = arith.constant 0 : i32
    return %c0_i32, %c0_i32_0 : i32, i32
  }
  func.func @transform_3(%arg0: i32, %arg1: i32) -> (i32, i32, i32) {
    %c0_i32 = arith.constant 0 : i32
    %c0_i32_0 = arith.constant 0 : i32
    return %arg0, %arg1, %c0_i32 : i32, i32, i32
  }
}

module attributes {stable_mosaic.version = 14 : i64} {
  func.func @body(%arg0: memref<2x320x128xf32, #tpu.memory_space<vmem>>, %arg1: memref<320x128xf32, #tpu.memory_space<vmem>>) attributes {dimension_semantics = [], scalar_prefetch = 0 : i64, scratch_operands = 0 : i64, tpu.core_type = #tpu.core_type<tc>} {
    %get3A = arith.constant 0 : index
    %get3A_0 = arith.constant 0 : index
    %get3A_1 = arith.constant 0 : index
    %get3A_2 = vector.load %arg0[%get3A, %get3A_0, %get3A_1] : memref<2x320x128xf32, #tpu.memory_space<vmem>>, vector<1x320x128xf32>
    %get3A_3 = vector.shape_cast %get3A_2 : vector<1x320x128xf32> to vector<320x128xf32>
    %get3A_4 = arith.constant 1 : index
    %get3A_5 = arith.constant 0 : index
    %get3A_6 = arith.constant 0 : index
    %get3A_7 = vector.load %arg0[%get3A_4, %get3A_5, %get3A_6] : memref<2x320x128xf32, #tpu.memory_space<vmem>>, vector<1x320x128xf32>
    %get3A_8 = vector.shape_cast %get3A_7 : vector<1x320x128xf32> to vector<320x128xf32>
    %add3A = arith.addf %get3A_3, %get3A_8 : vector<320x128xf32>
    %max3A = arith.constant 1.000000e+00 : f32
    %max3A_9 = vector.broadcast %max3A : f32 to vector<320x128xf32>
    %max3A_10 = arith.maximumf %add3A, %max3A_9 : vector<320x128xf32>
    %div3A = arith.constant 1.000000e+00 : f32
    %div3A_11 = vector.broadcast %div3A : f32 to vector<320x128xf32>
    %div3A_12 = arith.divf %div3A_11, %max3A_10 : vector<320x128xf32>
    %swap3A = arith.constant 0 : index
    %swap3A_13 = arith.constant 0 : index
    %swap3A_14 = vector.load %arg1[%swap3A, %swap3A_13] : memref<320x128xf32, #tpu.memory_space<vmem>>, vector<320x128xf32>
    tpu.vector_store %arg1[%swap3A, %swap3A_13], %div3A_12 {strides = array<i32>} : memref<320x128xf32, #tpu.memory_space<vmem>>, vector<320x128xf32>,
    return
  }
}

module attributes {stable_mosaic.version = 14 : i64} {
  func.func @body(%arg0: i32, %arg1: i32, %arg2: memref<1x1000x128xf32, #tpu.memory_space<vmem>>, %arg3: memref<1x1000x128xf32, #tpu.memory_space<vmem>>, %arg4: memref<1x1000x128xf32, #tpu.memory_space<vmem>>, %arg5: memref<1x128x128xf32, #tpu.memory_space<vmem>>, %arg6: memref<128x16xf32, #tpu.memory_space<vmem>>, %arg7: memref<1x16xf32, #tpu.memory_space<vmem>>, %arg8: memref<1x1000x128xf32, #tpu.memory_space<vmem>>, %arg9: memref<1000x16xf32, #tpu.memory_space<vmem>>) attributes {dimension_semantics = [#tpu.dimension_semantics<arbitrary>, #tpu.dimension_semantics<arbitrary>], iteration_bounds = array<i64: 4, 10>, scalar_prefetch = 0 : i64, scratch_operands = 0 : i64, tpu.core_type = #tpu.core_type<tc>, window_params = [{transform_indices = @transform_0, window_bounds = array<i64: 1, 1000, 128>}, {transform_indices = @transform_1, window_bounds = array<i64: 1, 1000, 128>}, {transform_indices = @transform_2, window_bounds = array<i64: 1, 1000, 128>}, {transform_indices = @transform_3, window_bounds = array<i64: 1, 128, 128>}, {pipeline_mode = #tpu.pipeline_mode<synchronous>, transform_indices = @transform_4, window_bounds = array<i64: 128, 16>}, {pipeline_mode = #tpu.pipeline_mode<synchronous>, transform_indices = @transform_5, window_bounds = array<i64: 1, 16>}, {transform_indices = @transform_6, window_bounds = array<i64: 1, 1000, 128>}, {transform_indices = @transform_7, window_bounds = array<i64: 1000, 16>}]} {
    %get3A = arith.constant 0 : index
    %get3A_0 = arith.constant 0 : index
    %get3A_1 = arith.constant 0 : index
    %get3A_2 = vector.load %arg2[%get3A, %get3A_0, %get3A_1] : memref<1x1000x128xf32, #tpu.memory_space<vmem>>, vector<1x1000x128xf32>
    %get3A_3 = vector.shape_cast %get3A_2 : vector<1x1000x128xf32> to vector<1000x128xf32>
    %get3A_4 = arith.constant 0 : index
    %get3A_5 = arith.constant 0 : index
    %get3A_6 = arith.constant 0 : index
    %get3A_7 = vector.load %arg3[%get3A_4, %get3A_5, %get3A_6] : memref<1x1000x128xf32, #tpu.memory_space<vmem>>, vector<1x1000x128xf32>
    %get3A_8 = vector.shape_cast %get3A_7 : vector<1x1000x128xf32> to vector<1000x128xf32>
    %add3A = arith.addf %get3A_3, %get3A_8 : vector<1000x128xf32>
    %get3A_9 = arith.constant 0 : index
    %get3A_10 = arith.constant 0 : index
    %get3A_11 = arith.constant 0 : index
    %get3A_12 = vector.load %arg4[%get3A_9, %get3A_10, %get3A_11] : memref<1x1000x128xf32, #tpu.memory_space<vmem>>, vector<1x1000x128xf32>
    %get3A_13 = vector.shape_cast %get3A_12 : vector<1x1000x128xf32> to vector<1000x128xf32>
    %add3A_14 = arith.addf %add3A, %get3A_13 : vector<1000x128xf32>
    %max3A = arith.constant 0.000000e+00 : f32
    %max3A_15 = vector.broadcast %max3A : f32 to vector<1000x128xf32>
    %max3A_16 = arith.maximumf %add3A_14, %max3A_15 : vector<1000x128xf32>
    %get3A_17 = arith.constant 0 : index
    %get3A_18 = arith.constant 0 : index
    %get3A_19 = arith.constant 0 : index
    %get3A_20 = vector.load %arg5[%get3A_17, %get3A_18, %get3A_19] : memref<1x128x128xf32, #tpu.memory_space<vmem>>, vector<1x128x128xf32>
    %get3A_21 = vector.shape_cast %get3A_20 : vector<1x128x128xf32> to vector<128x128xf32>
    %dot_general3A = arith.constant dense<0.000000e+00> : vector<1000x128xf32>
    %dot_general3A_22 = tpu.matmul %max3A_16, %get3A_21, %dot_general3A {dimension_numbers = #tpu.dot_dimension_numbers<[1], [0], [0], [1], [0, 0, 1, 1], [], []>, transpose_lhs_hint = false} : vector<1000x128xf32>, vector<128x128xf32>, vector<1000x128xf32> -> vector<1000x128xf32>
    %swap3A = arith.constant 0 : index
    %swap3A_23 = arith.constant 0 : index
    %swap3A_24 = arith.constant 0 : index
    %swap3A_25 = vector.load %arg8[%swap3A, %swap3A_23, %swap3A_24] : memref<1x1000x128xf32, #tpu.memory_space<vmem>>, vector<1x1000x128xf32>
    %swap3A_26 = vector.shape_cast %swap3A_25 : vector<1x1000x128xf32> to vector<1000x128xf32>
    %swap3A_27 = vector.shape_cast %dot_general3A_22 : vector<1000x128xf32> to vector<1x1000x128xf32>
    tpu.vector_store %arg8[%swap3A, %swap3A_23, %swap3A_24], %swap3A_27 {strides = array<i32>} : memref<1x1000x128xf32, #tpu.memory_space<vmem>>, vector<1x1000x128xf32>,
    %get3A_28 = arith.constant 0 : index
    %get3A_29 = arith.constant 0 : index
    %get3A_30 = vector.load %arg6[%get3A_28, %get3A_29] : memref<128x16xf32, #tpu.memory_space<vmem>>, vector<128x16xf32>
    %dot_general3A_31 = arith.constant dense<0.000000e+00> : vector<1000x16xf32>
    %dot_general3A_32 = tpu.matmul %max3A_16, %get3A_30, %dot_general3A_31 {dimension_numbers = #tpu.dot_dimension_numbers<[1], [0], [0], [1], [0, 0, 1, 1], [], []>, transpose_lhs_hint = false} : vector<1000x128xf32>, vector<128x16xf32>, vector<1000x16xf32> -> vector<1000x16xf32>
    %get3A_33 = arith.constant 0 : index
    %get3A_34 = arith.constant 0 : index
    %get3A_35 = vector.load %arg7[%get3A_33, %get3A_34] : memref<1x16xf32, #tpu.memory_space<vmem>>, vector<1x16xf32>
    %add3A_36 = vector.broadcast %get3A_35 : vector<1x16xf32> to vector<1000x16xf32>
    %add3A_37 = arith.addf %dot_general3A_32, %add3A_36 : vector<1000x16xf32>
    %swap3A_38 = arith.constant 0 : index
    %swap3A_39 = arith.constant 0 : index
    %swap3A_40 = vector.load %arg9[%swap3A_38, %swap3A_39] : memref<1000x16xf32, #tpu.memory_space<vmem>>, vector<1000x16xf32>
    tpu.vector_store %arg9[%swap3A_38, %swap3A_39], %add3A_37 {strides = array<i32>} : memref<1000x16xf32, #tpu.memory_space<vmem>>, vector<1000x16xf32>,
    return
  }
  func.func @transform_0(%arg0: i32, %arg1: i32) -> (i32, i32, i32) {
    %c4_i32 = arith.constant 4 : i32
    %c0_i32 = arith.constant 0 : i32
    %c0_i32_0 = arith.constant 0 : i32
    return %c4_i32, %arg1, %c0_i32 : i32, i32, i32
  }
  func.func @transform_1(%arg0: i32, %arg1: i32) -> (i32, i32, i32) {
    %c0_i32 = arith.constant 0 : i32
    %c0_i32_0 = arith.constant 0 : i32
    %c0_i32_1 = arith.constant 0 : i32
    return %c0_i32, %arg1, %c0_i32_0 : i32, i32, i32
  }
  func.func @transform_2(%arg0: i32, %arg1: i32) -> (i32, i32, i32) {
    %c1_i32 = arith.constant 1 : i32
    %c0_i32 = arith.constant 0 : i32
    %c0_i32_0 = arith.constant 0 : i32
    return %c1_i32, %arg1, %c0_i32 : i32, i32, i32
  }
  func.func @transform_3(%arg0: i32, %arg1: i32) -> (i32, i32, i32) {
    %c0_i32 = arith.constant 0 : i32
    %c0_i32_0 = arith.constant 0 : i32
    %c0_i32_1 = arith.constant 0 : i32
    return %arg0, %c0_i32, %c0_i32_0 : i32, i32, i32
  }
  func.func @transform_4(%arg0: i32, %arg1: i32) -> (i32, i32) {
    %c0_i32 = arith.constant 0 : i32
    %c0_i32_0 = arith.constant 0 : i32
    %c0_i32_1 = arith.constant 0 : i32
    return %c0_i32, %c0_i32_0 : i32, i32
  }
  func.func @transform_5(%arg0: i32, %arg1: i32) -> (i32, i32) {
    %c0_i32 = arith.constant 0 : i32
    %c0_i32_0 = arith.constant 0 : i32
    %c0_i32_1 = arith.constant 0 : i32
    return %c0_i32, %c0_i32_0 : i32, i32
  }
  func.func @transform_6(%arg0: i32, %arg1: i32) -> (i32, i32, i32) {
    %c0_i32 = arith.constant 0 : i32
    %c0_i32_0 = arith.constant 0 : i32
    return %arg0, %arg1, %c0_i32 : i32, i32, i32
  }
  func.func @transform_7(%arg0: i32, %arg1: i32) -> (i32, i32) {
    %c0_i32 = arith.constant 0 : i32
    %c0_i32_0 = arith.constant 0 : i32
    return %arg1, %c0_i32 : i32, i32
  }
}

module attributes {stable_mosaic.version = 14 : i64} {
  func.func @body(%arg0: i32, %arg1: memref<1000x16xf32, #tpu.memory_space<vmem>>, %arg2: memref<1x1000x128xf32, #tpu.memory_space<vmem>>, %arg3: memref<1x1000x128xf32, #tpu.memory_space<vmem>>, %arg4: memref<1000x16xf32, #tpu.memory_space<vmem>>) attributes {dimension_semantics = [#tpu.dimension_semantics<arbitrary>], iteration_bounds = array<i64: 10>, scalar_prefetch = 0 : i64, scratch_operands = 0 : i64, tpu.core_type = #tpu.core_type<tc>, window_params = [{transform_indices = @transform_0, window_bounds = array<i64: 1000, 16>}, {transform_indices = @transform_1, window_bounds = array<i64: 1, 1000, 128>}, {transform_indices = @transform_2, window_bounds = array<i64: 1, 1000, 128>}, {transform_indices = @transform_3, window_bounds = array<i64: 1000, 16>}]} {
    %get3A = arith.constant 0 : index
    %get3A_0 = arith.constant 0 : index
    %get3A_1 = arith.constant 0 : index
    %get3A_2 = vector.load %arg2[%get3A, %get3A_0, %get3A_1] : memref<1x1000x128xf32, #tpu.memory_space<vmem>>, vector<1x1000x128xf32>
    %get3A_3 = vector.shape_cast %get3A_2 : vector<1x1000x128xf32> to vector<1000x128xf32>
    %get3A_4 = arith.constant 0 : index
    %get3A_5 = arith.constant 0 : index
    %get3A_6 = arith.constant 0 : index
    %get3A_7 = vector.load %arg3[%get3A_4, %get3A_5, %get3A_6] : memref<1x1000x128xf32, #tpu.memory_space<vmem>>, vector<1x1000x128xf32>
    %get3A_8 = vector.shape_cast %get3A_7 : vector<1x1000x128xf32> to vector<1000x128xf32>
    %add3A = arith.addf %get3A_3, %get3A_8 : vector<1000x128xf32>
    %slice3A = vector.extract_strided_slice %add3A {offsets = [0, 0], sizes = [1000, 2], strides = [1, 1]} : vector<1000x128xf32> to vector<1000x2xf32>
    %slice3A_9 = vector.extract_strided_slice %add3A {offsets = [0, 32], sizes = [1000, 2], strides = [1, 1]} : vector<1000x128xf32> to vector<1000x2xf32>
    %add3A_10 = arith.addf %slice3A, %slice3A_9 : vector<1000x2xf32>
    %slice3A_11 = vector.extract_strided_slice %add3A {offsets = [0, 64], sizes = [1000, 2], strides = [1, 1]} : vector<1000x128xf32> to vector<1000x2xf32>
    %add3A_12 = arith.addf %add3A_10, %slice3A_11 : vector<1000x2xf32>
    %slice3A_13 = vector.extract_strided_slice %add3A {offsets = [0, 96], sizes = [1000, 2], strides = [1, 1]} : vector<1000x128xf32> to vector<1000x2xf32>
    %add3A_14 = arith.addf %add3A_12, %slice3A_13 : vector<1000x2xf32>
    %get3A_15 = arith.constant 0 : index
    %get3A_16 = arith.constant 0 : index
    %get3A_17 = vector.load %arg1[%get3A_15, %get3A_16] : memref<1000x16xf32, #tpu.memory_space<vmem>>, vector<1000x16xf32>
    %broadcast_in_dim3A = arith.constant 0.000000e+00 : f32
    %broadcast_in_dim3A_18 = vector.broadcast %broadcast_in_dim3A : f32 to vector<1000x14xf32>
    %concatenate3A = tpu.concatenate %add3A_14, %broadcast_in_dim3A_18 in 1 : vector<1000x2xf32>, vector<1000x14xf32> -> vector<1000x16xf32>
    %add3A_19 = arith.addf %get3A_17, %concatenate3A : vector<1000x16xf32>
    %swap3A = arith.constant 0 : index
    %swap3A_20 = arith.constant 0 : index
    %swap3A_21 = vector.load %arg4[%swap3A, %swap3A_20] : memref<1000x16xf32, #tpu.memory_space<vmem>>, vector<1000x16xf32>
    tpu.vector_store %arg4[%swap3A, %swap3A_20], %add3A_19 {strides = array<i32>} : memref<1000x16xf32, #tpu.memory_space<vmem>>, vector<1000x16xf32>,
    return
  }
  func.func @transform_0(%arg0: i32) -> (i32, i32) {
    %c0_i32 = arith.constant 0 : i32
    %c0_i32_0 = arith.constant 0 : i32
    return %arg0, %c0_i32 : i32, i32
  }
  func.func @transform_1(%arg0: i32) -> (i32, i32, i32) {
    %c0_i32 = arith.constant 0 : i32
    %c0_i32_0 = arith.constant 0 : i32
    %c0_i32_1 = arith.constant 0 : i32
    return %c0_i32, %arg0, %c0_i32_0 : i32, i32, i32
  }
  func.func @transform_2(%arg0: i32) -> (i32, i32, i32) {
    %c1_i32 = arith.constant 1 : i32
    %c0_i32 = arith.constant 0 : i32
    %c0_i32_0 = arith.constant 0 : i32
    return %c1_i32, %arg0, %c0_i32 : i32, i32, i32
  }
  func.func @transform_3(%arg0: i32) -> (i32, i32) {
    %c0_i32 = arith.constant 0 : i32
    %c0_i32_0 = arith.constant 0 : i32
    return %arg0, %c0_i32 : i32, i32
  }
}

</mosaic_0001>

<sc_bundles>
// kernel: kernel.12.cloned.1.call-start
scs
__scs_entry_jumppad:
0x0: {  	(pc) =	sbr.rel $0x88, $3  }
0x1: {  	(tag) =	ssettag $0x0;
	lr =	simm.s32 $0x1  }
0x2: {  	[smem:$0x3F98] =	sst lr;
	_ =	strace $0xD0000000  }
0x3: {  	_ = 	snop  }
0x4: {  	_ = 	snop  }
0x5: {  	_ = 	snop  }
0x6: {  	_ = 	snop  }
0x7: {  	_ = 	snop  }
__scs_overlays_trampoline_lowered:
0x8: {  	[smem:$0x3FA7] =	sst s0  }
0x9: {  	[smem:$0x3FA8] =	sst s1  }
0xa: {  	[smem:$0x3FA9] =	sst s2  }
0xb: {  	[smem:$0x3FAA] =	sst s3  }
0xc: {  	[smem:$0x3FAB] =	sst s4  }
0xd: {  	[smem:$0x3FAC] =	sst s5  }
0xe: {  	[smem:$0x3FAD] =	sst s6  }
0xf: {  	[smem:$0x3FAE] =	sst s7  }
0x10: {  	[smem:$0x3FAF] =	sst s8  }
0x11: {  	[smem:$0x3FB0] =	sst s9;
	s0 =	simm.s32 @!p0 $0x0  }
0x12: {  	s1 =	sld [smem:$0x3F96];
	s0 =	simm.s32 @p0 $0x1  }
0x13: {  	[smem:$0x3FB1] =	sst s0;
	s0 =	simm.s32 @!p1 $0x0  }
0x14: {  	s2 =	sld [smem:$0x3F95];
	s0 =	simm.s32 @p1 $0x1  }
0x15: {  	[smem:$0x3FB2] =	sst s0;
	s0 =	simm.s32 @!p2 $0x0  }
0x16: {  	s3 =	sld [smem:$0x3FDB];
	s0 =	simm.s32 @p2 $0x1  }
0x17: {  	s4 =	simm.s32 $0x1BF5;
	[smem:$0x3FB4] =	sst s0  }
0x18: {  	s0 =	sld [smem:$0x3F97];
	_ =	swait.ge [sflag:s4], $0x0  }
0x19: {  	s7 =	sld [smem:$0x3F98]  }
0x1a: {  	s8 =	sadd.s32 $0xFFFFE003, lr  }
0x1b: {  	s9 =	sadd.s32 $0xFFFFFEF7, lr;
	s5 =	simm.s32 $0xFFFFFFFF;
	p2 =	slt.u32 s8, $0xFFFFF086  }
0x1c: {  	p1 =	slt.u32 s9, $0xF7A;
	s5 =	simm.s32 @!p2 $0x0  }
0x1d: {  	s5 =	simm.s32 @p1 $0x1;
	p0 =	seq.s32 s7, s2  }
0x1e: {  	s7 =	smul.u32 @!p0 $0xF7A, s2;
	p2 =	seq.s32 @!p0 s5, $0x0  }
0x1f: {  	s9 =	smul.u32 $0xF7A, s1;
	s8 =	simm.s32 @!p0 $0x1BF5;
	p2 =	por !p2, p0  }
0x20: {  	[sflag:s8] =	ssyncset.s32 @!p0 $0xFFFFF086;
	s6 =	sadd.s32 @!p0 s3, s7;
	s7 =	simm.s32 @!p0 $0x108  }
0x21: {  	s3 =	sadd.s32 s3, s9;
	s6 =	sadd.s32 @!p0 $0x88, s6;
	s7 =	simm.s32 @p2 $0x1082  }
0x22: {  	[simem:s7], [sflag:s8] =	dma.local @!p0 [hbm:s6], $0xF7A  }
0x23: {  	s9 =	sor.u32 $0xD0000000, s2;
	s6 =	simm.s32 $0x108;
	_ =	swait.ge @!p0 [sflag:s8], $0x0  }
0x24: {  	s3 =	sadd.s32 $0x88, s3;
	s6 =	simm.s32 @!p1 $0x1082;
	[sflag:s4] =	ssyncset.s32 $0xFFFFF086  }
0x25: {  	[simem:s6], [sflag:s4] =	dma.local [hbm:s3], $0xF7A  }
0x26: {  	[smem:$0x3F98] =	sst s1;
	(tag) =	ssettag s2;
	_ =	strace s9  }
0x27: {  	s1 =	sld [smem:$0x3FA8]  }
0x28: {  	s2 =	sld [smem:$0x3FA9]  }
0x29: {  	s4 =	sld [smem:$0x3FAB]  }
0x2a: {  	p0 =	seq.s32 s5, $0x0;
	s5 =	sld [smem:$0x3FAC]  }
0x2b: {  	s6 =	sld [smem:$0x3FAD]  }
0x2c: {  	s7 =	sld [smem:$0x3FAE]  }
0x2d: {  	s3 =	simm.s32 $0x108;
	s8 =	sld [smem:$0x3FAF]  }
0x2e: {  	s3 =	simm.s32 @!p0 $0x1082;
	s9 =	sld [smem:$0x3FB0]  }
0x2f: {  	lr =	sadd.s32 s0, s3;
	s0 =	sld [smem:$0x3FA7]  }
0x30: {  	s3 =	sld [smem:$0x3FAA]  }
0x31: {  	[smem:$0x3FB3] =	sst s10  }
0x32: {  	s10 =	sld [smem:$0x3FB1];
	_ =	sdelay $0x3  }
0x33: {  	p0 =	seq.s32 s10, $0x1;
	s10 =	sld [smem:$0x3FB3];
	_ =	sdelay $0x3  }
0x34: {  	[smem:$0x3FB3] =	sst s10  }
0x35: {  	s10 =	sld [smem:$0x3FB2];
	_ =	sdelay $0x3  }
0x36: {  	p1 =	seq.s32 s10, $0x1;
	s10 =	sld [smem:$0x3FB3];
	_ =	sdelay $0x3  }
0x37: {  	[smem:$0x3FB3] =	sst s10  }
0x38: {  	s10 =	sld [smem:$0x3FB4]  }
0x39: {  	_ = 	snop;
	(pc) =	sbr.ind lr, $3  }
0x3a: {  	_ = 	snop  }
0x3b: {  	_ = 	snop  }
0x3c: {  	p2 =	seq.s32 s10, $0x1;
	s10 =	sld [smem:$0x3FB3]  }
0x3d: {  	_ =	shalt  }
0x3e: {  	_ =	shalt  }
0x3f: {  	_ =	shalt  }
0x40: {  	_ =	shalt  }
0x41: {  	_ =	shalt  }
0x42: {  	_ =	shalt  }
0x43: {  	_ =	shalt  }
0x44: {  	_ =	shalt  }
0x45: {  	_ =	shalt  }
0x46: {  	_ =	shalt  }
0x47: {  	_ =	shalt  }
0x48: {  	_ =	shalt  }
0x49: {  	_ =	shalt  }
0x4a: {  	_ =	shalt  }
0x4b: {  	_ =	shalt  }
0x4c: {  	_ =	shalt  }
0x4d: {  	_ =	shalt  }
0x4e: {  	_ =	shalt  }
0x4f: {  	_ =	shalt  }
0x50: {  	_ =	shalt  }
0x51: {  	_ =	shalt  }
0x52: {  	_ =	shalt  }
0x53: {  	_ =	shalt  }
0x54: {  	_ =	shalt  }
0x55: {  	_ =	shalt  }
0x56: {  	_ =	shalt  }
0x57: {  	_ =	shalt  }
0x58: {  	_ =	shalt  }
0x59: {  	_ =	shalt  }
0x5a: {  	_ =	shalt  }
0x5b: {  	_ =	shalt  }
0x5c: {  	_ =	shalt  }
0x5d: {  	_ =	shalt  }
0x5e: {  	_ =	shalt  }
0x5f: {  	_ =	shalt  }
0x60: {  	_ =	shalt  }
0x61: {  	_ =	shalt  }
0x62: {  	_ =	shalt  }
0x63: {  	_ =	shalt  }
0x64: {  	_ =	shalt  }
0x65: {  	_ =	shalt  }
0x66: {  	_ =	shalt  }
0x67: {  	_ =	shalt  }
0x68: {  	_ =	shalt  }
0x69: {  	_ =	shalt  }
0x6a: {  	_ =	shalt  }
0x6b: {  	_ =	shalt  }
0x6c: {  	_ =	shalt  }
0x6d: {  	_ =	shalt  }
0x6e: {  	_ =	shalt  }
0x6f: {  	_ =	shalt  }
0x70: {  	_ =	shalt  }
0x71: {  	_ =	shalt  }
0x72: {  	_ =	shalt  }
0x73: {  	_ =	shalt  }
0x74: {  	_ =	shalt  }
0x75: {  	_ =	shalt  }
0x76: {  	_ =	shalt  }
0x77: {  	_ =	shalt  }
0x78: {  	_ =	shalt  }
0x79: {  	_ =	shalt  }
0x7a: {  	_ =	shalt  }
0x7b: {  	_ =	shalt  }
0x7c: {  	_ =	shalt  }
0x7d: {  	_ =	shalt  }
0x7e: {  	_ =	shalt  }
0x7f: {  	_ =	shalt  }
0x80: {  	_ =	shalt  }
0x81: {  	_ =	shalt  }
0x82: {  	_ =	shalt  }
0x83: {  	_ =	shalt  }
0x84: {  	_ =	shalt  }
0x85: {  	_ =	shalt  }
0x86: {  	_ =	shalt  }
0x87: {  	_ =	shalt  }
.Lfunc_end0:
.L_simem_size_0:
called_computation.1_lowered:
.L_overlay_start_0:
0x88: {  	s2 =	sld [smem:$0x3FD9]  }
0x89: {  	s3 =	sld [smem:$0x3FFE];
	_ =	sdelay $0x1  }
0x8a: {  	s1 =	srdreg.scid  }
0x8b: {  	s0 =	sand.u32 $0x1, s1  }
0x8c: {  	s16 =	sshll.u32 s0, $0xA;
	s2 =	sadd.s32 s3, s2  }
0x8d: {  	s2 =	sadd.s32 s2, s16  }
0x8e: {  	[smem:$0x3FBF] =	sst s2  }
0x8f: {  	_ = 	snop  }
0x90: {  	(tm) =	ssettm $0x1  }
0x91: {  	s17 =	sld [smem:$0x3FFB];
	_ =	sdelay $0x3  }
0x92: {  	_ =	strace s17  }
0x93: {  	s2 =	sld [smem:$0x3FFC];
	_ =	sdelay $0x3  }
0x94: {  	_ =	strace s2  }
0x95: {  	s2 =	sld [smem:$0x3FFD];
	_ =	sdelay $0x3  }
0x96: {  	_ =	strace s2  }
0x97: {  	_ =	strace $0x8FFFFFFF  }
0x98: {  	s18 =	sld [smem:$0x3FDB];
	_ =	sdelay $0x1  }
0x99: {  	s19 =	simm.s32 $_scs_section_size  }
0x9a: {  	s4 =	simm.s32 $_size__tile_overlayer_lowered;
	s5 =	simm.s32 $_tile_overlayer_lowered  }
0x9b: {  	s22 =	simm.s32 $0x1BFF;
	s21 =	sshll.u32 s5, $0x1;
	s2 =	sadd.s32 s19, s18  }
0x9c: {  	s6 =	simm.s32 $0x0;
	s20 =	sshll.u32 s4, $0x1;
	s4 =	sadd.s32 s21, s2  }
0x9d: {  	[timem:s6], [sflag:s22] =	dma.local [hbm:s4], s20  }
0x9e: {  	_ =	swait.ge [sflag:s22], s20  }
0x9f: {  	s3 =	ssub.s32 $0x0, s20;
	[sflag:s22] =	ssyncset.done $0x0  }
0xa0: {  	[sflag:s22] =	ssyncadd.s32 s3;
	_ =	sdelay $0x1  }
0xa1: {  	s23 =	simm.s32 $0x1B8B  }
0xa2: {  	_ =	swait.ge [sflag:s23], $0x1  }
0xa3: {  	[sflag:s23] =	ssyncset.done $0x0  }
0xa4: {  	s25 =	simm.s32 $0x1B8E;
	s24 =	sld [smem:$0x3FFE];
	[sflag:s23] =	ssyncadd.s32 $0xFFFFFFFF  }
0xa5: {  	s26 =	simm.s32 $execute0_lowered;
	[smem:$0x3FD2] =	sst s25  }
0xa6: {  	s4 =	sshll.u32 s26, $0x1;
	_ =	strace $0x80000049;
	[dreg:$0x1] =	wrdreg $0xFFFFFFFF  }
0xa7: {  	s28 =	simm.s32 $_size_execute0_lowered;
	s2 =	sadd.s32 s2, s4;
	[dreg:$0x0] =	wrdreg $0x0  }
0xa8: {  	s4 =	sshll.u32 s28, $0x1;
	[dreg:$0x2] =	wrdreg s2  }
0xa9: {  	[dreg:$0x3] =	wrdreg s4  }
0xaa: {  	[dreg:$0x4] =	wrdreg $0xC0  }
0xab: {  	_ =	task [dreg:s6], $0x5FFFF  }
0xac: {  	[dreg:$0x1] =	wrdreg $0xFFFFFFFF  }
0xad: {  	[dreg:$0x0] =	wrdreg $0x60  }
0xae: {  	[dreg:$0x2] =	wrdreg s24  }
0xaf: {  	[dreg:$0x3] =	wrdreg $0x7B800  }
0xb0: {  	[dreg:$0x4] =	wrdreg $0x9  }
0xb1: {  	_ =	task.clear_ibuf [dreg:s6], $0x5FFFF;
	_ =	strace $0x90000049  }
0xb2: {  	s29 =	simm.s32 $0x9;
	_ =	strace $0x8000004B  }
0xb3: {  	_ =	swait.ge [sflag:s29], $0x1  }
0xb4: {  	[sflag:s29] =	ssyncadd.s32 $0xFFFFFFFF  }
0xb5: {  	_ =	strace $0x9000004B  }
0xb6: {  	_ =	sfence  }
0xb7: {  	s30 =	sld [smem:$0x0];
	_ =	sdelay $0x2  }
0xb8: {  	s31 =	sshll.u32 s1, $0xD;
	s1 =	sshrl.u32 s1, $0x2  }
0xb9: {  	s3 =	sand.u32 $0x4000, s31;
	s1 =	sadd.s32 s1, s30  }
0xba: {  	s0 =	sor.u32 s3, s0;
	s1 =	sshll.u32 s1, $0x11  }
0xbb: {  	s0 =	sor.u32 s1, s0  }
0xbc: {  	s0 =	sadd.s32 $0x8F2B, s0  }
0xbd: {  	[sflag:s0] =	ssyncadd.remote.s32 $0x1  }
0xbe: {  	_ =	sfence.sel $0xFFFF  }
0xbf: {  	[dreg:$0x0] =	wrdreg $0xFFFFFFFF;
	(pc) =	sbr.abs _section_cstart, $3  }
0xc0: {  	[dreg:$0x1] =	wrdreg $0xFFFFFFFF  }
0xc1: {  	_ =	task.clear_ibuf [dreg:s6], $0x2FFFF;
	_ =	strace $0x9FFFFFFF  }
0xc2: {  	(tm) =	ssettm $0x7FFFFFFF  }
0xc3: {  	_ =	shalt  }
tec
execute0_lowered:
.L_overlay_start_1:
0x0: {  	(tag) =	ssettag $0x1  }
0x1: {  	s0 =	srdreg.scid;
	s7 =	rddreg [dreg:$0x0]  }
0x2: {  	s10 =	stileid.u32;
	s2 =	rddreg [dreg:$0x1]  }
0x3: {  	s4 =	simm.s32 $0x0;
	s17 =	simm.s32 $0x9;
	s28 =	simm.s32 $0x2980  }
0x4: {  	s29 =	simm.s32 $0x2A80;
	s31 =	simm.s32 $0x5;
	s30 =	simm.s32 $0x2  }
0x5: {  	s12 =	simm.s32 $0x2900;
	s13 =	simm.s32 $0x7;
	s14 =	simm.s32 $0x4  }
0x6: {  	s15 =	simm.s32 $0x0;
	s0 =	sand.u32 $0x1, s0;
	[smem:$0x7FF] =	sst s4  }
0x7: {  	s6 =	smul.u32 $0x14000, s10;
	s5 =	sadd.s32 $0x22600, s7;
	s1 =	sshll.u32 s0, $0x4  }
0x8: {  	s20 =	smul.u32 $0x140000, s0;
	_ =	strace $0x8000004A;
	s0 =	ssub.s32 $0x2, s0  }
0x9: {  	s1 =	sor.u32 s10, s1;
	s10 =	smul.u32 $0x50000, s10;
	s11 =	sshrl.u32 s0, $0x1  }
0xa: {  	s3 =	smul.u32 $0x2710, s1;
	s1 =	sadd.s32 s6, s20;
	s0 =	ssub.s32 s0, s11  }
0xb: {  	s6 =	sadd.s32 $0x2400, s7;
	s10 =	sshrl.u32 s10, $0x2;
	s0 =	smax.u32 s0, $0x1  }
0xc: {  	s11 =	simm.s32 $0x6;
	s16 =	sadd.s32 s10, s2;
	[dreg:$0xe] =	wrdreg s0  }
0xd: {  	s1 =	sshrl.u32 s1, $0x3;
	s10 =	sadd.s32 $0x2800, s16;
	[dreg:$0x3] =	wrdreg s16  }
0xe: {  	s8 =	sshrl.u32 s3, $0x3;
	s21 =	sadd.s32 $0x5000, s16;
	[dreg:$0x4] =	wrdreg s10  }
0xf: {  	s1 =	sadd.s32 s1, s7;
	s22 =	sadd.s32 $0x7800, s16;
	[dreg:$0x5] =	wrdreg s21  }
0x10: {  	s18 =	sadd.s32 $0x50, s3;
	s23 =	sadd.s32 $0xA000, s16;
	[dreg:$0x6] =	wrdreg s22  }
0x11: {  	s0 =	simm.s32 $0x2A00;
	s24 =	sadd.s32 $0xC800, s16;
	[dreg:$0x7] =	wrdreg s23  }
0x12: {  	s9 =	sadd.s32 s8, s7;
	s25 =	sadd.s32 $0xF000, s16;
	[dreg:$0x8] =	wrdreg s24  }
0x13: {  	s7 =	sadd.s32 $0x3800, s7;
	s26 =	sadd.s32 $0x11800, s16;
	[dreg:$0x9] =	wrdreg s25  }
0x14: {  	s1 =	sadd.s32 $0xE5C00, s1;
	[dreg:$0xa] =	wrdreg s26;
	s9 =	sadd.s32 $0x18800, s9  }
0x15: {  	s8 =	sadd.s32 s7, s8;
	[dreg:$0xd] =	wrdreg s1;
	s21 =	simm.s32 $0x5380  }
0x16: {  	s23 =	simm.s32 $0x50;
	s24 =	simm.s32 $0x2780;
	s25 =	simm.s32 $0x2B80  }
0x17: {  	s26 =	simm.s32 $0x1;
	s1 =	simm.s32 $0x2880;
	[dreg:$0xb] =	wrdreg s9  }
0x18: {  	v0 =	vimm.f32 $0.0e+00;
	s10 =	simm.s32 $0x3;
	[dreg:$0xc] =	wrdreg s8;
	s9 =	simm.s32 $0x2B00  }
.LBB2_1:
0x19: {  	[dreg:$0xf] =	wrdreg s15;
	s8 =	simm.s32 $0x0;
	s15 =	simm.s32 $0x200  }
.LBB2_2:
0x1a: {  	p0 =	sne.s32 s15, $0x9E00;
	[tilespmem:s8+$0x53F0] =	vst v0  }
0x1b: {  	[tilespmem:s8+$0x5380] =	vst v0  }
0x1c: {  	[tilespmem:s8+$0x5390] =	vst v0  }
.Ltmp0:
0x1d: {  	[tilespmem:s8+$0x53A0] =	vst v0;
	(pc) =	sbr.rel @p0 .LBB2_2-.Ltmp0, $4  }
0x1e: {  	[tilespmem:s8+$0x53B0] =	vst v0  }
0x1f: {  	[tilespmem:s8+$0x53C0] =	vst v0  }
0x20: {  	[tilespmem:s8+$0x53D0] =	vst v0  }
0x21: {  	[tilespmem:s8+$0x53E0] =	vst v0;
	s8 =	sshra.s32 s15, $0x2;
	s15 =	sadd.s32 $0x200, s15  }
0x22: {  	[tilespmem:s8+$0x53F0] =	vst v0  }
0x23: {  	[tilespmem:s8+$0x5380] =	vst v0  }
0x24: {  	[tilespmem:s8+$0x5390] =	vst v0  }
0x25: {  	[tilespmem:s8+$0x53A0] =	vst v0  }
0x26: {  	[tilespmem:s8+$0x53B0] =	vst v0  }
0x27: {  	[tilespmem:s8+$0x53C0] =	vst v0  }
0x28: {  	[tilespmem:s8+$0x53D0] =	vst v0  }
0x29: {  	[tilespmem:s8+$0x53E0] =	vst v0  }
0x2a: {  	[spmem:s16] =	stream.linear.scatter [tilespmem:s21], [sflag:$0x9], $0x2800, $0x38;
	[tilespmem:$0x1BB80] =	vst v63  }
0x2b: {  	_ =	swait.ge [sflag:s17], $0x2800  }
0x2c: {  	[sflag:s17] =	ssyncset.done $0x0  }
0x2d: {  	s15 =	rddreg [dreg:$0x4];
	[sflag:s17] =	ssyncadd.s32 $0xFFFFD800  }
0x2e: {  	[spmem:s15] =	stream.linear.scatter [tilespmem:s21], [sflag:$0x9], $0x2800, $0x38;
	[tilespmem:$0x1BB80] =	vst v63  }
0x2f: {  	_ =	swait.ge [sflag:s17], $0x2800  }
0x30: {  	[sflag:s17] =	ssyncset.done $0x0  }
0x31: {  	s16 =	rddreg [dreg:$0x5];
	[sflag:s17] =	ssyncadd.s32 $0xFFFFD800  }
0x32: {  	[spmem:s16] =	stream.linear.scatter [tilespmem:s21], [sflag:$0x9], $0x2800, $0x38;
	[tilespmem:$0x1BB80] =	vst v63  }
0x33: {  	_ =	swait.ge [sflag:s17], $0x2800  }
0x34: {  	[sflag:s17] =	ssyncset.done $0x0  }
0x35: {  	s19 =	rddreg [dreg:$0x6];
	[sflag:s17] =	ssyncadd.s32 $0xFFFFD800  }
0x36: {  	[spmem:s19] =	stream.linear.scatter [tilespmem:s21], [sflag:$0x9], $0x2800, $0x38;
	[tilespmem:$0x1BB80] =	vst v63  }
0x37: {  	_ =	swait.ge [sflag:s17], $0x2800  }
0x38: {  	[sflag:s17] =	ssyncset.done $0x0  }
0x39: {  	s20 =	rddreg [dreg:$0x7];
	[sflag:s17] =	ssyncadd.s32 $0xFFFFD800  }
0x3a: {  	[spmem:s20] =	stream.linear.scatter [tilespmem:s21], [sflag:$0x9], $0x2800, $0x38;
	[tilespmem:$0x1BB80] =	vst v63  }
0x3b: {  	_ =	swait.ge [sflag:s17], $0x2800  }
0x3c: {  	[sflag:s17] =	ssyncset.done $0x0  }
0x3d: {  	s22 =	rddreg [dreg:$0x8];
	[sflag:s17] =	ssyncadd.s32 $0xFFFFD800  }
0x3e: {  	[spmem:s22] =	stream.linear.scatter [tilespmem:s21], [sflag:$0x9], $0x2800, $0x38;
	[tilespmem:$0x1BB80] =	vst v63  }
0x3f: {  	_ =	swait.ge [sflag:s17], $0x2800  }
0x40: {  	[sflag:s17] =	ssyncset.done $0x0  }
0x41: {  	s15 =	rddreg [dreg:$0x9];
	[sflag:s17] =	ssyncadd.s32 $0xFFFFD800  }
0x42: {  	[spmem:s15] =	stream.linear.scatter [tilespmem:s21], [sflag:$0x9], $0x2800, $0x38;
	[tilespmem:$0x1BB80] =	vst v63  }
0x43: {  	_ =	swait.ge [sflag:s17], $0x2800  }
0x44: {  	[sflag:s17] =	ssyncset.done $0x0  }
0x45: {  	s16 =	rddreg [dreg:$0xa];
	[sflag:s17] =	ssyncadd.s32 $0xFFFFD800  }
0x46: {  	[spmem:s16] =	stream.linear.scatter [tilespmem:s21], [sflag:$0x9], $0x2800, $0x38;
	[tilespmem:$0x1BB80] =	vst v63  }
0x47: {  	_ =	swait.ge [sflag:s17], $0x2800  }
0x48: {  	[sflag:s17] =	ssyncset.done $0x0  }
0x49: {  	s19 =	rddreg [dreg:$0xb];
	[sflag:s17] =	ssyncadd.s32 $0xFFFFD800  }
0x4a: {  	[tilespmem:s4], [sflag:$0x9] =	stream.linear.gather [hbm4b:s19+s4], $0x2710, $0x38;
	[tilespmem:$0x1BB80] =	vst v63  }
0x4b: {  	_ =	swait.ge [sflag:s17], $0x2710  }
0x4c: {  	[sflag:s17] =	ssyncset.done $0x0  }
0x4d: {  	[sflag:s17] =	ssyncadd.s32 $0xFFFFD8F0  }
0x4e: {  	v1 =	vld [tilespmem:$0x0];
	_ =	sdelay $0x2  }
0x4f: {  	v2 =	vld [tilespmem:$0x10];
	_ =	sdelay $0x1  }
0x50: {  	v3 =	vshrl.u32 v1, $0x1E  }
0x51: {  	v5 =	vld [tilespmem:$0x20];
	v4 =	vand.u32 $0xFFFF, v1;
	v1 =	vshrl.u32 v1, $0x10;
	v3 =	vmul.u32 $0x2710, v3  }
0x52: {  	[tilespmem:$0x2780] =	vst v4;
	v1 =	vand.u32 $0x3FFF, v1  }
0x53: {  	[tilespmem:$0x2880] =	vst v1;
	v1 =	vadd.s32 v1, v3;
	v3 =	vshrl.u32 v2, $0x1E  }
0x54: {  	v4 =	vld [tilespmem:$0x30];
	[tilespmem:$0x2980] =	vst v1;
	v1 =	vand.u32 $0xFFFF, v2;
	v2 =	vshrl.u32 v2, $0x10;
	v3 =	vmul.u32 $0x2710, v3  }
0x55: {  	[tilespmem:$0x2790] =	vst v1;
	v1 =	vand.u32 $0x3FFF, v2  }
0x56: {  	v2 =	vshrl.u32 v5, $0x1E;
	[tilespmem:$0x2890] =	vst v1;
	v1 =	vadd.s32 v1, v3  }
0x57: {  	v3 =	vshrl.u32 v5, $0x10;
	v2 =	vmul.u32 $0x2710, v2;
	[tilespmem:$0x2990] =	vst v1;
	v1 =	vand.u32 $0xFFFF, v5;
	v5 =	vld [tilespmem:$0x40]  }
0x58: {  	[tilespmem:$0x27A0] =	vst v1;
	v1 =	vand.u32 $0x3FFF, v3  }
0x59: {  	[tilespmem:$0x28A0] =	vst v1;
	v1 =	vadd.s32 v1, v2;
	v2 =	vshrl.u32 v4, $0x1E  }
0x5a: {  	v3 =	vshrl.u32 v4, $0x10;
	[tilespmem:$0x29A0] =	vst v1;
	v1 =	vand.u32 $0xFFFF, v4;
	v2 =	vmul.u32 $0x2710, v2  }
0x5b: {  	[tilespmem:$0x27B0] =	vst v1;
	v1 =	vand.u32 $0x3FFF, v3  }
0x5c: {  	[tilespmem:$0x28B0] =	vst v1;
	v1 =	vadd.s32 v1, v2;
	v2 =	vshrl.u32 v5, $0x1E  }
0x5d: {  	v3 =	vshrl.u32 v5, $0x10;
	[tilespmem:$0x29B0] =	vst v1;
	v1 =	vand.u32 $0xFFFF, v5;
	v2 =	vmul.u32 $0x2710, v2  }
0x5e: {  	[tilespmem:$0x27C0] =	vst v1;
	v1 =	vand.u32 $0x3FFF, v3  }
0x5f: {  	[tilespmem:$0x28C0] =	vst v1;
	v1 =	vadd.s32 v1, v2  }
0x60: {  	[tilespmem:$0x29C0] =	vst v1  }
0x61: {  	[tilespmem:s25], [sflag:$0x1] =	stream.indirect.gather [hbm4b:s5+s23], $0x80, s24, s23, $0xb8;
	[tilespmem:$0x1BB80] =	vst v63  }
0x62: {  	[bflag:$0x0] =	sbarrier.arrive $0xFFFF  }
0x63: {  	_ =	swait.ge [sflag:s26], $0x2800  }
0x64: {  	[sflag:s26] =	ssyncset.done $0x0  }
0x65: {  	[sflag:s26] =	ssyncadd.s32 $0xFFFFD800  }
0x66: {  	[tilespmem:s29], [sflag:$0x5] =	stream.indirect.gather [hbm4b:s6+s23], $0x1, s28, s23, $0xb8;
	[tilespmem:$0x1BB80] =	vst v63  }
0x67: {  	v1 =	vld [tilespmem:$0x50];
	_ =	sdelay $0x2  }
0x68: {  	v2 =	vld [tilespmem:$0x60];
	_ =	sdelay $0x1  }
0x69: {  	v3 =	vshrl.u32 v1, $0x1E  }
0x6a: {  	v5 =	vld [tilespmem:$0x70];
	v4 =	vand.u32 $0xFFFF, v1;
	v1 =	vshrl.u32 v1, $0x10;
	v3 =	vmul.u32 $0x2710, v3  }
0x6b: {  	[tilespmem:$0x2800] =	vst v4;
	v1 =	vand.u32 $0x3FFF, v1  }
0x6c: {  	[tilespmem:$0x2900] =	vst v1;
	v1 =	vadd.s32 v1, v3;
	v3 =	vshrl.u32 v2, $0x1E  }
0x6d: {  	v4 =	vld [tilespmem:$0x80];
	[tilespmem:$0x2A00] =	vst v1;
	v1 =	vand.u32 $0xFFFF, v2;
	v2 =	vshrl.u32 v2, $0x10;
	v3 =	vmul.u32 $0x2710, v3  }
0x6e: {  	[tilespmem:$0x2810] =	vst v1;
	v1 =	vand.u32 $0x3FFF, v2  }
0x6f: {  	v2 =	vshrl.u32 v5, $0x1E;
	[tilespmem:$0x2910] =	vst v1;
	v1 =	vadd.s32 v1, v3  }
0x70: {  	v3 =	vshrl.u32 v5, $0x10;
	v2 =	vmul.u32 $0x2710, v2;
	[tilespmem:$0x2A10] =	vst v1;
	v1 =	vand.u32 $0xFFFF, v5;
	v5 =	vld [tilespmem:$0x90]  }
0x71: {  	[tilespmem:$0x2820] =	vst v1;
	v1 =	vand.u32 $0x3FFF, v3  }
0x72: {  	[tilespmem:$0x2920] =	vst v1;
	v1 =	vadd.s32 v1, v2;
	v2 =	vshrl.u32 v4, $0x1E  }
0x73: {  	v3 =	vshrl.u32 v4, $0x10;
	[tilespmem:$0x2A20] =	vst v1;
	v1 =	vand.u32 $0xFFFF, v4;
	v2 =	vmul.u32 $0x2710, v2  }
0x74: {  	[tilespmem:$0x2830] =	vst v1;
	v1 =	vand.u32 $0x3FFF, v3  }
0x75: {  	[tilespmem:$0x2930] =	vst v1;
	v1 =	vadd.s32 v1, v2;
	v2 =	vshrl.u32 v5, $0x1E  }
0x76: {  	v3 =	vshrl.u32 v5, $0x10;
	[tilespmem:$0x2A30] =	vst v1;
	v1 =	vand.u32 $0xFFFF, v5;
	v2 =	vmul.u32 $0x2710, v2  }
0x77: {  	[tilespmem:$0x2840] =	vst v1;
	v1 =	vand.u32 $0x3FFF, v3  }
0x78: {  	[tilespmem:$0x2940] =	vst v1;
	v1 =	vadd.s32 v1, v2  }
0x79: {  	s20 =	simm.s32 $0x2800;
	[tilespmem:$0x2A40] =	vst v1  }
0x7a: {  	[tilespmem:s21], [sflag:$0x2] =	stream.indirect.gather [hbm4b:s5+s23], $0x80, s20, s23, $0xb8;
	[tilespmem:$0x1BB80] =	vst v63  }
0x7b: {  	_ =	swait.ge [sflag:s31], $0x50  }
0x7c: {  	[sflag:s31] =	ssyncset.done $0x0  }
0x7d: {  	s22 =	simm.s32 $0x2A82;
	[sflag:s31] =	ssyncadd.s32 $0xFFFFFFB0  }
0x7e: {  	s15 =	simm.s32 $0x2C80;
	v1 =	vld.msk [tilespmem:s22+$0x1 ss:$0x0], $0xffff  }
0x7f: {  	v3 =	vld [tilespmem:s15+$0xF0]  }
0x80: {  	v2 =	vld.msk [tilespmem:s22+$0xFFFFFFFE ss:$0x0], $0xffff  }
0x81: {  	v4 =	vld.msk [tilespmem:s22+$0xFFFFFFFF ss:$0x0], $0xffff  }
0x82: {  	v5 =	vld [tilespmem:s15+$0xFFFFFF10]  }
0x83: {  	v6 =	vld [tilespmem:s15+$0xFFFFFF20]  }
0x84: {  	v10 =	vld [tilespmem:s15+$0xFFFFFF60]  }
0x85: {  	v11 =	vld [tilespmem:s15+$0xFFFFFF70]  }
0x86: {  	v7 =	vld [tilespmem:s15+$0xFFFFFF30]  }
0x87: {  	v8 =	vld [tilespmem:s15+$0xFFFFFF40];
	v3 =	vmul.f32 v3, v1  }
0x88: {  	v9 =	vld [tilespmem:s15+$0xFFFFFF50];
	v5 =	vmul.f32 v5, v2  }
0x89: {  	v12 =	vld [tilespmem:s15+$0xFFFFFF80];
	v10 =	vmul.f32 v10, v2;
	[tilespmem:s15+$0xF0] =	vst v3  }
0x8a: {  	v62 =	vld [tilespmem:s15+$0xFFFFFFD0];
	v11 =	vmul.f32 v11, v2;
	[tilespmem:s15+$0xFFFFFF10] =	vst v5  }
0x8b: {  	v3 =	vmul.f32 v6, v2;
	v6 =	vld [tilespmem:s15+$0xFFFFFF90];
	[tilespmem:s15+$0xFFFFFF60] =	vst v10  }
0x8c: {  	v5 =	vmul.f32 v7, v2;
	v7 =	vld [tilespmem:s15+$0xFFFFFFA0];
	[tilespmem:s15+$0xFFFFFF70] =	vst v11  }
0x8d: {  	[tilespmem:s15+$0xFFFFFF20] =	vst v3;
	v3 =	vmul.f32 v8, v2;
	v8 =	vld [tilespmem:s15+$0xFFFFFFB0]  }
0x8e: {  	[tilespmem:s15+$0xFFFFFF30] =	vst v5;
	v5 =	vmul.f32 v9, v2;
	v9 =	vld [tilespmem:s15+$0xFFFFFFC0]  }
0x8f: {  	v10 =	vld [tilespmem:s15+$0xFFFFFFF0];
	[tilespmem:s15+$0xFFFFFF40] =	vst v3;
	v3 =	vmul.f32 v4, v12  }
0x90: {  	[tilespmem:s15+$0xFFFFFF50] =	vst v5;
	v5 =	vld [tilespmem:s15+$0xFFFFFFE0];
	v6 =	vmul.f32 v6, v4  }
0x91: {  	v11 =	vld [tilespmem:s15+$0x0];
	v7 =	vmul.f32 v7, v4;
	[tilespmem:s15+$0xFFFFFF80] =	vst v3  }
0x92: {  	v3 =	vld.msk [tilespmem:s22+$0x0 ss:$0x0], $0xffff;
	[tilespmem:s15+$0xFFFFFF90] =	vst v6;
	v6 =	vmul.f32 v8, v4  }
0x93: {  	v8 =	vld [tilespmem:s15+$0x10];
	[tilespmem:s15+$0xFFFFFFA0] =	vst v7;
	v7 =	vmul.f32 v9, v4  }
0x94: {  	v9 =	vld [tilespmem:s15+$0x20];
	[tilespmem:s15+$0xFFFFFFB0] =	vst v6;
	v6 =	vmul.f32 v62, v4  }
0x95: {  	v63 =	vld [tilespmem:s15+$0x30];
	[tilespmem:s15+$0xFFFFFFC0] =	vst v7;
	v5 =	vmul.f32 v5, v4  }
0x96: {  	v7 =	vld [tilespmem:s15+$0x40];
	v4 =	vmul.f32 v10, v4;
	[tilespmem:s15+$0xFFFFFFD0] =	vst v6  }
0x97: {  	v6 =	vmul.f32 v3, v11;
	v11 =	vld [tilespmem:s15+$0x50];
	[tilespmem:s15+$0xFFFFFFE0] =	vst v5  }
0x98: {  	v5 =	vld [tilespmem:s15+$0x60];
	[tilespmem:s15+$0xFFFFFFF0] =	vst v4;
	v8 =	vmul.f32 v8, v3  }
0x99: {  	v4 =	vmul.f32 v9, v3;
	[tilespmem:s15+$0x0] =	vst v6;
	v6 =	vld [tilespmem:s15+$0x70]  }
0x9a: {  	v9 =	vld [tilespmem:s15+$0x80];
	[tilespmem:s15+$0x10] =	vst v8;
	v8 =	vmul.f32 v63, v3  }
0x9b: {  	[tilespmem:s15+$0x20] =	vst v4;
	v4 =	vmul.f32 v7, v3;
	v7 =	vld [tilespmem:s15+$0x90]  }
0x9c: {  	v10 =	vld [tilespmem:s15+$0xA0];
	[tilespmem:s15+$0x30] =	vst v8;
	v8 =	vmul.f32 v11, v3  }
0x9d: {  	[tilespmem:s15+$0x40] =	vst v4;
	v5 =	vmul.f32 v5, v3;
	v4 =	vld [tilespmem:s15+$0xB0]  }
0x9e: {  	[tilespmem:s15+$0x50] =	vst v8;
	v6 =	vmul.f32 v6, v3;
	v3 =	vld [tilespmem:s15+$0xC0]  }
0x9f: {  	v9 =	vmul.f32 v1, v9;
	[tilespmem:s15+$0x60] =	vst v5;
	v5 =	vld [tilespmem:s15+$0xD0]  }
0xa0: {  	v8 =	vmul.f32 v7, v1;
	[tilespmem:s15+$0x70] =	vst v6;
	v6 =	vld [tilespmem:s15+$0xE0]  }
0xa1: {  	s8 =	simm.s32 $0x2A86;
	s16 =	simm.s32 $0x2C80;
	s17 =	simm.s32 $0x0;
	v7 =	vld [tilespmem:s15+$0xFFFFFF00];
	[tilespmem:s15+$0x80] =	vst v9;
	v9 =	vmul.f32 v10, v1  }
.LBB2_4:
0xa2: {  	v10 =	vld.msk [tilespmem:s8+$0x1 ss:$0x0], $0xffff;
	s17 =	sadd.s32 $0x4, s17;
	[tilespmem:s15+$0x90] =	vst v8;
	v4 =	vmul.f32 v4, v1;
	s16 =	sadd.s32 $0x200, s16  }
0xa3: {  	v8 =	vld [tilespmem:s16+$0xF0];
	p0 =	slt.u32 s17, $0x4C;
	[tilespmem:s15+$0xA0] =	vst v9;
	v3 =	vmul.f32 v3, v1  }
0xa4: {  	v9 =	vld.msk [tilespmem:s8+$0xFFFFFFFE ss:$0x0], $0xffff;
	[tilespmem:s15+$0xB0] =	vst v4;
	v4 =	vmul.f32 v5, v1  }
0xa5: {  	v5 =	vld.msk [tilespmem:s8+$0xFFFFFFFF ss:$0x0], $0xffff;
	[tilespmem:s15+$0xC0] =	vst v3;
	v11 =	vmul.f32 v6, v1  }
0xa6: {  	v3 =	vld.msk [tilespmem:s8+$0x0 ss:$0x0], $0xffff;
	v2 =	vmul.f32 v2, v7;
	[tilespmem:s15+$0xD0] =	vst v4  }
0xa7: {  	v4 =	vld [tilespmem:s16+$0xFFFFFF10];
	[tilespmem:s15+$0xE0] =	vst v11  }
0xa8: {  	v1 =	vmov v10;
	v6 =	vld [tilespmem:s16+$0xFFFFFF20];
	v7 =	vmul.f32 v8, v10;
	[tilespmem:s15+$0xFFFFFF00] =	vst v2;
	s15 =	smov.u32 s16  }
0xa9: {  	v8 =	vld [tilespmem:s16+$0xFFFFFF30]  }
0xaa: {  	v10 =	vld [tilespmem:s16+$0xFFFFFF40];
	[tilespmem:s16+$0xF0] =	vst v7;
	v2 =	vmov v9  }
0xab: {  	v7 =	vld [tilespmem:s16+$0xFFFFFF50]  }
0xac: {  	v4 =	vmul.f32 v4, v2;
	v9 =	vld [tilespmem:s16+$0xFFFFFF60]  }
0xad: {  	v6 =	vmul.f32 v6, v2;
	v11 =	vld [tilespmem:s16+$0xFFFFFF70]  }
0xae: {  	[tilespmem:s16+$0xFFFFFF10] =	vst v4;
	v4 =	vmul.f32 v8, v2;
	v8 =	vld [tilespmem:s16+$0xFFFFFF80]  }
0xaf: {  	[tilespmem:s16+$0xFFFFFF20] =	vst v6;
	v6 =	vmul.f32 v10, v2;
	v10 =	vld [tilespmem:s16+$0xFFFFFF90]  }
0xb0: {  	[tilespmem:s16+$0xFFFFFF30] =	vst v4;
	v4 =	vmul.f32 v7, v2;
	v7 =	vld [tilespmem:s16+$0xFFFFFFA0]  }
0xb1: {  	[tilespmem:s16+$0xFFFFFF40] =	vst v6;
	v6 =	vmul.f32 v9, v2;
	v9 =	vld [tilespmem:s16+$0xFFFFFFB0]  }
0xb2: {  	[tilespmem:s16+$0xFFFFFF50] =	vst v4;
	v4 =	vmul.f32 v11, v2;
	v11 =	vld [tilespmem:s16+$0xFFFFFFC0]  }
0xb3: {  	[tilespmem:s16+$0xFFFFFF60] =	vst v6;
	v6 =	vmul.f32 v5, v8;
	v8 =	vld [tilespmem:s16+$0xFFFFFFD0]  }
0xb4: {  	[tilespmem:s16+$0xFFFFFF70] =	vst v4;
	v4 =	vmul.f32 v10, v5;
	v10 =	vld [tilespmem:s16+$0xFFFFFFE0]  }
0xb5: {  	[tilespmem:s16+$0xFFFFFF80] =	vst v6;
	v6 =	vmul.f32 v7, v5;
	v7 =	vld [tilespmem:s16+$0xFFFFFFF0]  }
0xb6: {  	[tilespmem:s16+$0xFFFFFF90] =	vst v4;
	v4 =	vmul.f32 v9, v5;
	v9 =	vld [tilespmem:s16+$0x0]  }
0xb7: {  	[tilespmem:s16+$0xFFFFFFA0] =	vst v6;
	v6 =	vmul.f32 v11, v5;
	v11 =	vld [tilespmem:s16+$0x10]  }
0xb8: {  	[tilespmem:s16+$0xFFFFFFB0] =	vst v4;
	v4 =	vmul.f32 v8, v5;
	v8 =	vld [tilespmem:s16+$0x20]  }
0xb9: {  	[tilespmem:s16+$0xFFFFFFC0] =	vst v6;
	v6 =	vmul.f32 v10, v5;
	v10 =	vld [tilespmem:s16+$0x30]  }
0xba: {  	[tilespmem:s16+$0xFFFFFFD0] =	vst v4;
	v4 =	vmul.f32 v7, v5;
	v5 =	vld [tilespmem:s16+$0x40]  }
0xbb: {  	[tilespmem:s16+$0xFFFFFFE0] =	vst v6;
	v6 =	vmul.f32 v3, v9;
	v7 =	vld [tilespmem:s16+$0x50]  }
0xbc: {  	[tilespmem:s16+$0xFFFFFFF0] =	vst v4;
	v4 =	vmul.f32 v11, v3;
	v9 =	vld [tilespmem:s16+$0x60]  }
0xbd: {  	[tilespmem:s16+$0x0] =	vst v6;
	v6 =	vmul.f32 v8, v3;
	v8 =	vld [tilespmem:s16+$0x70]  }
0xbe: {  	[tilespmem:s16+$0x10] =	vst v4;
	v4 =	vmul.f32 v10, v3;
	v10 =	vld [tilespmem:s16+$0x80]  }
0xbf: {  	[tilespmem:s16+$0x20] =	vst v6;
	v5 =	vmul.f32 v5, v3;
	v6 =	vld [tilespmem:s16+$0x90]  }
0xc0: {  	[tilespmem:s16+$0x30] =	vst v4;
	v7 =	vmul.f32 v7, v3;
	v11 =	vld [tilespmem:s16+$0xA0]  }
.Ltmp1:
0xc1: {  	[tilespmem:s16+$0x40] =	vst v5;
	v5 =	vmul.f32 v9, v3;
	v4 =	vld [tilespmem:s16+$0xB0];
	(pc) =	sbr.rel @p0 .LBB2_4-.Ltmp1, $4  }
0xc2: {  	[tilespmem:s16+$0x50] =	vst v7;
	v7 =	vmul.f32 v8, v3;
	v3 =	vld [tilespmem:s16+$0xC0]  }
0xc3: {  	[tilespmem:s16+$0x60] =	vst v5;
	v9 =	vmul.f32 v1, v10;
	v5 =	vld [tilespmem:s16+$0xD0]  }
0xc4: {  	[tilespmem:s16+$0x70] =	vst v7;
	v8 =	vmul.f32 v6, v1;
	v6 =	vld [tilespmem:s16+$0xE0]  }
0xc5: {  	s8 =	sadd.s32 $0x4, s8;
	v7 =	vld [tilespmem:s16+$0xFFFFFF00];
	[tilespmem:s16+$0x80] =	vst v9;
	v9 =	vmul.f32 v11, v1  }
0xc6: {  	[tilespmem:s15+$0x90] =	vst v8;
	v4 =	vmul.f32 v4, v1  }
0xc7: {  	[tilespmem:s15+$0xA0] =	vst v9;
	v3 =	vmul.f32 v3, v1  }
0xc8: {  	[tilespmem:s15+$0xB0] =	vst v4;
	v63 =	vmul.f32 v5, v1  }
0xc9: {  	[tilespmem:s15+$0xC0] =	vst v3;
	v1 =	vmul.f32 v6, v1  }
0xca: {  	v2 =	vmul.f32 v2, v7;
	[tilespmem:s15+$0xD0] =	vst v63  }
0xcb: {  	[tilespmem:s15+$0xE0] =	vst v1  }
0xcc: {  	[tilespmem:s15+$0xFFFFFF00] =	vst v2  }
0xcd: {  	s17 =	simm.s32 $0x0;
	s8 =	rddreg [dreg:$0xc]  }
0xce: {  	[hbm4b:s8+s17] =	stream.linear.scatter [tilespmem:s29], [sflag:$0x7], $0x50, $0x38;
	[tilespmem:$0x1BB80] =	vst v63  }
0xcf: {  	_ = 	snop  }
0xd0: {  	[spmem:s2] =	stream.indirect.scatter.add.f32 [tilespmem:s25], [sflag:$0x3], $0x80, s1, s23, $0xb8;
	[tilespmem:$0x1BB80] =	vst v63  }
.LBB2_6:
0xd1: {  	_ =	swait.ge [sflag:s30], $0x2800  }
0xd2: {  	p0 =	seq.s32 s17, $0x0;
	[sflag:s30] =	ssyncset.done $0x0  }
0xd3: {  	s8 =	simm.s32 @!p0 $0x8;
	[sflag:s30] =	ssyncadd.s32 $0xFFFFD800  }
0xd4: {  	_ =	swait.ge @!p0 [sflag:s8], $0x50  }
0xd5: {  	[sflag:s8] =	ssyncset.done @!p0 $0x0  }
0xd6: {  	[sflag:s8] =	ssyncadd.s32 @!p0 $0xFFFFFFB0  }
0xd7: {  	[tilespmem:s9], [sflag:$0x6] =	stream.indirect.gather [hbm4b:s6+s23], $0x1, s0, s23, $0xb8;
	[tilespmem:$0x1BB80] =	vst v63  }
0xd8: {  	_ =	swait.ge [sflag:s10], $0x2800  }
0xd9: {  	s20 =	smul.u32 $0xA0, s17;
	[sflag:s10] =	ssyncset.done $0x0  }
0xda: {  	[sflag:s10] =	ssyncadd.s32 $0xFFFFD800  }
0xdb: {  	v1 =	vld [tilespmem:s20+$0xA0];
	_ =	sdelay $0x4  }
0xdc: {  	v2 =	vshrl.u32 v1, $0x1E  }
0xdd: {  	v3 =	vand.u32 $0xFFFF, v1;
	v1 =	vshrl.u32 v1, $0x10;
	v2 =	vmul.u32 $0x2710, v2  }
0xde: {  	[tilespmem:$0x2780] =	vst v3;
	v1 =	vand.u32 $0x3FFF, v1  }
0xdf: {  	[tilespmem:$0x2880] =	vst v1;
	v1 =	vadd.s32 v1, v2  }
0xe0: {  	[tilespmem:$0x2980] =	vst v1  }
0xe1: {  	v1 =	vld [tilespmem:s20+$0xB0];
	_ =	sdelay $0x4  }
0xe2: {  	v2 =	vshrl.u32 v1, $0x1E  }
0xe3: {  	v3 =	vand.u32 $0xFFFF, v1;
	v1 =	vshrl.u32 v1, $0x10;
	v2 =	vmul.u32 $0x2710, v2  }
0xe4: {  	[tilespmem:$0x2790] =	vst v3;
	v1 =	vand.u32 $0x3FFF, v1  }
0xe5: {  	[tilespmem:$0x2890] =	vst v1;
	v1 =	vadd.s32 v1, v2  }
0xe6: {  	[tilespmem:$0x2990] =	vst v1  }
0xe7: {  	v1 =	vld [tilespmem:s20+$0xC0];
	_ =	sdelay $0x4  }
0xe8: {  	v2 =	vshrl.u32 v1, $0x1E  }
0xe9: {  	v3 =	vand.u32 $0xFFFF, v1;
	v1 =	vshrl.u32 v1, $0x10;
	v2 =	vmul.u32 $0x2710, v2  }
0xea: {  	[tilespmem:$0x27A0] =	vst v3;
	v1 =	vand.u32 $0x3FFF, v1  }
0xeb: {  	[tilespmem:$0x28A0] =	vst v1;
	v1 =	vadd.s32 v1, v2  }
0xec: {  	[tilespmem:$0x29A0] =	vst v1  }
0xed: {  	v1 =	vld [tilespmem:s20+$0xD0];
	_ =	sdelay $0x4  }
0xee: {  	v2 =	vshrl.u32 v1, $0x1E  }
0xef: {  	v3 =	vand.u32 $0xFFFF, v1;
	v1 =	vshrl.u32 v1, $0x10;
	v2 =	vmul.u32 $0x2710, v2  }
0xf0: {  	[tilespmem:$0x27B0] =	vst v3;
	v1 =	vand.u32 $0x3FFF, v1  }
0xf1: {  	[tilespmem:$0x28B0] =	vst v1;
	v1 =	vadd.s32 v1, v2  }
0xf2: {  	[tilespmem:$0x29B0] =	vst v1  }
0xf3: {  	v1 =	vld [tilespmem:s20+$0xE0];
	_ =	sdelay $0x4  }
0xf4: {  	v2 =	vshrl.u32 v1, $0x1E  }
0xf5: {  	v3 =	vand.u32 $0xFFFF, v1;
	v1 =	vshrl.u32 v1, $0x10;
	v2 =	vmul.u32 $0x2710, v2  }
0xf6: {  	[tilespmem:$0x27C0] =	vst v3;
	v1 =	vand.u32 $0x3FFF, v1  }
0xf7: {  	[tilespmem:$0x28C0] =	vst v1;
	v1 =	vadd.s32 v1, v2  }
0xf8: {  	[tilespmem:$0x29C0] =	vst v1  }
0xf9: {  	[tilespmem:s25], [sflag:$0x1] =	stream.indirect.gather [hbm4b:s5+s23], $0x80, s24, s23, $0xb8;
	[tilespmem:$0x1BB80] =	vst v63  }
0xfa: {  	_ =	swait.ge [sflag:s11], $0x50  }
0xfb: {  	[sflag:s11] =	ssyncset.done $0x0  }
0xfc: {  	s22 =	simm.s32 $0x2B02;
	[sflag:s11] =	ssyncadd.s32 $0xFFFFFFB0  }
0xfd: {  	s15 =	simm.s32 $0x5480;
	v1 =	vld.msk [tilespmem:s22+$0x1 ss:$0x0], $0xffff  }
0xfe: {  	v3 =	vld [tilespmem:s15+$0xF0]  }
0xff: {  	v2 =	vld.msk [tilespmem:s22+$0xFFFFFFFE ss:$0x0], $0xffff  }
0x100: {  	v4 =	vld.msk [tilespmem:s22+$0xFFFFFFFF ss:$0x0], $0xffff  }
0x101: {  	v5 =	vld [tilespmem:s15+$0xFFFFFF10]  }
0x102: {  	v6 =	vld [tilespmem:s15+$0xFFFFFF20]  }
0x103: {  	v10 =	vld [tilespmem:s15+$0xFFFFFF60]  }
0x104: {  	v11 =	vld [tilespmem:s15+$0xFFFFFF70]  }
0x105: {  	v7 =	vld [tilespmem:s15+$0xFFFFFF30]  }
0x106: {  	v8 =	vld [tilespmem:s15+$0xFFFFFF40];
	v3 =	vmul.f32 v3, v1  }
0x107: {  	v9 =	vld [tilespmem:s15+$0xFFFFFF50];
	v5 =	vmul.f32 v5, v2  }
0x108: {  	v12 =	vld [tilespmem:s15+$0xFFFFFF80];
	v10 =	vmul.f32 v10, v2;
	[tilespmem:s15+$0xF0] =	vst v3  }
0x109: {  	v62 =	vld [tilespmem:s15+$0xFFFFFFD0];
	v11 =	vmul.f32 v11, v2;
	[tilespmem:s15+$0xFFFFFF10] =	vst v5  }
0x10a: {  	v3 =	vmul.f32 v6, v2;
	v6 =	vld [tilespmem:s15+$0xFFFFFF90];
	[tilespmem:s15+$0xFFFFFF60] =	vst v10  }
0x10b: {  	v5 =	vmul.f32 v7, v2;
	v7 =	vld [tilespmem:s15+$0xFFFFFFA0];
	[tilespmem:s15+$0xFFFFFF70] =	vst v11  }
0x10c: {  	[tilespmem:s15+$0xFFFFFF20] =	vst v3;
	v3 =	vmul.f32 v8, v2;
	v8 =	vld [tilespmem:s15+$0xFFFFFFB0]  }
0x10d: {  	[tilespmem:s15+$0xFFFFFF30] =	vst v5;
	v5 =	vmul.f32 v9, v2;
	v9 =	vld [tilespmem:s15+$0xFFFFFFC0]  }
0x10e: {  	v10 =	vld [tilespmem:s15+$0xFFFFFFF0];
	[tilespmem:s15+$0xFFFFFF40] =	vst v3;
	v3 =	vmul.f32 v4, v12  }
0x10f: {  	[tilespmem:s15+$0xFFFFFF50] =	vst v5;
	v5 =	vld [tilespmem:s15+$0xFFFFFFE0];
	v6 =	vmul.f32 v6, v4  }
0x110: {  	v11 =	vld [tilespmem:s15+$0x0];
	v7 =	vmul.f32 v7, v4;
	[tilespmem:s15+$0xFFFFFF80] =	vst v3  }
0x111: {  	v3 =	vld.msk [tilespmem:s22+$0x0 ss:$0x0], $0xffff;
	[tilespmem:s15+$0xFFFFFF90] =	vst v6;
	v6 =	vmul.f32 v8, v4  }
0x112: {  	v8 =	vld [tilespmem:s15+$0x10];
	[tilespmem:s15+$0xFFFFFFA0] =	vst v7;
	v7 =	vmul.f32 v9, v4  }
0x113: {  	v9 =	vld [tilespmem:s15+$0x20];
	[tilespmem:s15+$0xFFFFFFB0] =	vst v6;
	v6 =	vmul.f32 v62, v4  }
0x114: {  	v63 =	vld [tilespmem:s15+$0x30];
	[tilespmem:s15+$0xFFFFFFC0] =	vst v7;
	v5 =	vmul.f32 v5, v4  }
0x115: {  	v7 =	vld [tilespmem:s15+$0x40];
	v4 =	vmul.f32 v10, v4;
	[tilespmem:s15+$0xFFFFFFD0] =	vst v6  }
0x116: {  	v6 =	vmul.f32 v3, v11;
	v11 =	vld [tilespmem:s15+$0x50];
	[tilespmem:s15+$0xFFFFFFE0] =	vst v5  }
0x117: {  	v5 =	vld [tilespmem:s15+$0x60];
	[tilespmem:s15+$0xFFFFFFF0] =	vst v4;
	v8 =	vmul.f32 v8, v3  }
0x118: {  	v4 =	vmul.f32 v9, v3;
	[tilespmem:s15+$0x0] =	vst v6;
	v6 =	vld [tilespmem:s15+$0x70]  }
0x119: {  	v9 =	vld [tilespmem:s15+$0x80];
	[tilespmem:s15+$0x10] =	vst v8;
	v8 =	vmul.f32 v63, v3  }
0x11a: {  	[tilespmem:s15+$0x20] =	vst v4;
	v4 =	vmul.f32 v7, v3;
	v7 =	vld [tilespmem:s15+$0x90]  }
0x11b: {  	v10 =	vld [tilespmem:s15+$0xA0];
	[tilespmem:s15+$0x30] =	vst v8;
	v8 =	vmul.f32 v11, v3  }
0x11c: {  	[tilespmem:s15+$0x40] =	vst v4;
	v5 =	vmul.f32 v5, v3;
	v4 =	vld [tilespmem:s15+$0xB0]  }
0x11d: {  	[tilespmem:s15+$0x50] =	vst v8;
	v6 =	vmul.f32 v6, v3;
	v3 =	vld [tilespmem:s15+$0xC0]  }
0x11e: {  	v9 =	vmul.f32 v1, v9;
	[tilespmem:s15+$0x60] =	vst v5;
	v5 =	vld [tilespmem:s15+$0xD0]  }
0x11f: {  	s16 =	simm.s32 $0x2B06;
	v8 =	vmul.f32 v7, v1;
	[tilespmem:s15+$0x70] =	vst v6;
	v6 =	vld [tilespmem:s15+$0xE0]  }
0x120: {  	s19 =	sadd.s32 $0xA0, s20;
	s8 =	simm.s32 $0x0;
	s22 =	simm.s32 $0x5480;
	v7 =	vld [tilespmem:s15+$0xFFFFFF00];
	[tilespmem:s15+$0x80] =	vst v9;
	v9 =	vmul.f32 v10, v1  }
.LBB2_7:
0x121: {  	v10 =	vld.msk [tilespmem:s16+$0x1 ss:$0x0], $0xffff;
	s8 =	sadd.s32 $0x4, s8;
	[tilespmem:s15+$0x90] =	vst v8;
	v4 =	vmul.f32 v4, v1;
	s22 =	sadd.s32 $0x200, s22  }
0x122: {  	v8 =	vld [tilespmem:s22+$0xF0];
	p0 =	slt.u32 s8, $0x4C;
	[tilespmem:s15+$0xA0] =	vst v9;
	v3 =	vmul.f32 v3, v1  }
0x123: {  	v9 =	vld.msk [tilespmem:s16+$0xFFFFFFFE ss:$0x0], $0xffff;
	[tilespmem:s15+$0xB0] =	vst v4;
	v4 =	vmul.f32 v5, v1  }
0x124: {  	v5 =	vld.msk [tilespmem:s16+$0xFFFFFFFF ss:$0x0], $0xffff;
	[tilespmem:s15+$0xC0] =	vst v3;
	v11 =	vmul.f32 v6, v1  }
0x125: {  	v3 =	vld.msk [tilespmem:s16+$0x0 ss:$0x0], $0xffff;
	v2 =	vmul.f32 v2, v7;
	[tilespmem:s15+$0xD0] =	vst v4  }
0x126: {  	v4 =	vld [tilespmem:s22+$0xFFFFFF10];
	[tilespmem:s15+$0xE0] =	vst v11  }
0x127: {  	v1 =	vmov v10;
	v6 =	vld [tilespmem:s22+$0xFFFFFF20];
	v7 =	vmul.f32 v8, v10;
	[tilespmem:s15+$0xFFFFFF00] =	vst v2;
	s15 =	smov.u32 s22  }
0x128: {  	v8 =	vld [tilespmem:s22+$0xFFFFFF30]  }
0x129: {  	v10 =	vld [tilespmem:s22+$0xFFFFFF40];
	[tilespmem:s22+$0xF0] =	vst v7;
	v2 =	vmov v9  }
0x12a: {  	v7 =	vld [tilespmem:s22+$0xFFFFFF50]  }
0x12b: {  	v4 =	vmul.f32 v4, v2;
	v9 =	vld [tilespmem:s22+$0xFFFFFF60]  }
0x12c: {  	v6 =	vmul.f32 v6, v2;
	v11 =	vld [tilespmem:s22+$0xFFFFFF70]  }
0x12d: {  	[tilespmem:s22+$0xFFFFFF10] =	vst v4;
	v4 =	vmul.f32 v8, v2;
	v8 =	vld [tilespmem:s22+$0xFFFFFF80]  }
0x12e: {  	[tilespmem:s22+$0xFFFFFF20] =	vst v6;
	v6 =	vmul.f32 v10, v2;
	v10 =	vld [tilespmem:s22+$0xFFFFFF90]  }
0x12f: {  	[tilespmem:s22+$0xFFFFFF30] =	vst v4;
	v4 =	vmul.f32 v7, v2;
	v7 =	vld [tilespmem:s22+$0xFFFFFFA0]  }
0x130: {  	[tilespmem:s22+$0xFFFFFF40] =	vst v6;
	v6 =	vmul.f32 v9, v2;
	v9 =	vld [tilespmem:s22+$0xFFFFFFB0]  }
0x131: {  	[tilespmem:s22+$0xFFFFFF50] =	vst v4;
	v4 =	vmul.f32 v11, v2;
	v11 =	vld [tilespmem:s22+$0xFFFFFFC0]  }
0x132: {  	[tilespmem:s22+$0xFFFFFF60] =	vst v6;
	v6 =	vmul.f32 v5, v8;
	v8 =	vld [tilespmem:s22+$0xFFFFFFD0]  }
0x133: {  	[tilespmem:s22+$0xFFFFFF70] =	vst v4;
	v4 =	vmul.f32 v10, v5;
	v10 =	vld [tilespmem:s22+$0xFFFFFFE0]  }
0x134: {  	[tilespmem:s22+$0xFFFFFF80] =	vst v6;
	v6 =	vmul.f32 v7, v5;
	v7 =	vld [tilespmem:s22+$0xFFFFFFF0]  }
0x135: {  	[tilespmem:s22+$0xFFFFFF90] =	vst v4;
	v4 =	vmul.f32 v9, v5;
	v9 =	vld [tilespmem:s22+$0x0]  }
0x136: {  	[tilespmem:s22+$0xFFFFFFA0] =	vst v6;
	v6 =	vmul.f32 v11, v5;
	v11 =	vld [tilespmem:s22+$0x10]  }
0x137: {  	[tilespmem:s22+$0xFFFFFFB0] =	vst v4;
	v4 =	vmul.f32 v8, v5;
	v8 =	vld [tilespmem:s22+$0x20]  }
0x138: {  	[tilespmem:s22+$0xFFFFFFC0] =	vst v6;
	v6 =	vmul.f32 v10, v5;
	v10 =	vld [tilespmem:s22+$0x30]  }
0x139: {  	[tilespmem:s22+$0xFFFFFFD0] =	vst v4;
	v4 =	vmul.f32 v7, v5;
	v5 =	vld [tilespmem:s22+$0x40]  }
0x13a: {  	[tilespmem:s22+$0xFFFFFFE0] =	vst v6;
	v6 =	vmul.f32 v3, v9;
	v7 =	vld [tilespmem:s22+$0x50]  }
0x13b: {  	[tilespmem:s22+$0xFFFFFFF0] =	vst v4;
	v4 =	vmul.f32 v11, v3;
	v9 =	vld [tilespmem:s22+$0x60]  }
0x13c: {  	[tilespmem:s22+$0x0] =	vst v6;
	v6 =	vmul.f32 v8, v3;
	v8 =	vld [tilespmem:s22+$0x70]  }
0x13d: {  	[tilespmem:s22+$0x10] =	vst v4;
	v4 =	vmul.f32 v10, v3;
	v10 =	vld [tilespmem:s22+$0x80]  }
0x13e: {  	[tilespmem:s22+$0x20] =	vst v6;
	v5 =	vmul.f32 v5, v3;
	v6 =	vld [tilespmem:s22+$0x90]  }
0x13f: {  	[tilespmem:s22+$0x30] =	vst v4;
	v7 =	vmul.f32 v7, v3;
	v11 =	vld [tilespmem:s22+$0xA0]  }
.Ltmp2:
0x140: {  	[tilespmem:s22+$0x40] =	vst v5;
	v5 =	vmul.f32 v9, v3;
	v4 =	vld [tilespmem:s22+$0xB0];
	(pc) =	sbr.rel @p0 .LBB2_7-.Ltmp2, $4  }
0x141: {  	[tilespmem:s22+$0x50] =	vst v7;
	v7 =	vmul.f32 v8, v3;
	v3 =	vld [tilespmem:s22+$0xC0]  }
0x142: {  	[tilespmem:s22+$0x60] =	vst v5;
	v9 =	vmul.f32 v1, v10;
	v5 =	vld [tilespmem:s22+$0xD0]  }
0x143: {  	[tilespmem:s22+$0x70] =	vst v7;
	v8 =	vmul.f32 v6, v1;
	v6 =	vld [tilespmem:s22+$0xE0]  }
0x144: {  	s16 =	sadd.s32 $0x4, s16;
	v7 =	vld [tilespmem:s22+$0xFFFFFF00];
	[tilespmem:s22+$0x80] =	vst v9;
	v9 =	vmul.f32 v11, v1  }
0x145: {  	[tilespmem:s15+$0x90] =	vst v8;
	v4 =	vmul.f32 v4, v1  }
0x146: {  	[tilespmem:s15+$0xA0] =	vst v9;
	v3 =	vmul.f32 v3, v1  }
0x147: {  	[tilespmem:s15+$0xB0] =	vst v4;
	v4 =	vmul.f32 v5, v1  }
0x148: {  	[tilespmem:s15+$0xC0] =	vst v3;
	v1 =	vmul.f32 v6, v1  }
0x149: {  	s8 =	sadd.s32 s20, s18;
	v2 =	vmul.f32 v2, v7;
	[tilespmem:s15+$0xD0] =	vst v4  }
0x14a: {  	s8 =	sshrl.u32 s8, $0x3;
	[tilespmem:s15+$0xE0] =	vst v1  }
0x14b: {  	s8 =	sadd.s32 s7, s8;
	[tilespmem:s15+$0xFFFFFF00] =	vst v2  }
0x14c: {  	[hbm4b:s8+s4] =	stream.linear.scatter [tilespmem:s9], [sflag:$0x8], $0x50, $0x38;
	[tilespmem:$0x1BB80] =	vst v63  }
0x14d: {  	_ = 	snop  }
0x14e: {  	[spmem:s2] =	stream.indirect.scatter.add.f32 [tilespmem:s21], [sflag:$0x4], $0x80, s12, s23, $0xb8;
	[tilespmem:$0x1BB80] =	vst v63  }
0x14f: {  	_ =	swait.ge [sflag:s26], $0x2800  }
0x150: {  	[sflag:s26] =	ssyncset.done $0x0  }
0x151: {  	[sflag:s26] =	ssyncadd.s32 $0xFFFFD800  }
0x152: {  	_ =	swait.ge [sflag:s13], $0x50  }
0x153: {  	[sflag:s13] =	ssyncset.done $0x0  }
0x154: {  	[sflag:s13] =	ssyncadd.s32 $0xFFFFFFB0  }
0x155: {  	[tilespmem:s29], [sflag:$0x5] =	stream.indirect.gather [hbm4b:s6+s23], $0x1, s28, s23, $0xb8;
	[tilespmem:$0x1BB80] =	vst v63  }
0x156: {  	_ =	swait.ge [sflag:s14], $0x2800  }
0x157: {  	[sflag:s14] =	ssyncset.done $0x0  }
0x158: {  	p0 =	seq.s32 s17, $0x3D;
	[sflag:s14] =	ssyncadd.s32 $0xFFFFD800  }
0x159: {  	v1 =	vld @!p0 [tilespmem:s20+$0xF0];
	_ =	sdelay $0x4  }
0x15a: {  	v2 =	vshrl.u32 @!p0 v1, $0x1E  }
0x15b: {  	v3 =	vand.u32 @!p0 $0xFFFF, v1;
	v1 =	vshrl.u32 @!p0 v1, $0x10;
	v2 =	vmul.u32 @!p0 $0x2710, v2  }
0x15c: {  	[tilespmem:$0x2800] =	vst @!p0 v3;
	v1 =	vand.u32 @!p0 $0x3FFF, v1  }
0x15d: {  	[tilespmem:$0x2900] =	vst @!p0 v1;
	v1 =	vadd.s32 @!p0 v1, v2  }
0x15e: {  	[tilespmem:$0x2A00] =	vst @!p0 v1  }
0x15f: {  	v1 =	vld @!p0 [tilespmem:s20+$0x100];
	_ =	sdelay $0x4  }
0x160: {  	v2 =	vshrl.u32 @!p0 v1, $0x1E  }
0x161: {  	v3 =	vand.u32 @!p0 $0xFFFF, v1;
	v1 =	vshrl.u32 @!p0 v1, $0x10;
	v2 =	vmul.u32 @!p0 $0x2710, v2  }
0x162: {  	[tilespmem:$0x2810] =	vst @!p0 v3;
	v1 =	vand.u32 @!p0 $0x3FFF, v1  }
0x163: {  	[tilespmem:$0x2910] =	vst @!p0 v1;
	v1 =	vadd.s32 @!p0 v1, v2  }
0x164: {  	[tilespmem:$0x2A10] =	vst @!p0 v1  }
0x165: {  	v1 =	vld @!p0 [tilespmem:s20+$0x110];
	_ =	sdelay $0x4  }
0x166: {  	v2 =	vshrl.u32 @!p0 v1, $0x1E  }
0x167: {  	v3 =	vand.u32 @!p0 $0xFFFF, v1;
	v1 =	vshrl.u32 @!p0 v1, $0x10;
	v2 =	vmul.u32 @!p0 $0x2710, v2  }
0x168: {  	[tilespmem:$0x2820] =	vst @!p0 v3;
	v1 =	vand.u32 @!p0 $0x3FFF, v1  }
0x169: {  	[tilespmem:$0x2920] =	vst @!p0 v1;
	v1 =	vadd.s32 @!p0 v1, v2  }
0x16a: {  	[tilespmem:$0x2A20] =	vst @!p0 v1  }
0x16b: {  	v1 =	vld @!p0 [tilespmem:s20+$0x120];
	_ =	sdelay $0x4  }
0x16c: {  	v2 =	vshrl.u32 @!p0 v1, $0x1E  }
0x16d: {  	v3 =	vand.u32 @!p0 $0xFFFF, v1;
	v1 =	vshrl.u32 @!p0 v1, $0x10;
	v2 =	vmul.u32 @!p0 $0x2710, v2  }
0x16e: {  	[tilespmem:$0x2830] =	vst @!p0 v3;
	v1 =	vand.u32 @!p0 $0x3FFF, v1  }
0x16f: {  	[tilespmem:$0x2930] =	vst @!p0 v1;
	v1 =	vadd.s32 @!p0 v1, v2  }
0x170: {  	[tilespmem:$0x2A30] =	vst @!p0 v1  }
0x171: {  	v1 =	vld @!p0 [tilespmem:s20+$0x130];
	_ =	sdelay $0x4  }
0x172: {  	v2 =	vshrl.u32 @!p0 v1, $0x1E  }
0x173: {  	v3 =	vand.u32 @!p0 $0xFFFF, v1;
	v1 =	vshrl.u32 @!p0 v1, $0x10;
	v2 =	vmul.u32 @!p0 $0x2710, v2  }
0x174: {  	[tilespmem:$0x2840] =	vst @!p0 v3;
	v1 =	vand.u32 @!p0 $0x3FFF, v1  }
0x175: {  	[tilespmem:$0x2940] =	vst @!p0 v1;
	v1 =	vadd.s32 @!p0 v1, v2  }
0x176: {  	s16 =	simm.s32 @!p0 $0x5380;
	s15 =	simm.s32 @!p0 $0x2800;
	s8 =	simm.s32 @!p0 $0x50;
	[tilespmem:$0x2A40] =	vst @!p0 v1  }
0x177: {  	[tilespmem:s16], [sflag:$0x2] =	stream.indirect.gather @!p0 [hbm4b:s5+s8], $0x80, s15, s8, $0xb8;
	[tilespmem:$0x1BB80] =	vst v63  }
0x178: {  	_ =	swait.ge [sflag:s31], $0x50  }
0x179: {  	[sflag:s31] =	ssyncset.done $0x0  }
0x17a: {  	s22 =	simm.s32 $0x2A82;
	[sflag:s31] =	ssyncadd.s32 $0xFFFFFFB0  }
0x17b: {  	s15 =	simm.s32 $0x2C80;
	v1 =	vld.msk [tilespmem:s22+$0x1 ss:$0x0], $0xffff  }
0x17c: {  	v3 =	vld [tilespmem:s15+$0xF0]  }
0x17d: {  	v2 =	vld.msk [tilespmem:s22+$0xFFFFFFFE ss:$0x0], $0xffff  }
0x17e: {  	v4 =	vld.msk [tilespmem:s22+$0xFFFFFFFF ss:$0x0], $0xffff  }
0x17f: {  	v5 =	vld [tilespmem:s15+$0xFFFFFF10]  }
0x180: {  	v6 =	vld [tilespmem:s15+$0xFFFFFF20]  }
0x181: {  	v10 =	vld [tilespmem:s15+$0xFFFFFF60]  }
0x182: {  	v11 =	vld [tilespmem:s15+$0xFFFFFF70]  }
0x183: {  	v7 =	vld [tilespmem:s15+$0xFFFFFF30]  }
0x184: {  	v8 =	vld [tilespmem:s15+$0xFFFFFF40];
	v3 =	vmul.f32 v3, v1  }
0x185: {  	v9 =	vld [tilespmem:s15+$0xFFFFFF50];
	v5 =	vmul.f32 v5, v2  }
0x186: {  	v12 =	vld [tilespmem:s15+$0xFFFFFF80];
	v10 =	vmul.f32 v10, v2;
	[tilespmem:s15+$0xF0] =	vst v3  }
0x187: {  	v62 =	vld [tilespmem:s15+$0xFFFFFFD0];
	v11 =	vmul.f32 v11, v2;
	[tilespmem:s15+$0xFFFFFF10] =	vst v5  }
0x188: {  	v3 =	vmul.f32 v6, v2;
	v6 =	vld [tilespmem:s15+$0xFFFFFF90];
	[tilespmem:s15+$0xFFFFFF60] =	vst v10  }
0x189: {  	v5 =	vmul.f32 v7, v2;
	v7 =	vld [tilespmem:s15+$0xFFFFFFA0];
	[tilespmem:s15+$0xFFFFFF70] =	vst v11  }
0x18a: {  	[tilespmem:s15+$0xFFFFFF20] =	vst v3;
	v3 =	vmul.f32 v8, v2;
	v8 =	vld [tilespmem:s15+$0xFFFFFFB0]  }
0x18b: {  	[tilespmem:s15+$0xFFFFFF30] =	vst v5;
	v5 =	vmul.f32 v9, v2;
	v9 =	vld [tilespmem:s15+$0xFFFFFFC0]  }
0x18c: {  	v10 =	vld [tilespmem:s15+$0xFFFFFFF0];
	[tilespmem:s15+$0xFFFFFF40] =	vst v3;
	v3 =	vmul.f32 v4, v12  }
0x18d: {  	[tilespmem:s15+$0xFFFFFF50] =	vst v5;
	v5 =	vld [tilespmem:s15+$0xFFFFFFE0];
	v6 =	vmul.f32 v6, v4  }
0x18e: {  	v11 =	vld [tilespmem:s15+$0x0];
	v7 =	vmul.f32 v7, v4;
	[tilespmem:s15+$0xFFFFFF80] =	vst v3  }
0x18f: {  	v3 =	vld.msk [tilespmem:s22+$0x0 ss:$0x0], $0xffff;
	[tilespmem:s15+$0xFFFFFF90] =	vst v6;
	v6 =	vmul.f32 v8, v4  }
0x190: {  	v8 =	vld [tilespmem:s15+$0x10];
	[tilespmem:s15+$0xFFFFFFA0] =	vst v7;
	v7 =	vmul.f32 v9, v4  }
0x191: {  	v9 =	vld [tilespmem:s15+$0x20];
	[tilespmem:s15+$0xFFFFFFB0] =	vst v6;
	v6 =	vmul.f32 v62, v4  }
0x192: {  	v63 =	vld [tilespmem:s15+$0x30];
	[tilespmem:s15+$0xFFFFFFC0] =	vst v7;
	v5 =	vmul.f32 v5, v4  }
0x193: {  	v7 =	vld [tilespmem:s15+$0x40];
	v4 =	vmul.f32 v10, v4;
	[tilespmem:s15+$0xFFFFFFD0] =	vst v6  }
0x194: {  	v6 =	vmul.f32 v3, v11;
	v11 =	vld [tilespmem:s15+$0x50];
	[tilespmem:s15+$0xFFFFFFE0] =	vst v5  }
0x195: {  	v5 =	vld [tilespmem:s15+$0x60];
	[tilespmem:s15+$0xFFFFFFF0] =	vst v4;
	v8 =	vmul.f32 v8, v3  }
0x196: {  	v4 =	vmul.f32 v9, v3;
	[tilespmem:s15+$0x0] =	vst v6;
	v6 =	vld [tilespmem:s15+$0x70]  }
0x197: {  	v9 =	vld [tilespmem:s15+$0x80];
	[tilespmem:s15+$0x10] =	vst v8;
	v8 =	vmul.f32 v63, v3  }
0x198: {  	[tilespmem:s15+$0x20] =	vst v4;
	v4 =	vmul.f32 v7, v3;
	v7 =	vld [tilespmem:s15+$0x90]  }
0x199: {  	v10 =	vld [tilespmem:s15+$0xA0];
	[tilespmem:s15+$0x30] =	vst v8;
	v8 =	vmul.f32 v11, v3  }
0x19a: {  	[tilespmem:s15+$0x40] =	vst v4;
	v5 =	vmul.f32 v5, v3;
	v4 =	vld [tilespmem:s15+$0xB0]  }
0x19b: {  	[tilespmem:s15+$0x50] =	vst v8;
	v6 =	vmul.f32 v6, v3;
	v3 =	vld [tilespmem:s15+$0xC0]  }
0x19c: {  	v9 =	vmul.f32 v1, v9;
	[tilespmem:s15+$0x60] =	vst v5;
	v5 =	vld [tilespmem:s15+$0xD0]  }
0x19d: {  	v8 =	vmul.f32 v7, v1;
	[tilespmem:s15+$0x70] =	vst v6;
	v6 =	vld [tilespmem:s15+$0xE0]  }
0x19e: {  	s20 =	simm.s32 $0x2C80;
	s8 =	simm.s32 $0x0;
	s16 =	simm.s32 $0x2A86;
	v7 =	vld [tilespmem:s15+$0xFFFFFF00];
	[tilespmem:s15+$0x80] =	vst v9;
	v9 =	vmul.f32 v10, v1  }
.LBB2_9:
0x19f: {  	v10 =	vld.msk [tilespmem:s16+$0x1 ss:$0x0], $0xffff;
	s8 =	sadd.s32 $0x4, s8;
	[tilespmem:s15+$0x90] =	vst v8;
	v4 =	vmul.f32 v4, v1;
	s20 =	sadd.s32 $0x200, s20  }
0x1a0: {  	v8 =	vld [tilespmem:s20+$0xF0];
	p0 =	slt.u32 s8, $0x4C;
	[tilespmem:s15+$0xA0] =	vst v9;
	v3 =	vmul.f32 v3, v1  }
0x1a1: {  	v9 =	vld.msk [tilespmem:s16+$0xFFFFFFFE ss:$0x0], $0xffff;
	[tilespmem:s15+$0xB0] =	vst v4;
	v4 =	vmul.f32 v5, v1  }
0x1a2: {  	v5 =	vld.msk [tilespmem:s16+$0xFFFFFFFF ss:$0x0], $0xffff;
	[tilespmem:s15+$0xC0] =	vst v3;
	v11 =	vmul.f32 v6, v1  }
0x1a3: {  	v3 =	vld.msk [tilespmem:s16+$0x0 ss:$0x0], $0xffff;
	v2 =	vmul.f32 v2, v7;
	[tilespmem:s15+$0xD0] =	vst v4  }
0x1a4: {  	v4 =	vld [tilespmem:s20+$0xFFFFFF10];
	[tilespmem:s15+$0xE0] =	vst v11  }
0x1a5: {  	v1 =	vmov v10;
	v6 =	vld [tilespmem:s20+$0xFFFFFF20];
	v7 =	vmul.f32 v8, v10;
	[tilespmem:s15+$0xFFFFFF00] =	vst v2;
	s15 =	smov.u32 s20  }
0x1a6: {  	v8 =	vld [tilespmem:s20+$0xFFFFFF30]  }
0x1a7: {  	v10 =	vld [tilespmem:s20+$0xFFFFFF40];
	[tilespmem:s20+$0xF0] =	vst v7;
	v2 =	vmov v9  }
0x1a8: {  	v7 =	vld [tilespmem:s20+$0xFFFFFF50]  }
0x1a9: {  	v4 =	vmul.f32 v4, v2;
	v9 =	vld [tilespmem:s20+$0xFFFFFF60]  }
0x1aa: {  	v6 =	vmul.f32 v6, v2;
	v11 =	vld [tilespmem:s20+$0xFFFFFF70]  }
0x1ab: {  	[tilespmem:s20+$0xFFFFFF10] =	vst v4;
	v4 =	vmul.f32 v8, v2;
	v8 =	vld [tilespmem:s20+$0xFFFFFF80]  }
0x1ac: {  	[tilespmem:s20+$0xFFFFFF20] =	vst v6;
	v6 =	vmul.f32 v10, v2;
	v10 =	vld [tilespmem:s20+$0xFFFFFF90]  }
0x1ad: {  	[tilespmem:s20+$0xFFFFFF30] =	vst v4;
	v4 =	vmul.f32 v7, v2;
	v7 =	vld [tilespmem:s20+$0xFFFFFFA0]  }
0x1ae: {  	[tilespmem:s20+$0xFFFFFF40] =	vst v6;
	v6 =	vmul.f32 v9, v2;
	v9 =	vld [tilespmem:s20+$0xFFFFFFB0]  }
0x1af: {  	[tilespmem:s20+$0xFFFFFF50] =	vst v4;
	v4 =	vmul.f32 v11, v2;
	v11 =	vld [tilespmem:s20+$0xFFFFFFC0]  }
0x1b0: {  	[tilespmem:s20+$0xFFFFFF60] =	vst v6;
	v6 =	vmul.f32 v5, v8;
	v8 =	vld [tilespmem:s20+$0xFFFFFFD0]  }
0x1b1: {  	[tilespmem:s20+$0xFFFFFF70] =	vst v4;
	v4 =	vmul.f32 v10, v5;
	v10 =	vld [tilespmem:s20+$0xFFFFFFE0]  }
0x1b2: {  	[tilespmem:s20+$0xFFFFFF80] =	vst v6;
	v6 =	vmul.f32 v7, v5;
	v7 =	vld [tilespmem:s20+$0xFFFFFFF0]  }
0x1b3: {  	[tilespmem:s20+$0xFFFFFF90] =	vst v4;
	v4 =	vmul.f32 v9, v5;
	v9 =	vld [tilespmem:s20+$0x0]  }
0x1b4: {  	[tilespmem:s20+$0xFFFFFFA0] =	vst v6;
	v6 =	vmul.f32 v11, v5;
	v11 =	vld [tilespmem:s20+$0x10]  }
0x1b5: {  	[tilespmem:s20+$0xFFFFFFB0] =	vst v4;
	v4 =	vmul.f32 v8, v5;
	v8 =	vld [tilespmem:s20+$0x20]  }
0x1b6: {  	[tilespmem:s20+$0xFFFFFFC0] =	vst v6;
	v6 =	vmul.f32 v10, v5;
	v10 =	vld [tilespmem:s20+$0x30]  }
0x1b7: {  	[tilespmem:s20+$0xFFFFFFD0] =	vst v4;
	v4 =	vmul.f32 v7, v5;
	v5 =	vld [tilespmem:s20+$0x40]  }
0x1b8: {  	[tilespmem:s20+$0xFFFFFFE0] =	vst v6;
	v6 =	vmul.f32 v3, v9;
	v7 =	vld [tilespmem:s20+$0x50]  }
0x1b9: {  	[tilespmem:s20+$0xFFFFFFF0] =	vst v4;
	v4 =	vmul.f32 v11, v3;
	v9 =	vld [tilespmem:s20+$0x60]  }
0x1ba: {  	[tilespmem:s20+$0x0] =	vst v6;
	v6 =	vmul.f32 v8, v3;
	v8 =	vld [tilespmem:s20+$0x70]  }
0x1bb: {  	[tilespmem:s20+$0x10] =	vst v4;
	v4 =	vmul.f32 v10, v3;
	v10 =	vld [tilespmem:s20+$0x80]  }
0x1bc: {  	[tilespmem:s20+$0x20] =	vst v6;
	v5 =	vmul.f32 v5, v3;
	v6 =	vld [tilespmem:s20+$0x90]  }
0x1bd: {  	[tilespmem:s20+$0x30] =	vst v4;
	v7 =	vmul.f32 v7, v3;
	v11 =	vld [tilespmem:s20+$0xA0]  }
.Ltmp3:
0x1be: {  	[tilespmem:s20+$0x40] =	vst v5;
	v5 =	vmul.f32 v9, v3;
	v4 =	vld [tilespmem:s20+$0xB0];
	(pc) =	sbr.rel @p0 .LBB2_9-.Ltmp3, $4  }
0x1bf: {  	[tilespmem:s20+$0x50] =	vst v7;
	v7 =	vmul.f32 v8, v3;
	v3 =	vld [tilespmem:s20+$0xC0]  }
0x1c0: {  	[tilespmem:s20+$0x60] =	vst v5;
	v9 =	vmul.f32 v1, v10;
	v5 =	vld [tilespmem:s20+$0xD0]  }
0x1c1: {  	[tilespmem:s20+$0x70] =	vst v7;
	v8 =	vmul.f32 v6, v1;
	v6 =	vld [tilespmem:s20+$0xE0]  }
0x1c2: {  	s16 =	sadd.s32 $0x4, s16;
	v7 =	vld [tilespmem:s20+$0xFFFFFF00];
	[tilespmem:s20+$0x80] =	vst v9;
	v9 =	vmul.f32 v11, v1  }
0x1c3: {  	[tilespmem:s15+$0x90] =	vst v8;
	v4 =	vmul.f32 v4, v1  }
0x1c4: {  	[tilespmem:s15+$0xA0] =	vst v9;
	v3 =	vmul.f32 v3, v1  }
0x1c5: {  	[tilespmem:s15+$0xB0] =	vst v4;
	v63 =	vmul.f32 v5, v1  }
0x1c6: {  	s17 =	sadd.s32 $0x1, s17;
	[tilespmem:s15+$0xC0] =	vst v3;
	v1 =	vmul.f32 v6, v1  }
0x1c7: {  	s8 =	sadd.s32 s3, s19;
	p0 =	sne.s32 s17, $0x3E;
	v2 =	vmul.f32 v2, v7;
	[tilespmem:s15+$0xD0] =	vst v63  }
.Ltmp4:
0x1c8: {  	s8 =	sshrl.u32 s8, $0x3;
	[tilespmem:s15+$0xE0] =	vst v1;
	(pc) =	sbr.rel @p0 .LBB2_6-.Ltmp4, $4  }
0x1c9: {  	s8 =	sadd.s32 s7, s8;
	[tilespmem:s15+$0xFFFFFF00] =	vst v2  }
0x1ca: {  	[hbm4b:s8+s4] =	stream.linear.scatter [tilespmem:s29], [sflag:$0x7], $0x50, $0x38;
	[tilespmem:$0x1BB80] =	vst v63  }
0x1cb: {  	_ = 	snop  }
0x1cc: {  	[spmem:s2] =	stream.indirect.scatter.add.f32 [tilespmem:s25], [sflag:$0x3], $0x80, s1, s23, $0xb8;
	[tilespmem:$0x1BB80] =	vst v63  }
0x1cd: {  	_ =	swait.ge [sflag:s10], $0x2800  }
0x1ce: {  	[sflag:s10] =	ssyncset.done $0x0  }
0x1cf: {  	s8 =	simm.s32 $0x8;
	[sflag:s10] =	ssyncadd.s32 $0xFFFFD800  }
0x1d0: {  	_ =	swait.ge [sflag:s8], $0x50  }
0x1d1: {  	[sflag:s8] =	ssyncset.done $0x0  }
0x1d2: {  	[sflag:s8] =	ssyncadd.s32 $0xFFFFFFB0  }
0x1d3: {  	_ =	swait.ge [sflag:s13], $0x50  }
0x1d4: {  	[sflag:s13] =	ssyncset.done $0x0  }
0x1d5: {  	[sflag:s13] =	ssyncadd.s32 $0xFFFFFFB0  }
0x1d6: {  	s19 =	stileid.u32;
	[bflag:$0x0] =	sbarrier.arrive $0xFFFF  }
0x1d7: {  	s8 =	sshll.u32 s19, $0x6;
	s16 =	rddreg [dreg:$0x3]  }
0x1d8: {  	s8 =	sor.u32 $0x1C09, s8;
	s17 =	rddreg [dreg:$0xd];
	s15 =	sshrl.u32 s16, $0x3  }
0x1d9: {  	[hbm:s17], [sflag:s8] =	dma.local [spmem:s15], $0x2800  }
0x1da: {  	s17 =	simm.s32 $0x9  }
0x1db: {  	_ =	swait.ge [sflag:s17], $0x2800  }
0x1dc: {  	s20 =	rddreg [dreg:$0xf]  }
0x1dd: {  	s22 =	rddreg [dreg:$0xe];
	s15 =	sadd.s32 $0x1, s20  }
0x1de: {  	p0 =	sne.s32 s15, s22  }
.Ltmp5:
0x1df: {  	_ = 	snop;
	(pc) =	sbr.rel @p0 .LBB2_1-.Ltmp5, $3  }
0x1e0: {  	_ =	sdelay $0x1  }
0x1e1: {  	[sflag:s17] =	ssyncset.done $0x0  }
0x1e2: {  	[sflag:s17] =	ssyncadd.s32 $0xFFFFD800  }
0x1e3: {  	_ =	sfence.sel $0x180000  }
0x1e4: {  	[bflag:$0x0] =	sbarrier.arrive $0xFFFF  }
0x1e5: {  	_ =	strace $0x9000004A  }
0x1e6: {  	s0 =	stileid.u32;
	[bflag:$0x2] =	sbarrier.arrive $0xFFFF  }
0x1e7: {  	p0 =	sne.s32 s0, $0x0;
	s0 =	rddreg [dreg:$0x2]  }
0x1e8: {  	s0 =	sadd.s32 @!p0 $0x100000, s0  }
0x1e9: {  	[sflag:s0] =	ssyncadd.tile.s32 @!p0 $0x1;
	_ =	shalt  }
.Lfunc_end2:
_tile_overlayer_lowered:
.L_overlay_start_2:
0x1ea: {  	(tag) =	ssettag $0x2  }
0x1eb: {  	s0 =	rddreg [dreg:$0x0];
	s2 =	stileid.u32  }
0x1ec: {  	s1 =	rddreg [dreg:$0x1];
	p0 =	sne.s32 s2, $0x0  }
0x1ed: {  	s3 =	rddreg [dreg:$0x2];
	[bflag:$0x3] =	sbarrier.arrive $0xFFFF;
	s2 =	simm.s32 @!p0 $0x1C09  }
0x1ee: {  	[timem:s3], [sflag:s2] =	dma.local @!p0 [hbm:s0], s1  }
0x1ef: {  	s0 =	simm.s32 @!p0 $0x9  }
0x1f0: {  	_ =	swait.ge @!p0 [sflag:s0], s1  }
0x1f1: {  	s1 =	ssub.s32 @!p0 $0x0, s1;
	[sflag:s0] =	ssyncset.done @!p0 $0x0  }
0x1f2: {  	[sflag:s0] =	ssyncadd.s32 @!p0 s1  }
0x1f3: {  	[bflag:$0x3] =	sbarrier.arrive $0xFFFF  }
0x1f4: {  	_ =	shalt  }

// kernel: kernel.15.cloned.1.call-start
scs
__scs_entry_jumppad:
0x0: {  	(pc) =	sbr.rel $0x88, $3  }
0x1: {  	(tag) =	ssettag $0x0;
	lr =	simm.s32 $0x1  }
0x2: {  	[smem:$0x3F98] =	sst lr;
	_ =	strace $0xD0000000  }
0x3: {  	_ = 	snop  }
0x4: {  	_ = 	snop  }
0x5: {  	_ = 	snop  }
0x6: {  	_ = 	snop  }
0x7: {  	_ = 	snop  }
__scs_overlays_trampoline_lowered:
0x8: {  	[smem:$0x3FA7] =	sst s0  }
0x9: {  	[smem:$0x3FA8] =	sst s1  }
0xa: {  	[smem:$0x3FA9] =	sst s2  }
0xb: {  	[smem:$0x3FAA] =	sst s3  }
0xc: {  	[smem:$0x3FAB] =	sst s4  }
0xd: {  	[smem:$0x3FAC] =	sst s5  }
0xe: {  	[smem:$0x3FAD] =	sst s6  }
0xf: {  	[smem:$0x3FAE] =	sst s7  }
0x10: {  	[smem:$0x3FAF] =	sst s8  }
0x11: {  	[smem:$0x3FB0] =	sst s9;
	s0 =	simm.s32 @!p0 $0x0  }
0x12: {  	s1 =	sld [smem:$0x3F96];
	s0 =	simm.s32 @p0 $0x1  }
0x13: {  	[smem:$0x3FB1] =	sst s0;
	s0 =	simm.s32 @!p1 $0x0  }
0x14: {  	s2 =	sld [smem:$0x3F95];
	s0 =	simm.s32 @p1 $0x1  }
0x15: {  	[smem:$0x3FB2] =	sst s0;
	s0 =	simm.s32 @!p2 $0x0  }
0x16: {  	s3 =	sld [smem:$0x3FDB];
	s0 =	simm.s32 @p2 $0x1  }
0x17: {  	s4 =	simm.s32 $0x1BF5;
	[smem:$0x3FB4] =	sst s0  }
0x18: {  	s0 =	sld [smem:$0x3F97];
	_ =	swait.ge [sflag:s4], $0x0  }
0x19: {  	s7 =	sld [smem:$0x3F98]  }
0x1a: {  	s8 =	sadd.s32 $0xFFFFE003, lr  }
0x1b: {  	s9 =	sadd.s32 $0xFFFFFEF7, lr;
	s5 =	simm.s32 $0xFFFFFFFF;
	p2 =	slt.u32 s8, $0xFFFFF086  }
0x1c: {  	p1 =	slt.u32 s9, $0xF7A;
	s5 =	simm.s32 @!p2 $0x0  }
0x1d: {  	s5 =	simm.s32 @p1 $0x1;
	p0 =	seq.s32 s7, s2  }
0x1e: {  	s7 =	smul.u32 @!p0 $0xF7A, s2;
	p2 =	seq.s32 @!p0 s5, $0x0  }
0x1f: {  	s9 =	smul.u32 $0xF7A, s1;
	s8 =	simm.s32 @!p0 $0x1BF5;
	p2 =	por !p2, p0  }
0x20: {  	[sflag:s8] =	ssyncset.s32 @!p0 $0xFFFFF086;
	s6 =	sadd.s32 @!p0 s3, s7;
	s7 =	simm.s32 @!p0 $0x108  }
0x21: {  	s3 =	sadd.s32 s3, s9;
	s6 =	sadd.s32 @!p0 $0x88, s6;
	s7 =	simm.s32 @p2 $0x1082  }
0x22: {  	[simem:s7], [sflag:s8] =	dma.local @!p0 [hbm:s6], $0xF7A  }
0x23: {  	s9 =	sor.u32 $0xD0000000, s2;
	s6 =	simm.s32 $0x108;
	_ =	swait.ge @!p0 [sflag:s8], $0x0  }
0x24: {  	s3 =	sadd.s32 $0x88, s3;
	s6 =	simm.s32 @!p1 $0x1082;
	[sflag:s4] =	ssyncset.s32 $0xFFFFF086  }
0x25: {  	[simem:s6], [sflag:s4] =	dma.local [hbm:s3], $0xF7A  }
0x26: {  	[smem:$0x3F98] =	sst s1;
	(tag) =	ssettag s2;
	_ =	strace s9  }
0x27: {  	s1 =	sld [smem:$0x3FA8]  }
0x28: {  	s2 =	sld [smem:$0x3FA9]  }
0x29: {  	s4 =	sld [smem:$0x3FAB]  }
0x2a: {  	p0 =	seq.s32 s5, $0x0;
	s5 =	sld [smem:$0x3FAC]  }
0x2b: {  	s6 =	sld [smem:$0x3FAD]  }
0x2c: {  	s7 =	sld [smem:$0x3FAE]  }
0x2d: {  	s3 =	simm.s32 $0x108;
	s8 =	sld [smem:$0x3FAF]  }
0x2e: {  	s3 =	simm.s32 @!p0 $0x1082;
	s9 =	sld [smem:$0x3FB0]  }
0x2f: {  	lr =	sadd.s32 s0, s3;
	s0 =	sld [smem:$0x3FA7]  }
0x30: {  	s3 =	sld [smem:$0x3FAA]  }
0x31: {  	[smem:$0x3FB3] =	sst s10  }
0x32: {  	s10 =	sld [smem:$0x3FB1];
	_ =	sdelay $0x3  }
0x33: {  	p0 =	seq.s32 s10, $0x1;
	s10 =	sld [smem:$0x3FB3];
	_ =	sdelay $0x3  }
0x34: {  	[smem:$0x3FB3] =	sst s10  }
0x35: {  	s10 =	sld [smem:$0x3FB2];
	_ =	sdelay $0x3  }
0x36: {  	p1 =	seq.s32 s10, $0x1;
	s10 =	sld [smem:$0x3FB3];
	_ =	sdelay $0x3  }
0x37: {  	[smem:$0x3FB3] =	sst s10  }
0x38: {  	s10 =	sld [smem:$0x3FB4]  }
0x39: {  	_ = 	snop;
	(pc) =	sbr.ind lr, $3  }
0x3a: {  	_ = 	snop  }
0x3b: {  	_ = 	snop  }
0x3c: {  	p2 =	seq.s32 s10, $0x1;
	s10 =	sld [smem:$0x3FB3]  }
0x3d: {  	_ =	shalt  }
0x3e: {  	_ =	shalt  }
0x3f: {  	_ =	shalt  }
0x40: {  	_ =	shalt  }
0x41: {  	_ =	shalt  }
0x42: {  	_ =	shalt  }
0x43: {  	_ =	shalt  }
0x44: {  	_ =	shalt  }
0x45: {  	_ =	shalt  }
0x46: {  	_ =	shalt  }
0x47: {  	_ =	shalt  }
0x48: {  	_ =	shalt  }
0x49: {  	_ =	shalt  }
0x4a: {  	_ =	shalt  }
0x4b: {  	_ =	shalt  }
0x4c: {  	_ =	shalt  }
0x4d: {  	_ =	shalt  }
0x4e: {  	_ =	shalt  }
0x4f: {  	_ =	shalt  }
0x50: {  	_ =	shalt  }
0x51: {  	_ =	shalt  }
0x52: {  	_ =	shalt  }
0x53: {  	_ =	shalt  }
0x54: {  	_ =	shalt  }
0x55: {  	_ =	shalt  }
0x56: {  	_ =	shalt  }
0x57: {  	_ =	shalt  }
0x58: {  	_ =	shalt  }
0x59: {  	_ =	shalt  }
0x5a: {  	_ =	shalt  }
0x5b: {  	_ =	shalt  }
0x5c: {  	_ =	shalt  }
0x5d: {  	_ =	shalt  }
0x5e: {  	_ =	shalt  }
0x5f: {  	_ =	shalt  }
0x60: {  	_ =	shalt  }
0x61: {  	_ =	shalt  }
0x62: {  	_ =	shalt  }
0x63: {  	_ =	shalt  }
0x64: {  	_ =	shalt  }
0x65: {  	_ =	shalt  }
0x66: {  	_ =	shalt  }
0x67: {  	_ =	shalt  }
0x68: {  	_ =	shalt  }
0x69: {  	_ =	shalt  }
0x6a: {  	_ =	shalt  }
0x6b: {  	_ =	shalt  }
0x6c: {  	_ =	shalt  }
0x6d: {  	_ =	shalt  }
0x6e: {  	_ =	shalt  }
0x6f: {  	_ =	shalt  }
0x70: {  	_ =	shalt  }
0x71: {  	_ =	shalt  }
0x72: {  	_ =	shalt  }
0x73: {  	_ =	shalt  }
0x74: {  	_ =	shalt  }
0x75: {  	_ =	shalt  }
0x76: {  	_ =	shalt  }
0x77: {  	_ =	shalt  }
0x78: {  	_ =	shalt  }
0x79: {  	_ =	shalt  }
0x7a: {  	_ =	shalt  }
0x7b: {  	_ =	shalt  }
0x7c: {  	_ =	shalt  }
0x7d: {  	_ =	shalt  }
0x7e: {  	_ =	shalt  }
0x7f: {  	_ =	shalt  }
0x80: {  	_ =	shalt  }
0x81: {  	_ =	shalt  }
0x82: {  	_ =	shalt  }
0x83: {  	_ =	shalt  }
0x84: {  	_ =	shalt  }
0x85: {  	_ =	shalt  }
0x86: {  	_ =	shalt  }
0x87: {  	_ =	shalt  }
.Lfunc_end0:
.L_simem_size_0:
called_computation.2_lowered:
.L_overlay_start_0:
0x88: {  	s2 =	sld [smem:$0x3FD9]  }
0x89: {  	s3 =	sld [smem:$0x3FFE];
	_ =	sdelay $0x1  }
0x8a: {  	s1 =	srdreg.scid  }
0x8b: {  	s0 =	sand.u32 $0x1, s1  }
0x8c: {  	s16 =	sshll.u32 s0, $0xA;
	s2 =	sadd.s32 s3, s2  }
0x8d: {  	s2 =	sadd.s32 s2, s16  }
0x8e: {  	[smem:$0x3FBF] =	sst s2  }
0x8f: {  	_ = 	snop  }
0x90: {  	(tm) =	ssettm $0x1  }
0x91: {  	s17 =	sld [smem:$0x3FFB];
	_ =	sdelay $0x3  }
0x92: {  	_ =	strace s17  }
0x93: {  	s2 =	sld [smem:$0x3FFC];
	_ =	sdelay $0x3  }
0x94: {  	_ =	strace s2  }
0x95: {  	s2 =	sld [smem:$0x3FFD];
	_ =	sdelay $0x3  }
0x96: {  	_ =	strace s2  }
0x97: {  	_ =	strace $0x8FFFFFFF  }
0x98: {  	s18 =	sld [smem:$0x3FDB];
	_ =	sdelay $0x1  }
0x99: {  	s19 =	simm.s32 $_scs_section_size  }
0x9a: {  	s4 =	simm.s32 $_size__tile_overlayer_lowered;
	s5 =	simm.s32 $_tile_overlayer_lowered  }
0x9b: {  	s22 =	simm.s32 $0x1BFF;
	s21 =	sshll.u32 s5, $0x1;
	s2 =	sadd.s32 s19, s18  }
0x9c: {  	s6 =	simm.s32 $0x0;
	s20 =	sshll.u32 s4, $0x1;
	s4 =	sadd.s32 s21, s2  }
0x9d: {  	[timem:s6], [sflag:s22] =	dma.local [hbm:s4], s20  }
0x9e: {  	_ =	swait.ge [sflag:s22], s20  }
0x9f: {  	s3 =	ssub.s32 $0x0, s20;
	[sflag:s22] =	ssyncset.done $0x0  }
0xa0: {  	[sflag:s22] =	ssyncadd.s32 s3;
	_ =	sdelay $0x1  }
0xa1: {  	s23 =	simm.s32 $0x1B8B  }
0xa2: {  	_ =	swait.ge [sflag:s23], $0x1  }
0xa3: {  	[sflag:s23] =	ssyncset.done $0x0  }
0xa4: {  	s25 =	simm.s32 $0x1B8E;
	s24 =	sld [smem:$0x3FFE];
	[sflag:s23] =	ssyncadd.s32 $0xFFFFFFFF  }
0xa5: {  	s26 =	simm.s32 $execute0_lowered;
	[smem:$0x3FD2] =	sst s25  }
0xa6: {  	s4 =	sshll.u32 s26, $0x1;
	_ =	strace $0x8000004C;
	[dreg:$0x1] =	wrdreg $0xFFFFFFFF  }
0xa7: {  	s28 =	simm.s32 $_size_execute0_lowered;
	s2 =	sadd.s32 s2, s4;
	[dreg:$0x0] =	wrdreg $0x0  }
0xa8: {  	s4 =	sshll.u32 s28, $0x1;
	[dreg:$0x2] =	wrdreg s2  }
0xa9: {  	[dreg:$0x3] =	wrdreg s4  }
0xaa: {  	[dreg:$0x4] =	wrdreg $0xC0  }
0xab: {  	_ =	task [dreg:s6], $0x5FFFF  }
0xac: {  	[dreg:$0x1] =	wrdreg $0xFFFFFFFF  }
0xad: {  	[dreg:$0x0] =	wrdreg $0x60  }
0xae: {  	[dreg:$0x2] =	wrdreg s24  }
0xaf: {  	[dreg:$0x3] =	wrdreg $0xA1000  }
0xb0: {  	[dreg:$0x4] =	wrdreg $0x9  }
0xb1: {  	_ =	task.clear_ibuf [dreg:s6], $0x5FFFF;
	_ =	strace $0x9000004C  }
0xb2: {  	s29 =	simm.s32 $0x9;
	_ =	strace $0x8000004E  }
0xb3: {  	_ =	swait.ge [sflag:s29], $0x1  }
0xb4: {  	[sflag:s29] =	ssyncadd.s32 $0xFFFFFFFF  }
0xb5: {  	_ =	strace $0x9000004E  }
0xb6: {  	_ =	sfence  }
0xb7: {  	s30 =	sld [smem:$0x0];
	_ =	sdelay $0x2  }
0xb8: {  	s31 =	sshll.u32 s1, $0xD;
	s1 =	sshrl.u32 s1, $0x2  }
0xb9: {  	s3 =	sand.u32 $0x4000, s31;
	s1 =	sadd.s32 s1, s30  }
0xba: {  	s0 =	sor.u32 s3, s0;
	s1 =	sshll.u32 s1, $0x11  }
0xbb: {  	s0 =	sor.u32 s1, s0  }
0xbc: {  	s0 =	sadd.s32 $0x8F2B, s0  }
0xbd: {  	[sflag:s0] =	ssyncadd.remote.s32 $0x1  }
0xbe: {  	_ =	sfence.sel $0xFFFF  }
0xbf: {  	[dreg:$0x0] =	wrdreg $0xFFFFFFFF;
	(pc) =	sbr.abs _section_cstart, $3  }
0xc0: {  	[dreg:$0x1] =	wrdreg $0xFFFFFFFF  }
0xc1: {  	_ =	task.clear_ibuf [dreg:s6], $0x2FFFF;
	_ =	strace $0x9FFFFFFF  }
0xc2: {  	(tm) =	ssettm $0x7FFFFFFF  }
0xc3: {  	_ =	shalt  }
tec
execute0_lowered:
.L_overlay_start_1:
0x0: {  	(tag) =	ssettag $0x1  }
0x1: {  	s0 =	srdreg.scid;
	s3 =	rddreg [dreg:$0x0]  }
0x2: {  	s4 =	stileid.u32;
	s2 =	rddreg [dreg:$0x1];
	s7 =	simm.s32 $0x0  }
0x3: {  	s17 =	simm.s32 $0x7900;
	s18 =	simm.s32 $0x5;
	s20 =	simm.s32 $0x50  }
0x4: {  	s21 =	simm.s32 $0x4F00;
	s28 =	simm.s32 $0x3;
	s29 =	simm.s32 $0x5080  }
0x5: {  	s30 =	simm.s32 $0x4;
	s31 =	simm.s32 $0x0;
	s6 =	smul.u32 $0x14000, s4  }
0x6: {  	s0 =	sand.u32 $0x1, s0;
	[smem:$0x7FF] =	sst s7;
	s22 =	smul.u32 $0x50000, s4  }
0x7: {  	s1 =	sshll.u32 s0, $0x4;
	s5 =	smul.u32 $0x140000, s0;
	_ =	strace $0x8000004D  }
0x8: {  	s0 =	ssub.s32 $0x2, s0;
	s1 =	sor.u32 s4, s1;
	s4 =	sadd.s32 $0xE5C00, s3  }
0x9: {  	s23 =	sshrl.u32 s22, $0x2;
	s8 =	sshrl.u32 s0, $0x1;
	s22 =	simm.s32 $0x5100  }
0xa: {  	s1 =	smul.u32 $0x4E2, s1;
	s5 =	sadd.s32 s6, s5;
	s0 =	ssub.s32 s0, s8  }
0xb: {  	s24 =	sshrl.u32 s5, $0x3;
	s5 =	sadd.s32 s23, s2;
	s16 =	smax.u32 s0, $0x1  }
0xc: {  	s23 =	simm.s32 $0x1;
	s1 =	sadd.s32 s1, s3;
	s3 =	sadd.s32 s24, s3  }
0xd: {  	s6 =	sadd.s32 $0x2800, s5;
	s25 =	sadd.s32 $0x5000, s5;
	s26 =	sadd.s32 $0x7800, s5  }
0xe: {  	s9 =	sadd.s32 $0xA000, s5;
	s10 =	sadd.s32 $0xC800, s5;
	[dreg:$0x3] =	wrdreg s6  }
0xf: {  	s11 =	sadd.s32 $0xF000, s5;
	s12 =	sadd.s32 $0x11800, s5;
	[dreg:$0x4] =	wrdreg s25  }
0x10: {  	[dreg:$0x5] =	wrdreg s26;
	s13 =	sadd.s32 $0x18800, s1;
	s14 =	sadd.s32 $0x3800, s1  }
0x11: {  	v0 =	vimm.f32 $0.0e+00;
	s15 =	sadd.s32 $0x22600, s3;
	s25 =	simm.s32 $0x5000;
	s26 =	simm.s32 $0x2  }
.LBB2_1:
0x12: {  	s0 =	simm.s32 $0x0;
	s1 =	simm.s32 $0x200  }
.LBB2_2:
0x13: {  	p0 =	sne.s32 s1, $0x9E00;
	[tilespmem:s0+$0x7970] =	vst v0  }
0x14: {  	[tilespmem:s0+$0x7900] =	vst v0  }
0x15: {  	[tilespmem:s0+$0x7910] =	vst v0  }
.Ltmp0:
0x16: {  	[tilespmem:s0+$0x7920] =	vst v0;
	(pc) =	sbr.rel @p0 .LBB2_2-.Ltmp0, $4  }
0x17: {  	[tilespmem:s0+$0x7930] =	vst v0  }
0x18: {  	[tilespmem:s0+$0x7940] =	vst v0  }
0x19: {  	[tilespmem:s0+$0x7950] =	vst v0  }
0x1a: {  	[tilespmem:s0+$0x7960] =	vst v0;
	s0 =	sshra.s32 s1, $0x2;
	s1 =	sadd.s32 $0x200, s1  }
0x1b: {  	[tilespmem:s0+$0x7970] =	vst v0  }
0x1c: {  	[tilespmem:s0+$0x7900] =	vst v0  }
0x1d: {  	[tilespmem:s0+$0x7910] =	vst v0  }
0x1e: {  	[tilespmem:s0+$0x7920] =	vst v0  }
0x1f: {  	[tilespmem:s0+$0x7930] =	vst v0  }
0x20: {  	[tilespmem:s0+$0x7940] =	vst v0  }
0x21: {  	[tilespmem:s0+$0x7950] =	vst v0  }
0x22: {  	[tilespmem:s0+$0x7960] =	vst v0  }
0x23: {  	[spmem:s5] =	stream.linear.scatter [tilespmem:s17], [sflag:$0x5], $0x2800, $0x38;
	[tilespmem:$0x1E100] =	vst v63  }
0x24: {  	_ =	swait.ge [sflag:s18], $0x2800  }
0x25: {  	[sflag:s18] =	ssyncset.done $0x0  }
0x26: {  	s3 =	rddreg [dreg:$0x3];
	[sflag:s18] =	ssyncadd.s32 $0xFFFFD800  }
0x27: {  	[spmem:s3] =	stream.linear.scatter [tilespmem:s17], [sflag:$0x5], $0x2800, $0x38;
	[tilespmem:$0x1E100] =	vst v63  }
0x28: {  	_ =	swait.ge [sflag:s18], $0x2800  }
0x29: {  	[sflag:s18] =	ssyncset.done $0x0  }
0x2a: {  	s6 =	rddreg [dreg:$0x4];
	[sflag:s18] =	ssyncadd.s32 $0xFFFFD800  }
0x2b: {  	[spmem:s6] =	stream.linear.scatter [tilespmem:s17], [sflag:$0x5], $0x2800, $0x38;
	[tilespmem:$0x1E100] =	vst v63  }
0x2c: {  	_ =	swait.ge [sflag:s18], $0x2800  }
0x2d: {  	[sflag:s18] =	ssyncset.done $0x0  }
0x2e: {  	s7 =	rddreg [dreg:$0x5];
	[sflag:s18] =	ssyncadd.s32 $0xFFFFD800  }
0x2f: {  	[spmem:s7] =	stream.linear.scatter [tilespmem:s17], [sflag:$0x5], $0x2800, $0x38;
	[tilespmem:$0x1E100] =	vst v63  }
0x30: {  	_ =	swait.ge [sflag:s18], $0x2800  }
0x31: {  	[sflag:s18] =	ssyncset.done $0x0  }
0x32: {  	[sflag:s18] =	ssyncadd.s32 $0xFFFFD800  }
0x33: {  	[spmem:s9] =	stream.linear.scatter [tilespmem:s17], [sflag:$0x5], $0x2800, $0x38;
	[tilespmem:$0x1E100] =	vst v63  }
0x34: {  	_ =	swait.ge [sflag:s18], $0x2800  }
0x35: {  	[sflag:s18] =	ssyncset.done $0x0  }
0x36: {  	[sflag:s18] =	ssyncadd.s32 $0xFFFFD800  }
0x37: {  	[spmem:s10] =	stream.linear.scatter [tilespmem:s17], [sflag:$0x5], $0x2800, $0x38;
	[tilespmem:$0x1E100] =	vst v63  }
0x38: {  	_ =	swait.ge [sflag:s18], $0x2800  }
0x39: {  	[sflag:s18] =	ssyncset.done $0x0  }
0x3a: {  	[sflag:s18] =	ssyncadd.s32 $0xFFFFD800  }
0x3b: {  	[spmem:s11] =	stream.linear.scatter [tilespmem:s17], [sflag:$0x5], $0x2800, $0x38;
	[tilespmem:$0x1E100] =	vst v63  }
0x3c: {  	_ =	swait.ge [sflag:s18], $0x2800  }
0x3d: {  	[sflag:s18] =	ssyncset.done $0x0  }
0x3e: {  	[sflag:s18] =	ssyncadd.s32 $0xFFFFD800  }
0x3f: {  	[spmem:s12] =	stream.linear.scatter [tilespmem:s17], [sflag:$0x5], $0x2800, $0x38;
	[tilespmem:$0x1E100] =	vst v63  }
0x40: {  	_ =	swait.ge [sflag:s18], $0x2800  }
0x41: {  	[sflag:s18] =	ssyncset.done $0x0  }
0x42: {  	s8 =	simm.s32 $0x0;
	[sflag:s18] =	ssyncadd.s32 $0xFFFFD800  }
0x43: {  	[tilespmem:s8], [sflag:$0x5] =	stream.linear.gather [hbm4b:s13+s8], $0x2710, $0x38;
	[tilespmem:$0x1E100] =	vst v63  }
0x44: {  	_ =	swait.ge [sflag:s18], $0x2710  }
0x45: {  	[sflag:s18] =	ssyncset.done $0x0  }
0x46: {  	s1 =	simm.s32 $0x2780;
	[sflag:s18] =	ssyncadd.s32 $0xFFFFD8F0  }
0x47: {  	[tilespmem:s1], [sflag:$0x5] =	stream.linear.gather [hbm4b:s14+s8], $0x2710, $0x38;
	[tilespmem:$0x1E100] =	vst v63  }
0x48: {  	_ =	swait.ge [sflag:s18], $0x2710  }
0x49: {  	[sflag:s18] =	ssyncset.done $0x0  }
0x4a: {  	[sflag:s18] =	ssyncadd.s32 $0xFFFFD8F0  }
0x4b: {  	v1 =	vld [tilespmem:$0x0];
	_ =	sdelay $0x1  }
0x4c: {  	v2 =	vld [tilespmem:$0x10];
	_ =	sdelay $0x1  }
0x4d: {  	v3 =	vld [tilespmem:$0x20]  }
0x4e: {  	v4 =	vand.u32 $0xFFFF, v1;
	v1 =	vshrl.u32 v1, $0x10  }
0x4f: {  	[tilespmem:$0x4F00] =	vst v4;
	v1 =	vand.u32 $0x3FFF, v1;
	v4 =	vld [tilespmem:$0x30]  }
0x50: {  	[tilespmem:$0x5000] =	vst v1;
	v1 =	vand.u32 $0xFFFF, v2;
	v2 =	vshrl.u32 v2, $0x10  }
0x51: {  	[tilespmem:$0x4F10] =	vst v1;
	v1 =	vand.u32 $0x3FFF, v2;
	v2 =	vld [tilespmem:$0x40]  }
0x52: {  	[tilespmem:$0x5010] =	vst v1;
	v1 =	vand.u32 $0xFFFF, v3;
	v3 =	vshrl.u32 v3, $0x10  }
0x53: {  	[tilespmem:$0x4F20] =	vst v1;
	v1 =	vand.u32 $0x3FFF, v3  }
0x54: {  	[tilespmem:$0x5020] =	vst v1;
	v1 =	vand.u32 $0xFFFF, v4;
	v3 =	vshrl.u32 v4, $0x10  }
0x55: {  	[tilespmem:$0x4F30] =	vst v1;
	v1 =	vand.u32 $0x3FFF, v3  }
0x56: {  	[tilespmem:$0x5030] =	vst v1;
	v1 =	vand.u32 $0xFFFF, v2;
	v2 =	vshrl.u32 v2, $0x10  }
0x57: {  	[tilespmem:$0x4F40] =	vst v1;
	v1 =	vand.u32 $0x3FFF, v2  }
0x58: {  	[tilespmem:$0x5040] =	vst v1  }
0x59: {  	[tilespmem:s22], [sflag:$0x1] =	stream.indirect.gather [hbm4b:s4+s20], $0x80, s21, s20, $0xb8;
	[tilespmem:$0x1E100] =	vst v63  }
0x5a: {  	[bflag:$0x0] =	sbarrier.arrive $0xFFFF  }
0x5b: {  	_ =	swait.ge [sflag:s23], $0x2800  }
0x5c: {  	[sflag:s23] =	ssyncset.done $0x0  }
0x5d: {  	[sflag:s23] =	ssyncadd.s32 $0xFFFFD800  }
0x5e: {  	v1 =	vld [tilespmem:$0x50];
	_ =	sdelay $0x1  }
0x5f: {  	v2 =	vld [tilespmem:$0x60];
	_ =	sdelay $0x1  }
0x60: {  	v3 =	vld [tilespmem:$0x70]  }
0x61: {  	v4 =	vand.u32 $0xFFFF, v1;
	v1 =	vshrl.u32 v1, $0x10  }
0x62: {  	[tilespmem:$0x4F80] =	vst v4;
	v1 =	vand.u32 $0x3FFF, v1;
	v4 =	vld [tilespmem:$0x80]  }
0x63: {  	[tilespmem:$0x5080] =	vst v1;
	v1 =	vand.u32 $0xFFFF, v2;
	v2 =	vshrl.u32 v2, $0x10  }
0x64: {  	[tilespmem:$0x4F90] =	vst v1;
	v1 =	vand.u32 $0x3FFF, v2;
	v2 =	vld [tilespmem:$0x90]  }
0x65: {  	[tilespmem:$0x5090] =	vst v1;
	v1 =	vand.u32 $0xFFFF, v3;
	v3 =	vshrl.u32 v3, $0x10  }
0x66: {  	[tilespmem:$0x4FA0] =	vst v1;
	v1 =	vand.u32 $0x3FFF, v3  }
0x67: {  	[tilespmem:$0x50A0] =	vst v1;
	v1 =	vand.u32 $0xFFFF, v4;
	v3 =	vshrl.u32 v4, $0x10  }
0x68: {  	[tilespmem:$0x4FB0] =	vst v1;
	v1 =	vand.u32 $0x3FFF, v3  }
0x69: {  	[tilespmem:$0x50B0] =	vst v1;
	v1 =	vand.u32 $0xFFFF, v2;
	v2 =	vshrl.u32 v2, $0x10  }
0x6a: {  	[tilespmem:$0x4FC0] =	vst v1;
	v1 =	vand.u32 $0x3FFF, v2  }
0x6b: {  	s19 =	simm.s32 $0x4F80;
	s24 =	simm.s32 $0x2782;
	[tilespmem:$0x50C0] =	vst v1  }
0x6c: {  	[tilespmem:s17], [sflag:$0x2] =	stream.indirect.gather [hbm4b:s4+s20], $0x80, s19, s20, $0xb8;
	[tilespmem:$0x1E100] =	vst v63  }
0x6d: {  	s0 =	simm.s32 $0x5200;
	v1 =	vld.msk [tilespmem:s24+$0x1 ss:$0x0], $0xffff  }
0x6e: {  	v3 =	vld [tilespmem:s0+$0xF0]  }
0x6f: {  	v2 =	vld.msk [tilespmem:s24+$0xFFFFFFFE ss:$0x0], $0xffff  }
0x70: {  	v4 =	vld.msk [tilespmem:s24+$0xFFFFFFFF ss:$0x0], $0xffff  }
0x71: {  	v5 =	vld [tilespmem:s0+$0xFFFFFF10]  }
0x72: {  	v6 =	vld [tilespmem:s0+$0xFFFFFF20]  }
0x73: {  	v10 =	vld [tilespmem:s0+$0xFFFFFF60]  }
0x74: {  	v11 =	vld [tilespmem:s0+$0xFFFFFF70]  }
0x75: {  	v7 =	vld [tilespmem:s0+$0xFFFFFF30]  }
0x76: {  	v8 =	vld [tilespmem:s0+$0xFFFFFF40];
	v3 =	vmul.f32 v3, v1  }
0x77: {  	v9 =	vld [tilespmem:s0+$0xFFFFFF50];
	v5 =	vmul.f32 v5, v2  }
0x78: {  	v12 =	vld [tilespmem:s0+$0xFFFFFF80];
	v10 =	vmul.f32 v10, v2;
	[tilespmem:s0+$0xF0] =	vst v3  }
0x79: {  	v62 =	vld [tilespmem:s0+$0xFFFFFFD0];
	v11 =	vmul.f32 v11, v2;
	[tilespmem:s0+$0xFFFFFF10] =	vst v5  }
0x7a: {  	v3 =	vmul.f32 v6, v2;
	v6 =	vld [tilespmem:s0+$0xFFFFFF90];
	[tilespmem:s0+$0xFFFFFF60] =	vst v10  }
0x7b: {  	v5 =	vmul.f32 v7, v2;
	v7 =	vld [tilespmem:s0+$0xFFFFFFA0];
	[tilespmem:s0+$0xFFFFFF70] =	vst v11  }
0x7c: {  	[tilespmem:s0+$0xFFFFFF20] =	vst v3;
	v3 =	vmul.f32 v8, v2;
	v8 =	vld [tilespmem:s0+$0xFFFFFFB0]  }
0x7d: {  	[tilespmem:s0+$0xFFFFFF30] =	vst v5;
	v5 =	vmul.f32 v9, v2;
	v9 =	vld [tilespmem:s0+$0xFFFFFFC0]  }
0x7e: {  	v10 =	vld [tilespmem:s0+$0xFFFFFFF0];
	[tilespmem:s0+$0xFFFFFF40] =	vst v3;
	v3 =	vmul.f32 v4, v12  }
0x7f: {  	[tilespmem:s0+$0xFFFFFF50] =	vst v5;
	v5 =	vld [tilespmem:s0+$0xFFFFFFE0];
	v6 =	vmul.f32 v6, v4  }
0x80: {  	v11 =	vld [tilespmem:s0+$0x0];
	v7 =	vmul.f32 v7, v4;
	[tilespmem:s0+$0xFFFFFF80] =	vst v3  }
0x81: {  	v3 =	vld.msk [tilespmem:s24+$0x0 ss:$0x0], $0xffff;
	[tilespmem:s0+$0xFFFFFF90] =	vst v6;
	v6 =	vmul.f32 v8, v4  }
0x82: {  	v8 =	vld [tilespmem:s0+$0x10];
	[tilespmem:s0+$0xFFFFFFA0] =	vst v7;
	v7 =	vmul.f32 v9, v4  }
0x83: {  	v9 =	vld [tilespmem:s0+$0x20];
	[tilespmem:s0+$0xFFFFFFB0] =	vst v6;
	v6 =	vmul.f32 v62, v4  }
0x84: {  	v63 =	vld [tilespmem:s0+$0x30];
	[tilespmem:s0+$0xFFFFFFC0] =	vst v7;
	v5 =	vmul.f32 v5, v4  }
0x85: {  	v7 =	vld [tilespmem:s0+$0x40];
	v4 =	vmul.f32 v10, v4;
	[tilespmem:s0+$0xFFFFFFD0] =	vst v6  }
0x86: {  	v6 =	vmul.f32 v3, v11;
	v11 =	vld [tilespmem:s0+$0x50];
	[tilespmem:s0+$0xFFFFFFE0] =	vst v5  }
0x87: {  	v5 =	vld [tilespmem:s0+$0x60];
	[tilespmem:s0+$0xFFFFFFF0] =	vst v4;
	v8 =	vmul.f32 v8, v3  }
0x88: {  	v4 =	vmul.f32 v9, v3;
	[tilespmem:s0+$0x0] =	vst v6;
	v6 =	vld [tilespmem:s0+$0x70]  }
0x89: {  	v9 =	vld [tilespmem:s0+$0x80];
	[tilespmem:s0+$0x10] =	vst v8;
	v8 =	vmul.f32 v63, v3  }
0x8a: {  	[tilespmem:s0+$0x20] =	vst v4;
	v4 =	vmul.f32 v7, v3;
	v7 =	vld [tilespmem:s0+$0x90]  }
0x8b: {  	v10 =	vld [tilespmem:s0+$0xA0];
	[tilespmem:s0+$0x30] =	vst v8;
	v8 =	vmul.f32 v11, v3  }
0x8c: {  	[tilespmem:s0+$0x40] =	vst v4;
	v5 =	vmul.f32 v5, v3;
	v4 =	vld [tilespmem:s0+$0xB0]  }
0x8d: {  	[tilespmem:s0+$0x50] =	vst v8;
	v6 =	vmul.f32 v6, v3;
	v3 =	vld [tilespmem:s0+$0xC0]  }
0x8e: {  	v9 =	vmul.f32 v1, v9;
	[tilespmem:s0+$0x60] =	vst v5;
	v5 =	vld [tilespmem:s0+$0xD0]  }
0x8f: {  	v8 =	vmul.f32 v7, v1;
	[tilespmem:s0+$0x70] =	vst v6;
	v6 =	vld [tilespmem:s0+$0xE0]  }
0x90: {  	s3 =	simm.s32 $0x2786;
	s6 =	simm.s32 $0x5200;
	s1 =	simm.s32 $0x0;
	v7 =	vld [tilespmem:s0+$0xFFFFFF00];
	[tilespmem:s0+$0x80] =	vst v9;
	v9 =	vmul.f32 v10, v1  }
.LBB2_4:
0x91: {  	v10 =	vld.msk [tilespmem:s3+$0x1 ss:$0x0], $0xffff;
	s1 =	sadd.s32 $0x4, s1;
	[tilespmem:s0+$0x90] =	vst v8;
	v4 =	vmul.f32 v4, v1;
	s6 =	sadd.s32 $0x200, s6  }
0x92: {  	v8 =	vld [tilespmem:s6+$0xF0];
	p0 =	slt.u32 s1, $0x4C;
	[tilespmem:s0+$0xA0] =	vst v9;
	v3 =	vmul.f32 v3, v1  }
0x93: {  	v9 =	vld.msk [tilespmem:s3+$0xFFFFFFFE ss:$0x0], $0xffff;
	[tilespmem:s0+$0xB0] =	vst v4;
	v4 =	vmul.f32 v5, v1  }
0x94: {  	v5 =	vld.msk [tilespmem:s3+$0xFFFFFFFF ss:$0x0], $0xffff;
	[tilespmem:s0+$0xC0] =	vst v3;
	v11 =	vmul.f32 v6, v1  }
0x95: {  	v3 =	vld.msk [tilespmem:s3+$0x0 ss:$0x0], $0xffff;
	v2 =	vmul.f32 v2, v7;
	[tilespmem:s0+$0xD0] =	vst v4  }
0x96: {  	v4 =	vld [tilespmem:s6+$0xFFFFFF10];
	[tilespmem:s0+$0xE0] =	vst v11  }
0x97: {  	v1 =	vmov v10;
	v6 =	vld [tilespmem:s6+$0xFFFFFF20];
	v7 =	vmul.f32 v8, v10;
	[tilespmem:s0+$0xFFFFFF00] =	vst v2;
	s0 =	smov.u32 s6  }
0x98: {  	v8 =	vld [tilespmem:s6+$0xFFFFFF30]  }
0x99: {  	v10 =	vld [tilespmem:s6+$0xFFFFFF40];
	[tilespmem:s6+$0xF0] =	vst v7;
	v2 =	vmov v9  }
0x9a: {  	v7 =	vld [tilespmem:s6+$0xFFFFFF50]  }
0x9b: {  	v4 =	vmul.f32 v4, v2;
	v9 =	vld [tilespmem:s6+$0xFFFFFF60]  }
0x9c: {  	v6 =	vmul.f32 v6, v2;
	v11 =	vld [tilespmem:s6+$0xFFFFFF70]  }
0x9d: {  	[tilespmem:s6+$0xFFFFFF10] =	vst v4;
	v4 =	vmul.f32 v8, v2;
	v8 =	vld [tilespmem:s6+$0xFFFFFF80]  }
0x9e: {  	[tilespmem:s6+$0xFFFFFF20] =	vst v6;
	v6 =	vmul.f32 v10, v2;
	v10 =	vld [tilespmem:s6+$0xFFFFFF90]  }
0x9f: {  	[tilespmem:s6+$0xFFFFFF30] =	vst v4;
	v4 =	vmul.f32 v7, v2;
	v7 =	vld [tilespmem:s6+$0xFFFFFFA0]  }
0xa0: {  	[tilespmem:s6+$0xFFFFFF40] =	vst v6;
	v6 =	vmul.f32 v9, v2;
	v9 =	vld [tilespmem:s6+$0xFFFFFFB0]  }
0xa1: {  	[tilespmem:s6+$0xFFFFFF50] =	vst v4;
	v4 =	vmul.f32 v11, v2;
	v11 =	vld [tilespmem:s6+$0xFFFFFFC0]  }
0xa2: {  	[tilespmem:s6+$0xFFFFFF60] =	vst v6;
	v6 =	vmul.f32 v5, v8;
	v8 =	vld [tilespmem:s6+$0xFFFFFFD0]  }
0xa3: {  	[tilespmem:s6+$0xFFFFFF70] =	vst v4;
	v4 =	vmul.f32 v10, v5;
	v10 =	vld [tilespmem:s6+$0xFFFFFFE0]  }
0xa4: {  	[tilespmem:s6+$0xFFFFFF80] =	vst v6;
	v6 =	vmul.f32 v7, v5;
	v7 =	vld [tilespmem:s6+$0xFFFFFFF0]  }
0xa5: {  	[tilespmem:s6+$0xFFFFFF90] =	vst v4;
	v4 =	vmul.f32 v9, v5;
	v9 =	vld [tilespmem:s6+$0x0]  }
0xa6: {  	[tilespmem:s6+$0xFFFFFFA0] =	vst v6;
	v6 =	vmul.f32 v11, v5;
	v11 =	vld [tilespmem:s6+$0x10]  }
0xa7: {  	[tilespmem:s6+$0xFFFFFFB0] =	vst v4;
	v4 =	vmul.f32 v8, v5;
	v8 =	vld [tilespmem:s6+$0x20]  }
0xa8: {  	[tilespmem:s6+$0xFFFFFFC0] =	vst v6;
	v6 =	vmul.f32 v10, v5;
	v10 =	vld [tilespmem:s6+$0x30]  }
0xa9: {  	[tilespmem:s6+$0xFFFFFFD0] =	vst v4;
	v4 =	vmul.f32 v7, v5;
	v5 =	vld [tilespmem:s6+$0x40]  }
0xaa: {  	[tilespmem:s6+$0xFFFFFFE0] =	vst v6;
	v6 =	vmul.f32 v3, v9;
	v7 =	vld [tilespmem:s6+$0x50]  }
0xab: {  	[tilespmem:s6+$0xFFFFFFF0] =	vst v4;
	v4 =	vmul.f32 v11, v3;
	v9 =	vld [tilespmem:s6+$0x60]  }
0xac: {  	[tilespmem:s6+$0x0] =	vst v6;
	v6 =	vmul.f32 v8, v3;
	v8 =	vld [tilespmem:s6+$0x70]  }
0xad: {  	[tilespmem:s6+$0x10] =	vst v4;
	v4 =	vmul.f32 v10, v3;
	v10 =	vld [tilespmem:s6+$0x80]  }
0xae: {  	[tilespmem:s6+$0x20] =	vst v6;
	v5 =	vmul.f32 v5, v3;
	v6 =	vld [tilespmem:s6+$0x90]  }
0xaf: {  	[tilespmem:s6+$0x30] =	vst v4;
	v7 =	vmul.f32 v7, v3;
	v11 =	vld [tilespmem:s6+$0xA0]  }
.Ltmp1:
0xb0: {  	[tilespmem:s6+$0x40] =	vst v5;
	v5 =	vmul.f32 v9, v3;
	v4 =	vld [tilespmem:s6+$0xB0];
	(pc) =	sbr.rel @p0 .LBB2_4-.Ltmp1, $4  }
0xb1: {  	[tilespmem:s6+$0x50] =	vst v7;
	v7 =	vmul.f32 v8, v3;
	v3 =	vld [tilespmem:s6+$0xC0]  }
0xb2: {  	[tilespmem:s6+$0x60] =	vst v5;
	v9 =	vmul.f32 v1, v10;
	v5 =	vld [tilespmem:s6+$0xD0]  }
0xb3: {  	[tilespmem:s6+$0x70] =	vst v7;
	v8 =	vmul.f32 v6, v1;
	v6 =	vld [tilespmem:s6+$0xE0]  }
0xb4: {  	s3 =	sadd.s32 $0x4, s3;
	v7 =	vld [tilespmem:s6+$0xFFFFFF00];
	[tilespmem:s6+$0x80] =	vst v9;
	v9 =	vmul.f32 v11, v1  }
0xb5: {  	[tilespmem:s0+$0x90] =	vst v8;
	v4 =	vmul.f32 v4, v1  }
0xb6: {  	[tilespmem:s0+$0xA0] =	vst v9;
	v3 =	vmul.f32 v3, v1  }
0xb7: {  	[tilespmem:s0+$0xB0] =	vst v4;
	v63 =	vmul.f32 v5, v1  }
0xb8: {  	[tilespmem:s0+$0xC0] =	vst v3;
	v1 =	vmul.f32 v6, v1  }
0xb9: {  	v2 =	vmul.f32 v2, v7;
	[tilespmem:s0+$0xD0] =	vst v63  }
0xba: {  	[tilespmem:s0+$0xE0] =	vst v1  }
0xbb: {  	s1 =	simm.s32 $0x0;
	s19 =	simm.s32 $0x27D3;
	s24 =	simm.s32 $0x2823;
	[tilespmem:s0+$0xFFFFFF00] =	vst v2  }
0xbc: {  	[spmem:s2] =	stream.indirect.scatter.add.f32 [tilespmem:s22], [sflag:$0x3], $0x80, s25, s20, $0xb8;
	[tilespmem:$0x1E100] =	vst v63  }
.LBB2_6:
0xbd: {  	_ =	swait.ge [sflag:s26], $0x2800  }
0xbe: {  	[sflag:s26] =	ssyncset.done $0x0  }
0xbf: {  	[sflag:s26] =	ssyncadd.s32 $0xFFFFD800  }
0xc0: {  	_ =	swait.ge [sflag:s28], $0x2800  }
0xc1: {  	s0 =	smul.u32 $0xA0, s1;
	[sflag:s28] =	ssyncset.done $0x0  }
0xc2: {  	[sflag:s28] =	ssyncadd.s32 $0xFFFFD800  }
0xc3: {  	v1 =	vld [tilespmem:s0+$0xA0];
	_ =	sdelay $0x4  }
0xc4: {  	v2 =	vand.u32 $0xFFFF, v1;
	v1 =	vshrl.u32 v1, $0x10  }
0xc5: {  	[tilespmem:$0x4F00] =	vst v2;
	v1 =	vand.u32 $0x3FFF, v1  }
0xc6: {  	[tilespmem:$0x5000] =	vst v1  }
0xc7: {  	v1 =	vld [tilespmem:s0+$0xB0];
	_ =	sdelay $0x4  }
0xc8: {  	v2 =	vand.u32 $0xFFFF, v1;
	v1 =	vshrl.u32 v1, $0x10  }
0xc9: {  	[tilespmem:$0x4F10] =	vst v2;
	v1 =	vand.u32 $0x3FFF, v1  }
0xca: {  	[tilespmem:$0x5010] =	vst v1  }
0xcb: {  	v1 =	vld [tilespmem:s0+$0xC0];
	_ =	sdelay $0x4  }
0xcc: {  	v2 =	vand.u32 $0xFFFF, v1;
	v1 =	vshrl.u32 v1, $0x10  }
0xcd: {  	[tilespmem:$0x4F20] =	vst v2;
	v1 =	vand.u32 $0x3FFF, v1  }
0xce: {  	[tilespmem:$0x5020] =	vst v1  }
0xcf: {  	v1 =	vld [tilespmem:s0+$0xD0];
	_ =	sdelay $0x4  }
0xd0: {  	v2 =	vand.u32 $0xFFFF, v1;
	v1 =	vshrl.u32 v1, $0x10  }
0xd1: {  	[tilespmem:$0x4F30] =	vst v2;
	v1 =	vand.u32 $0x3FFF, v1  }
0xd2: {  	[tilespmem:$0x5030] =	vst v1  }
0xd3: {  	v1 =	vld [tilespmem:s0+$0xE0];
	_ =	sdelay $0x4  }
0xd4: {  	v2 =	vand.u32 $0xFFFF, v1;
	v1 =	vshrl.u32 v1, $0x10  }
0xd5: {  	[tilespmem:$0x4F40] =	vst v2;
	v1 =	vand.u32 $0x3FFF, v1  }
0xd6: {  	[tilespmem:$0x5040] =	vst v1  }
0xd7: {  	[tilespmem:s22], [sflag:$0x1] =	stream.indirect.gather [hbm4b:s4+s20], $0x80, s21, s20, $0xb8;
	[tilespmem:$0x1E100] =	vst v63  }
0xd8: {  	s3 =	simm.s32 $0x7A00;
	v1 =	vld.msk [tilespmem:s19+$0x0 ss:$0x0], $0xffff  }
0xd9: {  	v3 =	vld [tilespmem:s3+$0xF0]  }
0xda: {  	v2 =	vld.msk [tilespmem:s19+$0xFFFFFFFD ss:$0x0], $0xffff  }
0xdb: {  	v4 =	vld.msk [tilespmem:s19+$0xFFFFFFFE ss:$0x0], $0xffff  }
0xdc: {  	v5 =	vld [tilespmem:s3+$0xFFFFFF10]  }
0xdd: {  	v6 =	vld [tilespmem:s3+$0xFFFFFF20]  }
0xde: {  	v10 =	vld [tilespmem:s3+$0xFFFFFF60]  }
0xdf: {  	v11 =	vld [tilespmem:s3+$0xFFFFFF70]  }
0xe0: {  	v7 =	vld [tilespmem:s3+$0xFFFFFF30]  }
0xe1: {  	v8 =	vld [tilespmem:s3+$0xFFFFFF40];
	v3 =	vmul.f32 v3, v1  }
0xe2: {  	v9 =	vld [tilespmem:s3+$0xFFFFFF50];
	v5 =	vmul.f32 v5, v2  }
0xe3: {  	v12 =	vld [tilespmem:s3+$0xFFFFFF80];
	v10 =	vmul.f32 v10, v2;
	[tilespmem:s3+$0xF0] =	vst v3  }
0xe4: {  	v62 =	vld [tilespmem:s3+$0xFFFFFFD0];
	v11 =	vmul.f32 v11, v2;
	[tilespmem:s3+$0xFFFFFF10] =	vst v5  }
0xe5: {  	v3 =	vmul.f32 v6, v2;
	v6 =	vld [tilespmem:s3+$0xFFFFFF90];
	[tilespmem:s3+$0xFFFFFF60] =	vst v10  }
0xe6: {  	v5 =	vmul.f32 v7, v2;
	v7 =	vld [tilespmem:s3+$0xFFFFFFA0];
	[tilespmem:s3+$0xFFFFFF70] =	vst v11  }
0xe7: {  	[tilespmem:s3+$0xFFFFFF20] =	vst v3;
	v3 =	vmul.f32 v8, v2;
	v8 =	vld [tilespmem:s3+$0xFFFFFFB0]  }
0xe8: {  	[tilespmem:s3+$0xFFFFFF30] =	vst v5;
	v5 =	vmul.f32 v9, v2;
	v9 =	vld [tilespmem:s3+$0xFFFFFFC0]  }
0xe9: {  	v10 =	vld [tilespmem:s3+$0xFFFFFFF0];
	[tilespmem:s3+$0xFFFFFF40] =	vst v3;
	v3 =	vmul.f32 v4, v12  }
0xea: {  	[tilespmem:s3+$0xFFFFFF50] =	vst v5;
	v5 =	vld [tilespmem:s3+$0xFFFFFFE0];
	v6 =	vmul.f32 v6, v4  }
0xeb: {  	v11 =	vld [tilespmem:s3+$0x0];
	v7 =	vmul.f32 v7, v4;
	[tilespmem:s3+$0xFFFFFF80] =	vst v3  }
0xec: {  	v3 =	vld.msk [tilespmem:s19+$0xFFFFFFFF ss:$0x0], $0xffff;
	[tilespmem:s3+$0xFFFFFF90] =	vst v6;
	v6 =	vmul.f32 v8, v4  }
0xed: {  	v8 =	vld [tilespmem:s3+$0x10];
	[tilespmem:s3+$0xFFFFFFA0] =	vst v7;
	v7 =	vmul.f32 v9, v4  }
0xee: {  	v9 =	vld [tilespmem:s3+$0x20];
	[tilespmem:s3+$0xFFFFFFB0] =	vst v6;
	v6 =	vmul.f32 v62, v4  }
0xef: {  	v63 =	vld [tilespmem:s3+$0x30];
	[tilespmem:s3+$0xFFFFFFC0] =	vst v7;
	v5 =	vmul.f32 v5, v4  }
0xf0: {  	v7 =	vld [tilespmem:s3+$0x40];
	v4 =	vmul.f32 v10, v4;
	[tilespmem:s3+$0xFFFFFFD0] =	vst v6  }
0xf1: {  	v6 =	vmul.f32 v3, v11;
	v11 =	vld [tilespmem:s3+$0x50];
	[tilespmem:s3+$0xFFFFFFE0] =	vst v5  }
0xf2: {  	v5 =	vld [tilespmem:s3+$0x60];
	[tilespmem:s3+$0xFFFFFFF0] =	vst v4;
	v8 =	vmul.f32 v8, v3  }
0xf3: {  	v4 =	vmul.f32 v9, v3;
	[tilespmem:s3+$0x0] =	vst v6;
	v6 =	vld [tilespmem:s3+$0x70]  }
0xf4: {  	v9 =	vld [tilespmem:s3+$0x80];
	[tilespmem:s3+$0x10] =	vst v8;
	v8 =	vmul.f32 v63, v3  }
0xf5: {  	[tilespmem:s3+$0x20] =	vst v4;
	v4 =	vmul.f32 v7, v3;
	v7 =	vld [tilespmem:s3+$0x90]  }
0xf6: {  	v10 =	vld [tilespmem:s3+$0xA0];
	[tilespmem:s3+$0x30] =	vst v8;
	v8 =	vmul.f32 v11, v3  }
0xf7: {  	[tilespmem:s3+$0x40] =	vst v4;
	v5 =	vmul.f32 v5, v3;
	v4 =	vld [tilespmem:s3+$0xB0]  }
0xf8: {  	[tilespmem:s3+$0x50] =	vst v8;
	v6 =	vmul.f32 v6, v3;
	v3 =	vld [tilespmem:s3+$0xC0]  }
0xf9: {  	v9 =	vmul.f32 v1, v9;
	[tilespmem:s3+$0x60] =	vst v5;
	v5 =	vld [tilespmem:s3+$0xD0]  }
0xfa: {  	v8 =	vmul.f32 v7, v1;
	[tilespmem:s3+$0x70] =	vst v6;
	v6 =	vld [tilespmem:s3+$0xE0]  }
0xfb: {  	s6 =	simm.s32 $0x0;
	s7 =	sadd.s32 $0x4, s19;
	s8 =	simm.s32 $0x7A00;
	v7 =	vld [tilespmem:s3+$0xFFFFFF00];
	[tilespmem:s3+$0x80] =	vst v9;
	v9 =	vmul.f32 v10, v1  }
.LBB2_7:
0xfc: {  	v10 =	vld.msk [tilespmem:s7+$0x0 ss:$0x0], $0xffff;
	s6 =	sadd.s32 $0x4, s6;
	[tilespmem:s3+$0x90] =	vst v8;
	v4 =	vmul.f32 v4, v1;
	s8 =	sadd.s32 $0x200, s8  }
0xfd: {  	v8 =	vld [tilespmem:s8+$0xF0];
	p0 =	slt.u32 s6, $0x4C;
	[tilespmem:s3+$0xA0] =	vst v9;
	v3 =	vmul.f32 v3, v1  }
0xfe: {  	v9 =	vld.msk [tilespmem:s7+$0xFFFFFFFD ss:$0x0], $0xffff;
	[tilespmem:s3+$0xB0] =	vst v4;
	v4 =	vmul.f32 v5, v1  }
0xff: {  	v5 =	vld.msk [tilespmem:s7+$0xFFFFFFFE ss:$0x0], $0xffff;
	[tilespmem:s3+$0xC0] =	vst v3;
	v11 =	vmul.f32 v6, v1  }
0x100: {  	v3 =	vld.msk [tilespmem:s7+$0xFFFFFFFF ss:$0x0], $0xffff;
	v2 =	vmul.f32 v2, v7;
	[tilespmem:s3+$0xD0] =	vst v4  }
0x101: {  	v4 =	vld [tilespmem:s8+$0xFFFFFF10];
	[tilespmem:s3+$0xE0] =	vst v11  }
0x102: {  	v1 =	vmov v10;
	v6 =	vld [tilespmem:s8+$0xFFFFFF20];
	v7 =	vmul.f32 v8, v10;
	[tilespmem:s3+$0xFFFFFF00] =	vst v2;
	s3 =	smov.u32 s8  }
0x103: {  	v8 =	vld [tilespmem:s8+$0xFFFFFF30]  }
0x104: {  	v10 =	vld [tilespmem:s8+$0xFFFFFF40];
	[tilespmem:s8+$0xF0] =	vst v7;
	v2 =	vmov v9  }
0x105: {  	v7 =	vld [tilespmem:s8+$0xFFFFFF50]  }
0x106: {  	v4 =	vmul.f32 v4, v2;
	v9 =	vld [tilespmem:s8+$0xFFFFFF60]  }
0x107: {  	v6 =	vmul.f32 v6, v2;
	v11 =	vld [tilespmem:s8+$0xFFFFFF70]  }
0x108: {  	[tilespmem:s8+$0xFFFFFF10] =	vst v4;
	v4 =	vmul.f32 v8, v2;
	v8 =	vld [tilespmem:s8+$0xFFFFFF80]  }
0x109: {  	[tilespmem:s8+$0xFFFFFF20] =	vst v6;
	v6 =	vmul.f32 v10, v2;
	v10 =	vld [tilespmem:s8+$0xFFFFFF90]  }
0x10a: {  	[tilespmem:s8+$0xFFFFFF30] =	vst v4;
	v4 =	vmul.f32 v7, v2;
	v7 =	vld [tilespmem:s8+$0xFFFFFFA0]  }
0x10b: {  	[tilespmem:s8+$0xFFFFFF40] =	vst v6;
	v6 =	vmul.f32 v9, v2;
	v9 =	vld [tilespmem:s8+$0xFFFFFFB0]  }
0x10c: {  	[tilespmem:s8+$0xFFFFFF50] =	vst v4;
	v4 =	vmul.f32 v11, v2;
	v11 =	vld [tilespmem:s8+$0xFFFFFFC0]  }
0x10d: {  	[tilespmem:s8+$0xFFFFFF60] =	vst v6;
	v6 =	vmul.f32 v5, v8;
	v8 =	vld [tilespmem:s8+$0xFFFFFFD0]  }
0x10e: {  	[tilespmem:s8+$0xFFFFFF70] =	vst v4;
	v4 =	vmul.f32 v10, v5;
	v10 =	vld [tilespmem:s8+$0xFFFFFFE0]  }
0x10f: {  	[tilespmem:s8+$0xFFFFFF80] =	vst v6;
	v6 =	vmul.f32 v7, v5;
	v7 =	vld [tilespmem:s8+$0xFFFFFFF0]  }
0x110: {  	[tilespmem:s8+$0xFFFFFF90] =	vst v4;
	v4 =	vmul.f32 v9, v5;
	v9 =	vld [tilespmem:s8+$0x0]  }
0x111: {  	[tilespmem:s8+$0xFFFFFFA0] =	vst v6;
	v6 =	vmul.f32 v11, v5;
	v11 =	vld [tilespmem:s8+$0x10]  }
0x112: {  	[tilespmem:s8+$0xFFFFFFB0] =	vst v4;
	v4 =	vmul.f32 v8, v5;
	v8 =	vld [tilespmem:s8+$0x20]  }
0x113: {  	[tilespmem:s8+$0xFFFFFFC0] =	vst v6;
	v6 =	vmul.f32 v10, v5;
	v10 =	vld [tilespmem:s8+$0x30]  }
0x114: {  	[tilespmem:s8+$0xFFFFFFD0] =	vst v4;
	v4 =	vmul.f32 v7, v5;
	v5 =	vld [tilespmem:s8+$0x40]  }
0x115: {  	[tilespmem:s8+$0xFFFFFFE0] =	vst v6;
	v6 =	vmul.f32 v3, v9;
	v7 =	vld [tilespmem:s8+$0x50]  }
0x116: {  	[tilespmem:s8+$0xFFFFFFF0] =	vst v4;
	v4 =	vmul.f32 v11, v3;
	v9 =	vld [tilespmem:s8+$0x60]  }
0x117: {  	[tilespmem:s8+$0x0] =	vst v6;
	v6 =	vmul.f32 v8, v3;
	v8 =	vld [tilespmem:s8+$0x70]  }
0x118: {  	[tilespmem:s8+$0x10] =	vst v4;
	v4 =	vmul.f32 v10, v3;
	v10 =	vld [tilespmem:s8+$0x80]  }
0x119: {  	[tilespmem:s8+$0x20] =	vst v6;
	v5 =	vmul.f32 v5, v3;
	v6 =	vld [tilespmem:s8+$0x90]  }
0x11a: {  	[tilespmem:s8+$0x30] =	vst v4;
	v7 =	vmul.f32 v7, v3;
	v11 =	vld [tilespmem:s8+$0xA0]  }
.Ltmp2:
0x11b: {  	[tilespmem:s8+$0x40] =	vst v5;
	v5 =	vmul.f32 v9, v3;
	v4 =	vld [tilespmem:s8+$0xB0];
	(pc) =	sbr.rel @p0 .LBB2_7-.Ltmp2, $4  }
0x11c: {  	[tilespmem:s8+$0x50] =	vst v7;
	v7 =	vmul.f32 v8, v3;
	v3 =	vld [tilespmem:s8+$0xC0]  }
0x11d: {  	[tilespmem:s8+$0x60] =	vst v5;
	v9 =	vmul.f32 v1, v10;
	v5 =	vld [tilespmem:s8+$0xD0]  }
0x11e: {  	[tilespmem:s8+$0x70] =	vst v7;
	v8 =	vmul.f32 v6, v1;
	v6 =	vld [tilespmem:s8+$0xE0]  }
0x11f: {  	s7 =	sadd.s32 $0x4, s7;
	v7 =	vld [tilespmem:s8+$0xFFFFFF00];
	[tilespmem:s8+$0x80] =	vst v9;
	v9 =	vmul.f32 v11, v1  }
0x120: {  	[tilespmem:s3+$0x90] =	vst v8;
	v4 =	vmul.f32 v4, v1  }
0x121: {  	[tilespmem:s3+$0xA0] =	vst v9;
	v3 =	vmul.f32 v3, v1  }
0x122: {  	[tilespmem:s3+$0xB0] =	vst v4;
	v4 =	vmul.f32 v5, v1  }
0x123: {  	[tilespmem:s3+$0xC0] =	vst v3;
	v1 =	vmul.f32 v6, v1  }
0x124: {  	v2 =	vmul.f32 v2, v7;
	[tilespmem:s3+$0xD0] =	vst v4  }
0x125: {  	[tilespmem:s3+$0xE0] =	vst v1  }
0x126: {  	[tilespmem:s3+$0xFFFFFF00] =	vst v2  }
0x127: {  	[spmem:s2] =	stream.indirect.scatter.add.f32 [tilespmem:s17], [sflag:$0x4], $0x80, s29, s20, $0xb8;
	[tilespmem:$0x1E100] =	vst v63  }
0x128: {  	_ =	swait.ge [sflag:s23], $0x2800  }
0x129: {  	[sflag:s23] =	ssyncset.done $0x0  }
0x12a: {  	[sflag:s23] =	ssyncadd.s32 $0xFFFFD800  }
0x12b: {  	_ =	swait.ge [sflag:s30], $0x2800  }
0x12c: {  	[sflag:s30] =	ssyncset.done $0x0  }
0x12d: {  	p0 =	seq.s32 s1, $0x3D;
	[sflag:s30] =	ssyncadd.s32 $0xFFFFD800  }
0x12e: {  	v1 =	vld @!p0 [tilespmem:s0+$0xF0];
	_ =	sdelay $0x4  }
0x12f: {  	v2 =	vand.u32 @!p0 $0xFFFF, v1;
	v1 =	vshrl.u32 @!p0 v1, $0x10  }
0x130: {  	[tilespmem:$0x4F80] =	vst @!p0 v2;
	v1 =	vand.u32 @!p0 $0x3FFF, v1  }
0x131: {  	[tilespmem:$0x5080] =	vst @!p0 v1  }
0x132: {  	v1 =	vld @!p0 [tilespmem:s0+$0x100];
	_ =	sdelay $0x4  }
0x133: {  	v2 =	vand.u32 @!p0 $0xFFFF, v1;
	v1 =	vshrl.u32 @!p0 v1, $0x10  }
0x134: {  	[tilespmem:$0x4F90] =	vst @!p0 v2;
	v1 =	vand.u32 @!p0 $0x3FFF, v1  }
0x135: {  	[tilespmem:$0x5090] =	vst @!p0 v1  }
0x136: {  	v1 =	vld @!p0 [tilespmem:s0+$0x110];
	_ =	sdelay $0x4  }
0x137: {  	v2 =	vand.u32 @!p0 $0xFFFF, v1;
	v1 =	vshrl.u32 @!p0 v1, $0x10  }
0x138: {  	[tilespmem:$0x4FA0] =	vst @!p0 v2;
	v1 =	vand.u32 @!p0 $0x3FFF, v1  }
0x139: {  	[tilespmem:$0x50A0] =	vst @!p0 v1  }
0x13a: {  	v1 =	vld @!p0 [tilespmem:s0+$0x120];
	_ =	sdelay $0x4  }
0x13b: {  	v2 =	vand.u32 @!p0 $0xFFFF, v1;
	v1 =	vshrl.u32 @!p0 v1, $0x10  }
0x13c: {  	[tilespmem:$0x4FB0] =	vst @!p0 v2;
	v1 =	vand.u32 @!p0 $0x3FFF, v1  }
0x13d: {  	[tilespmem:$0x50B0] =	vst @!p0 v1  }
0x13e: {  	v1 =	vld @!p0 [tilespmem:s0+$0x130];
	_ =	sdelay $0x4  }
0x13f: {  	v2 =	vand.u32 @!p0 $0xFFFF, v1;
	v1 =	vshrl.u32 @!p0 v1, $0x10  }
0x140: {  	[tilespmem:$0x4FC0] =	vst @!p0 v2;
	v1 =	vand.u32 @!p0 $0x3FFF, v1  }
0x141: {  	s6 =	simm.s32 @!p0 $0x7900;
	s3 =	simm.s32 @!p0 $0x4F80;
	s0 =	simm.s32 @!p0 $0x50;
	[tilespmem:$0x50C0] =	vst @!p0 v1  }
0x142: {  	[tilespmem:s6], [sflag:$0x2] =	stream.indirect.gather @!p0 [hbm4b:s4+s0], $0x80, s3, s0, $0xb8;
	[tilespmem:$0x1E100] =	vst v63  }
0x143: {  	s0 =	simm.s32 $0x5200;
	v1 =	vld.msk [tilespmem:s24+$0x0 ss:$0x0], $0xffff  }
0x144: {  	v3 =	vld [tilespmem:s0+$0xF0]  }
0x145: {  	v2 =	vld.msk [tilespmem:s24+$0xFFFFFFFD ss:$0x0], $0xffff  }
0x146: {  	v4 =	vld.msk [tilespmem:s24+$0xFFFFFFFE ss:$0x0], $0xffff  }
0x147: {  	v5 =	vld [tilespmem:s0+$0xFFFFFF10]  }
0x148: {  	v6 =	vld [tilespmem:s0+$0xFFFFFF20]  }
0x149: {  	v10 =	vld [tilespmem:s0+$0xFFFFFF60]  }
0x14a: {  	v11 =	vld [tilespmem:s0+$0xFFFFFF70]  }
0x14b: {  	v7 =	vld [tilespmem:s0+$0xFFFFFF30]  }
0x14c: {  	v8 =	vld [tilespmem:s0+$0xFFFFFF40];
	v3 =	vmul.f32 v3, v1  }
0x14d: {  	v9 =	vld [tilespmem:s0+$0xFFFFFF50];
	v5 =	vmul.f32 v5, v2  }
0x14e: {  	v12 =	vld [tilespmem:s0+$0xFFFFFF80];
	v10 =	vmul.f32 v10, v2;
	[tilespmem:s0+$0xF0] =	vst v3  }
0x14f: {  	v62 =	vld [tilespmem:s0+$0xFFFFFFD0];
	v11 =	vmul.f32 v11, v2;
	[tilespmem:s0+$0xFFFFFF10] =	vst v5  }
0x150: {  	v3 =	vmul.f32 v6, v2;
	v6 =	vld [tilespmem:s0+$0xFFFFFF90];
	[tilespmem:s0+$0xFFFFFF60] =	vst v10  }
0x151: {  	v5 =	vmul.f32 v7, v2;
	v7 =	vld [tilespmem:s0+$0xFFFFFFA0];
	[tilespmem:s0+$0xFFFFFF70] =	vst v11  }
0x152: {  	[tilespmem:s0+$0xFFFFFF20] =	vst v3;
	v3 =	vmul.f32 v8, v2;
	v8 =	vld [tilespmem:s0+$0xFFFFFFB0]  }
0x153: {  	[tilespmem:s0+$0xFFFFFF30] =	vst v5;
	v5 =	vmul.f32 v9, v2;
	v9 =	vld [tilespmem:s0+$0xFFFFFFC0]  }
0x154: {  	v10 =	vld [tilespmem:s0+$0xFFFFFFF0];
	[tilespmem:s0+$0xFFFFFF40] =	vst v3;
	v3 =	vmul.f32 v4, v12  }
0x155: {  	[tilespmem:s0+$0xFFFFFF50] =	vst v5;
	v5 =	vld [tilespmem:s0+$0xFFFFFFE0];
	v6 =	vmul.f32 v6, v4  }
0x156: {  	v11 =	vld [tilespmem:s0+$0x0];
	v7 =	vmul.f32 v7, v4;
	[tilespmem:s0+$0xFFFFFF80] =	vst v3  }
0x157: {  	v3 =	vld.msk [tilespmem:s24+$0xFFFFFFFF ss:$0x0], $0xffff;
	[tilespmem:s0+$0xFFFFFF90] =	vst v6;
	v6 =	vmul.f32 v8, v4  }
0x158: {  	v8 =	vld [tilespmem:s0+$0x10];
	[tilespmem:s0+$0xFFFFFFA0] =	vst v7;
	v7 =	vmul.f32 v9, v4  }
0x159: {  	v9 =	vld [tilespmem:s0+$0x20];
	[tilespmem:s0+$0xFFFFFFB0] =	vst v6;
	v6 =	vmul.f32 v62, v4  }
0x15a: {  	v63 =	vld [tilespmem:s0+$0x30];
	[tilespmem:s0+$0xFFFFFFC0] =	vst v7;
	v5 =	vmul.f32 v5, v4  }
0x15b: {  	v7 =	vld [tilespmem:s0+$0x40];
	v4 =	vmul.f32 v10, v4;
	[tilespmem:s0+$0xFFFFFFD0] =	vst v6  }
0x15c: {  	v6 =	vmul.f32 v3, v11;
	v11 =	vld [tilespmem:s0+$0x50];
	[tilespmem:s0+$0xFFFFFFE0] =	vst v5  }
0x15d: {  	v5 =	vld [tilespmem:s0+$0x60];
	[tilespmem:s0+$0xFFFFFFF0] =	vst v4;
	v8 =	vmul.f32 v8, v3  }
0x15e: {  	v4 =	vmul.f32 v9, v3;
	[tilespmem:s0+$0x0] =	vst v6;
	v6 =	vld [tilespmem:s0+$0x70]  }
0x15f: {  	v9 =	vld [tilespmem:s0+$0x80];
	[tilespmem:s0+$0x10] =	vst v8;
	v8 =	vmul.f32 v63, v3  }
0x160: {  	[tilespmem:s0+$0x20] =	vst v4;
	v4 =	vmul.f32 v7, v3;
	v7 =	vld [tilespmem:s0+$0x90]  }
0x161: {  	v10 =	vld [tilespmem:s0+$0xA0];
	[tilespmem:s0+$0x30] =	vst v8;
	v8 =	vmul.f32 v11, v3  }
0x162: {  	[tilespmem:s0+$0x40] =	vst v4;
	v5 =	vmul.f32 v5, v3;
	v4 =	vld [tilespmem:s0+$0xB0]  }
0x163: {  	[tilespmem:s0+$0x50] =	vst v8;
	v6 =	vmul.f32 v6, v3;
	v3 =	vld [tilespmem:s0+$0xC0]  }
0x164: {  	v9 =	vmul.f32 v1, v9;
	[tilespmem:s0+$0x60] =	vst v5;
	v5 =	vld [tilespmem:s0+$0xD0]  }
0x165: {  	v8 =	vmul.f32 v7, v1;
	[tilespmem:s0+$0x70] =	vst v6;
	v6 =	vld [tilespmem:s0+$0xE0]  }
0x166: {  	s7 =	simm.s32 $0x5200;
	s3 =	simm.s32 $0x0;
	s6 =	sadd.s32 $0x4, s24;
	v7 =	vld [tilespmem:s0+$0xFFFFFF00];
	[tilespmem:s0+$0x80] =	vst v9;
	v9 =	vmul.f32 v10, v1  }
.LBB2_9:
0x167: {  	v10 =	vld.msk [tilespmem:s6+$0x0 ss:$0x0], $0xffff;
	s3 =	sadd.s32 $0x4, s3;
	[tilespmem:s0+$0x90] =	vst v8;
	v4 =	vmul.f32 v4, v1;
	s7 =	sadd.s32 $0x200, s7  }
0x168: {  	v8 =	vld [tilespmem:s7+$0xF0];
	p0 =	slt.u32 s3, $0x4C;
	[tilespmem:s0+$0xA0] =	vst v9;
	v3 =	vmul.f32 v3, v1  }
0x169: {  	v9 =	vld.msk [tilespmem:s6+$0xFFFFFFFD ss:$0x0], $0xffff;
	[tilespmem:s0+$0xB0] =	vst v4;
	v4 =	vmul.f32 v5, v1  }
0x16a: {  	v5 =	vld.msk [tilespmem:s6+$0xFFFFFFFE ss:$0x0], $0xffff;
	[tilespmem:s0+$0xC0] =	vst v3;
	v11 =	vmul.f32 v6, v1  }
0x16b: {  	v3 =	vld.msk [tilespmem:s6+$0xFFFFFFFF ss:$0x0], $0xffff;
	v2 =	vmul.f32 v2, v7;
	[tilespmem:s0+$0xD0] =	vst v4  }
0x16c: {  	v4 =	vld [tilespmem:s7+$0xFFFFFF10];
	[tilespmem:s0+$0xE0] =	vst v11  }
0x16d: {  	v1 =	vmov v10;
	v6 =	vld [tilespmem:s7+$0xFFFFFF20];
	v7 =	vmul.f32 v8, v10;
	[tilespmem:s0+$0xFFFFFF00] =	vst v2;
	s0 =	smov.u32 s7  }
0x16e: {  	v8 =	vld [tilespmem:s7+$0xFFFFFF30]  }
0x16f: {  	v10 =	vld [tilespmem:s7+$0xFFFFFF40];
	[tilespmem:s7+$0xF0] =	vst v7;
	v2 =	vmov v9  }
0x170: {  	v7 =	vld [tilespmem:s7+$0xFFFFFF50]  }
0x171: {  	v4 =	vmul.f32 v4, v2;
	v9 =	vld [tilespmem:s7+$0xFFFFFF60]  }
0x172: {  	v6 =	vmul.f32 v6, v2;
	v11 =	vld [tilespmem:s7+$0xFFFFFF70]  }
0x173: {  	[tilespmem:s7+$0xFFFFFF10] =	vst v4;
	v4 =	vmul.f32 v8, v2;
	v8 =	vld [tilespmem:s7+$0xFFFFFF80]  }
0x174: {  	[tilespmem:s7+$0xFFFFFF20] =	vst v6;
	v6 =	vmul.f32 v10, v2;
	v10 =	vld [tilespmem:s7+$0xFFFFFF90]  }
0x175: {  	[tilespmem:s7+$0xFFFFFF30] =	vst v4;
	v4 =	vmul.f32 v7, v2;
	v7 =	vld [tilespmem:s7+$0xFFFFFFA0]  }
0x176: {  	[tilespmem:s7+$0xFFFFFF40] =	vst v6;
	v6 =	vmul.f32 v9, v2;
	v9 =	vld [tilespmem:s7+$0xFFFFFFB0]  }
0x177: {  	[tilespmem:s7+$0xFFFFFF50] =	vst v4;
	v4 =	vmul.f32 v11, v2;
	v11 =	vld [tilespmem:s7+$0xFFFFFFC0]  }
0x178: {  	[tilespmem:s7+$0xFFFFFF60] =	vst v6;
	v6 =	vmul.f32 v5, v8;
	v8 =	vld [tilespmem:s7+$0xFFFFFFD0]  }
0x179: {  	[tilespmem:s7+$0xFFFFFF70] =	vst v4;
	v4 =	vmul.f32 v10, v5;
	v10 =	vld [tilespmem:s7+$0xFFFFFFE0]  }
0x17a: {  	[tilespmem:s7+$0xFFFFFF80] =	vst v6;
	v6 =	vmul.f32 v7, v5;
	v7 =	vld [tilespmem:s7+$0xFFFFFFF0]  }
0x17b: {  	[tilespmem:s7+$0xFFFFFF90] =	vst v4;
	v4 =	vmul.f32 v9, v5;
	v9 =	vld [tilespmem:s7+$0x0]  }
0x17c: {  	[tilespmem:s7+$0xFFFFFFA0] =	vst v6;
	v6 =	vmul.f32 v11, v5;
	v11 =	vld [tilespmem:s7+$0x10]  }
0x17d: {  	[tilespmem:s7+$0xFFFFFFB0] =	vst v4;
	v4 =	vmul.f32 v8, v5;
	v8 =	vld [tilespmem:s7+$0x20]  }
0x17e: {  	[tilespmem:s7+$0xFFFFFFC0] =	vst v6;
	v6 =	vmul.f32 v10, v5;
	v10 =	vld [tilespmem:s7+$0x30]  }
0x17f: {  	[tilespmem:s7+$0xFFFFFFD0] =	vst v4;
	v4 =	vmul.f32 v7, v5;
	v5 =	vld [tilespmem:s7+$0x40]  }
0x180: {  	[tilespmem:s7+$0xFFFFFFE0] =	vst v6;
	v6 =	vmul.f32 v3, v9;
	v7 =	vld [tilespmem:s7+$0x50]  }
0x181: {  	[tilespmem:s7+$0xFFFFFFF0] =	vst v4;
	v4 =	vmul.f32 v11, v3;
	v9 =	vld [tilespmem:s7+$0x60]  }
0x182: {  	[tilespmem:s7+$0x0] =	vst v6;
	v6 =	vmul.f32 v8, v3;
	v8 =	vld [tilespmem:s7+$0x70]  }
0x183: {  	[tilespmem:s7+$0x10] =	vst v4;
	v4 =	vmul.f32 v10, v3;
	v10 =	vld [tilespmem:s7+$0x80]  }
0x184: {  	[tilespmem:s7+$0x20] =	vst v6;
	v5 =	vmul.f32 v5, v3;
	v6 =	vld [tilespmem:s7+$0x90]  }
0x185: {  	[tilespmem:s7+$0x30] =	vst v4;
	v7 =	vmul.f32 v7, v3;
	v11 =	vld [tilespmem:s7+$0xA0]  }
.Ltmp3:
0x186: {  	[tilespmem:s7+$0x40] =	vst v5;
	v5 =	vmul.f32 v9, v3;
	v4 =	vld [tilespmem:s7+$0xB0];
	(pc) =	sbr.rel @p0 .LBB2_9-.Ltmp3, $4  }
0x187: {  	[tilespmem:s7+$0x50] =	vst v7;
	v7 =	vmul.f32 v8, v3;
	v3 =	vld [tilespmem:s7+$0xC0]  }
0x188: {  	[tilespmem:s7+$0x60] =	vst v5;
	v9 =	vmul.f32 v1, v10;
	v5 =	vld [tilespmem:s7+$0xD0]  }
0x189: {  	[tilespmem:s7+$0x70] =	vst v7;
	v8 =	vmul.f32 v6, v1;
	v6 =	vld [tilespmem:s7+$0xE0]  }
0x18a: {  	s6 =	sadd.s32 $0x4, s6;
	v7 =	vld [tilespmem:s7+$0xFFFFFF00];
	[tilespmem:s7+$0x80] =	vst v9;
	v9 =	vmul.f32 v11, v1  }
0x18b: {  	[tilespmem:s0+$0x90] =	vst v8;
	v4 =	vmul.f32 v4, v1  }
0x18c: {  	s1 =	sadd.s32 $0x1, s1;
	[tilespmem:s0+$0xA0] =	vst v9;
	v3 =	vmul.f32 v3, v1  }
0x18d: {  	p0 =	sne.s32 s1, $0x3E;
	[tilespmem:s0+$0xB0] =	vst v4;
	v63 =	vmul.f32 v5, v1  }
.Ltmp4:
0x18e: {  	[tilespmem:s0+$0xC0] =	vst v3;
	v1 =	vmul.f32 v6, v1;
	(pc) =	sbr.rel @p0 .LBB2_6-.Ltmp4, $4  }
0x18f: {  	v2 =	vmul.f32 v2, v7;
	[tilespmem:s0+$0xD0] =	vst v63  }
0x190: {  	[tilespmem:s0+$0xE0] =	vst v1  }
0x191: {  	s19 =	sadd.s32 $0xA0, s19;
	s24 =	sadd.s32 $0xA0, s24;
	[tilespmem:s0+$0xFFFFFF00] =	vst v2  }
0x192: {  	[spmem:s2] =	stream.indirect.scatter.add.f32 [tilespmem:s22], [sflag:$0x3], $0x80, s25, s20, $0xb8;
	[tilespmem:$0x1E100] =	vst v63  }
0x193: {  	_ =	swait.ge [sflag:s28], $0x2800;
	s0 =	stileid.u32  }
0x194: {  	s1 =	sshrl.u32 s5, $0x3;
	s31 =	sadd.s32 $0x1, s31;
	[sflag:s28] =	ssyncset.done $0x0  }
0x195: {  	s0 =	sshll.u32 s0, $0x6;
	p0 =	sne.s32 s31, s16;
	[sflag:s28] =	ssyncadd.s32 $0xFFFFD800  }
.Ltmp5:
0x196: {  	s0 =	sor.u32 $0x1C05, s0;
	[bflag:$0x0] =	sbarrier.arrive $0xFFFF;
	(pc) =	sbr.rel @p0 .LBB2_1-.Ltmp5, $4  }
0x197: {  	[hbm:s15], [sflag:s0] =	dma.local [spmem:s1], $0x2800  }
0x198: {  	_ =	swait.ge [sflag:s18], $0x2800  }
0x199: {  	[sflag:s18] =	ssyncset.done $0x0  }
0x19a: {  	[sflag:s18] =	ssyncadd.s32 $0xFFFFD800  }
0x19b: {  	_ =	sfence.sel $0x180000  }
0x19c: {  	[bflag:$0x0] =	sbarrier.arrive $0xFFFF  }
0x19d: {  	_ =	strace $0x9000004D  }
0x19e: {  	s0 =	stileid.u32;
	[bflag:$0x2] =	sbarrier.arrive $0xFFFF  }
0x19f: {  	p0 =	sne.s32 s0, $0x0;
	s0 =	rddreg [dreg:$0x2]  }
0x1a0: {  	s0 =	sadd.s32 @!p0 $0x100000, s0  }
0x1a1: {  	[sflag:s0] =	ssyncadd.tile.s32 @!p0 $0x1;
	_ =	shalt  }
.Lfunc_end2:
_tile_overlayer_lowered:
.L_overlay_start_2:
0x1a2: {  	(tag) =	ssettag $0x2  }
0x1a3: {  	s0 =	rddreg [dreg:$0x0];
	s2 =	stileid.u32  }
0x1a4: {  	s1 =	rddreg [dreg:$0x1];
	p0 =	sne.s32 s2, $0x0  }
0x1a5: {  	s3 =	rddreg [dreg:$0x2];
	[bflag:$0x3] =	sbarrier.arrive $0xFFFF;
	s2 =	simm.s32 @!p0 $0x1C05  }
0x1a6: {  	[timem:s3], [sflag:s2] =	dma.local @!p0 [hbm:s0], s1  }
0x1a7: {  	s0 =	simm.s32 @!p0 $0x5  }
0x1a8: {  	_ =	swait.ge @!p0 [sflag:s0], s1  }
0x1a9: {  	s1 =	ssub.s32 @!p0 $0x0, s1;
	[sflag:s0] =	ssyncset.done @!p0 $0x0  }
0x1aa: {  	[sflag:s0] =	ssyncadd.s32 @!p0 s1  }
0x1ab: {  	[bflag:$0x3] =	sbarrier.arrive $0xFFFF  }
0x1ac: {  	_ =	shalt  }

// kernel: kernel.9.cloned.1.call-start
scs
__scs_entry_jumppad:
0x0: {  	(pc) =	sbr.rel $0x88, $3  }
0x1: {  	(tag) =	ssettag $0x0;
	lr =	simm.s32 $0x1  }
0x2: {  	[smem:$0x3F98] =	sst lr;
	_ =	strace $0xD0000000  }
0x3: {  	_ = 	snop  }
0x4: {  	_ = 	snop  }
0x5: {  	_ = 	snop  }
0x6: {  	_ = 	snop  }
0x7: {  	_ = 	snop  }
__scs_overlays_trampoline_lowered:
0x8: {  	[smem:$0x3FA7] =	sst s0  }
0x9: {  	[smem:$0x3FA8] =	sst s1  }
0xa: {  	[smem:$0x3FA9] =	sst s2  }
0xb: {  	[smem:$0x3FAA] =	sst s3  }
0xc: {  	[smem:$0x3FAB] =	sst s4  }
0xd: {  	[smem:$0x3FAC] =	sst s5  }
0xe: {  	[smem:$0x3FAD] =	sst s6  }
0xf: {  	[smem:$0x3FAE] =	sst s7  }
0x10: {  	[smem:$0x3FAF] =	sst s8  }
0x11: {  	[smem:$0x3FB0] =	sst s9;
	s0 =	simm.s32 @!p0 $0x0  }
0x12: {  	s1 =	sld [smem:$0x3F96];
	s0 =	simm.s32 @p0 $0x1  }
0x13: {  	[smem:$0x3FB1] =	sst s0;
	s0 =	simm.s32 @!p1 $0x0  }
0x14: {  	s2 =	sld [smem:$0x3F95];
	s0 =	simm.s32 @p1 $0x1  }
0x15: {  	[smem:$0x3FB2] =	sst s0;
	s0 =	simm.s32 @!p2 $0x0  }
0x16: {  	s3 =	sld [smem:$0x3FDB];
	s0 =	simm.s32 @p2 $0x1  }
0x17: {  	s4 =	simm.s32 $0x1BF5;
	[smem:$0x3FB4] =	sst s0  }
0x18: {  	s0 =	sld [smem:$0x3F97];
	_ =	swait.ge [sflag:s4], $0x0  }
0x19: {  	s7 =	sld [smem:$0x3F98]  }
0x1a: {  	s8 =	sadd.s32 $0xFFFFE003, lr  }
0x1b: {  	s9 =	sadd.s32 $0xFFFFFEF7, lr;
	s5 =	simm.s32 $0xFFFFFFFF;
	p2 =	slt.u32 s8, $0xFFFFF086  }
0x1c: {  	p1 =	slt.u32 s9, $0xF7A;
	s5 =	simm.s32 @!p2 $0x0  }
0x1d: {  	s5 =	simm.s32 @p1 $0x1;
	p0 =	seq.s32 s7, s2  }
0x1e: {  	s7 =	smul.u32 @!p0 $0xF7A, s2;
	p2 =	seq.s32 @!p0 s5, $0x0  }
0x1f: {  	s9 =	smul.u32 $0xF7A, s1;
	s8 =	simm.s32 @!p0 $0x1BF5;
	p2 =	por !p2, p0  }
0x20: {  	[sflag:s8] =	ssyncset.s32 @!p0 $0xFFFFF086;
	s6 =	sadd.s32 @!p0 s3, s7;
	s7 =	simm.s32 @!p0 $0x108  }
0x21: {  	s3 =	sadd.s32 s3, s9;
	s6 =	sadd.s32 @!p0 $0x88, s6;
	s7 =	simm.s32 @p2 $0x1082  }
0x22: {  	[simem:s7], [sflag:s8] =	dma.local @!p0 [hbm:s6], $0xF7A  }
0x23: {  	s9 =	sor.u32 $0xD0000000, s2;
	s6 =	simm.s32 $0x108;
	_ =	swait.ge @!p0 [sflag:s8], $0x0  }
0x24: {  	s3 =	sadd.s32 $0x88, s3;
	s6 =	simm.s32 @!p1 $0x1082;
	[sflag:s4] =	ssyncset.s32 $0xFFFFF086  }
0x25: {  	[simem:s6], [sflag:s4] =	dma.local [hbm:s3], $0xF7A  }
0x26: {  	[smem:$0x3F98] =	sst s1;
	(tag) =	ssettag s2;
	_ =	strace s9  }
0x27: {  	s1 =	sld [smem:$0x3FA8]  }
0x28: {  	s2 =	sld [smem:$0x3FA9]  }
0x29: {  	s4 =	sld [smem:$0x3FAB]  }
0x2a: {  	p0 =	seq.s32 s5, $0x0;
	s5 =	sld [smem:$0x3FAC]  }
0x2b: {  	s6 =	sld [smem:$0x3FAD]  }
0x2c: {  	s7 =	sld [smem:$0x3FAE]  }
0x2d: {  	s3 =	simm.s32 $0x108;
	s8 =	sld [smem:$0x3FAF]  }
0x2e: {  	s3 =	simm.s32 @!p0 $0x1082;
	s9 =	sld [smem:$0x3FB0]  }
0x2f: {  	lr =	sadd.s32 s0, s3;
	s0 =	sld [smem:$0x3FA7]  }
0x30: {  	s3 =	sld [smem:$0x3FAA]  }
0x31: {  	[smem:$0x3FB3] =	sst s10  }
0x32: {  	s10 =	sld [smem:$0x3FB1];
	_ =	sdelay $0x3  }
0x33: {  	p0 =	seq.s32 s10, $0x1;
	s10 =	sld [smem:$0x3FB3];
	_ =	sdelay $0x3  }
0x34: {  	[smem:$0x3FB3] =	sst s10  }
0x35: {  	s10 =	sld [smem:$0x3FB2];
	_ =	sdelay $0x3  }
0x36: {  	p1 =	seq.s32 s10, $0x1;
	s10 =	sld [smem:$0x3FB3];
	_ =	sdelay $0x3  }
0x37: {  	[smem:$0x3FB3] =	sst s10  }
0x38: {  	s10 =	sld [smem:$0x3FB4]  }
0x39: {  	_ = 	snop;
	(pc) =	sbr.ind lr, $3  }
0x3a: {  	_ = 	snop  }
0x3b: {  	_ = 	snop  }
0x3c: {  	p2 =	seq.s32 s10, $0x1;
	s10 =	sld [smem:$0x3FB3]  }
0x3d: {  	_ =	shalt  }
0x3e: {  	_ =	shalt  }
0x3f: {  	_ =	shalt  }
0x40: {  	_ =	shalt  }
0x41: {  	_ =	shalt  }
0x42: {  	_ =	shalt  }
0x43: {  	_ =	shalt  }
0x44: {  	_ =	shalt  }
0x45: {  	_ =	shalt  }
0x46: {  	_ =	shalt  }
0x47: {  	_ =	shalt  }
0x48: {  	_ =	shalt  }
0x49: {  	_ =	shalt  }
0x4a: {  	_ =	shalt  }
0x4b: {  	_ =	shalt  }
0x4c: {  	_ =	shalt  }
0x4d: {  	_ =	shalt  }
0x4e: {  	_ =	shalt  }
0x4f: {  	_ =	shalt  }
0x50: {  	_ =	shalt  }
0x51: {  	_ =	shalt  }
0x52: {  	_ =	shalt  }
0x53: {  	_ =	shalt  }
0x54: {  	_ =	shalt  }
0x55: {  	_ =	shalt  }
0x56: {  	_ =	shalt  }
0x57: {  	_ =	shalt  }
0x58: {  	_ =	shalt  }
0x59: {  	_ =	shalt  }
0x5a: {  	_ =	shalt  }
0x5b: {  	_ =	shalt  }
0x5c: {  	_ =	shalt  }
0x5d: {  	_ =	shalt  }
0x5e: {  	_ =	shalt  }
0x5f: {  	_ =	shalt  }
0x60: {  	_ =	shalt  }
0x61: {  	_ =	shalt  }
0x62: {  	_ =	shalt  }
0x63: {  	_ =	shalt  }
0x64: {  	_ =	shalt  }
0x65: {  	_ =	shalt  }
0x66: {  	_ =	shalt  }
0x67: {  	_ =	shalt  }
0x68: {  	_ =	shalt  }
0x69: {  	_ =	shalt  }
0x6a: {  	_ =	shalt  }
0x6b: {  	_ =	shalt  }
0x6c: {  	_ =	shalt  }
0x6d: {  	_ =	shalt  }
0x6e: {  	_ =	shalt  }
0x6f: {  	_ =	shalt  }
0x70: {  	_ =	shalt  }
0x71: {  	_ =	shalt  }
0x72: {  	_ =	shalt  }
0x73: {  	_ =	shalt  }
0x74: {  	_ =	shalt  }
0x75: {  	_ =	shalt  }
0x76: {  	_ =	shalt  }
0x77: {  	_ =	shalt  }
0x78: {  	_ =	shalt  }
0x79: {  	_ =	shalt  }
0x7a: {  	_ =	shalt  }
0x7b: {  	_ =	shalt  }
0x7c: {  	_ =	shalt  }
0x7d: {  	_ =	shalt  }
0x7e: {  	_ =	shalt  }
0x7f: {  	_ =	shalt  }
0x80: {  	_ =	shalt  }
0x81: {  	_ =	shalt  }
0x82: {  	_ =	shalt  }
0x83: {  	_ =	shalt  }
0x84: {  	_ =	shalt  }
0x85: {  	_ =	shalt  }
0x86: {  	_ =	shalt  }
0x87: {  	_ =	shalt  }
.Lfunc_end0:
.L_simem_size_0:
called_computation_lowered:
.L_overlay_start_0:
0x88: {  	s2 =	sld [smem:$0x3FD9]  }
0x89: {  	s3 =	sld [smem:$0x3FFE];
	_ =	sdelay $0x1  }
0x8a: {  	s1 =	srdreg.scid  }
0x8b: {  	s0 =	sand.u32 $0x1, s1  }
0x8c: {  	s17 =	sshll.u32 s0, $0xA;
	s2 =	sadd.s32 s3, s2  }
0x8d: {  	s2 =	sadd.s32 s2, s17  }
0x8e: {  	[smem:$0x3FBF] =	sst s2  }
0x8f: {  	_ = 	snop  }
0x90: {  	s2 =	sld [smem:$0x3FC7];
	(tm) =	ssettm $0x1  }
0x91: {  	s18 =	sld [smem:$0x3FFB];
	_ =	sdelay $0x3  }
0x92: {  	_ =	strace s18  }
0x93: {  	s3 =	sld [smem:$0x3FFC];
	_ =	sdelay $0x3  }
0x94: {  	_ =	strace s3  }
0x95: {  	s3 =	sld [smem:$0x3FFD];
	_ =	sdelay $0x3  }
0x96: {  	_ =	strace s3  }
0x97: {  	_ =	strace $0x8FFFFFFF  }
0x98: {  	s19 =	sld [smem:$0x3FDB];
	_ =	sdelay $0x1  }
0x99: {  	s4 =	simm.s32 $_scs_section_size  }
0x9a: {  	s5 =	simm.s32 $_size__tile_overlayer_lowered;
	s6 =	simm.s32 $_tile_overlayer_lowered  }
0x9b: {  	s22 =	simm.s32 $0x1BFF;
	s21 =	sshll.u32 s6, $0x1;
	s3 =	sadd.s32 s4, s19  }
0x9c: {  	s7 =	simm.s32 $0x0;
	s20 =	sshll.u32 s5, $0x1;
	s5 =	sadd.s32 s21, s3  }
0x9d: {  	[timem:s7], [sflag:s22] =	dma.local [hbm:s5], s20  }
0x9e: {  	_ =	swait.ge [sflag:s22], s20  }
0x9f: {  	s4 =	ssub.s32 $0x0, s20;
	[sflag:s22] =	ssyncset.done $0x0  }
0xa0: {  	[sflag:s22] =	ssyncadd.s32 s4;
	_ =	sdelay $0x1  }
0xa1: {  	s23 =	simm.s32 $0x1B8B  }
0xa2: {  	_ =	swait.ge [sflag:s23], $0x1  }
0xa3: {  	[sflag:s23] =	ssyncset.done $0x0  }
0xa4: {  	s25 =	simm.s32 $0x1B8E;
	s24 =	sld [smem:$0x3FFE];
	[sflag:s23] =	ssyncadd.s32 $0xFFFFFFFF  }
0xa5: {  	s26 =	simm.s32 $execute0_lowered;
	[smem:$0x3FD2] =	sst s25  }
0xa6: {  	s5 =	sshll.u32 s26, $0x1;
	_ =	strace $0x80000046;
	[dreg:$0x1] =	wrdreg $0xFFFFFFFF  }
0xa7: {  	s28 =	simm.s32 $_size_execute0_lowered;
	s3 =	sadd.s32 s3, s5;
	[dreg:$0x0] =	wrdreg $0x0  }
0xa8: {  	s5 =	sshll.u32 s28, $0x1;
	[dreg:$0x2] =	wrdreg s3  }
0xa9: {  	[dreg:$0x3] =	wrdreg s5  }
0xaa: {  	[dreg:$0x4] =	wrdreg $0xC0  }
0xab: {  	_ =	task [dreg:s7], $0x5FFFF  }
0xac: {  	[dreg:$0x1] =	wrdreg $0xFFFFFFFF  }
0xad: {  	[dreg:$0x0] =	wrdreg $0x60  }
0xae: {  	[dreg:$0x2] =	wrdreg s24  }
0xaf: {  	[dreg:$0x3] =	wrdreg s2  }
0xb0: {  	[dreg:$0x4] =	wrdreg $0xF800  }
0xb1: {  	[dreg:$0x5] =	wrdreg $0x9  }
0xb2: {  	_ =	task.clear_ibuf [dreg:s7], $0x6FFFF;
	_ =	strace $0x90000046  }
0xb3: {  	s29 =	simm.s32 $0x9;
	_ =	strace $0x80000048  }
0xb4: {  	_ =	swait.ge [sflag:s29], $0x1  }
0xb5: {  	[sflag:s29] =	ssyncadd.s32 $0xFFFFFFFF  }
0xb6: {  	_ =	strace $0x90000048  }
0xb7: {  	_ =	sfence  }
0xb8: {  	s30 =	sld [smem:$0x0];
	_ =	sdelay $0x2  }
0xb9: {  	s31 =	sshll.u32 s1, $0xD;
	s1 =	sshrl.u32 s1, $0x2  }
0xba: {  	s3 =	sand.u32 $0x4000, s31;
	s1 =	sadd.s32 s1, s30  }
0xbb: {  	s0 =	sor.u32 s3, s0;
	s1 =	sshll.u32 s1, $0x11  }
0xbc: {  	s0 =	sor.u32 s1, s0  }
0xbd: {  	s0 =	sadd.s32 $0x8F2B, s0  }
0xbe: {  	[sflag:s0] =	ssyncadd.remote.s32 $0x1  }
0xbf: {  	_ =	sfence.sel $0xFFFF  }
0xc0: {  	[dreg:$0x0] =	wrdreg $0xFFFFFFFF;
	(pc) =	sbr.abs _section_cstart, $3  }
0xc1: {  	[dreg:$0x1] =	wrdreg $0xFFFFFFFF  }
0xc2: {  	_ =	task.clear_ibuf [dreg:s7], $0x2FFFF;
	_ =	strace $0x9FFFFFFF  }
0xc3: {  	(tm) =	ssettm $0x7FFFFFFF  }
tec
execute0_lowered:
.L_overlay_start_1:
0x0: {  	(tag) =	ssettag $0x1  }
0x1: {  	s0 =	rddreg [dreg:$0x0]  }
0x2: {  	s1 =	rddreg [dreg:$0x1]  }
0x3: {  	s2 =	rddreg [dreg:$0x2]  }
0x4: {  	s4 =	simm.s32 $0x0;
	s3 =	srdreg.scid;
	s12 =	stileid.u32  }
0x5: {  	s25 =	simm.s32 $0x380;
	s26 =	simm.s32 $0x480;
	s28 =	simm.s32 $0x300  }
0x6: {  	s29 =	simm.s32 $0x50;
	s30 =	simm.s32 $0x400;
	s31 =	simm.s32 $0x500  }
0x7: {  	[smem:$0x7FF] =	sst s4;
	s3 =	sand.u32 $0x1, s3;
	s7 =	smul.u32 $0x1400, s12  }
0x8: {  	s5 =	sadd.s32 $0xC200, s0;
	s10 =	smul.u32 $0x2800, s12;
	_ =	strace $0x80000047  }
0x9: {  	s6 =	sshll.u32 s3, $0x4;
	s8 =	sshll.u32 s3, $0x7;
	[dreg:$0x8] =	wrdreg s25  }
0xa: {  	s13 =	ssub.s32 $0x2, s3;
	s3 =	smul.u32 $0x27100, s3;
	[dreg:$0x9] =	wrdreg s26  }
0xb: {  	s25 =	simm.s32 $0x6;
	s26 =	simm.s32 $0x0;
	s9 =	sor.u32 s12, s6  }
0xc: {  	s6 =	sadd.s32 $0x2400, s0;
	s8 =	sor.u32 s8, s7;
	s9 =	smul.u32 $0x2710, s9  }
0xd: {  	s7 =	sadd.s32 $0x18800, s0;
	s11 =	sshrl.u32 s13, $0x1;
	s10 =	sshrl.u32 s10, $0x2  }
0xe: {  	s12 =	smul.u32 $0x2710, s12;
	s8 =	sshrl.u32 s8, $0x3;
	s9 =	sshrl.u32 s9, $0x3  }
0xf: {  	s11 =	ssub.s32 s13, s11;
	s0 =	sadd.s32 s8, s0;
	s14 =	sadd.s32 s5, s9  }
0x10: {  	s8 =	sadd.s32 s10, s2;
	s15 =	sadd.s32 s6, s9;
	[dreg:$0xa] =	wrdreg s14  }
0x11: {  	s3 =	sadd.s32 s12, s3;
	s16 =	sadd.s32 s1, s9;
	[dreg:$0xb] =	wrdreg s15  }
0x12: {  	s17 =	sadd.s32 $0xA, s9;
	s9 =	sadd.s32 s7, s9;
	[dreg:$0xc] =	wrdreg s16  }
0x13: {  	s22 =	sadd.s32 $0x50, s3;
	s18 =	sadd.s32 s5, s17;
	[dreg:$0x10] =	wrdreg s9  }
0x14: {  	s14 =	sadd.s32 $0xF0, s3;
	s19 =	sadd.s32 s6, s17;
	[dreg:$0xd] =	wrdreg s18  }
0x15: {  	s10 =	sadd.s32 s1, s17;
	s17 =	smax.u32 s11, $0x1;
	[dreg:$0xe] =	wrdreg s19  }
0x16: {  	s16 =	sshrl.u32 s14, $0x3;
	[dreg:$0xf] =	wrdreg s10;
	s10 =	sshrl.u32 s22, $0x3  }
0x17: {  	s22 =	simm.s32 $0x200;
	s19 =	simm.s32 $0x3;
	s20 =	sadd.s32 s16, s1  }
0x18: {  	s21 =	sadd.s32 s16, s6;
	s23 =	sadd.s32 s16, s5;
	[dreg:$0x4] =	wrdreg s20  }
0x19: {  	s16 =	sadd.s32 $0x16000, s0;
	s24 =	sadd.s32 s10, s7;
	[dreg:$0x5] =	wrdreg s21  }
0x1a: {  	s10 =	sadd.s32 $0xA0, s3;
	s0 =	simm.s32 $0x2;
	[dreg:$0x6] =	wrdreg s23  }
0x1b: {  	s3 =	simm.s32 $0x4;
	[dreg:$0x7] =	wrdreg s24;
	s20 =	simm.s32 $0x7  }
0x1c: {  	v0 =	vimm.f32 $0.0e+00;
	v1 =	vimm.f32 $1.000000000e+00;
	s21 =	simm.s32 $0x100;
	s23 =	simm.s32 $0x1;
	s24 =	simm.s32 $0x5  }
.LBB2_1:
0x1d: {  	s9 =	simm.s32 $0x40;
	s11 =	simm.s32 $0x0  }
.LBB2_2:
0x1e: {  	p0 =	sne.s32 s9, $0x27C0;
	[tilespmem:s11+$0x580] =	vst v0;
	s11 =	smov.u32 s9;
	s9 =	sadd.s32 $0x40, s9  }
.Ltmp0:
0x1f: {  	(pc) =	sbr.rel @p0 .LBB2_2-.Ltmp0, $2  }
0x20: {  	_ =	sdelay $0x2  }
0x21: {  	s11 =	sshra.s32 s11, $0x2  }
0x22: {  	[tilespmem:s11+$0x580] =	vst v0  }
0x23: {  	[tilespmem:$0x500] =	vst v1  }
0x24: {  	[tilespmem:$0x510] =	vst v1  }
0x25: {  	[tilespmem:$0x520] =	vst v1  }
0x26: {  	[tilespmem:$0x530] =	vst v1  }
0x27: {  	s9 =	simm.s32 $0x580;
	[tilespmem:$0x540] =	vst v1  }
0x28: {  	[spmem:s8] =	stream.linear.scatter [tilespmem:s9], [sflag:$0x7], $0xA00, $0x38;
	[tilespmem:$0x1980] =	vst v63  }
0x29: {  	_ =	swait.ge [sflag:s20], $0xA00  }
0x2a: {  	[sflag:s20] =	ssyncset.done $0x0  }
0x2b: {  	s9 =	simm.s32 $0x0;
	s13 =	rddreg [dreg:$0xa];
	[sflag:s20] =	ssyncadd.s32 $0xFFFFF600  }
0x2c: {  	[tilespmem:s9], [sflag:$0x1] =	stream.linear.gather [hbm4b:s13+s9], $0x50, $0x38;
	[tilespmem:$0x1980] =	vst v63  }
0x2d: {  	s14 =	rddreg [dreg:$0xb]  }
0x2e: {  	[tilespmem:s21], [sflag:$0x1] =	stream.linear.gather [hbm4b:s14+s9], $0x50, $0x38;
	[tilespmem:$0x1980] =	vst v63  }
0x2f: {  	s15 =	rddreg [dreg:$0xc]  }
0x30: {  	[tilespmem:s22], [sflag:$0x1] =	stream.linear.gather [hbm4b:s15+s9], $0x50, $0x38;
	[tilespmem:$0x1980] =	vst v63  }
0x31: {  	[bflag:$0x0] =	sbarrier.arrive $0xFFFF  }
0x32: {  	_ =	swait.ge [sflag:s23], $0x50  }
0x33: {  	[sflag:s23] =	ssyncset.done $0x0  }
0x34: {  	[sflag:s23] =	ssyncadd.s32 $0xFFFFFFB0  }
0x35: {  	_ =	swait.ge [sflag:s23], $0x50  }
0x36: {  	[sflag:s23] =	ssyncset.done $0x0  }
0x37: {  	[sflag:s23] =	ssyncadd.s32 $0xFFFFFFB0  }
0x38: {  	_ =	swait.ge [sflag:s23], $0x50  }
0x39: {  	[sflag:s23] =	ssyncset.done $0x0  }
0x3a: {  	s12 =	simm.s32 $0x80;
	s18 =	rddreg [dreg:$0xd];
	[sflag:s23] =	ssyncadd.s32 $0xFFFFFFB0  }
0x3b: {  	[tilespmem:s12], [sflag:$0x2] =	stream.linear.gather [hbm4b:s18+s9], $0x50, $0x38;
	[tilespmem:$0x1980] =	vst v63  }
0x3c: {  	s13 =	simm.s32 $0x180;
	s12 =	rddreg [dreg:$0xe]  }
0x3d: {  	[tilespmem:s13], [sflag:$0x2] =	stream.linear.gather [hbm4b:s12+s9], $0x50, $0x38;
	[tilespmem:$0x1980] =	vst v63  }
0x3e: {  	s15 =	simm.s32 $0x280;
	s14 =	rddreg [dreg:$0xf]  }
0x3f: {  	[tilespmem:s15], [sflag:$0x2] =	stream.linear.gather [hbm4b:s14+s9], $0x50, $0x38;
	[tilespmem:$0x1980] =	vst v63  }
0x40: {  	v2 =	vld [tilespmem:$0x200]  }
0x41: {  	v3 =	vld [tilespmem:$0x0]  }
0x42: {  	v4 =	vld [tilespmem:$0x100]  }
0x43: {  	v5 =	vld [tilespmem:$0x100]  }
0x44: {  	v6 =	vld [tilespmem:$0x210]  }
0x45: {  	v7 =	vld [tilespmem:$0x10]  }
0x46: {  	v8 =	vld [tilespmem:$0x110]  }
0x47: {  	v9 =	vld [tilespmem:$0x110]  }
0x48: {  	v10 =	vld [tilespmem:$0x220]  }
0x49: {  	v11 =	vld [tilespmem:$0x20]  }
0x4a: {  	v13 =	vld [tilespmem:$0x120]  }
0x4b: {  	v14 =	vld [tilespmem:$0x120];
	v12 =	vmul.u32 $0x2710, v2  }
0x4c: {  	v15 =	vld [tilespmem:$0x230]  }
0x4d: {  	v16 =	vld [tilespmem:$0x30];
	v2 =	vshll.u32 v2, $0x1E;
	v3 =	vadd.s32 v3, v12  }
0x4e: {  	v51 =	vld [tilespmem:$0x130];
	v4 =	vshll.u32 v4, $0x10;
	v2 =	vor.u32 v2, v3;
	v3 =	vmul.u32 $0x2710, v6  }
0x4f: {  	v18 =	vld [tilespmem:$0x240];
	v17 =	vmul.u32 $0x2710, v10;
	v8 =	vshll.u32 v8, $0x10;
	v54 =	vshll.u32 v10, $0x1E  }
0x50: {  	v52 =	vld [tilespmem:$0x130];
	v5 =	vadd.s32 v12, v5;
	v6 =	vshll.u32 v6, $0x1E;
	v7 =	vadd.s32 v7, v3  }
0x51: {  	v55 =	vld [tilespmem:$0x40];
	v56 =	vshll.u32 v13, $0x10;
	[tilespmem:$0x400] =	vst v5;
	v2 =	vor.u32 v4, v2;
	v6 =	vor.u32 v6, v7  }
0x52: {  	v58 =	vld [tilespmem:$0x140];
	v57 =	vmul.u32 $0x2710, v15;
	v53 =	vadd.s32 v11, v17;
	[tilespmem:$0x300] =	vst v2;
	v2 =	vor.u32 v8, v6  }
0x53: {  	v59 =	vshll.u32 v15, $0x1E;
	v6 =	vor.u32 v54, v53;
	[tilespmem:$0x310] =	vst v2;
	v2 =	vadd.s32 v3, v9  }
0x54: {  	v61 =	vld [tilespmem:$0x140];
	v60 =	vmul.u32 $0x2710, v18;
	v3 =	vor.u32 v56, v6;
	[tilespmem:$0x410] =	vst v2;
	v2 =	vadd.s32 v16, v57  }
0x55: {  	v4 =	vshll.u32 v51, $0x10;
	[tilespmem:$0x320] =	vst v3;
	v3 =	vadd.s32 v17, v14;
	v2 =	vor.u32 v59, v2  }
0x56: {  	v62 =	vshll.u32 v18, $0x1E;
	[tilespmem:$0x420] =	vst v3;
	v3 =	vadd.s32 v55, v60;
	v2 =	vor.u32 v4, v2  }
0x57: {  	v63 =	vshll.u32 v58, $0x10;
	v3 =	vor.u32 v62, v3;
	[tilespmem:$0x330] =	vst v2;
	v2 =	vadd.s32 v57, v52  }
0x58: {  	[tilespmem:$0x430] =	vst v2;
	v2 =	vor.u32 v63, v3  }
0x59: {  	[tilespmem:$0x340] =	vst v2;
	v2 =	vadd.s32 v60, v61  }
0x5a: {  	s18 =	rddreg [dreg:$0x10];
	[tilespmem:$0x440] =	vst v2  }
0x5b: {  	[hbm4b:s18+s9] =	stream.linear.scatter [tilespmem:s28], [sflag:$0x3], $0x50, $0x38;
	[tilespmem:$0x1980] =	vst v63  }
0x5c: {  	s18 =	smov.u32 s10  }
0x5d: {  	[spmem:s2] =	stream.indirect.scatter.add.f32 [tilespmem:s31], [sflag:$0x5], $0x1, s30, s29, $0xb8;
	[tilespmem:$0x1980] =	vst v63  }
.LBB2_4:
0x5e: {  	_ =	swait.ge [sflag:s0], $0x50  }
0x5f: {  	[sflag:s0] =	ssyncset.done $0x0  }
0x60: {  	[sflag:s0] =	ssyncadd.s32 $0xFFFFFFB0  }
0x61: {  	_ =	swait.ge [sflag:s0], $0x50  }
0x62: {  	[sflag:s0] =	ssyncset.done $0x0  }
0x63: {  	[sflag:s0] =	ssyncadd.s32 $0xFFFFFFB0  }
0x64: {  	_ =	swait.ge [sflag:s0], $0x50  }
0x65: {  	s11 =	sshrl.u32 s18, $0x3;
	[sflag:s0] =	ssyncset.done $0x0  }
0x66: {  	s12 =	sadd.s32 s5, s11;
	[sflag:s0] =	ssyncadd.s32 $0xFFFFFFB0  }
0x67: {  	[tilespmem:s4], [sflag:$0x1] =	stream.linear.gather [hbm4b:s12+s4], $0x50, $0x38;
	[tilespmem:$0x1980] =	vst v63  }
0x68: {  	p0 =	seq.s32 s9, $0x0;
	s13 =	sadd.s32 s6, s11  }
0x69: {  	[tilespmem:s21], [sflag:$0x1] =	stream.linear.gather [hbm4b:s13+s4], $0x50, $0x38;
	[tilespmem:$0x1980] =	vst v63  }
0x6a: {  	s14 =	sadd.s32 s1, s11;
	s12 =	simm.s32 @!p0 $0x4  }
0x6b: {  	[tilespmem:s22], [sflag:$0x1] =	stream.linear.gather [hbm4b:s14+s4], $0x50, $0x38;
	[tilespmem:$0x1980] =	vst v63  }
0x6c: {  	_ =	swait.ge @!p0 [sflag:s12], $0x50  }
0x6d: {  	[sflag:s12] =	ssyncset.done @!p0 $0x0  }
0x6e: {  	[sflag:s12] =	ssyncadd.s32 @!p0 $0xFFFFFFB0;
	s12 =	simm.s32 @!p0 $0x6  }
0x6f: {  	_ =	swait.ge @!p0 [sflag:s12], $0x50  }
0x70: {  	[sflag:s12] =	ssyncset.done @!p0 $0x0  }
0x71: {  	[sflag:s12] =	ssyncadd.s32 @!p0 $0xFFFFFFB0  }
0x72: {  	v2 =	vld [tilespmem:$0x280]  }
0x73: {  	v3 =	vld [tilespmem:$0x80]  }
0x74: {  	v4 =	vld [tilespmem:$0x180]  }
0x75: {  	v5 =	vld [tilespmem:$0x180]  }
0x76: {  	v6 =	vld [tilespmem:$0x290]  }
0x77: {  	v7 =	vld [tilespmem:$0x90]  }
0x78: {  	v8 =	vld [tilespmem:$0x190]  }
0x79: {  	v9 =	vld [tilespmem:$0x190]  }
0x7a: {  	v10 =	vld [tilespmem:$0x2A0]  }
0x7b: {  	v11 =	vld [tilespmem:$0xA0]  }
0x7c: {  	v13 =	vld [tilespmem:$0x1A0]  }
0x7d: {  	v14 =	vld [tilespmem:$0x1A0];
	v12 =	vmul.u32 $0x2710, v2  }
0x7e: {  	v15 =	vld [tilespmem:$0x2B0]  }
0x7f: {  	v16 =	vld [tilespmem:$0xB0];
	v2 =	vshll.u32 v2, $0x1E;
	v3 =	vadd.s32 v3, v12  }
0x80: {  	v23 =	vld [tilespmem:$0x1B0];
	v4 =	vshll.u32 v4, $0x10;
	v2 =	vor.u32 v2, v3;
	v3 =	vmul.u32 $0x2710, v6  }
0x81: {  	v18 =	vld [tilespmem:$0x2C0];
	v17 =	vmul.u32 $0x2710, v10;
	v8 =	vshll.u32 v8, $0x10;
	v26 =	vshll.u32 v10, $0x1E  }
0x82: {  	v24 =	vld [tilespmem:$0x1B0];
	v5 =	vadd.s32 v12, v5;
	v6 =	vshll.u32 v6, $0x1E;
	v7 =	vadd.s32 v7, v3  }
0x83: {  	v27 =	vld [tilespmem:$0xC0];
	v28 =	vshll.u32 v13, $0x10;
	[tilespmem:$0x480] =	vst v5;
	v2 =	vor.u32 v4, v2;
	v6 =	vor.u32 v6, v7  }
0x84: {  	v30 =	vld [tilespmem:$0x1C0];
	v29 =	vmul.u32 $0x2710, v15;
	v25 =	vadd.s32 v11, v17;
	[tilespmem:$0x380] =	vst v2;
	v2 =	vor.u32 v8, v6  }
0x85: {  	v31 =	vshll.u32 v15, $0x1E;
	v6 =	vor.u32 v26, v25;
	[tilespmem:$0x390] =	vst v2;
	v2 =	vadd.s32 v3, v9  }
0x86: {  	v33 =	vld [tilespmem:$0x1C0];
	v32 =	vmul.u32 $0x2710, v18;
	v3 =	vor.u32 v28, v6;
	[tilespmem:$0x490] =	vst v2;
	v2 =	vadd.s32 v16, v29  }
0x87: {  	v4 =	vshll.u32 v23, $0x10;
	[tilespmem:$0x3A0] =	vst v3;
	v3 =	vadd.s32 v17, v14;
	v2 =	vor.u32 v31, v2  }
0x88: {  	v34 =	vshll.u32 v18, $0x1E;
	[tilespmem:$0x4A0] =	vst v3;
	v3 =	vadd.s32 v27, v32;
	v2 =	vor.u32 v4, v2  }
0x89: {  	v35 =	vshll.u32 v30, $0x10;
	v3 =	vor.u32 v34, v3;
	[tilespmem:$0x3B0] =	vst v2;
	v2 =	vadd.s32 v29, v24  }
0x8a: {  	[tilespmem:$0x4B0] =	vst v2;
	v2 =	vor.u32 v35, v3  }
0x8b: {  	s15 =	rddreg [dreg:$0x7];
	[tilespmem:$0x3C0] =	vst v2;
	v2 =	vadd.s32 v32, v33  }
0x8c: {  	s13 =	rddreg [dreg:$0x8];
	s12 =	sadd.s32 s9, s15;
	[tilespmem:$0x4C0] =	vst v2  }
0x8d: {  	[hbm4b:s12+s4] =	stream.linear.scatter [tilespmem:s13], [sflag:$0x4], $0x50, $0x38;
	[tilespmem:$0x1980] =	vst v63  }
0x8e: {  	s14 =	rddreg [dreg:$0x9]  }
0x8f: {  	[spmem:s2] =	stream.indirect.scatter.add.f32 [tilespmem:s31], [sflag:$0x6], $0x1, s14, s29, $0xb8;
	[tilespmem:$0x1980] =	vst v63  }
0x90: {  	_ =	swait.ge [sflag:s23], $0x50  }
0x91: {  	[sflag:s23] =	ssyncset.done $0x0  }
0x92: {  	[sflag:s23] =	ssyncadd.s32 $0xFFFFFFB0  }
0x93: {  	_ =	swait.ge [sflag:s23], $0x50  }
0x94: {  	[sflag:s23] =	ssyncset.done $0x0  }
0x95: {  	p0 =	seq.s32 s9, $0x4C4;
	[sflag:s23] =	ssyncadd.s32 $0xFFFFFFB0  }
0x96: {  	s13 =	simm.s32 @!p0 $0x0;
	_ =	swait.ge [sflag:s23], $0x50  }
0x97: {  	s14 =	simm.s32 @!p0 $0x80;
	s12 =	rddreg [dreg:$0x6];
	[sflag:s23] =	ssyncset.done $0x0  }
0x98: {  	s15 =	rddreg [dreg:$0x5];
	[sflag:s23] =	ssyncadd.s32 $0xFFFFFFB0;
	s12 =	sadd.s32 @!p0 s9, s12  }
0x99: {  	[tilespmem:s14], [sflag:$0x2] =	stream.linear.gather @!p0 [hbm4b:s12+s13], $0x50, $0x38;
	[tilespmem:$0x1980] =	vst v63  }
0x9a: {  	s12 =	rddreg [dreg:$0x4];
	s14 =	sadd.s32 @!p0 s9, s15;
	s15 =	simm.s32 @!p0 $0x180  }
0x9b: {  	[tilespmem:s15], [sflag:$0x2] =	stream.linear.gather @!p0 [hbm4b:s14+s13], $0x50, $0x38;
	[tilespmem:$0x1980] =	vst v63  }
0x9c: {  	s12 =	sadd.s32 @!p0 s9, s12;
	s14 =	simm.s32 @!p0 $0x280  }
0x9d: {  	[tilespmem:s14], [sflag:$0x2] =	stream.linear.gather @!p0 [hbm4b:s12+s13], $0x50, $0x38;
	[tilespmem:$0x1980] =	vst v63  }
0x9e: {  	_ =	swait.ge [sflag:s19], $0x50  }
0x9f: {  	[sflag:s19] =	ssyncset.done $0x0  }
0xa0: {  	[sflag:s19] =	ssyncadd.s32 $0xFFFFFFB0  }
0xa1: {  	_ =	swait.ge [sflag:s24], $0x50  }
0xa2: {  	[sflag:s24] =	ssyncset.done $0x0  }
0xa3: {  	[sflag:s24] =	ssyncadd.s32 $0xFFFFFFB0  }
0xa4: {  	v2 =	vld [tilespmem:$0x200]  }
0xa5: {  	v3 =	vld [tilespmem:$0x0]  }
0xa6: {  	v36 =	vld [tilespmem:$0x100]  }
0xa7: {  	v37 =	vld [tilespmem:$0x100]  }
0xa8: {  	v38 =	vld [tilespmem:$0x210]  }
0xa9: {  	v39 =	vld [tilespmem:$0x10]  }
0xaa: {  	v40 =	vld [tilespmem:$0x110]  }
0xab: {  	v41 =	vld [tilespmem:$0x110]  }
0xac: {  	v42 =	vld [tilespmem:$0x220]  }
0xad: {  	v43 =	vld [tilespmem:$0x20]  }
0xae: {  	v45 =	vld [tilespmem:$0x120]  }
0xaf: {  	v46 =	vld [tilespmem:$0x120];
	v44 =	vmul.u32 $0x2710, v2  }
0xb0: {  	v47 =	vld [tilespmem:$0x230]  }
0xb1: {  	v48 =	vld [tilespmem:$0x30];
	v2 =	vshll.u32 v2, $0x1E;
	v3 =	vadd.s32 v3, v44  }
0xb2: {  	v49 =	vld [tilespmem:$0x130];
	v4 =	vshll.u32 v36, $0x10;
	v2 =	vor.u32 v2, v3;
	v3 =	vmul.u32 $0x2710, v38  }
0xb3: {  	v51 =	vld [tilespmem:$0x240];
	v6 =	vshll.u32 v38, $0x1E;
	v50 =	vmul.u32 $0x2710, v42;
	v8 =	vshll.u32 v40, $0x10  }
0xb4: {  	v52 =	vld [tilespmem:$0x130];
	v54 =	vshll.u32 v42, $0x1E;
	v5 =	vadd.s32 v44, v37;
	v7 =	vadd.s32 v39, v3  }
0xb5: {  	v55 =	vld [tilespmem:$0x40];
	v56 =	vshll.u32 v45, $0x10;
	[tilespmem:$0x400] =	vst v5;
	v2 =	vor.u32 v4, v2;
	v6 =	vor.u32 v6, v7  }
0xb6: {  	v58 =	vld [tilespmem:$0x140];
	v57 =	vmul.u32 $0x2710, v47;
	v53 =	vadd.s32 v43, v50;
	[tilespmem:$0x300] =	vst v2;
	v2 =	vor.u32 v8, v6  }
0xb7: {  	v59 =	vshll.u32 v47, $0x1E;
	v6 =	vor.u32 v54, v53;
	[tilespmem:$0x310] =	vst v2;
	v2 =	vadd.s32 v3, v41  }
0xb8: {  	v61 =	vld [tilespmem:$0x140];
	v60 =	vmul.u32 $0x2710, v51;
	v3 =	vor.u32 v56, v6;
	[tilespmem:$0x410] =	vst v2;
	v2 =	vadd.s32 v48, v57  }
0xb9: {  	v4 =	vshll.u32 v49, $0x10;
	[tilespmem:$0x320] =	vst v3;
	v3 =	vadd.s32 v50, v46;
	v2 =	vor.u32 v59, v2  }
0xba: {  	v62 =	vshll.u32 v51, $0x1E;
	[tilespmem:$0x420] =	vst v3;
	v3 =	vadd.s32 v55, v60;
	v2 =	vor.u32 v4, v2  }
0xbb: {  	s9 =	sadd.s32 $0x14, s9;
	v63 =	vshll.u32 v58, $0x10;
	v3 =	vor.u32 v62, v3;
	[tilespmem:$0x330] =	vst v2;
	v2 =	vadd.s32 v57, v52  }
0xbc: {  	p0 =	sne.s32 s9, $0x4D8;
	[tilespmem:$0x430] =	vst v2;
	v2 =	vor.u32 v63, v3  }
.Ltmp1:
0xbd: {  	[tilespmem:$0x340] =	vst v2;
	v2 =	vadd.s32 v60, v61;
	(pc) =	sbr.rel @p0 .LBB2_4-.Ltmp1, $4  }
0xbe: {  	s11 =	sadd.s32 s7, s11;
	[tilespmem:$0x440] =	vst v2  }
0xbf: {  	[hbm4b:s11+s4] =	stream.linear.scatter [tilespmem:s28], [sflag:$0x3], $0x50, $0x38;
	[tilespmem:$0x1980] =	vst v63  }
0xc0: {  	s18 =	sadd.s32 $0xA0, s18  }
0xc1: {  	[spmem:s2] =	stream.indirect.scatter.add.f32 [tilespmem:s31], [sflag:$0x5], $0x1, s30, s29, $0xb8;
	[tilespmem:$0x1980] =	vst v63  }
0xc2: {  	_ =	swait.ge [sflag:s3], $0x50  }
0xc3: {  	[sflag:s3] =	ssyncset.done $0x0  }
0xc4: {  	[sflag:s3] =	ssyncadd.s32 $0xFFFFFFB0  }
0xc5: {  	_ =	swait.ge [sflag:s25], $0x50  }
0xc6: {  	[sflag:s25] =	ssyncset.done $0x0  }
0xc7: {  	[sflag:s25] =	ssyncadd.s32 $0xFFFFFFB0  }
0xc8: {  	_ =	swait.ge [sflag:s19], $0x50  }
0xc9: {  	[sflag:s19] =	ssyncset.done $0x0  }
0xca: {  	s9 =	stileid.u32;
	[sflag:s19] =	ssyncadd.s32 $0xFFFFFFB0  }
0xcb: {  	s11 =	sshrl.u32 s8, $0x3;
	s12 =	simm.s32 $0x20;
	_ =	swait.ge [sflag:s24], $0x50  }
0xcc: {  	s13 =	simm.s32 $0x10;
	s26 =	sadd.s32 $0x1, s26;
	[sflag:s24] =	ssyncset.done $0x0  }
0xcd: {  	s9 =	sshll.u32 s9, $0x6;
	p0 =	sne.s32 s26, s17;
	[sflag:s24] =	ssyncadd.s32 $0xFFFFFFB0  }
.Ltmp2:
0xce: {  	s9 =	sor.u32 $0x1C07, s9;
	[bflag:$0x0] =	sbarrier.arrive $0xFFFF;
	(pc) =	sbr.rel @p0 .LBB2_1-.Ltmp2, $4  }
0xcf: {  	[hbm:s16@s12], [sflag:s9] =	dma.strided [spmem:s11@s13], $0x140, s23, $0x10   }
0xd0: {  	_ =	swait.ge [sflag:s20], $0x140  }
0xd1: {  	[sflag:s20] =	ssyncset.done $0x0  }
0xd2: {  	[sflag:s20] =	ssyncadd.s32 $0xFFFFFEC0  }
0xd3: {  	_ =	sfence.sel $0x180000  }
0xd4: {  	[bflag:$0x0] =	sbarrier.arrive $0xFFFF  }
0xd5: {  	_ =	strace $0x90000047  }
0xd6: {  	s0 =	stileid.u32;
	[bflag:$0x2] =	sbarrier.arrive $0xFFFF  }
0xd7: {  	p0 =	sne.s32 s0, $0x0;
	s0 =	rddreg [dreg:$0x3]  }
0xd8: {  	s0 =	sadd.s32 @!p0 $0x100000, s0  }
0xd9: {  	[sflag:s0] =	ssyncadd.tile.s32 @!p0 $0x1;
	_ =	shalt  }
.Lfunc_end2:
_tile_overlayer_lowered:
.L_overlay_start_2:
0xda: {  	(tag) =	ssettag $0x2  }
0xdb: {  	s0 =	rddreg [dreg:$0x0];
	s2 =	stileid.u32  }
0xdc: {  	s1 =	rddreg [dreg:$0x1];
	p0 =	sne.s32 s2, $0x0  }
0xdd: {  	s3 =	rddreg [dreg:$0x2];
	[bflag:$0x3] =	sbarrier.arrive $0xFFFF;
	s2 =	simm.s32 @!p0 $0x1C07  }
0xde: {  	[timem:s3], [sflag:s2] =	dma.local @!p0 [hbm:s0], s1  }
0xdf: {  	s0 =	simm.s32 @!p0 $0x7  }
0xe0: {  	_ =	swait.ge @!p0 [sflag:s0], s1  }
0xe1: {  	s1 =	ssub.s32 @!p0 $0x0, s1;
	[sflag:s0] =	ssyncset.done @!p0 $0x0  }
0xe2: {  	[sflag:s0] =	ssyncadd.s32 @!p0 s1  }
0xe3: {  	[bflag:$0x3] =	sbarrier.arrive $0xFFFF  }
0xe4: {  	_ =	shalt  }

</sc_bundles>
